<compile_context>
chip_gen: v7x
topology: tpu7x:2x2x1
jax: 0.10.2.dev20260603
libtpu: 0.0.44.dev20260713+nightly
codegen_flags: <defaults>
</compile_context>

<pallas_src>
import functools

import jax
import jax.numpy as jnp
from jax import lax
from jax.experimental import pallas as pl
from jax.experimental.pallas import tpu as pltpu
from jax.experimental.pallas import tpu_sc as plsc

N = 10000
E = 160000
F = 256
H = 128
NC = 2
NS = 16
C = 128
NCHUNK = 80
EPAD = NS * NCHUNK * C
NP = 10240
RPT = NP // NS
BM = 1000


@functools.cache
def _mesh():
    return plsc.VectorSubcoreMesh(
        core_axis_name="c", subcore_axis_name="s",
        num_cores=NC, num_subcores=NS)


@functools.cache
def _sc_hist_kernel():
    return pl.kernel(
        _sc_hist_body,
        out_type=(jax.ShapeDtypeStruct((NP, H), jnp.float32),
                  jax.ShapeDtypeStruct((NP, H), jnp.float32)),
        mesh=_mesh(),
        scratch_types=[
            pltpu.VMEM((NCHUNK, C), jnp.int32),
            pltpu.VMEM((C, H), jnp.float32),
            pltpu.VMEM_SHARED((NP, H), jnp.float32),
        ],
    )


def _sc_hist(col0, col1, ones16, zeros16):
    return _sc_hist_kernel()(col0, col1, ones16, zeros16)


def _sc_hist_body(col0_h, col1_h, ones_h, zeros_h, cnt0_h, cnt1_h, colv, onesv, CNT):
    c = lax.axis_index("c")
    s = lax.axis_index("s")
    pltpu.sync_copy(zeros_h, CNT.at[pl.ds(s * RPT, RPT)])
    pltpu.sync_copy(ones_h, onesv)
    plsc.subcore_barrier()
    for cc, colh in ((0, col0_h), (1, col1_h)):
        @pl.when(c == cc)
        def _(colh=colh):
            pltpu.sync_copy(colh.at[s], colv)

            def body(k, carry):
                pltpu.sync_copy(onesv, CNT.at[colv.at[k]], add=True)
                return carry
            lax.fori_loop(0, NCHUNK, body, 0)
    plsc.subcore_barrier()
    for cc, outh in ((0, cnt0_h), (1, cnt1_h)):
        @pl.when(c == cc)
        def _(outh=outh):
            pltpu.sync_copy(CNT.at[pl.ds(s * RPT, RPT)],
                            outh.at[pl.ds(s * RPT, RPT)])


NC2 = NCHUNK // 2


@functools.cache
def _sc_scatter_kernel():
    return pl.kernel(
        _sc_scatter_body,
        out_type=(jax.ShapeDtypeStruct((NP, H), jnp.float32),
                  jax.ShapeDtypeStruct((NP, H), jnp.float32)),
        mesh=_mesh(),
        scratch_types=[
            pltpu.VMEM((NC2, C), jnp.int32),
            pltpu.VMEM((NC2, C), jnp.int32),
            pltpu.VMEM((C, H), jnp.float32),
            pltpu.VMEM((C, H), jnp.float32),
            pltpu.SemaphoreType.DMA,
            pltpu.SemaphoreType.DMA,
            pltpu.SemaphoreType.DMA,
            pltpu.SemaphoreType.DMA,
            pltpu.VMEM_SHARED((NP, H), jnp.float32),
        ],
    )


def _sc_scatter(row, col, zpa, zpb, zerosH):
    return _sc_scatter_kernel()(row, col, zpa, zpb, zerosH)


def _sc_scatter_body(row_h, col_h, zpa_h, zpb_h, zeros_h, ua_h, ub_h,
                     rowv, colv, buf0, buf1, sg0, sg1, ss0, ss1, ACC):
    c = lax.axis_index("c")
    s = lax.axis_index("s")
    pltpu.sync_copy(zeros_h, ACC.at[pl.ds(s * RPT, RPT)])
    plsc.subcore_barrier()
    bufs = (buf0, buf1)
    gsems = (sg0, sg1)
    ssems = (ss0, ss1)
    for cc, zph in ((0, zpa_h), (1, zpb_h)):
        @pl.when(c == cc)
        def _(zph=zph):
            def start_g(chunk, b):
                pltpu.async_copy(zph.at[rowv.at[chunk]], bufs[b], gsems[b])

            def wait_g(b):
                pltpu.make_async_copy(zph.at[pl.ds(0, C)], bufs[b],
                                      gsems[b]).wait()

            def start_s(chunk, b):
                pltpu.async_copy(bufs[b], ACC.at[colv.at[chunk]], ssems[b],
                                 add=True)

            def wait_s(b):
                pltpu.make_async_copy(bufs[b], ACC.at[pl.ds(0, C)],
                                      ssems[b]).wait()

            for half in range(2):
                pltpu.sync_copy(row_h.at[s].at[pl.ds(half * NC2, NC2)], rowv)
                pltpu.sync_copy(col_h.at[s].at[pl.ds(half * NC2, NC2)], colv)
                start_g(0, 0)
                start_g(1, 1)

                def body(kk, carry):
                    k0 = kk * 2
                    for b in range(2):
                        chunk = k0 + b
                        wait_g(b)
                        start_s(chunk, b)

                        @pl.when(chunk + 2 < NC2)
                        def _s(chunk=chunk, b=b):
                            wait_s(b)
                            start_g(chunk + 2, b)
                    return carry
                lax.fori_loop(0, NC2 // 2, body, 0)
                wait_s(0)
                wait_s(1)
    plsc.subcore_barrier()
    for cc, outh in ((0, ua_h), (1, ub_h)):
        @pl.when(c == cc)
        def _(outh=outh):
            pltpu.sync_copy(ACC.at[pl.ds(s * RPT, RPT)],
                            outh.at[pl.ds(s * RPT, RPT)])



def _dis(cnt_blk):
    return lax.rsqrt(1.0 + cnt_blk[:, :1])


def _mm_scale_body(x_ref, w_ref, cnt_ref, oa_ref, ob_ref):
    xw = jnp.dot(x_ref[...], w_ref[...], preferred_element_type=jnp.float32)
    zp = _dis(cnt_ref[...]) * xw
    oa_ref[...] = zp[:, :H]
    ob_ref[...] = zp[:, H:]


def _mm_scale(x, W, cnt):
    return pl.pallas_call(
        _mm_scale_body,
        grid=(N // BM,),
        in_specs=[
            pl.BlockSpec((BM, F), lambda i: (i, 0)),
            pl.BlockSpec((F, F), lambda i: (0, 0)),
            pl.BlockSpec((BM, H), lambda i: (i, 0)),
        ],
        out_specs=[pl.BlockSpec((BM, H), lambda i: (i, 0))] * 2,
        out_shape=[jax.ShapeDtypeStruct((N, H), jnp.float32)] * 2,
    )(x, W, cnt)


def _mid_body(u0a, u0b, z0a, z0b, u1a, u1b, z1a, z1b, cnt0, cnt1,
              b10, b11, w2, oa_ref, ob_ref):
    dis0 = _dis(cnt0[...])
    dis1 = _dis(cnt1[...])
    h0 = jnp.concatenate([u0a[...] + z0a[...], u0b[...] + z0b[...]], axis=1)
    h0 = jnp.maximum(dis0 * h0 + b10[...], 0.0)
    h1 = jnp.concatenate([u1a[...] + z1a[...], u1b[...] + z1b[...]], axis=1)
    h1 = jnp.maximum(dis1 * h1 + b11[...], 0.0)
    w2 = w2[...]
    t = (jnp.dot(h0, w2[:F], preferred_element_type=jnp.float32)
         + jnp.dot(h1, w2[F:], preferred_element_type=jnp.float32))
    zp2 = dis1 * t
    oa_ref[...] = zp2[:, :H]
    ob_ref[...] = zp2[:, H:]


def _mid(u0a, u0b, z0a, z0b, u1a, u1b, z1a, z1b, cnt0, cnt1, b10, b11, W2):
    blkH = pl.BlockSpec((BM, H), lambda i: (i, 0))
    blkC = pl.BlockSpec((BM, H), lambda i: (i, 0))
    return pl.pallas_call(
        _mid_body,
        grid=(N // BM,),
        in_specs=[blkH] * 8 + [blkC, blkC,
                               pl.BlockSpec((1, F), lambda i: (0, 0)),
                               pl.BlockSpec((1, F), lambda i: (0, 0)),
                               pl.BlockSpec((2 * F, F), lambda i: (0, 0))],
        out_specs=[blkH] * 2,
        out_shape=[jax.ShapeDtypeStruct((N, H), jnp.float32)] * 2,
    )(u0a, u0b, z0a, z0b, u1a, u1b, z1a, z1b, cnt0, cnt1, b10, b11, W2)


def _final_body(u2a, u2b, z2a, z2b, cnt1, b2, o_ref):
    t = jnp.concatenate([u2a[...] + z2a[...], u2b[...] + z2b[...]], axis=1)
    o_ref[...] = _dis(cnt1[...]) * t + b2[...]


def _final(u2a, u2b, z2a, z2b, cnt1, b2):
    blkH = pl.BlockSpec((BM, H), lambda i: (i, 0))
    return pl.pallas_call(
        _final_body,
        grid=(N // BM,),
        in_specs=[blkH] * 4 + [pl.BlockSpec((BM, H), lambda i: (i, 0)),
                               pl.BlockSpec((1, F), lambda i: (0, 0))],
        out_specs=pl.BlockSpec((BM, F), lambda i: (i, 0)),
        out_shape=jax.ShapeDtypeStruct((N, F), jnp.float32),
    )(u2a, u2b, z2a, z2b, cnt1, b2)



def _pad_edges(ei):
    pr = jnp.zeros((EPAD - E,), jnp.int32)
    pc = jnp.full((EPAD - E,), N, jnp.int32)
    row = jnp.concatenate([ei[0], pr]).reshape(NS, NCHUNK, C)
    col = jnp.concatenate([ei[1], pc]).reshape(NS, NCHUNK, C)
    return row, col


def kernel(x0, x1, edge_index0, edge_index1, W1_0, b1_0, W1_1, b1_1, W2, b2):
    row0, col0 = _pad_edges(edge_index0)
    row1, col1 = _pad_edges(edge_index1)
    onesH = jnp.ones((C, H), jnp.float32)
    zerosH = jnp.zeros((RPT, H), jnp.float32)
    b10 = b1_0.reshape(1, F)
    b11 = b1_1.reshape(1, F)
    b2r = b2.reshape(1, F)

    cnt0, cnt1 = _sc_hist(col0, col1, onesH, zerosH)
    cnt0, cnt1 = cnt0[:N], cnt1[:N]
    z0a, z0b = _mm_scale(x0, W1_0, cnt0)
    z1a, z1b = _mm_scale(x1, W1_1, cnt1)
    u0a, u0b = _sc_scatter(row0, col0, z0a, z0b, zerosH)
    u1a, u1b = _sc_scatter(row1, col1, z1a, z1b, zerosH)
    z2a, z2b = _mid(u0a[:N], u0b[:N], z0a, z0b, u1a[:N], u1b[:N], z1a, z1b,
                    cnt0, cnt1, b10, b11, W2)
    u2a, u2b = _sc_scatter(row1, col1, z2a, z2b, zerosH)
    return _final(u2a[:N], u2b[:N], z2a, z2b, cnt1, b2r)

# --- scband reference (transcript-rebuilt; emitter-appended) ---
"""Pipeline reference for scband-lplagcn-19499151524155 (READ-ONLY COPY).

The authoritative reference and input builder live on the scoring server;
editing this copy changes nothing except your own understanding.
"""

import jax, jax.numpy as jnp
import numpy as np

N = 10000
E = 160000
NFEAT = 256
NHID = 256
OUT_CH = 256
CONCAT = 2


def gcn_conv(x, edge_index, W, b):
    # Faithful PyG GCNConv: add self-loops, symmetric normalization, sum aggregation, bias
    n = x.shape[0]
    xw = x @ W
    sl = jnp.arange(n, dtype=edge_index.dtype)
    row = jnp.concatenate([edge_index[0], sl])  # source (j)
    col = jnp.concatenate([edge_index[1], sl])  # target (i)
    deg = jnp.zeros((n,), dtype=xw.dtype).at[col].add(1.0)
    dis = jnp.where(deg > 0, deg ** -0.5, 0.0)
    norm = dis[row] * dis[col]
    out = jnp.zeros((n, W.shape[1]), dtype=xw.dtype).at[col].add(norm[:, None] * xw[row])
    return out + b


def setup_inputs(seed: int = 0):
    key = jax.random.key(seed)
    ks = jax.random.split(key, 10)
    x0 = jax.random.normal(ks[0], (N, NFEAT), dtype=jnp.float32)
    x1 = jax.random.normal(ks[1], (N, NFEAT), dtype=jnp.float32)
    edge_index0 = jax.random.randint(ks[2], (2, E), 0, N, dtype=jnp.int32)
    edge_index1 = jax.random.randint(ks[3], (2, E), 0, N, dtype=jnp.int32)
    s1 = 1.0 / np.sqrt(NFEAT)
    s2 = 1.0 / np.sqrt(CONCAT * NHID)
    W1_0 = jax.random.normal(ks[4], (NFEAT, NHID), dtype=jnp.float32) * s1
    b1_0 = jnp.zeros((NHID,), dtype=jnp.float32)
    W1_1 = jax.random.normal(ks[5], (NFEAT, NHID), dtype=jnp.float32) * s1
    b1_1 = jnp.zeros((NHID,), dtype=jnp.float32)
    W2 = jax.random.normal(ks[6], (CONCAT * NHID, OUT_CH), dtype=jnp.float32) * s2
    b2 = jnp.zeros((OUT_CH,), dtype=jnp.float32)
    return {"x0": x0, "x1": x1, "edge_index0": edge_index0, "edge_index1": edge_index1,
            "W1_0": W1_0, "b1_0": b1_0, "W1_1": W1_1, "b1_1": b1_1, "W2": W2, "b2": b2}


def reference(x0, x1, edge_index0, edge_index1, W1_0, b1_0, W1_1, b1_1, W2, b2):
    # encode(): dropout is identity in eval mode
    h0 = jax.nn.relu(gcn_conv(x0, edge_index0, W1_0, b1_0))
    h1 = jax.nn.relu(gcn_conv(x1, edge_index1, W1_1, b1_1))
    x = jnp.concatenate([h0, h1], axis=-1)
    # NOTE: original code uses the edge_index from the LAST loop iteration for conv2
    return gcn_conv(x, edge_index1, W2, b2)

if __name__ == "__main__":
    import jax
    _d = setup_inputs()
    print(jax.jit(kernel)(*tuple(_d.values())))

</pallas_src>

<mosaic_0001>
#map = affine_map<(d0, d1) -> (0, 0, 0)>
#map1 = affine_map<(d0, d1) -> (0, 0)>
module attributes {stable_mosaic.version = 14 : i64} {
  func.func @_sc_hist_body(%arg0: i32, %arg1: i32, %arg2: memref<16x80x128xi32, #tpu.memory_space<hbm>>, %arg3: memref<16x80x128xi32, #tpu.memory_space<hbm>>, %arg4: memref<128x128xf32, #tpu.memory_space<hbm>>, %arg5: memref<640x128xf32, #tpu.memory_space<hbm>>, %arg6: memref<10240x128xf32, #tpu.memory_space<hbm>>, %arg7: memref<10240x128xf32, #tpu.memory_space<hbm>>, %arg8: memref<80x128xi32, #tpu.memory_space<vmem>>, %arg9: memref<128x128xf32, #tpu.memory_space<vmem>>, %arg10: memref<10240x128xf32, #tpu.memory_space<vmem_shared>>) attributes {dimension_semantics = [#tpu.dimension_semantics<core_parallel>, #tpu.dimension_semantics<subcore_parallel>], iteration_bounds = array<i64: 2, 16>, scalar_prefetch = 0 : i64, scratch_operands = 3 : i64, tpu.core_type = #tpu.core_type<sc_vector_subcore>, window_params = [{transform_indices = #map}, {transform_indices = #map}, {transform_indices = #map1}, {transform_indices = #map1}, {transform_indices = #map1}, {transform_indices = #map1}]} {
    %mul3A = arith.constant 640 : i32
    %mul3A_0 = arith.muli %arg1, %mul3A : i32
    "tpu.region"() ({
      %run_scoped3A = tpu.sem_alloc : memref<!tpu.dma_semaphore, #tpu.memory_space<semaphore_mem>>
      %dma_start3A = arith.constant 0 : i32
      %dma_start3A_19 = tpu.memref_slice %arg10[%mul3A_0, %dma_start3A] : memref<10240x128xf32, #tpu.memory_space<vmem_shared>> -> memref<640x128xf32, #tpu.memory_space<vmem_shared>>
      tpu.enqueue_dma source(%arg5 : memref<640x128xf32, #tpu.memory_space<hbm>>) target(%dma_start3A_19 : memref<640x128xf32, #tpu.memory_space<vmem_shared>>) target_semaphore(%run_scoped3A : memref<!tpu.dma_semaphore, #tpu.memory_space<semaphore_mem>>)
      %dma_wait3A = arith.constant 0 : i32
      %dma_wait3A_20 = tpu.memref_slice %arg10[%mul3A_0, %dma_wait3A] : memref<10240x128xf32, #tpu.memory_space<vmem_shared>> -> memref<640x128xf32, #tpu.memory_space<vmem_shared>>
      tpu.wait_dma2 semaphore(%run_scoped3A : memref<!tpu.dma_semaphore, #tpu.memory_space<semaphore_mem>>) src(%arg5 : memref<640x128xf32, #tpu.memory_space<hbm>>) dst(%dma_wait3A_20 : memref<640x128xf32, #tpu.memory_space<vmem_shared>>)
      tpu.yield
    }) : () -> ()
    "tpu.region"() ({
      %run_scoped3A = tpu.sem_alloc : memref<!tpu.dma_semaphore, #tpu.memory_space<semaphore_mem>>
      tpu.enqueue_dma source(%arg4 : memref<128x128xf32, #tpu.memory_space<hbm>>) target(%arg9 : memref<128x128xf32, #tpu.memory_space<vmem>>) target_semaphore(%run_scoped3A : memref<!tpu.dma_semaphore, #tpu.memory_space<semaphore_mem>>)
      tpu.wait_dma2 semaphore(%run_scoped3A : memref<!tpu.dma_semaphore, #tpu.memory_space<semaphore_mem>>) src(%arg4 : memref<128x128xf32, #tpu.memory_space<hbm>>) dst(%arg9 : memref<128x128xf32, #tpu.memory_space<vmem>>)
      tpu.yield
    }) : () -> ()
    %barrier3A = arith.constant 0 : index
    tpu.barrier barrier_id(%barrier3A)
    %eq3A = arith.constant 0 : i32
    %eq3A_1 = arith.cmpi eq, %arg0, %eq3A : i32
    %convert_element_type3A = arith.extui %eq3A_1 : i1 to i32
    %cond3A = arith.constant 0 : i32
    %cond3A_2 = arith.cmpi ne, %convert_element_type3A, %cond3A : i32
    scf.if %cond3A_2 {
      "tpu.region"() ({
        %run_scoped3A = tpu.sem_alloc : memref<!tpu.dma_semaphore, #tpu.memory_space<semaphore_mem>>
        %dma_start3A = arith.constant 0 : i32
        %dma_start3A_24 = arith.constant 0 : i32
        %dma_start3A_25 = tpu.memref_slice %arg2[%arg1, %dma_start3A, %dma_start3A_24] : memref<16x80x128xi32, #tpu.memory_space<hbm>> -> memref<1x80x128xi32, #tpu.memory_space<hbm>>
        %dma_start3A_26 = tpu.memref_squeeze %dma_start3A_25 : memref<1x80x128xi32, #tpu.memory_space<hbm>> -> memref<80x128xi32, #tpu.memory_space<hbm>>
        %dma_start3A_27 = arith.constant 0 : i32
        %dma_start3A_28 = arith.constant 0 : i32
        %dma_start3A_29 = tpu.memref_slice %arg2[%arg1, %dma_start3A_27, %dma_start3A_28] : memref<16x80x128xi32, #tpu.memory_space<hbm>> -> memref<1x80x128xi32, #tpu.memory_space<hbm>>
        %dma_start3A_30 = tpu.memref_squeeze %dma_start3A_29 : memref<1x80x128xi32, #tpu.memory_space<hbm>> -> memref<80x128xi32, #tpu.memory_space<hbm>>
        tpu.enqueue_dma source(%dma_start3A_30 : memref<80x128xi32, #tpu.memory_space<hbm>>) target(%arg8 : memref<80x128xi32, #tpu.memory_space<vmem>>) target_semaphore(%run_scoped3A : memref<!tpu.dma_semaphore, #tpu.memory_space<semaphore_mem>>)
        %dma_wait3A = arith.constant 0 : i32
        %dma_wait3A_31 = arith.constant 0 : i32
        %dma_wait3A_32 = tpu.memref_slice %arg2[%arg1, %dma_wait3A, %dma_wait3A_31] : memref<16x80x128xi32, #tpu.memory_space<hbm>> -> memref<1x80x128xi32, #tpu.memory_space<hbm>>
        %dma_wait3A_33 = tpu.memref_squeeze %dma_wait3A_32 : memref<1x80x128xi32, #tpu.memory_space<hbm>> -> memref<80x128xi32, #tpu.memory_space<hbm>>
        %dma_wait3A_34 = arith.constant 0 : i32
        %dma_wait3A_35 = arith.constant 0 : i32
        %dma_wait3A_36 = tpu.memref_slice %arg2[%arg1, %dma_wait3A_34, %dma_wait3A_35] : memref<16x80x128xi32, #tpu.memory_space<hbm>> -> memref<1x80x128xi32, #tpu.memory_space<hbm>>
        %dma_wait3A_37 = tpu.memref_squeeze %dma_wait3A_36 : memref<1x80x128xi32, #tpu.memory_space<hbm>> -> memref<80x128xi32, #tpu.memory_space<hbm>>
        tpu.wait_dma2 semaphore(%run_scoped3A : memref<!tpu.dma_semaphore, #tpu.memory_space<semaphore_mem>>) src(%dma_wait3A_37 : memref<80x128xi32, #tpu.memory_space<hbm>>) dst(%arg8 : memref<80x128xi32, #tpu.memory_space<vmem>>)
        tpu.yield
      }) : () -> ()
      %scan3A = arith.constant 0 : i32
      %scan3A_19 = arith.constant 0 : i32
      %scan3A_20 = arith.constant 80 : i32
      %scan3A_21 = arith.addi %scan3A_19, %scan3A_20 : i32
      %scan3A_22 = arith.constant 1 : i32
      scf.for %scan3A_24 = %scan3A_19 to %scan3A_21 step %scan3A_22  : i32 {
        "tpu.region"() ({
          %run_scoped3A = tpu.sem_alloc : memref<!tpu.dma_semaphore, #tpu.memory_space<semaphore_mem>>
          %dma_start3A = arith.constant 0 : i32
          %dma_start3A_25 = tpu.memref_slice %arg8[%scan3A_24, %dma_start3A] : memref<80x128xi32, #tpu.memory_space<vmem>> -> memref<1x128xi32, #tpu.memory_space<vmem>>
          %dma_start3A_26 = tpu.memref_squeeze %dma_start3A_25 : memref<1x128xi32, #tpu.memory_space<vmem>> -> memref<128xi32, #tpu.memory_space<vmem>>
          %dma_start3A_27 = arith.constant 0 : i32
          %dma_start3A_28 = arith.constant 0 : i32
          %dma_start3A_29 = tpu.memref_slice %arg10[%dma_start3A_27, %dma_start3A_28] : memref<10240x128xf32, #tpu.memory_space<vmem_shared>> -> memref<10240x128xf32, #tpu.memory_space<vmem_shared>>
          tpu.enqueue_indirect_dma source(%arg9 : memref<128x128xf32, #tpu.memory_space<vmem>>) target(%dma_start3A_29 : memref<10240x128xf32, #tpu.memory_space<vmem_shared>>) offsets(%dma_start3A_26 : memref<128xi32, #tpu.memory_space<vmem>>) semaphore(%run_scoped3A : memref<!tpu.dma_semaphore, #tpu.memory_space<semaphore_mem>>) {add = true}
          %dma_wait3A = arith.constant 0 : i32
          %dma_wait3A_30 = tpu.memref_slice %arg8[%scan3A_24, %dma_wait3A] : memref<80x128xi32, #tpu.memory_space<vmem>> -> memref<1x128xi32, #tpu.memory_space<vmem>>
          %dma_wait3A_31 = tpu.memref_squeeze %dma_wait3A_30 : memref<1x128xi32, #tpu.memory_space<vmem>> -> memref<128xi32, #tpu.memory_space<vmem>>
          %dma_wait3A_32 = arith.constant 0 : i32
          %dma_wait3A_33 = arith.constant 0 : i32
          %dma_wait3A_34 = tpu.memref_slice %arg10[%dma_wait3A_32, %dma_wait3A_33] : memref<10240x128xf32, #tpu.memory_space<vmem_shared>> -> memref<10240x128xf32, #tpu.memory_space<vmem_shared>>
          tpu.wait_indirect_dma semaphore(%run_scoped3A : memref<!tpu.dma_semaphore, #tpu.memory_space<semaphore_mem>>) src(%arg9 : memref<128x128xf32, #tpu.memory_space<vmem>>) dst(%dma_wait3A_34 : memref<10240x128xf32, #tpu.memory_space<vmem_shared>>)
          tpu.yield
        }) : () -> ()
      }
      %scan3A_23 = arith.constant 80 : i32
    } else {
    }
    %eq3A_3 = arith.constant 1 : i32
    %eq3A_4 = arith.cmpi eq, %arg0, %eq3A_3 : i32
    %convert_element_type3A_5 = arith.extui %eq3A_4 : i1 to i32
    %cond3A_6 = arith.constant 0 : i32
    %cond3A_7 = arith.cmpi ne, %convert_element_type3A_5, %cond3A_6 : i32
    scf.if %cond3A_7 {
      "tpu.region"() ({
        %run_scoped3A = tpu.sem_alloc : memref<!tpu.dma_semaphore, #tpu.memory_space<semaphore_mem>>
        %dma_start3A = arith.constant 0 : i32
        %dma_start3A_24 = arith.constant 0 : i32
        %dma_start3A_25 = tpu.memref_slice %arg3[%arg1, %dma_start3A, %dma_start3A_24] : memref<16x80x128xi32, #tpu.memory_space<hbm>> -> memref<1x80x128xi32, #tpu.memory_space<hbm>>
        %dma_start3A_26 = tpu.memref_squeeze %dma_start3A_25 : memref<1x80x128xi32, #tpu.memory_space<hbm>> -> memref<80x128xi32, #tpu.memory_space<hbm>>
        %dma_start3A_27 = arith.constant 0 : i32
        %dma_start3A_28 = arith.constant 0 : i32
        %dma_start3A_29 = tpu.memref_slice %arg3[%arg1, %dma_start3A_27, %dma_start3A_28] : memref<16x80x128xi32, #tpu.memory_space<hbm>> -> memref<1x80x128xi32, #tpu.memory_space<hbm>>
        %dma_start3A_30 = tpu.memref_squeeze %dma_start3A_29 : memref<1x80x128xi32, #tpu.memory_space<hbm>> -> memref<80x128xi32, #tpu.memory_space<hbm>>
        tpu.enqueue_dma source(%dma_start3A_30 : memref<80x128xi32, #tpu.memory_space<hbm>>) target(%arg8 : memref<80x128xi32, #tpu.memory_space<vmem>>) target_semaphore(%run_scoped3A : memref<!tpu.dma_semaphore, #tpu.memory_space<semaphore_mem>>)
        %dma_wait3A = arith.constant 0 : i32
        %dma_wait3A_31 = arith.constant 0 : i32
        %dma_wait3A_32 = tpu.memref_slice %arg3[%arg1, %dma_wait3A, %dma_wait3A_31] : memref<16x80x128xi32, #tpu.memory_space<hbm>> -> memref<1x80x128xi32, #tpu.memory_space<hbm>>
        %dma_wait3A_33 = tpu.memref_squeeze %dma_wait3A_32 : memref<1x80x128xi32, #tpu.memory_space<hbm>> -> memref<80x128xi32, #tpu.memory_space<hbm>>
        %dma_wait3A_34 = arith.constant 0 : i32
        %dma_wait3A_35 = arith.constant 0 : i32
        %dma_wait3A_36 = tpu.memref_slice %arg3[%arg1, %dma_wait3A_34, %dma_wait3A_35] : memref<16x80x128xi32, #tpu.memory_space<hbm>> -> memref<1x80x128xi32, #tpu.memory_space<hbm>>
        %dma_wait3A_37 = tpu.memref_squeeze %dma_wait3A_36 : memref<1x80x128xi32, #tpu.memory_space<hbm>> -> memref<80x128xi32, #tpu.memory_space<hbm>>
        tpu.wait_dma2 semaphore(%run_scoped3A : memref<!tpu.dma_semaphore, #tpu.memory_space<semaphore_mem>>) src(%dma_wait3A_37 : memref<80x128xi32, #tpu.memory_space<hbm>>) dst(%arg8 : memref<80x128xi32, #tpu.memory_space<vmem>>)
        tpu.yield
      }) : () -> ()
      %scan3A = arith.constant 0 : i32
      %scan3A_19 = arith.constant 0 : i32
      %scan3A_20 = arith.constant 80 : i32
      %scan3A_21 = arith.addi %scan3A_19, %scan3A_20 : i32
      %scan3A_22 = arith.constant 1 : i32
      scf.for %scan3A_24 = %scan3A_19 to %scan3A_21 step %scan3A_22  : i32 {
        "tpu.region"() ({
          %run_scoped3A = tpu.sem_alloc : memref<!tpu.dma_semaphore, #tpu.memory_space<semaphore_mem>>
          %dma_start3A = arith.constant 0 : i32
          %dma_start3A_25 = tpu.memref_slice %arg8[%scan3A_24, %dma_start3A] : memref<80x128xi32, #tpu.memory_space<vmem>> -> memref<1x128xi32, #tpu.memory_space<vmem>>
          %dma_start3A_26 = tpu.memref_squeeze %dma_start3A_25 : memref<1x128xi32, #tpu.memory_space<vmem>> -> memref<128xi32, #tpu.memory_space<vmem>>
          %dma_start3A_27 = arith.constant 0 : i32
          %dma_start3A_28 = arith.constant 0 : i32
          %dma_start3A_29 = tpu.memref_slice %arg10[%dma_start3A_27, %dma_start3A_28] : memref<10240x128xf32, #tpu.memory_space<vmem_shared>> -> memref<10240x128xf32, #tpu.memory_space<vmem_shared>>
          tpu.enqueue_indirect_dma source(%arg9 : memref<128x128xf32, #tpu.memory_space<vmem>>) target(%dma_start3A_29 : memref<10240x128xf32, #tpu.memory_space<vmem_shared>>) offsets(%dma_start3A_26 : memref<128xi32, #tpu.memory_space<vmem>>) semaphore(%run_scoped3A : memref<!tpu.dma_semaphore, #tpu.memory_space<semaphore_mem>>) {add = true}
          %dma_wait3A = arith.constant 0 : i32
          %dma_wait3A_30 = tpu.memref_slice %arg8[%scan3A_24, %dma_wait3A] : memref<80x128xi32, #tpu.memory_space<vmem>> -> memref<1x128xi32, #tpu.memory_space<vmem>>
          %dma_wait3A_31 = tpu.memref_squeeze %dma_wait3A_30 : memref<1x128xi32, #tpu.memory_space<vmem>> -> memref<128xi32, #tpu.memory_space<vmem>>
          %dma_wait3A_32 = arith.constant 0 : i32
          %dma_wait3A_33 = arith.constant 0 : i32
          %dma_wait3A_34 = tpu.memref_slice %arg10[%dma_wait3A_32, %dma_wait3A_33] : memref<10240x128xf32, #tpu.memory_space<vmem_shared>> -> memref<10240x128xf32, #tpu.memory_space<vmem_shared>>
          tpu.wait_indirect_dma semaphore(%run_scoped3A : memref<!tpu.dma_semaphore, #tpu.memory_space<semaphore_mem>>) src(%arg9 : memref<128x128xf32, #tpu.memory_space<vmem>>) dst(%dma_wait3A_34 : memref<10240x128xf32, #tpu.memory_space<vmem_shared>>)
          tpu.yield
        }) : () -> ()
      }
      %scan3A_23 = arith.constant 80 : i32
    } else {
    }
    %barrier3A_8 = arith.constant 0 : index
    tpu.barrier barrier_id(%barrier3A_8)
    %eq3A_9 = arith.constant 0 : i32
    %eq3A_10 = arith.cmpi eq, %arg0, %eq3A_9 : i32
    %convert_element_type3A_11 = arith.extui %eq3A_10 : i1 to i32
    %cond3A_12 = arith.constant 0 : i32
    %cond3A_13 = arith.cmpi ne, %convert_element_type3A_11, %cond3A_12 : i32
    scf.if %cond3A_13 {
      %mul3A_19 = arith.constant 640 : i32
      %mul3A_20 = arith.muli %arg1, %mul3A_19 : i32
      %mul3A_21 = arith.constant 640 : i32
      %mul3A_22 = arith.muli %arg1, %mul3A_21 : i32
      "tpu.region"() ({
        %run_scoped3A = tpu.sem_alloc : memref<!tpu.dma_semaphore, #tpu.memory_space<semaphore_mem>>
        %dma_start3A = arith.constant 0 : i32
        %dma_start3A_23 = tpu.memref_slice %arg6[%mul3A_22, %dma_start3A] : memref<10240x128xf32, #tpu.memory_space<hbm>> -> memref<640x128xf32, #tpu.memory_space<hbm>>
        %dma_start3A_24 = arith.constant 0 : i32
        %dma_start3A_25 = tpu.memref_slice %arg10[%mul3A_20, %dma_start3A_24] : memref<10240x128xf32, #tpu.memory_space<vmem_shared>> -> memref<640x128xf32, #tpu.memory_space<vmem_shared>>
        tpu.enqueue_dma source(%dma_start3A_25 : memref<640x128xf32, #tpu.memory_space<vmem_shared>>) target(%dma_start3A_23 : memref<640x128xf32, #tpu.memory_space<hbm>>) target_semaphore(%run_scoped3A : memref<!tpu.dma_semaphore, #tpu.memory_space<semaphore_mem>>)
        %dma_wait3A = arith.constant 0 : i32
        %dma_wait3A_26 = tpu.memref_slice %arg6[%mul3A_22, %dma_wait3A] : memref<10240x128xf32, #tpu.memory_space<hbm>> -> memref<640x128xf32, #tpu.memory_space<hbm>>
        %dma_wait3A_27 = arith.constant 0 : i32
        %dma_wait3A_28 = tpu.memref_slice %arg10[%mul3A_20, %dma_wait3A_27] : memref<10240x128xf32, #tpu.memory_space<vmem_shared>> -> memref<640x128xf32, #tpu.memory_space<vmem_shared>>
        tpu.wait_dma2 semaphore(%run_scoped3A : memref<!tpu.dma_semaphore, #tpu.memory_space<semaphore_mem>>) src(%dma_wait3A_28 : memref<640x128xf32, #tpu.memory_space<vmem_shared>>) dst(%dma_wait3A_26 : memref<640x128xf32, #tpu.memory_space<hbm>>)
        tpu.yield
      }) : () -> ()
    } else {
    }
    %eq3A_14 = arith.constant 1 : i32
    %eq3A_15 = arith.cmpi eq, %arg0, %eq3A_14 : i32
    %convert_element_type3A_16 = arith.extui %eq3A_15 : i1 to i32
    %cond3A_17 = arith.constant 0 : i32
    %cond3A_18 = arith.cmpi ne, %convert_element_type3A_16, %cond3A_17 : i32
    scf.if %cond3A_18 {
      %mul3A_19 = arith.constant 640 : i32
      %mul3A_20 = arith.muli %arg1, %mul3A_19 : i32
      %mul3A_21 = arith.constant 640 : i32
      %mul3A_22 = arith.muli %arg1, %mul3A_21 : i32
      "tpu.region"() ({
        %run_scoped3A = tpu.sem_alloc : memref<!tpu.dma_semaphore, #tpu.memory_space<semaphore_mem>>
        %dma_start3A = arith.constant 0 : i32
        %dma_start3A_23 = tpu.memref_slice %arg7[%mul3A_22, %dma_start3A] : memref<10240x128xf32, #tpu.memory_space<hbm>> -> memref<640x128xf32, #tpu.memory_space<hbm>>
        %dma_start3A_24 = arith.constant 0 : i32
        %dma_start3A_25 = tpu.memref_slice %arg10[%mul3A_20, %dma_start3A_24] : memref<10240x128xf32, #tpu.memory_space<vmem_shared>> -> memref<640x128xf32, #tpu.memory_space<vmem_shared>>
        tpu.enqueue_dma source(%dma_start3A_25 : memref<640x128xf32, #tpu.memory_space<vmem_shared>>) target(%dma_start3A_23 : memref<640x128xf32, #tpu.memory_space<hbm>>) target_semaphore(%run_scoped3A : memref<!tpu.dma_semaphore, #tpu.memory_space<semaphore_mem>>)
        %dma_wait3A = arith.constant 0 : i32
        %dma_wait3A_26 = tpu.memref_slice %arg7[%mul3A_22, %dma_wait3A] : memref<10240x128xf32, #tpu.memory_space<hbm>> -> memref<640x128xf32, #tpu.memory_space<hbm>>
        %dma_wait3A_27 = arith.constant 0 : i32
        %dma_wait3A_28 = tpu.memref_slice %arg10[%mul3A_20, %dma_wait3A_27] : memref<10240x128xf32, #tpu.memory_space<vmem_shared>> -> memref<640x128xf32, #tpu.memory_space<vmem_shared>>
        tpu.wait_dma2 semaphore(%run_scoped3A : memref<!tpu.dma_semaphore, #tpu.memory_space<semaphore_mem>>) src(%dma_wait3A_28 : memref<640x128xf32, #tpu.memory_space<vmem_shared>>) dst(%dma_wait3A_26 : memref<640x128xf32, #tpu.memory_space<hbm>>)
        tpu.yield
      }) : () -> ()
    } else {
    }
    return
  }
}

#map = affine_map<(d0, d1) -> (0, 0, 0)>
#map1 = affine_map<(d0, d1) -> (0, 0)>
module attributes {stable_mosaic.version = 14 : i64} {
  func.func @_sc_scatter_body(%arg0: i32, %arg1: i32, %arg2: memref<16x80x128xi32, #tpu.memory_space<hbm>>, %arg3: memref<16x80x128xi32, #tpu.memory_space<hbm>>, %arg4: memref<10000x128xf32, #tpu.memory_space<hbm>>, %arg5: memref<10000x128xf32, #tpu.memory_space<hbm>>, %arg6: memref<640x128xf32, #tpu.memory_space<hbm>>, %arg7: memref<10240x128xf32, #tpu.memory_space<hbm>>, %arg8: memref<10240x128xf32, #tpu.memory_space<hbm>>, %arg9: memref<40x128xi32, #tpu.memory_space<vmem>>, %arg10: memref<40x128xi32, #tpu.memory_space<vmem>>, %arg11: memref<128x128xf32, #tpu.memory_space<vmem>>, %arg12: memref<128x128xf32, #tpu.memory_space<vmem>>, %arg13: memref<!tpu.dma_semaphore, #tpu.memory_space<semaphore_mem>>, %arg14: memref<!tpu.dma_semaphore, #tpu.memory_space<semaphore_mem>>, %arg15: memref<!tpu.dma_semaphore, #tpu.memory_space<semaphore_mem>>, %arg16: memref<!tpu.dma_semaphore, #tpu.memory_space<semaphore_mem>>, %arg17: memref<10240x128xf32, #tpu.memory_space<vmem_shared>>) attributes {dimension_semantics = [#tpu.dimension_semantics<core_parallel>, #tpu.dimension_semantics<subcore_parallel>], iteration_bounds = array<i64: 2, 16>, scalar_prefetch = 0 : i64, scratch_operands = 9 : i64, tpu.core_type = #tpu.core_type<sc_vector_subcore>, window_params = [{transform_indices = #map}, {transform_indices = #map}, {transform_indices = #map1}, {transform_indices = #map1}, {transform_indices = #map1}, {transform_indices = #map1}, {transform_indices = #map1}]} {
    %mul3A = arith.constant 640 : i32
    %mul3A_0 = arith.muli %arg1, %mul3A : i32
    "tpu.region"() ({
      %run_scoped3A = tpu.sem_alloc : memref<!tpu.dma_semaphore, #tpu.memory_space<semaphore_mem>>
      %dma_start3A = arith.constant 0 : i32
      %dma_start3A_19 = tpu.memref_slice %arg17[%mul3A_0, %dma_start3A] : memref<10240x128xf32, #tpu.memory_space<vmem_shared>> -> memref<640x128xf32, #tpu.memory_space<vmem_shared>>
      tpu.enqueue_dma source(%arg6 : memref<640x128xf32, #tpu.memory_space<hbm>>) target(%dma_start3A_19 : memref<640x128xf32, #tpu.memory_space<vmem_shared>>) target_semaphore(%run_scoped3A : memref<!tpu.dma_semaphore, #tpu.memory_space<semaphore_mem>>)
      %dma_wait3A = arith.constant 0 : i32
      %dma_wait3A_20 = tpu.memref_slice %arg17[%mul3A_0, %dma_wait3A] : memref<10240x128xf32, #tpu.memory_space<vmem_shared>> -> memref<640x128xf32, #tpu.memory_space<vmem_shared>>
      tpu.wait_dma2 semaphore(%run_scoped3A : memref<!tpu.dma_semaphore, #tpu.memory_space<semaphore_mem>>) src(%arg6 : memref<640x128xf32, #tpu.memory_space<hbm>>) dst(%dma_wait3A_20 : memref<640x128xf32, #tpu.memory_space<vmem_shared>>)
      tpu.yield
    }) : () -> ()
    %barrier3A = arith.constant 0 : index
    tpu.barrier barrier_id(%barrier3A)
    %eq3A = arith.constant 0 : i32
    %eq3A_1 = arith.cmpi eq, %arg0, %eq3A : i32
    %convert_element_type3A = arith.extui %eq3A_1 : i1 to i32
    %cond3A = arith.constant 0 : i32
    %cond3A_2 = arith.cmpi ne, %convert_element_type3A, %cond3A : i32
    scf.if %cond3A_2 {
      "tpu.region"() ({
        %run_scoped3A = tpu.sem_alloc : memref<!tpu.dma_semaphore, #tpu.memory_space<semaphore_mem>>
        %dma_start3A_80 = arith.constant 0 : i32
        %dma_start3A_81 = arith.constant 0 : i32
        %dma_start3A_82 = tpu.memref_slice %arg2[%arg1, %dma_start3A_80, %dma_start3A_81] : memref<16x80x128xi32, #tpu.memory_space<hbm>> -> memref<1x80x128xi32, #tpu.memory_space<hbm>>
        %dma_start3A_83 = tpu.memref_squeeze %dma_start3A_82 : memref<1x80x128xi32, #tpu.memory_space<hbm>> -> memref<80x128xi32, #tpu.memory_space<hbm>>
        %dma_start3A_84 = arith.constant 0 : i32
        %dma_start3A_85 = arith.constant 0 : i32
        %dma_start3A_86 = tpu.memref_slice %dma_start3A_83[%dma_start3A_84, %dma_start3A_85] : memref<80x128xi32, #tpu.memory_space<hbm>> -> memref<40x128xi32, #tpu.memory_space<hbm>>
        %dma_start3A_87 = arith.constant 0 : i32
        %dma_start3A_88 = arith.constant 0 : i32
        %dma_start3A_89 = tpu.memref_slice %arg2[%arg1, %dma_start3A_87, %dma_start3A_88] : memref<16x80x128xi32, #tpu.memory_space<hbm>> -> memref<1x80x128xi32, #tpu.memory_space<hbm>>
        %dma_start3A_90 = tpu.memref_squeeze %dma_start3A_89 : memref<1x80x128xi32, #tpu.memory_space<hbm>> -> memref<80x128xi32, #tpu.memory_space<hbm>>
        %dma_start3A_91 = arith.constant 0 : i32
        %dma_start3A_92 = arith.constant 0 : i32
        %dma_start3A_93 = tpu.memref_slice %dma_start3A_90[%dma_start3A_91, %dma_start3A_92] : memref<80x128xi32, #tpu.memory_space<hbm>> -> memref<40x128xi32, #tpu.memory_space<hbm>>
        tpu.enqueue_dma source(%dma_start3A_93 : memref<40x128xi32, #tpu.memory_space<hbm>>) target(%arg9 : memref<40x128xi32, #tpu.memory_space<vmem>>) target_semaphore(%run_scoped3A : memref<!tpu.dma_semaphore, #tpu.memory_space<semaphore_mem>>)
        %dma_wait3A_94 = arith.constant 0 : i32
        %dma_wait3A_95 = arith.constant 0 : i32
        %dma_wait3A_96 = tpu.memref_slice %arg2[%arg1, %dma_wait3A_94, %dma_wait3A_95] : memref<16x80x128xi32, #tpu.memory_space<hbm>> -> memref<1x80x128xi32, #tpu.memory_space<hbm>>
        %dma_wait3A_97 = tpu.memref_squeeze %dma_wait3A_96 : memref<1x80x128xi32, #tpu.memory_space<hbm>> -> memref<80x128xi32, #tpu.memory_space<hbm>>
        %dma_wait3A_98 = arith.constant 0 : i32
        %dma_wait3A_99 = arith.constant 0 : i32
        %dma_wait3A_100 = tpu.memref_slice %dma_wait3A_97[%dma_wait3A_98, %dma_wait3A_99] : memref<80x128xi32, #tpu.memory_space<hbm>> -> memref<40x128xi32, #tpu.memory_space<hbm>>
        %dma_wait3A_101 = arith.constant 0 : i32
        %dma_wait3A_102 = arith.constant 0 : i32
        %dma_wait3A_103 = tpu.memref_slice %arg2[%arg1, %dma_wait3A_101, %dma_wait3A_102] : memref<16x80x128xi32, #tpu.memory_space<hbm>> -> memref<1x80x128xi32, #tpu.memory_space<hbm>>
        %dma_wait3A_104 = tpu.memref_squeeze %dma_wait3A_103 : memref<1x80x128xi32, #tpu.memory_space<hbm>> -> memref<80x128xi32, #tpu.memory_space<hbm>>
        %dma_wait3A_105 = arith.constant 0 : i32
        %dma_wait3A_106 = arith.constant 0 : i32
        %dma_wait3A_107 = tpu.memref_slice %dma_wait3A_104[%dma_wait3A_105, %dma_wait3A_106] : memref<80x128xi32, #tpu.memory_space<hbm>> -> memref<40x128xi32, #tpu.memory_space<hbm>>
        tpu.wait_dma2 semaphore(%run_scoped3A : memref<!tpu.dma_semaphore, #tpu.memory_space<semaphore_mem>>) src(%dma_wait3A_107 : memref<40x128xi32, #tpu.memory_space<hbm>>) dst(%arg9 : memref<40x128xi32, #tpu.memory_space<vmem>>)
        tpu.yield
      }) : () -> ()
      "tpu.region"() ({
        %run_scoped3A = tpu.sem_alloc : memref<!tpu.dma_semaphore, #tpu.memory_space<semaphore_mem>>
        %dma_start3A_80 = arith.constant 0 : i32
        %dma_start3A_81 = arith.constant 0 : i32
        %dma_start3A_82 = tpu.memref_slice %arg3[%arg1, %dma_start3A_80, %dma_start3A_81] : memref<16x80x128xi32, #tpu.memory_space<hbm>> -> memref<1x80x128xi32, #tpu.memory_space<hbm>>
        %dma_start3A_83 = tpu.memref_squeeze %dma_start3A_82 : memref<1x80x128xi32, #tpu.memory_space<hbm>> -> memref<80x128xi32, #tpu.memory_space<hbm>>
        %dma_start3A_84 = arith.constant 0 : i32
        %dma_start3A_85 = arith.constant 0 : i32
        %dma_start3A_86 = tpu.memref_slice %dma_start3A_83[%dma_start3A_84, %dma_start3A_85] : memref<80x128xi32, #tpu.memory_space<hbm>> -> memref<40x128xi32, #tpu.memory_space<hbm>>
        %dma_start3A_87 = arith.constant 0 : i32
        %dma_start3A_88 = arith.constant 0 : i32
        %dma_start3A_89 = tpu.memref_slice %arg3[%arg1, %dma_start3A_87, %dma_start3A_88] : memref<16x80x128xi32, #tpu.memory_space<hbm>> -> memref<1x80x128xi32, #tpu.memory_space<hbm>>
        %dma_start3A_90 = tpu.memref_squeeze %dma_start3A_89 : memref<1x80x128xi32, #tpu.memory_space<hbm>> -> memref<80x128xi32, #tpu.memory_space<hbm>>
        %dma_start3A_91 = arith.constant 0 : i32
        %dma_start3A_92 = arith.constant 0 : i32
        %dma_start3A_93 = tpu.memref_slice %dma_start3A_90[%dma_start3A_91, %dma_start3A_92] : memref<80x128xi32, #tpu.memory_space<hbm>> -> memref<40x128xi32, #tpu.memory_space<hbm>>
        tpu.enqueue_dma source(%dma_start3A_93 : memref<40x128xi32, #tpu.memory_space<hbm>>) target(%arg10 : memref<40x128xi32, #tpu.memory_space<vmem>>) target_semaphore(%run_scoped3A : memref<!tpu.dma_semaphore, #tpu.memory_space<semaphore_mem>>)
        %dma_wait3A_94 = arith.constant 0 : i32
        %dma_wait3A_95 = arith.constant 0 : i32
        %dma_wait3A_96 = tpu.memref_slice %arg3[%arg1, %dma_wait3A_94, %dma_wait3A_95] : memref<16x80x128xi32, #tpu.memory_space<hbm>> -> memref<1x80x128xi32, #tpu.memory_space<hbm>>
        %dma_wait3A_97 = tpu.memref_squeeze %dma_wait3A_96 : memref<1x80x128xi32, #tpu.memory_space<hbm>> -> memref<80x128xi32, #tpu.memory_space<hbm>>
        %dma_wait3A_98 = arith.constant 0 : i32
        %dma_wait3A_99 = arith.constant 0 : i32
        %dma_wait3A_100 = tpu.memref_slice %dma_wait3A_97[%dma_wait3A_98, %dma_wait3A_99] : memref<80x128xi32, #tpu.memory_space<hbm>> -> memref<40x128xi32, #tpu.memory_space<hbm>>
        %dma_wait3A_101 = arith.constant 0 : i32
        %dma_wait3A_102 = arith.constant 0 : i32
        %dma_wait3A_103 = tpu.memref_slice %arg3[%arg1, %dma_wait3A_101, %dma_wait3A_102] : memref<16x80x128xi32, #tpu.memory_space<hbm>> -> memref<1x80x128xi32, #tpu.memory_space<hbm>>
        %dma_wait3A_104 = tpu.memref_squeeze %dma_wait3A_103 : memref<1x80x128xi32, #tpu.memory_space<hbm>> -> memref<80x128xi32, #tpu.memory_space<hbm>>
        %dma_wait3A_105 = arith.constant 0 : i32
        %dma_wait3A_106 = arith.constant 0 : i32
        %dma_wait3A_107 = tpu.memref_slice %dma_wait3A_104[%dma_wait3A_105, %dma_wait3A_106] : memref<80x128xi32, #tpu.memory_space<hbm>> -> memref<40x128xi32, #tpu.memory_space<hbm>>
        tpu.wait_dma2 semaphore(%run_scoped3A : memref<!tpu.dma_semaphore, #tpu.memory_space<semaphore_mem>>) src(%dma_wait3A_107 : memref<40x128xi32, #tpu.memory_space<hbm>>) dst(%arg10 : memref<40x128xi32, #tpu.memory_space<vmem>>)
        tpu.yield
      }) : () -> ()
      %dma_start3A = arith.constant 0 : i32
      %dma_start3A_19 = arith.constant 0 : i32
      %dma_start3A_20 = tpu.memref_slice %arg9[%dma_start3A, %dma_start3A_19] : memref<40x128xi32, #tpu.memory_space<vmem>> -> memref<1x128xi32, #tpu.memory_space<vmem>>
      %dma_start3A_21 = tpu.memref_squeeze %dma_start3A_20 : memref<1x128xi32, #tpu.memory_space<vmem>> -> memref<128xi32, #tpu.memory_space<vmem>>
      %dma_start3A_22 = arith.constant 0 : i32
      %dma_start3A_23 = arith.constant 0 : i32
      %dma_start3A_24 = tpu.memref_slice %arg4[%dma_start3A_22, %dma_start3A_23] : memref<10000x128xf32, #tpu.memory_space<hbm>> -> memref<10000x128xf32, #tpu.memory_space<hbm>>
      tpu.enqueue_indirect_dma source(%dma_start3A_24 : memref<10000x128xf32, #tpu.memory_space<hbm>>) target(%arg11 : memref<128x128xf32, #tpu.memory_space<vmem>>) offsets(%dma_start3A_21 : memref<128xi32, #tpu.memory_space<vmem>>) semaphore(%arg13 : memref<!tpu.dma_semaphore, #tpu.memory_space<semaphore_mem>>)
      %dma_start3A_25 = arith.constant 1 : i32
      %dma_start3A_26 = arith.constant 0 : i32
      %dma_start3A_27 = tpu.memref_slice %arg9[%dma_start3A_25, %dma_start3A_26] : memref<40x128xi32, #tpu.memory_space<vmem>> -> memref<1x128xi32, #tpu.memory_space<vmem>>
      %dma_start3A_28 = tpu.memref_squeeze %dma_start3A_27 : memref<1x128xi32, #tpu.memory_space<vmem>> -> memref<128xi32, #tpu.memory_space<vmem>>
      %dma_start3A_29 = arith.constant 0 : i32
      %dma_start3A_30 = arith.constant 0 : i32
      %dma_start3A_31 = tpu.memref_slice %arg4[%dma_start3A_29, %dma_start3A_30] : memref<10000x128xf32, #tpu.memory_space<hbm>> -> memref<10000x128xf32, #tpu.memory_space<hbm>>
      tpu.enqueue_indirect_dma source(%dma_start3A_31 : memref<10000x128xf32, #tpu.memory_space<hbm>>) target(%arg12 : memref<128x128xf32, #tpu.memory_space<vmem>>) offsets(%dma_start3A_28 : memref<128xi32, #tpu.memory_space<vmem>>) semaphore(%arg14 : memref<!tpu.dma_semaphore, #tpu.memory_space<semaphore_mem>>)
      %scan3A = arith.constant 0 : i32
      %scan3A_32 = arith.constant 0 : i32
      %scan3A_33 = arith.constant 20 : i32
      %scan3A_34 = arith.addi %scan3A_32, %scan3A_33 : i32
      %scan3A_35 = arith.constant 1 : i32
      scf.for %scan3A_80 = %scan3A_32 to %scan3A_34 step %scan3A_35  : i32 {
        %mul3A_81 = arith.constant 2 : i32
        %mul3A_82 = arith.muli %scan3A_80, %mul3A_81 : i32
        %add3A = arith.constant 0 : i32
        %add3A_83 = arith.addi %mul3A_82, %add3A : i32
        %dma_wait3A_84 = arith.constant 0 : i32
        %dma_wait3A_85 = arith.constant 0 : i32
        %dma_wait3A_86 = tpu.memref_slice %arg4[%dma_wait3A_84, %dma_wait3A_85] : memref<10000x128xf32, #tpu.memory_space<hbm>> -> memref<128x128xf32, #tpu.memory_space<hbm>>
        %dma_wait3A_87 = arith.constant 0 : i32
        %dma_wait3A_88 = arith.constant 0 : i32
        %dma_wait3A_89 = tpu.memref_slice %arg4[%dma_wait3A_87, %dma_wait3A_88] : memref<10000x128xf32, #tpu.memory_space<hbm>> -> memref<128x128xf32, #tpu.memory_space<hbm>>
        tpu.wait_dma2 semaphore(%arg13 : memref<!tpu.dma_semaphore, #tpu.memory_space<semaphore_mem>>) src(%dma_wait3A_89 : memref<128x128xf32, #tpu.memory_space<hbm>>) dst(%arg11 : memref<128x128xf32, #tpu.memory_space<vmem>>)
        %dma_start3A_90 = arith.constant 0 : i32
        %dma_start3A_91 = tpu.memref_slice %arg10[%add3A_83, %dma_start3A_90] : memref<40x128xi32, #tpu.memory_space<vmem>> -> memref<1x128xi32, #tpu.memory_space<vmem>>
        %dma_start3A_92 = tpu.memref_squeeze %dma_start3A_91 : memref<1x128xi32, #tpu.memory_space<vmem>> -> memref<128xi32, #tpu.memory_space<vmem>>
        %dma_start3A_93 = arith.constant 0 : i32
        %dma_start3A_94 = arith.constant 0 : i32
        %dma_start3A_95 = tpu.memref_slice %arg17[%dma_start3A_93, %dma_start3A_94] : memref<10240x128xf32, #tpu.memory_space<vmem_shared>> -> memref<10240x128xf32, #tpu.memory_space<vmem_shared>>
        tpu.enqueue_indirect_dma source(%arg11 : memref<128x128xf32, #tpu.memory_space<vmem>>) target(%dma_start3A_95 : memref<10240x128xf32, #tpu.memory_space<vmem_shared>>) offsets(%dma_start3A_92 : memref<128xi32, #tpu.memory_space<vmem>>) semaphore(%arg15 : memref<!tpu.dma_semaphore, #tpu.memory_space<semaphore_mem>>) {add = true}
        %add3A_96 = arith.constant 2 : i32
        %add3A_97 = arith.addi %add3A_83, %add3A_96 : i32
        %lt3A = arith.constant 40 : i32
        %lt3A_98 = arith.cmpi slt, %add3A_97, %lt3A : i32
        %convert_element_type3A_99 = arith.extui %lt3A_98 : i1 to i32
        %cond3A_100 = arith.constant 0 : i32
        %cond3A_101 = arith.cmpi ne, %convert_element_type3A_99, %cond3A_100 : i32
        scf.if %cond3A_101 {
          %dma_wait3A_123 = arith.constant 0 : i32
          %dma_wait3A_124 = arith.constant 0 : i32
          %dma_wait3A_125 = tpu.memref_slice %arg17[%dma_wait3A_123, %dma_wait3A_124] : memref<10240x128xf32, #tpu.memory_space<vmem_shared>> -> memref<128x128xf32, #tpu.memory_space<vmem_shared>>
          %dma_wait3A_126 = arith.constant 0 : i32
          %dma_wait3A_127 = arith.constant 0 : i32
          %dma_wait3A_128 = tpu.memref_slice %arg17[%dma_wait3A_126, %dma_wait3A_127] : memref<10240x128xf32, #tpu.memory_space<vmem_shared>> -> memref<128x128xf32, #tpu.memory_space<vmem_shared>>
          tpu.wait_dma2 semaphore(%arg15 : memref<!tpu.dma_semaphore, #tpu.memory_space<semaphore_mem>>) src(%arg11 : memref<128x128xf32, #tpu.memory_space<vmem>>) dst(%dma_wait3A_128 : memref<128x128xf32, #tpu.memory_space<vmem_shared>>)
          %add3A_129 = arith.constant 2 : i32
          %add3A_130 = arith.addi %add3A_83, %add3A_129 : i32
          %dma_start3A_131 = arith.constant 0 : i32
          %dma_start3A_132 = tpu.memref_slice %arg9[%add3A_130, %dma_start3A_131] : memref<40x128xi32, #tpu.memory_space<vmem>> -> memref<1x128xi32, #tpu.memory_space<vmem>>
          %dma_start3A_133 = tpu.memref_squeeze %dma_start3A_132 : memref<1x128xi32, #tpu.memory_space<vmem>> -> memref<128xi32, #tpu.memory_space<vmem>>
          %dma_start3A_134 = arith.constant 0 : i32
          %dma_start3A_135 = arith.constant 0 : i32
          %dma_start3A_136 = tpu.memref_slice %arg4[%dma_start3A_134, %dma_start3A_135] : memref<10000x128xf32, #tpu.memory_space<hbm>> -> memref<10000x128xf32, #tpu.memory_space<hbm>>
          tpu.enqueue_indirect_dma source(%dma_start3A_136 : memref<10000x128xf32, #tpu.memory_space<hbm>>) target(%arg11 : memref<128x128xf32, #tpu.memory_space<vmem>>) offsets(%dma_start3A_133 : memref<128xi32, #tpu.memory_space<vmem>>) semaphore(%arg13 : memref<!tpu.dma_semaphore, #tpu.memory_space<semaphore_mem>>)
        } else {
        }
        %add3A_102 = arith.constant 1 : i32
        %add3A_103 = arith.addi %mul3A_82, %add3A_102 : i32
        %dma_wait3A_104 = arith.constant 0 : i32
        %dma_wait3A_105 = arith.constant 0 : i32
        %dma_wait3A_106 = tpu.memref_slice %arg4[%dma_wait3A_104, %dma_wait3A_105] : memref<10000x128xf32, #tpu.memory_space<hbm>> -> memref<128x128xf32, #tpu.memory_space<hbm>>
        %dma_wait3A_107 = arith.constant 0 : i32
        %dma_wait3A_108 = arith.constant 0 : i32
        %dma_wait3A_109 = tpu.memref_slice %arg4[%dma_wait3A_107, %dma_wait3A_108] : memref<10000x128xf32, #tpu.memory_space<hbm>> -> memref<128x128xf32, #tpu.memory_space<hbm>>
        tpu.wait_dma2 semaphore(%arg14 : memref<!tpu.dma_semaphore, #tpu.memory_space<semaphore_mem>>) src(%dma_wait3A_109 : memref<128x128xf32, #tpu.memory_space<hbm>>) dst(%arg12 : memref<128x128xf32, #tpu.memory_space<vmem>>)
        %dma_start3A_110 = arith.constant 0 : i32
        %dma_start3A_111 = tpu.memref_slice %arg10[%add3A_103, %dma_start3A_110] : memref<40x128xi32, #tpu.memory_space<vmem>> -> memref<1x128xi32, #tpu.memory_space<vmem>>
        %dma_start3A_112 = tpu.memref_squeeze %dma_start3A_111 : memref<1x128xi32, #tpu.memory_space<vmem>> -> memref<128xi32, #tpu.memory_space<vmem>>
        %dma_start3A_113 = arith.constant 0 : i32
        %dma_start3A_114 = arith.constant 0 : i32
        %dma_start3A_115 = tpu.memref_slice %arg17[%dma_start3A_113, %dma_start3A_114] : memref<10240x128xf32, #tpu.memory_space<vmem_shared>> -> memref<10240x128xf32, #tpu.memory_space<vmem_shared>>
        tpu.enqueue_indirect_dma source(%arg12 : memref<128x128xf32, #tpu.memory_space<vmem>>) target(%dma_start3A_115 : memref<10240x128xf32, #tpu.memory_space<vmem_shared>>) offsets(%dma_start3A_112 : memref<128xi32, #tpu.memory_space<vmem>>) semaphore(%arg16 : memref<!tpu.dma_semaphore, #tpu.memory_space<semaphore_mem>>) {add = true}
        %add3A_116 = arith.constant 2 : i32
        %add3A_117 = arith.addi %add3A_103, %add3A_116 : i32
        %lt3A_118 = arith.constant 40 : i32
        %lt3A_119 = arith.cmpi slt, %add3A_117, %lt3A_118 : i32
        %convert_element_type3A_120 = arith.extui %lt3A_119 : i1 to i32
        %cond3A_121 = arith.constant 0 : i32
        %cond3A_122 = arith.cmpi ne, %convert_element_type3A_120, %cond3A_121 : i32
        scf.if %cond3A_122 {
          %dma_wait3A_123 = arith.constant 0 : i32
          %dma_wait3A_124 = arith.constant 0 : i32
          %dma_wait3A_125 = tpu.memref_slice %arg17[%dma_wait3A_123, %dma_wait3A_124] : memref<10240x128xf32, #tpu.memory_space<vmem_shared>> -> memref<128x128xf32, #tpu.memory_space<vmem_shared>>
          %dma_wait3A_126 = arith.constant 0 : i32
          %dma_wait3A_127 = arith.constant 0 : i32
          %dma_wait3A_128 = tpu.memref_slice %arg17[%dma_wait3A_126, %dma_wait3A_127] : memref<10240x128xf32, #tpu.memory_space<vmem_shared>> -> memref<128x128xf32, #tpu.memory_space<vmem_shared>>
          tpu.wait_dma2 semaphore(%arg16 : memref<!tpu.dma_semaphore, #tpu.memory_space<semaphore_mem>>) src(%arg12 : memref<128x128xf32, #tpu.memory_space<vmem>>) dst(%dma_wait3A_128 : memref<128x128xf32, #tpu.memory_space<vmem_shared>>)
          %add3A_129 = arith.constant 2 : i32
          %add3A_130 = arith.addi %add3A_103, %add3A_129 : i32
          %dma_start3A_131 = arith.constant 0 : i32
          %dma_start3A_132 = tpu.memref_slice %arg9[%add3A_130, %dma_start3A_131] : memref<40x128xi32, #tpu.memory_space<vmem>> -> memref<1x128xi32, #tpu.memory_space<vmem>>
          %dma_start3A_133 = tpu.memref_squeeze %dma_start3A_132 : memref<1x128xi32, #tpu.memory_space<vmem>> -> memref<128xi32, #tpu.memory_space<vmem>>
          %dma_start3A_134 = arith.constant 0 : i32
          %dma_start3A_135 = arith.constant 0 : i32
          %dma_start3A_136 = tpu.memref_slice %arg4[%dma_start3A_134, %dma_start3A_135] : memref<10000x128xf32, #tpu.memory_space<hbm>> -> memref<10000x128xf32, #tpu.memory_space<hbm>>
          tpu.enqueue_indirect_dma source(%dma_start3A_136 : memref<10000x128xf32, #tpu.memory_space<hbm>>) target(%arg12 : memref<128x128xf32, #tpu.memory_space<vmem>>) offsets(%dma_start3A_133 : memref<128xi32, #tpu.memory_space<vmem>>) semaphore(%arg14 : memref<!tpu.dma_semaphore, #tpu.memory_space<semaphore_mem>>)
        } else {
        }
      }
      %scan3A_36 = arith.constant 20 : i32
      %dma_wait3A = arith.constant 0 : i32
      %dma_wait3A_37 = arith.constant 0 : i32
      %dma_wait3A_38 = tpu.memref_slice %arg17[%dma_wait3A, %dma_wait3A_37] : memref<10240x128xf32, #tpu.memory_space<vmem_shared>> -> memref<128x128xf32, #tpu.memory_space<vmem_shared>>
      %dma_wait3A_39 = arith.constant 0 : i32
      %dma_wait3A_40 = arith.constant 0 : i32
      %dma_wait3A_41 = tpu.memref_slice %arg17[%dma_wait3A_39, %dma_wait3A_40] : memref<10240x128xf32, #tpu.memory_space<vmem_shared>> -> memref<128x128xf32, #tpu.memory_space<vmem_shared>>
      tpu.wait_dma2 semaphore(%arg15 : memref<!tpu.dma_semaphore, #tpu.memory_space<semaphore_mem>>) src(%arg11 : memref<128x128xf32, #tpu.memory_space<vmem>>) dst(%dma_wait3A_41 : memref<128x128xf32, #tpu.memory_space<vmem_shared>>)
      %dma_wait3A_42 = arith.constant 0 : i32
      %dma_wait3A_43 = arith.constant 0 : i32
      %dma_wait3A_44 = tpu.memref_slice %arg17[%dma_wait3A_42, %dma_wait3A_43] : memref<10240x128xf32, #tpu.memory_space<vmem_shared>> -> memref<128x128xf32, #tpu.memory_space<vmem_shared>>
      %dma_wait3A_45 = arith.constant 0 : i32
      %dma_wait3A_46 = arith.constant 0 : i32
      %dma_wait3A_47 = tpu.memref_slice %arg17[%dma_wait3A_45, %dma_wait3A_46] : memref<10240x128xf32, #tpu.memory_space<vmem_shared>> -> memref<128x128xf32, #tpu.memory_space<vmem_shared>>
      tpu.wait_dma2 semaphore(%arg16 : memref<!tpu.dma_semaphore, #tpu.memory_space<semaphore_mem>>) src(%arg12 : memref<128x128xf32, #tpu.memory_space<vmem>>) dst(%dma_wait3A_47 : memref<128x128xf32, #tpu.memory_space<vmem_shared>>)
      "tpu.region"() ({
        %run_scoped3A = tpu.sem_alloc : memref<!tpu.dma_semaphore, #tpu.memory_space<semaphore_mem>>
        %dma_start3A_80 = arith.constant 0 : i32
        %dma_start3A_81 = arith.constant 0 : i32
        %dma_start3A_82 = tpu.memref_slice %arg2[%arg1, %dma_start3A_80, %dma_start3A_81] : memref<16x80x128xi32, #tpu.memory_space<hbm>> -> memref<1x80x128xi32, #tpu.memory_space<hbm>>
        %dma_start3A_83 = tpu.memref_squeeze %dma_start3A_82 : memref<1x80x128xi32, #tpu.memory_space<hbm>> -> memref<80x128xi32, #tpu.memory_space<hbm>>
        %dma_start3A_84 = arith.constant 40 : i32
        %dma_start3A_85 = arith.constant 0 : i32
        %dma_start3A_86 = tpu.memref_slice %dma_start3A_83[%dma_start3A_84, %dma_start3A_85] : memref<80x128xi32, #tpu.memory_space<hbm>> -> memref<40x128xi32, #tpu.memory_space<hbm>>
        %dma_start3A_87 = arith.constant 0 : i32
        %dma_start3A_88 = arith.constant 0 : i32
        %dma_start3A_89 = tpu.memref_slice %arg2[%arg1, %dma_start3A_87, %dma_start3A_88] : memref<16x80x128xi32, #tpu.memory_space<hbm>> -> memref<1x80x128xi32, #tpu.memory_space<hbm>>
        %dma_start3A_90 = tpu.memref_squeeze %dma_start3A_89 : memref<1x80x128xi32, #tpu.memory_space<hbm>> -> memref<80x128xi32, #tpu.memory_space<hbm>>
        %dma_start3A_91 = arith.constant 40 : i32
        %dma_start3A_92 = arith.constant 0 : i32
        %dma_start3A_93 = tpu.memref_slice %dma_start3A_90[%dma_start3A_91, %dma_start3A_92] : memref<80x128xi32, #tpu.memory_space<hbm>> -> memref<40x128xi32, #tpu.memory_space<hbm>>
        tpu.enqueue_dma source(%dma_start3A_93 : memref<40x128xi32, #tpu.memory_space<hbm>>) target(%arg9 : memref<40x128xi32, #tpu.memory_space<vmem>>) target_semaphore(%run_scoped3A : memref<!tpu.dma_semaphore, #tpu.memory_space<semaphore_mem>>)
        %dma_wait3A_94 = arith.constant 0 : i32
        %dma_wait3A_95 = arith.constant 0 : i32
        %dma_wait3A_96 = tpu.memref_slice %arg2[%arg1, %dma_wait3A_94, %dma_wait3A_95] : memref<16x80x128xi32, #tpu.memory_space<hbm>> -> memref<1x80x128xi32, #tpu.memory_space<hbm>>
        %dma_wait3A_97 = tpu.memref_squeeze %dma_wait3A_96 : memref<1x80x128xi32, #tpu.memory_space<hbm>> -> memref<80x128xi32, #tpu.memory_space<hbm>>
        %dma_wait3A_98 = arith.constant 40 : i32
        %dma_wait3A_99 = arith.constant 0 : i32
        %dma_wait3A_100 = tpu.memref_slice %dma_wait3A_97[%dma_wait3A_98, %dma_wait3A_99] : memref<80x128xi32, #tpu.memory_space<hbm>> -> memref<40x128xi32, #tpu.memory_space<hbm>>
        %dma_wait3A_101 = arith.constant 0 : i32
        %dma_wait3A_102 = arith.constant 0 : i32
        %dma_wait3A_103 = tpu.memref_slice %arg2[%arg1, %dma_wait3A_101, %dma_wait3A_102] : memref<16x80x128xi32, #tpu.memory_space<hbm>> -> memref<1x80x128xi32, #tpu.memory_space<hbm>>
        %dma_wait3A_104 = tpu.memref_squeeze %dma_wait3A_103 : memref<1x80x128xi32, #tpu.memory_space<hbm>> -> memref<80x128xi32, #tpu.memory_space<hbm>>
        %dma_wait3A_105 = arith.constant 40 : i32
        %dma_wait3A_106 = arith.constant 0 : i32
        %dma_wait3A_107 = tpu.memref_slice %dma_wait3A_104[%dma_wait3A_105, %dma_wait3A_106] : memref<80x128xi32, #tpu.memory_space<hbm>> -> memref<40x128xi32, #tpu.memory_space<hbm>>
        tpu.wait_dma2 semaphore(%run_scoped3A : memref<!tpu.dma_semaphore, #tpu.memory_space<semaphore_mem>>) src(%dma_wait3A_107 : memref<40x128xi32, #tpu.memory_space<hbm>>) dst(%arg9 : memref<40x128xi32, #tpu.memory_space<vmem>>)
        tpu.yield
      }) : () -> ()
      "tpu.region"() ({
        %run_scoped3A = tpu.sem_alloc : memref<!tpu.dma_semaphore, #tpu.memory_space<semaphore_mem>>
        %dma_start3A_80 = arith.constant 0 : i32
        %dma_start3A_81 = arith.constant 0 : i32
        %dma_start3A_82 = tpu.memref_slice %arg3[%arg1, %dma_start3A_80, %dma_start3A_81] : memref<16x80x128xi32, #tpu.memory_space<hbm>> -> memref<1x80x128xi32, #tpu.memory_space<hbm>>
        %dma_start3A_83 = tpu.memref_squeeze %dma_start3A_82 : memref<1x80x128xi32, #tpu.memory_space<hbm>> -> memref<80x128xi32, #tpu.memory_space<hbm>>
        %dma_start3A_84 = arith.constant 40 : i32
        %dma_start3A_85 = arith.constant 0 : i32
        %dma_start3A_86 = tpu.memref_slice %dma_start3A_83[%dma_start3A_84, %dma_start3A_85] : memref<80x128xi32, #tpu.memory_space<hbm>> -> memref<40x128xi32, #tpu.memory_space<hbm>>
        %dma_start3A_87 = arith.constant 0 : i32
        %dma_start3A_88 = arith.constant 0 : i32
        %dma_start3A_89 = tpu.memref_slice %arg3[%arg1, %dma_start3A_87, %dma_start3A_88] : memref<16x80x128xi32, #tpu.memory_space<hbm>> -> memref<1x80x128xi32, #tpu.memory_space<hbm>>
        %dma_start3A_90 = tpu.memref_squeeze %dma_start3A_89 : memref<1x80x128xi32, #tpu.memory_space<hbm>> -> memref<80x128xi32, #tpu.memory_space<hbm>>
        %dma_start3A_91 = arith.constant 40 : i32
        %dma_start3A_92 = arith.constant 0 : i32
        %dma_start3A_93 = tpu.memref_slice %dma_start3A_90[%dma_start3A_91, %dma_start3A_92] : memref<80x128xi32, #tpu.memory_space<hbm>> -> memref<40x128xi32, #tpu.memory_space<hbm>>
        tpu.enqueue_dma source(%dma_start3A_93 : memref<40x128xi32, #tpu.memory_space<hbm>>) target(%arg10 : memref<40x128xi32, #tpu.memory_space<vmem>>) target_semaphore(%run_scoped3A : memref<!tpu.dma_semaphore, #tpu.memory_space<semaphore_mem>>)
        %dma_wait3A_94 = arith.constant 0 : i32
        %dma_wait3A_95 = arith.constant 0 : i32
        %dma_wait3A_96 = tpu.memref_slice %arg3[%arg1, %dma_wait3A_94, %dma_wait3A_95] : memref<16x80x128xi32, #tpu.memory_space<hbm>> -> memref<1x80x128xi32, #tpu.memory_space<hbm>>
        %dma_wait3A_97 = tpu.memref_squeeze %dma_wait3A_96 : memref<1x80x128xi32, #tpu.memory_space<hbm>> -> memref<80x128xi32, #tpu.memory_space<hbm>>
        %dma_wait3A_98 = arith.constant 40 : i32
        %dma_wait3A_99 = arith.constant 0 : i32
        %dma_wait3A_100 = tpu.memref_slice %dma_wait3A_97[%dma_wait3A_98, %dma_wait3A_99] : memref<80x128xi32, #tpu.memory_space<hbm>> -> memref<40x128xi32, #tpu.memory_space<hbm>>
        %dma_wait3A_101 = arith.constant 0 : i32
        %dma_wait3A_102 = arith.constant 0 : i32
        %dma_wait3A_103 = tpu.memref_slice %arg3[%arg1, %dma_wait3A_101, %dma_wait3A_102] : memref<16x80x128xi32, #tpu.memory_space<hbm>> -> memref<1x80x128xi32, #tpu.memory_space<hbm>>
        %dma_wait3A_104 = tpu.memref_squeeze %dma_wait3A_103 : memref<1x80x128xi32, #tpu.memory_space<hbm>> -> memref<80x128xi32, #tpu.memory_space<hbm>>
        %dma_wait3A_105 = arith.constant 40 : i32
        %dma_wait3A_106 = arith.constant 0 : i32
        %dma_wait3A_107 = tpu.memref_slice %dma_wait3A_104[%dma_wait3A_105, %dma_wait3A_106] : memref<80x128xi32, #tpu.memory_space<hbm>> -> memref<40x128xi32, #tpu.memory_space<hbm>>
        tpu.wait_dma2 semaphore(%run_scoped3A : memref<!tpu.dma_semaphore, #tpu.memory_space<semaphore_mem>>) src(%dma_wait3A_107 : memref<40x128xi32, #tpu.memory_space<hbm>>) dst(%arg10 : memref<40x128xi32, #tpu.memory_space<vmem>>)
        tpu.yield
      }) : () -> ()
      %dma_start3A_48 = arith.constant 0 : i32
      %dma_start3A_49 = arith.constant 0 : i32
      %dma_start3A_50 = tpu.memref_slice %arg9[%dma_start3A_48, %dma_start3A_49] : memref<40x128xi32, #tpu.memory_space<vmem>> -> memref<1x128xi32, #tpu.memory_space<vmem>>
      %dma_start3A_51 = tpu.memref_squeeze %dma_start3A_50 : memref<1x128xi32, #tpu.memory_space<vmem>> -> memref<128xi32, #tpu.memory_space<vmem>>
      %dma_start3A_52 = arith.constant 0 : i32
      %dma_start3A_53 = arith.constant 0 : i32
      %dma_start3A_54 = tpu.memref_slice %arg4[%dma_start3A_52, %dma_start3A_53] : memref<10000x128xf32, #tpu.memory_space<hbm>> -> memref<10000x128xf32, #tpu.memory_space<hbm>>
      tpu.enqueue_indirect_dma source(%dma_start3A_54 : memref<10000x128xf32, #tpu.memory_space<hbm>>) target(%arg11 : memref<128x128xf32, #tpu.memory_space<vmem>>) offsets(%dma_start3A_51 : memref<128xi32, #tpu.memory_space<vmem>>) semaphore(%arg13 : memref<!tpu.dma_semaphore, #tpu.memory_space<semaphore_mem>>)
      %dma_start3A_55 = arith.constant 1 : i32
      %dma_start3A_56 = arith.constant 0 : i32
      %dma_start3A_57 = tpu.memref_slice %arg9[%dma_start3A_55, %dma_start3A_56] : memref<40x128xi32, #tpu.memory_space<vmem>> -> memref<1x128xi32, #tpu.memory_space<vmem>>
      %dma_start3A_58 = tpu.memref_squeeze %dma_start3A_57 : memref<1x128xi32, #tpu.memory_space<vmem>> -> memref<128xi32, #tpu.memory_space<vmem>>
      %dma_start3A_59 = arith.constant 0 : i32
      %dma_start3A_60 = arith.constant 0 : i32
      %dma_start3A_61 = tpu.memref_slice %arg4[%dma_start3A_59, %dma_start3A_60] : memref<10000x128xf32, #tpu.memory_space<hbm>> -> memref<10000x128xf32, #tpu.memory_space<hbm>>
      tpu.enqueue_indirect_dma source(%dma_start3A_61 : memref<10000x128xf32, #tpu.memory_space<hbm>>) target(%arg12 : memref<128x128xf32, #tpu.memory_space<vmem>>) offsets(%dma_start3A_58 : memref<128xi32, #tpu.memory_space<vmem>>) semaphore(%arg14 : memref<!tpu.dma_semaphore, #tpu.memory_space<semaphore_mem>>)
      %scan3A_62 = arith.constant 0 : i32
      %scan3A_63 = arith.constant 0 : i32
      %scan3A_64 = arith.constant 20 : i32
      %scan3A_65 = arith.addi %scan3A_63, %scan3A_64 : i32
      %scan3A_66 = arith.constant 1 : i32
      scf.for %scan3A_80 = %scan3A_63 to %scan3A_65 step %scan3A_66  : i32 {
        %mul3A_81 = arith.constant 2 : i32
        %mul3A_82 = arith.muli %scan3A_80, %mul3A_81 : i32
        %add3A = arith.constant 0 : i32
        %add3A_83 = arith.addi %mul3A_82, %add3A : i32
        %dma_wait3A_84 = arith.constant 0 : i32
        %dma_wait3A_85 = arith.constant 0 : i32
        %dma_wait3A_86 = tpu.memref_slice %arg4[%dma_wait3A_84, %dma_wait3A_85] : memref<10000x128xf32, #tpu.memory_space<hbm>> -> memref<128x128xf32, #tpu.memory_space<hbm>>
        %dma_wait3A_87 = arith.constant 0 : i32
        %dma_wait3A_88 = arith.constant 0 : i32
        %dma_wait3A_89 = tpu.memref_slice %arg4[%dma_wait3A_87, %dma_wait3A_88] : memref<10000x128xf32, #tpu.memory_space<hbm>> -> memref<128x128xf32, #tpu.memory_space<hbm>>
        tpu.wait_dma2 semaphore(%arg13 : memref<!tpu.dma_semaphore, #tpu.memory_space<semaphore_mem>>) src(%dma_wait3A_89 : memref<128x128xf32, #tpu.memory_space<hbm>>) dst(%arg11 : memref<128x128xf32, #tpu.memory_space<vmem>>)
        %dma_start3A_90 = arith.constant 0 : i32
        %dma_start3A_91 = tpu.memref_slice %arg10[%add3A_83, %dma_start3A_90] : memref<40x128xi32, #tpu.memory_space<vmem>> -> memref<1x128xi32, #tpu.memory_space<vmem>>
        %dma_start3A_92 = tpu.memref_squeeze %dma_start3A_91 : memref<1x128xi32, #tpu.memory_space<vmem>> -> memref<128xi32, #tpu.memory_space<vmem>>
        %dma_start3A_93 = arith.constant 0 : i32
        %dma_start3A_94 = arith.constant 0 : i32
        %dma_start3A_95 = tpu.memref_slice %arg17[%dma_start3A_93, %dma_start3A_94] : memref<10240x128xf32, #tpu.memory_space<vmem_shared>> -> memref<10240x128xf32, #tpu.memory_space<vmem_shared>>
        tpu.enqueue_indirect_dma source(%arg11 : memref<128x128xf32, #tpu.memory_space<vmem>>) target(%dma_start3A_95 : memref<10240x128xf32, #tpu.memory_space<vmem_shared>>) offsets(%dma_start3A_92 : memref<128xi32, #tpu.memory_space<vmem>>) semaphore(%arg15 : memref<!tpu.dma_semaphore, #tpu.memory_space<semaphore_mem>>) {add = true}
        %add3A_96 = arith.constant 2 : i32
        %add3A_97 = arith.addi %add3A_83, %add3A_96 : i32
        %lt3A = arith.constant 40 : i32
        %lt3A_98 = arith.cmpi slt, %add3A_97, %lt3A : i32
        %convert_element_type3A_99 = arith.extui %lt3A_98 : i1 to i32
        %cond3A_100 = arith.constant 0 : i32
        %cond3A_101 = arith.cmpi ne, %convert_element_type3A_99, %cond3A_100 : i32
        scf.if %cond3A_101 {
          %dma_wait3A_123 = arith.constant 0 : i32
          %dma_wait3A_124 = arith.constant 0 : i32
          %dma_wait3A_125 = tpu.memref_slice %arg17[%dma_wait3A_123, %dma_wait3A_124] : memref<10240x128xf32, #tpu.memory_space<vmem_shared>> -> memref<128x128xf32, #tpu.memory_space<vmem_shared>>
          %dma_wait3A_126 = arith.constant 0 : i32
          %dma_wait3A_127 = arith.constant 0 : i32
          %dma_wait3A_128 = tpu.memref_slice %arg17[%dma_wait3A_126, %dma_wait3A_127] : memref<10240x128xf32, #tpu.memory_space<vmem_shared>> -> memref<128x128xf32, #tpu.memory_space<vmem_shared>>
          tpu.wait_dma2 semaphore(%arg15 : memref<!tpu.dma_semaphore, #tpu.memory_space<semaphore_mem>>) src(%arg11 : memref<128x128xf32, #tpu.memory_space<vmem>>) dst(%dma_wait3A_128 : memref<128x128xf32, #tpu.memory_space<vmem_shared>>)
          %add3A_129 = arith.constant 2 : i32
          %add3A_130 = arith.addi %add3A_83, %add3A_129 : i32
          %dma_start3A_131 = arith.constant 0 : i32
          %dma_start3A_132 = tpu.memref_slice %arg9[%add3A_130, %dma_start3A_131] : memref<40x128xi32, #tpu.memory_space<vmem>> -> memref<1x128xi32, #tpu.memory_space<vmem>>
          %dma_start3A_133 = tpu.memref_squeeze %dma_start3A_132 : memref<1x128xi32, #tpu.memory_space<vmem>> -> memref<128xi32, #tpu.memory_space<vmem>>
          %dma_start3A_134 = arith.constant 0 : i32
          %dma_start3A_135 = arith.constant 0 : i32
          %dma_start3A_136 = tpu.memref_slice %arg4[%dma_start3A_134, %dma_start3A_135] : memref<10000x128xf32, #tpu.memory_space<hbm>> -> memref<10000x128xf32, #tpu.memory_space<hbm>>
          tpu.enqueue_indirect_dma source(%dma_start3A_136 : memref<10000x128xf32, #tpu.memory_space<hbm>>) target(%arg11 : memref<128x128xf32, #tpu.memory_space<vmem>>) offsets(%dma_start3A_133 : memref<128xi32, #tpu.memory_space<vmem>>) semaphore(%arg13 : memref<!tpu.dma_semaphore, #tpu.memory_space<semaphore_mem>>)
        } else {
        }
        %add3A_102 = arith.constant 1 : i32
        %add3A_103 = arith.addi %mul3A_82, %add3A_102 : i32
        %dma_wait3A_104 = arith.constant 0 : i32
        %dma_wait3A_105 = arith.constant 0 : i32
        %dma_wait3A_106 = tpu.memref_slice %arg4[%dma_wait3A_104, %dma_wait3A_105] : memref<10000x128xf32, #tpu.memory_space<hbm>> -> memref<128x128xf32, #tpu.memory_space<hbm>>
        %dma_wait3A_107 = arith.constant 0 : i32
        %dma_wait3A_108 = arith.constant 0 : i32
        %dma_wait3A_109 = tpu.memref_slice %arg4[%dma_wait3A_107, %dma_wait3A_108] : memref<10000x128xf32, #tpu.memory_space<hbm>> -> memref<128x128xf32, #tpu.memory_space<hbm>>
        tpu.wait_dma2 semaphore(%arg14 : memref<!tpu.dma_semaphore, #tpu.memory_space<semaphore_mem>>) src(%dma_wait3A_109 : memref<128x128xf32, #tpu.memory_space<hbm>>) dst(%arg12 : memref<128x128xf32, #tpu.memory_space<vmem>>)
        %dma_start3A_110 = arith.constant 0 : i32
        %dma_start3A_111 = tpu.memref_slice %arg10[%add3A_103, %dma_start3A_110] : memref<40x128xi32, #tpu.memory_space<vmem>> -> memref<1x128xi32, #tpu.memory_space<vmem>>
        %dma_start3A_112 = tpu.memref_squeeze %dma_start3A_111 : memref<1x128xi32, #tpu.memory_space<vmem>> -> memref<128xi32, #tpu.memory_space<vmem>>
        %dma_start3A_113 = arith.constant 0 : i32
        %dma_start3A_114 = arith.constant 0 : i32
        %dma_start3A_115 = tpu.memref_slice %arg17[%dma_start3A_113, %dma_start3A_114] : memref<10240x128xf32, #tpu.memory_space<vmem_shared>> -> memref<10240x128xf32, #tpu.memory_space<vmem_shared>>
        tpu.enqueue_indirect_dma source(%arg12 : memref<128x128xf32, #tpu.memory_space<vmem>>) target(%dma_start3A_115 : memref<10240x128xf32, #tpu.memory_space<vmem_shared>>) offsets(%dma_start3A_112 : memref<128xi32, #tpu.memory_space<vmem>>) semaphore(%arg16 : memref<!tpu.dma_semaphore, #tpu.memory_space<semaphore_mem>>) {add = true}
        %add3A_116 = arith.constant 2 : i32
        %add3A_117 = arith.addi %add3A_103, %add3A_116 : i32
        %lt3A_118 = arith.constant 40 : i32
        %lt3A_119 = arith.cmpi slt, %add3A_117, %lt3A_118 : i32
        %convert_element_type3A_120 = arith.extui %lt3A_119 : i1 to i32
        %cond3A_121 = arith.constant 0 : i32
        %cond3A_122 = arith.cmpi ne, %convert_element_type3A_120, %cond3A_121 : i32
        scf.if %cond3A_122 {
          %dma_wait3A_123 = arith.constant 0 : i32
          %dma_wait3A_124 = arith.constant 0 : i32
          %dma_wait3A_125 = tpu.memref_slice %arg17[%dma_wait3A_123, %dma_wait3A_124] : memref<10240x128xf32, #tpu.memory_space<vmem_shared>> -> memref<128x128xf32, #tpu.memory_space<vmem_shared>>
          %dma_wait3A_126 = arith.constant 0 : i32
          %dma_wait3A_127 = arith.constant 0 : i32
          %dma_wait3A_128 = tpu.memref_slice %arg17[%dma_wait3A_126, %dma_wait3A_127] : memref<10240x128xf32, #tpu.memory_space<vmem_shared>> -> memref<128x128xf32, #tpu.memory_space<vmem_shared>>
          tpu.wait_dma2 semaphore(%arg16 : memref<!tpu.dma_semaphore, #tpu.memory_space<semaphore_mem>>) src(%arg12 : memref<128x128xf32, #tpu.memory_space<vmem>>) dst(%dma_wait3A_128 : memref<128x128xf32, #tpu.memory_space<vmem_shared>>)
          %add3A_129 = arith.constant 2 : i32
          %add3A_130 = arith.addi %add3A_103, %add3A_129 : i32
          %dma_start3A_131 = arith.constant 0 : i32
          %dma_start3A_132 = tpu.memref_slice %arg9[%add3A_130, %dma_start3A_131] : memref<40x128xi32, #tpu.memory_space<vmem>> -> memref<1x128xi32, #tpu.memory_space<vmem>>
          %dma_start3A_133 = tpu.memref_squeeze %dma_start3A_132 : memref<1x128xi32, #tpu.memory_space<vmem>> -> memref<128xi32, #tpu.memory_space<vmem>>
          %dma_start3A_134 = arith.constant 0 : i32
          %dma_start3A_135 = arith.constant 0 : i32
          %dma_start3A_136 = tpu.memref_slice %arg4[%dma_start3A_134, %dma_start3A_135] : memref<10000x128xf32, #tpu.memory_space<hbm>> -> memref<10000x128xf32, #tpu.memory_space<hbm>>
          tpu.enqueue_indirect_dma source(%dma_start3A_136 : memref<10000x128xf32, #tpu.memory_space<hbm>>) target(%arg12 : memref<128x128xf32, #tpu.memory_space<vmem>>) offsets(%dma_start3A_133 : memref<128xi32, #tpu.memory_space<vmem>>) semaphore(%arg14 : memref<!tpu.dma_semaphore, #tpu.memory_space<semaphore_mem>>)
        } else {
        }
      }
      %scan3A_67 = arith.constant 20 : i32
      %dma_wait3A_68 = arith.constant 0 : i32
      %dma_wait3A_69 = arith.constant 0 : i32
      %dma_wait3A_70 = tpu.memref_slice %arg17[%dma_wait3A_68, %dma_wait3A_69] : memref<10240x128xf32, #tpu.memory_space<vmem_shared>> -> memref<128x128xf32, #tpu.memory_space<vmem_shared>>
      %dma_wait3A_71 = arith.constant 0 : i32
      %dma_wait3A_72 = arith.constant 0 : i32
      %dma_wait3A_73 = tpu.memref_slice %arg17[%dma_wait3A_71, %dma_wait3A_72] : memref<10240x128xf32, #tpu.memory_space<vmem_shared>> -> memref<128x128xf32, #tpu.memory_space<vmem_shared>>
      tpu.wait_dma2 semaphore(%arg15 : memref<!tpu.dma_semaphore, #tpu.memory_space<semaphore_mem>>) src(%arg11 : memref<128x128xf32, #tpu.memory_space<vmem>>) dst(%dma_wait3A_73 : memref<128x128xf32, #tpu.memory_space<vmem_shared>>)
      %dma_wait3A_74 = arith.constant 0 : i32
      %dma_wait3A_75 = arith.constant 0 : i32
      %dma_wait3A_76 = tpu.memref_slice %arg17[%dma_wait3A_74, %dma_wait3A_75] : memref<10240x128xf32, #tpu.memory_space<vmem_shared>> -> memref<128x128xf32, #tpu.memory_space<vmem_shared>>
      %dma_wait3A_77 = arith.constant 0 : i32
      %dma_wait3A_78 = arith.constant 0 : i32
      %dma_wait3A_79 = tpu.memref_slice %arg17[%dma_wait3A_77, %dma_wait3A_78] : memref<10240x128xf32, #tpu.memory_space<vmem_shared>> -> memref<128x128xf32, #tpu.memory_space<vmem_shared>>
      tpu.wait_dma2 semaphore(%arg16 : memref<!tpu.dma_semaphore, #tpu.memory_space<semaphore_mem>>) src(%arg12 : memref<128x128xf32, #tpu.memory_space<vmem>>) dst(%dma_wait3A_79 : memref<128x128xf32, #tpu.memory_space<vmem_shared>>)
    } else {
    }
    %eq3A_3 = arith.constant 1 : i32
    %eq3A_4 = arith.cmpi eq, %arg0, %eq3A_3 : i32
    %convert_element_type3A_5 = arith.extui %eq3A_4 : i1 to i32
    %cond3A_6 = arith.constant 0 : i32
    %cond3A_7 = arith.cmpi ne, %convert_element_type3A_5, %cond3A_6 : i32
    scf.if %cond3A_7 {
      "tpu.region"() ({
        %run_scoped3A = tpu.sem_alloc : memref<!tpu.dma_semaphore, #tpu.memory_space<semaphore_mem>>
        %dma_start3A_80 = arith.constant 0 : i32
        %dma_start3A_81 = arith.constant 0 : i32
        %dma_start3A_82 = tpu.memref_slice %arg2[%arg1, %dma_start3A_80, %dma_start3A_81] : memref<16x80x128xi32, #tpu.memory_space<hbm>> -> memref<1x80x128xi32, #tpu.memory_space<hbm>>
        %dma_start3A_83 = tpu.memref_squeeze %dma_start3A_82 : memref<1x80x128xi32, #tpu.memory_space<hbm>> -> memref<80x128xi32, #tpu.memory_space<hbm>>
        %dma_start3A_84 = arith.constant 0 : i32
        %dma_start3A_85 = arith.constant 0 : i32
        %dma_start3A_86 = tpu.memref_slice %dma_start3A_83[%dma_start3A_84, %dma_start3A_85] : memref<80x128xi32, #tpu.memory_space<hbm>> -> memref<40x128xi32, #tpu.memory_space<hbm>>
        %dma_start3A_87 = arith.constant 0 : i32
        %dma_start3A_88 = arith.constant 0 : i32
        %dma_start3A_89 = tpu.memref_slice %arg2[%arg1, %dma_start3A_87, %dma_start3A_88] : memref<16x80x128xi32, #tpu.memory_space<hbm>> -> memref<1x80x128xi32, #tpu.memory_space<hbm>>
        %dma_start3A_90 = tpu.memref_squeeze %dma_start3A_89 : memref<1x80x128xi32, #tpu.memory_space<hbm>> -> memref<80x128xi32, #tpu.memory_space<hbm>>
        %dma_start3A_91 = arith.constant 0 : i32
        %dma_start3A_92 = arith.constant 0 : i32
        %dma_start3A_93 = tpu.memref_slice %dma_start3A_90[%dma_start3A_91, %dma_start3A_92] : memref<80x128xi32, #tpu.memory_space<hbm>> -> memref<40x128xi32, #tpu.memory_space<hbm>>
        tpu.enqueue_dma source(%dma_start3A_93 : memref<40x128xi32, #tpu.memory_space<hbm>>) target(%arg9 : memref<40x128xi32, #tpu.memory_space<vmem>>) target_semaphore(%run_scoped3A : memref<!tpu.dma_semaphore, #tpu.memory_space<semaphore_mem>>)
        %dma_wait3A_94 = arith.constant 0 : i32
        %dma_wait3A_95 = arith.constant 0 : i32
        %dma_wait3A_96 = tpu.memref_slice %arg2[%arg1, %dma_wait3A_94, %dma_wait3A_95] : memref<16x80x128xi32, #tpu.memory_space<hbm>> -> memref<1x80x128xi32, #tpu.memory_space<hbm>>
        %dma_wait3A_97 = tpu.memref_squeeze %dma_wait3A_96 : memref<1x80x128xi32, #tpu.memory_space<hbm>> -> memref<80x128xi32, #tpu.memory_space<hbm>>
        %dma_wait3A_98 = arith.constant 0 : i32
        %dma_wait3A_99 = arith.constant 0 : i32
        %dma_wait3A_100 = tpu.memref_slice %dma_wait3A_97[%dma_wait3A_98, %dma_wait3A_99] : memref<80x128xi32, #tpu.memory_space<hbm>> -> memref<40x128xi32, #tpu.memory_space<hbm>>
        %dma_wait3A_101 = arith.constant 0 : i32
        %dma_wait3A_102 = arith.constant 0 : i32
        %dma_wait3A_103 = tpu.memref_slice %arg2[%arg1, %dma_wait3A_101, %dma_wait3A_102] : memref<16x80x128xi32, #tpu.memory_space<hbm>> -> memref<1x80x128xi32, #tpu.memory_space<hbm>>
        %dma_wait3A_104 = tpu.memref_squeeze %dma_wait3A_103 : memref<1x80x128xi32, #tpu.memory_space<hbm>> -> memref<80x128xi32, #tpu.memory_space<hbm>>
        %dma_wait3A_105 = arith.constant 0 : i32
        %dma_wait3A_106 = arith.constant 0 : i32
        %dma_wait3A_107 = tpu.memref_slice %dma_wait3A_104[%dma_wait3A_105, %dma_wait3A_106] : memref<80x128xi32, #tpu.memory_space<hbm>> -> memref<40x128xi32, #tpu.memory_space<hbm>>
        tpu.wait_dma2 semaphore(%run_scoped3A : memref<!tpu.dma_semaphore, #tpu.memory_space<semaphore_mem>>) src(%dma_wait3A_107 : memref<40x128xi32, #tpu.memory_space<hbm>>) dst(%arg9 : memref<40x128xi32, #tpu.memory_space<vmem>>)
        tpu.yield
      }) : () -> ()
      "tpu.region"() ({
        %run_scoped3A = tpu.sem_alloc : memref<!tpu.dma_semaphore, #tpu.memory_space<semaphore_mem>>
        %dma_start3A_80 = arith.constant 0 : i32
        %dma_start3A_81 = arith.constant 0 : i32
        %dma_start3A_82 = tpu.memref_slice %arg3[%arg1, %dma_start3A_80, %dma_start3A_81] : memref<16x80x128xi32, #tpu.memory_space<hbm>> -> memref<1x80x128xi32, #tpu.memory_space<hbm>>
        %dma_start3A_83 = tpu.memref_squeeze %dma_start3A_82 : memref<1x80x128xi32, #tpu.memory_space<hbm>> -> memref<80x128xi32, #tpu.memory_space<hbm>>
        %dma_start3A_84 = arith.constant 0 : i32
        %dma_start3A_85 = arith.constant 0 : i32
        %dma_start3A_86 = tpu.memref_slice %dma_start3A_83[%dma_start3A_84, %dma_start3A_85] : memref<80x128xi32, #tpu.memory_space<hbm>> -> memref<40x128xi32, #tpu.memory_space<hbm>>
        %dma_start3A_87 = arith.constant 0 : i32
        %dma_start3A_88 = arith.constant 0 : i32
        %dma_start3A_89 = tpu.memref_slice %arg3[%arg1, %dma_start3A_87, %dma_start3A_88] : memref<16x80x128xi32, #tpu.memory_space<hbm>> -> memref<1x80x128xi32, #tpu.memory_space<hbm>>
        %dma_start3A_90 = tpu.memref_squeeze %dma_start3A_89 : memref<1x80x128xi32, #tpu.memory_space<hbm>> -> memref<80x128xi32, #tpu.memory_space<hbm>>
        %dma_start3A_91 = arith.constant 0 : i32
        %dma_start3A_92 = arith.constant 0 : i32
        %dma_start3A_93 = tpu.memref_slice %dma_start3A_90[%dma_start3A_91, %dma_start3A_92] : memref<80x128xi32, #tpu.memory_space<hbm>> -> memref<40x128xi32, #tpu.memory_space<hbm>>
        tpu.enqueue_dma source(%dma_start3A_93 : memref<40x128xi32, #tpu.memory_space<hbm>>) target(%arg10 : memref<40x128xi32, #tpu.memory_space<vmem>>) target_semaphore(%run_scoped3A : memref<!tpu.dma_semaphore, #tpu.memory_space<semaphore_mem>>)
        %dma_wait3A_94 = arith.constant 0 : i32
        %dma_wait3A_95 = arith.constant 0 : i32
        %dma_wait3A_96 = tpu.memref_slice %arg3[%arg1, %dma_wait3A_94, %dma_wait3A_95] : memref<16x80x128xi32, #tpu.memory_space<hbm>> -> memref<1x80x128xi32, #tpu.memory_space<hbm>>
        %dma_wait3A_97 = tpu.memref_squeeze %dma_wait3A_96 : memref<1x80x128xi32, #tpu.memory_space<hbm>> -> memref<80x128xi32, #tpu.memory_space<hbm>>
        %dma_wait3A_98 = arith.constant 0 : i32
        %dma_wait3A_99 = arith.constant 0 : i32
        %dma_wait3A_100 = tpu.memref_slice %dma_wait3A_97[%dma_wait3A_98, %dma_wait3A_99] : memref<80x128xi32, #tpu.memory_space<hbm>> -> memref<40x128xi32, #tpu.memory_space<hbm>>
        %dma_wait3A_101 = arith.constant 0 : i32
        %dma_wait3A_102 = arith.constant 0 : i32
        %dma_wait3A_103 = tpu.memref_slice %arg3[%arg1, %dma_wait3A_101, %dma_wait3A_102] : memref<16x80x128xi32, #tpu.memory_space<hbm>> -> memref<1x80x128xi32, #tpu.memory_space<hbm>>
        %dma_wait3A_104 = tpu.memref_squeeze %dma_wait3A_103 : memref<1x80x128xi32, #tpu.memory_space<hbm>> -> memref<80x128xi32, #tpu.memory_space<hbm>>
        %dma_wait3A_105 = arith.constant 0 : i32
        %dma_wait3A_106 = arith.constant 0 : i32
        %dma_wait3A_107 = tpu.memref_slice %dma_wait3A_104[%dma_wait3A_105, %dma_wait3A_106] : memref<80x128xi32, #tpu.memory_space<hbm>> -> memref<40x128xi32, #tpu.memory_space<hbm>>
        tpu.wait_dma2 semaphore(%run_scoped3A : memref<!tpu.dma_semaphore, #tpu.memory_space<semaphore_mem>>) src(%dma_wait3A_107 : memref<40x128xi32, #tpu.memory_space<hbm>>) dst(%arg10 : memref<40x128xi32, #tpu.memory_space<vmem>>)
        tpu.yield
      }) : () -> ()
      %dma_start3A = arith.constant 0 : i32
      %dma_start3A_19 = arith.constant 0 : i32
      %dma_start3A_20 = tpu.memref_slice %arg9[%dma_start3A, %dma_start3A_19] : memref<40x128xi32, #tpu.memory_space<vmem>> -> memref<1x128xi32, #tpu.memory_space<vmem>>
      %dma_start3A_21 = tpu.memref_squeeze %dma_start3A_20 : memref<1x128xi32, #tpu.memory_space<vmem>> -> memref<128xi32, #tpu.memory_space<vmem>>
      %dma_start3A_22 = arith.constant 0 : i32
      %dma_start3A_23 = arith.constant 0 : i32
      %dma_start3A_24 = tpu.memref_slice %arg5[%dma_start3A_22, %dma_start3A_23] : memref<10000x128xf32, #tpu.memory_space<hbm>> -> memref<10000x128xf32, #tpu.memory_space<hbm>>
      tpu.enqueue_indirect_dma source(%dma_start3A_24 : memref<10000x128xf32, #tpu.memory_space<hbm>>) target(%arg11 : memref<128x128xf32, #tpu.memory_space<vmem>>) offsets(%dma_start3A_21 : memref<128xi32, #tpu.memory_space<vmem>>) semaphore(%arg13 : memref<!tpu.dma_semaphore, #tpu.memory_space<semaphore_mem>>)
      %dma_start3A_25 = arith.constant 1 : i32
      %dma_start3A_26 = arith.constant 0 : i32
      %dma_start3A_27 = tpu.memref_slice %arg9[%dma_start3A_25, %dma_start3A_26] : memref<40x128xi32, #tpu.memory_space<vmem>> -> memref<1x128xi32, #tpu.memory_space<vmem>>
      %dma_start3A_28 = tpu.memref_squeeze %dma_start3A_27 : memref<1x128xi32, #tpu.memory_space<vmem>> -> memref<128xi32, #tpu.memory_space<vmem>>
      %dma_start3A_29 = arith.constant 0 : i32
      %dma_start3A_30 = arith.constant 0 : i32
      %dma_start3A_31 = tpu.memref_slice %arg5[%dma_start3A_29, %dma_start3A_30] : memref<10000x128xf32, #tpu.memory_space<hbm>> -> memref<10000x128xf32, #tpu.memory_space<hbm>>
      tpu.enqueue_indirect_dma source(%dma_start3A_31 : memref<10000x128xf32, #tpu.memory_space<hbm>>) target(%arg12 : memref<128x128xf32, #tpu.memory_space<vmem>>) offsets(%dma_start3A_28 : memref<128xi32, #tpu.memory_space<vmem>>) semaphore(%arg14 : memref<!tpu.dma_semaphore, #tpu.memory_space<semaphore_mem>>)
      %scan3A = arith.constant 0 : i32
      %scan3A_32 = arith.constant 0 : i32
      %scan3A_33 = arith.constant 20 : i32
      %scan3A_34 = arith.addi %scan3A_32, %scan3A_33 : i32
      %scan3A_35 = arith.constant 1 : i32
      scf.for %scan3A_80 = %scan3A_32 to %scan3A_34 step %scan3A_35  : i32 {
        %mul3A_81 = arith.constant 2 : i32
        %mul3A_82 = arith.muli %scan3A_80, %mul3A_81 : i32
        %add3A = arith.constant 0 : i32
        %add3A_83 = arith.addi %mul3A_82, %add3A : i32
        %dma_wait3A_84 = arith.constant 0 : i32
        %dma_wait3A_85 = arith.constant 0 : i32
        %dma_wait3A_86 = tpu.memref_slice %arg5[%dma_wait3A_84, %dma_wait3A_85] : memref<10000x128xf32, #tpu.memory_space<hbm>> -> memref<128x128xf32, #tpu.memory_space<hbm>>
        %dma_wait3A_87 = arith.constant 0 : i32
        %dma_wait3A_88 = arith.constant 0 : i32
        %dma_wait3A_89 = tpu.memref_slice %arg5[%dma_wait3A_87, %dma_wait3A_88] : memref<10000x128xf32, #tpu.memory_space<hbm>> -> memref<128x128xf32, #tpu.memory_space<hbm>>
        tpu.wait_dma2 semaphore(%arg13 : memref<!tpu.dma_semaphore, #tpu.memory_space<semaphore_mem>>) src(%dma_wait3A_89 : memref<128x128xf32, #tpu.memory_space<hbm>>) dst(%arg11 : memref<128x128xf32, #tpu.memory_space<vmem>>)
        %dma_start3A_90 = arith.constant 0 : i32
        %dma_start3A_91 = tpu.memref_slice %arg10[%add3A_83, %dma_start3A_90] : memref<40x128xi32, #tpu.memory_space<vmem>> -> memref<1x128xi32, #tpu.memory_space<vmem>>
        %dma_start3A_92 = tpu.memref_squeeze %dma_start3A_91 : memref<1x128xi32, #tpu.memory_space<vmem>> -> memref<128xi32, #tpu.memory_space<vmem>>
        %dma_start3A_93 = arith.constant 0 : i32
        %dma_start3A_94 = arith.constant 0 : i32
        %dma_start3A_95 = tpu.memref_slice %arg17[%dma_start3A_93, %dma_start3A_94] : memref<10240x128xf32, #tpu.memory_space<vmem_shared>> -> memref<10240x128xf32, #tpu.memory_space<vmem_shared>>
        tpu.enqueue_indirect_dma source(%arg11 : memref<128x128xf32, #tpu.memory_space<vmem>>) target(%dma_start3A_95 : memref<10240x128xf32, #tpu.memory_space<vmem_shared>>) offsets(%dma_start3A_92 : memref<128xi32, #tpu.memory_space<vmem>>) semaphore(%arg15 : memref<!tpu.dma_semaphore, #tpu.memory_space<semaphore_mem>>) {add = true}
        %add3A_96 = arith.constant 2 : i32
        %add3A_97 = arith.addi %add3A_83, %add3A_96 : i32
        %lt3A = arith.constant 40 : i32
        %lt3A_98 = arith.cmpi slt, %add3A_97, %lt3A : i32
        %convert_element_type3A_99 = arith.extui %lt3A_98 : i1 to i32
        %cond3A_100 = arith.constant 0 : i32
        %cond3A_101 = arith.cmpi ne, %convert_element_type3A_99, %cond3A_100 : i32
        scf.if %cond3A_101 {
          %dma_wait3A_123 = arith.constant 0 : i32
          %dma_wait3A_124 = arith.constant 0 : i32
          %dma_wait3A_125 = tpu.memref_slice %arg17[%dma_wait3A_123, %dma_wait3A_124] : memref<10240x128xf32, #tpu.memory_space<vmem_shared>> -> memref<128x128xf32, #tpu.memory_space<vmem_shared>>
          %dma_wait3A_126 = arith.constant 0 : i32
          %dma_wait3A_127 = arith.constant 0 : i32
          %dma_wait3A_128 = tpu.memref_slice %arg17[%dma_wait3A_126, %dma_wait3A_127] : memref<10240x128xf32, #tpu.memory_space<vmem_shared>> -> memref<128x128xf32, #tpu.memory_space<vmem_shared>>
          tpu.wait_dma2 semaphore(%arg15 : memref<!tpu.dma_semaphore, #tpu.memory_space<semaphore_mem>>) src(%arg11 : memref<128x128xf32, #tpu.memory_space<vmem>>) dst(%dma_wait3A_128 : memref<128x128xf32, #tpu.memory_space<vmem_shared>>)
          %add3A_129 = arith.constant 2 : i32
          %add3A_130 = arith.addi %add3A_83, %add3A_129 : i32
          %dma_start3A_131 = arith.constant 0 : i32
          %dma_start3A_132 = tpu.memref_slice %arg9[%add3A_130, %dma_start3A_131] : memref<40x128xi32, #tpu.memory_space<vmem>> -> memref<1x128xi32, #tpu.memory_space<vmem>>
          %dma_start3A_133 = tpu.memref_squeeze %dma_start3A_132 : memref<1x128xi32, #tpu.memory_space<vmem>> -> memref<128xi32, #tpu.memory_space<vmem>>
          %dma_start3A_134 = arith.constant 0 : i32
          %dma_start3A_135 = arith.constant 0 : i32
          %dma_start3A_136 = tpu.memref_slice %arg5[%dma_start3A_134, %dma_start3A_135] : memref<10000x128xf32, #tpu.memory_space<hbm>> -> memref<10000x128xf32, #tpu.memory_space<hbm>>
          tpu.enqueue_indirect_dma source(%dma_start3A_136 : memref<10000x128xf32, #tpu.memory_space<hbm>>) target(%arg11 : memref<128x128xf32, #tpu.memory_space<vmem>>) offsets(%dma_start3A_133 : memref<128xi32, #tpu.memory_space<vmem>>) semaphore(%arg13 : memref<!tpu.dma_semaphore, #tpu.memory_space<semaphore_mem>>)
        } else {
        }
        %add3A_102 = arith.constant 1 : i32
        %add3A_103 = arith.addi %mul3A_82, %add3A_102 : i32
        %dma_wait3A_104 = arith.constant 0 : i32
        %dma_wait3A_105 = arith.constant 0 : i32
        %dma_wait3A_106 = tpu.memref_slice %arg5[%dma_wait3A_104, %dma_wait3A_105] : memref<10000x128xf32, #tpu.memory_space<hbm>> -> memref<128x128xf32, #tpu.memory_space<hbm>>
        %dma_wait3A_107 = arith.constant 0 : i32
        %dma_wait3A_108 = arith.constant 0 : i32
        %dma_wait3A_109 = tpu.memref_slice %arg5[%dma_wait3A_107, %dma_wait3A_108] : memref<10000x128xf32, #tpu.memory_space<hbm>> -> memref<128x128xf32, #tpu.memory_space<hbm>>
        tpu.wait_dma2 semaphore(%arg14 : memref<!tpu.dma_semaphore, #tpu.memory_space<semaphore_mem>>) src(%dma_wait3A_109 : memref<128x128xf32, #tpu.memory_space<hbm>>) dst(%arg12 : memref<128x128xf32, #tpu.memory_space<vmem>>)
        %dma_start3A_110 = arith.constant 0 : i32
        %dma_start3A_111 = tpu.memref_slice %arg10[%add3A_103, %dma_start3A_110] : memref<40x128xi32, #tpu.memory_space<vmem>> -> memref<1x128xi32, #tpu.memory_space<vmem>>
        %dma_start3A_112 = tpu.memref_squeeze %dma_start3A_111 : memref<1x128xi32, #tpu.memory_space<vmem>> -> memref<128xi32, #tpu.memory_space<vmem>>
        %dma_start3A_113 = arith.constant 0 : i32
        %dma_start3A_114 = arith.constant 0 : i32
        %dma_start3A_115 = tpu.memref_slice %arg17[%dma_start3A_113, %dma_start3A_114] : memref<10240x128xf32, #tpu.memory_space<vmem_shared>> -> memref<10240x128xf32, #tpu.memory_space<vmem_shared>>
        tpu.enqueue_indirect_dma source(%arg12 : memref<128x128xf32, #tpu.memory_space<vmem>>) target(%dma_start3A_115 : memref<10240x128xf32, #tpu.memory_space<vmem_shared>>) offsets(%dma_start3A_112 : memref<128xi32, #tpu.memory_space<vmem>>) semaphore(%arg16 : memref<!tpu.dma_semaphore, #tpu.memory_space<semaphore_mem>>) {add = true}
        %add3A_116 = arith.constant 2 : i32
        %add3A_117 = arith.addi %add3A_103, %add3A_116 : i32
        %lt3A_118 = arith.constant 40 : i32
        %lt3A_119 = arith.cmpi slt, %add3A_117, %lt3A_118 : i32
        %convert_element_type3A_120 = arith.extui %lt3A_119 : i1 to i32
        %cond3A_121 = arith.constant 0 : i32
        %cond3A_122 = arith.cmpi ne, %convert_element_type3A_120, %cond3A_121 : i32
        scf.if %cond3A_122 {
          %dma_wait3A_123 = arith.constant 0 : i32
          %dma_wait3A_124 = arith.constant 0 : i32
          %dma_wait3A_125 = tpu.memref_slice %arg17[%dma_wait3A_123, %dma_wait3A_124] : memref<10240x128xf32, #tpu.memory_space<vmem_shared>> -> memref<128x128xf32, #tpu.memory_space<vmem_shared>>
          %dma_wait3A_126 = arith.constant 0 : i32
          %dma_wait3A_127 = arith.constant 0 : i32
          %dma_wait3A_128 = tpu.memref_slice %arg17[%dma_wait3A_126, %dma_wait3A_127] : memref<10240x128xf32, #tpu.memory_space<vmem_shared>> -> memref<128x128xf32, #tpu.memory_space<vmem_shared>>
          tpu.wait_dma2 semaphore(%arg16 : memref<!tpu.dma_semaphore, #tpu.memory_space<semaphore_mem>>) src(%arg12 : memref<128x128xf32, #tpu.memory_space<vmem>>) dst(%dma_wait3A_128 : memref<128x128xf32, #tpu.memory_space<vmem_shared>>)
          %add3A_129 = arith.constant 2 : i32
          %add3A_130 = arith.addi %add3A_103, %add3A_129 : i32
          %dma_start3A_131 = arith.constant 0 : i32
          %dma_start3A_132 = tpu.memref_slice %arg9[%add3A_130, %dma_start3A_131] : memref<40x128xi32, #tpu.memory_space<vmem>> -> memref<1x128xi32, #tpu.memory_space<vmem>>
          %dma_start3A_133 = tpu.memref_squeeze %dma_start3A_132 : memref<1x128xi32, #tpu.memory_space<vmem>> -> memref<128xi32, #tpu.memory_space<vmem>>
          %dma_start3A_134 = arith.constant 0 : i32
          %dma_start3A_135 = arith.constant 0 : i32
          %dma_start3A_136 = tpu.memref_slice %arg5[%dma_start3A_134, %dma_start3A_135] : memref<10000x128xf32, #tpu.memory_space<hbm>> -> memref<10000x128xf32, #tpu.memory_space<hbm>>
          tpu.enqueue_indirect_dma source(%dma_start3A_136 : memref<10000x128xf32, #tpu.memory_space<hbm>>) target(%arg12 : memref<128x128xf32, #tpu.memory_space<vmem>>) offsets(%dma_start3A_133 : memref<128xi32, #tpu.memory_space<vmem>>) semaphore(%arg14 : memref<!tpu.dma_semaphore, #tpu.memory_space<semaphore_mem>>)
        } else {
        }
      }
      %scan3A_36 = arith.constant 20 : i32
      %dma_wait3A = arith.constant 0 : i32
      %dma_wait3A_37 = arith.constant 0 : i32
      %dma_wait3A_38 = tpu.memref_slice %arg17[%dma_wait3A, %dma_wait3A_37] : memref<10240x128xf32, #tpu.memory_space<vmem_shared>> -> memref<128x128xf32, #tpu.memory_space<vmem_shared>>
      %dma_wait3A_39 = arith.constant 0 : i32
      %dma_wait3A_40 = arith.constant 0 : i32
      %dma_wait3A_41 = tpu.memref_slice %arg17[%dma_wait3A_39, %dma_wait3A_40] : memref<10240x128xf32, #tpu.memory_space<vmem_shared>> -> memref<128x128xf32, #tpu.memory_space<vmem_shared>>
      tpu.wait_dma2 semaphore(%arg15 : memref<!tpu.dma_semaphore, #tpu.memory_space<semaphore_mem>>) src(%arg11 : memref<128x128xf32, #tpu.memory_space<vmem>>) dst(%dma_wait3A_41 : memref<128x128xf32, #tpu.memory_space<vmem_shared>>)
      %dma_wait3A_42 = arith.constant 0 : i32
      %dma_wait3A_43 = arith.constant 0 : i32
      %dma_wait3A_44 = tpu.memref_slice %arg17[%dma_wait3A_42, %dma_wait3A_43] : memref<10240x128xf32, #tpu.memory_space<vmem_shared>> -> memref<128x128xf32, #tpu.memory_space<vmem_shared>>
      %dma_wait3A_45 = arith.constant 0 : i32
      %dma_wait3A_46 = arith.constant 0 : i32
      %dma_wait3A_47 = tpu.memref_slice %arg17[%dma_wait3A_45, %dma_wait3A_46] : memref<10240x128xf32, #tpu.memory_space<vmem_shared>> -> memref<128x128xf32, #tpu.memory_space<vmem_shared>>
      tpu.wait_dma2 semaphore(%arg16 : memref<!tpu.dma_semaphore, #tpu.memory_space<semaphore_mem>>) src(%arg12 : memref<128x128xf32, #tpu.memory_space<vmem>>) dst(%dma_wait3A_47 : memref<128x128xf32, #tpu.memory_space<vmem_shared>>)
      "tpu.region"() ({
        %run_scoped3A = tpu.sem_alloc : memref<!tpu.dma_semaphore, #tpu.memory_space<semaphore_mem>>
        %dma_start3A_80 = arith.constant 0 : i32
        %dma_start3A_81 = arith.constant 0 : i32
        %dma_start3A_82 = tpu.memref_slice %arg2[%arg1, %dma_start3A_80, %dma_start3A_81] : memref<16x80x128xi32, #tpu.memory_space<hbm>> -> memref<1x80x128xi32, #tpu.memory_space<hbm>>
        %dma_start3A_83 = tpu.memref_squeeze %dma_start3A_82 : memref<1x80x128xi32, #tpu.memory_space<hbm>> -> memref<80x128xi32, #tpu.memory_space<hbm>>
        %dma_start3A_84 = arith.constant 40 : i32
        %dma_start3A_85 = arith.constant 0 : i32
        %dma_start3A_86 = tpu.memref_slice %dma_start3A_83[%dma_start3A_84, %dma_start3A_85] : memref<80x128xi32, #tpu.memory_space<hbm>> -> memref<40x128xi32, #tpu.memory_space<hbm>>
        %dma_start3A_87 = arith.constant 0 : i32
        %dma_start3A_88 = arith.constant 0 : i32
        %dma_start3A_89 = tpu.memref_slice %arg2[%arg1, %dma_start3A_87, %dma_start3A_88] : memref<16x80x128xi32, #tpu.memory_space<hbm>> -> memref<1x80x128xi32, #tpu.memory_space<hbm>>
        %dma_start3A_90 = tpu.memref_squeeze %dma_start3A_89 : memref<1x80x128xi32, #tpu.memory_space<hbm>> -> memref<80x128xi32, #tpu.memory_space<hbm>>
        %dma_start3A_91 = arith.constant 40 : i32
        %dma_start3A_92 = arith.constant 0 : i32
        %dma_start3A_93 = tpu.memref_slice %dma_start3A_90[%dma_start3A_91, %dma_start3A_92] : memref<80x128xi32, #tpu.memory_space<hbm>> -> memref<40x128xi32, #tpu.memory_space<hbm>>
        tpu.enqueue_dma source(%dma_start3A_93 : memref<40x128xi32, #tpu.memory_space<hbm>>) target(%arg9 : memref<40x128xi32, #tpu.memory_space<vmem>>) target_semaphore(%run_scoped3A : memref<!tpu.dma_semaphore, #tpu.memory_space<semaphore_mem>>)
        %dma_wait3A_94 = arith.constant 0 : i32
        %dma_wait3A_95 = arith.constant 0 : i32
        %dma_wait3A_96 = tpu.memref_slice %arg2[%arg1, %dma_wait3A_94, %dma_wait3A_95] : memref<16x80x128xi32, #tpu.memory_space<hbm>> -> memref<1x80x128xi32, #tpu.memory_space<hbm>>
        %dma_wait3A_97 = tpu.memref_squeeze %dma_wait3A_96 : memref<1x80x128xi32, #tpu.memory_space<hbm>> -> memref<80x128xi32, #tpu.memory_space<hbm>>
        %dma_wait3A_98 = arith.constant 40 : i32
        %dma_wait3A_99 = arith.constant 0 : i32
        %dma_wait3A_100 = tpu.memref_slice %dma_wait3A_97[%dma_wait3A_98, %dma_wait3A_99] : memref<80x128xi32, #tpu.memory_space<hbm>> -> memref<40x128xi32, #tpu.memory_space<hbm>>
        %dma_wait3A_101 = arith.constant 0 : i32
        %dma_wait3A_102 = arith.constant 0 : i32
        %dma_wait3A_103 = tpu.memref_slice %arg2[%arg1, %dma_wait3A_101, %dma_wait3A_102] : memref<16x80x128xi32, #tpu.memory_space<hbm>> -> memref<1x80x128xi32, #tpu.memory_space<hbm>>
        %dma_wait3A_104 = tpu.memref_squeeze %dma_wait3A_103 : memref<1x80x128xi32, #tpu.memory_space<hbm>> -> memref<80x128xi32, #tpu.memory_space<hbm>>
        %dma_wait3A_105 = arith.constant 40 : i32
        %dma_wait3A_106 = arith.constant 0 : i32
        %dma_wait3A_107 = tpu.memref_slice %dma_wait3A_104[%dma_wait3A_105, %dma_wait3A_106] : memref<80x128xi32, #tpu.memory_space<hbm>> -> memref<40x128xi32, #tpu.memory_space<hbm>>
        tpu.wait_dma2 semaphore(%run_scoped3A : memref<!tpu.dma_semaphore, #tpu.memory_space<semaphore_mem>>) src(%dma_wait3A_107 : memref<40x128xi32, #tpu.memory_space<hbm>>) dst(%arg9 : memref<40x128xi32, #tpu.memory_space<vmem>>)
        tpu.yield
      }) : () -> ()
      "tpu.region"() ({
        %run_scoped3A = tpu.sem_alloc : memref<!tpu.dma_semaphore, #tpu.memory_space<semaphore_mem>>
        %dma_start3A_80 = arith.constant 0 : i32
        %dma_start3A_81 = arith.constant 0 : i32
        %dma_start3A_82 = tpu.memref_slice %arg3[%arg1, %dma_start3A_80, %dma_start3A_81] : memref<16x80x128xi32, #tpu.memory_space<hbm>> -> memref<1x80x128xi32, #tpu.memory_space<hbm>>
        %dma_start3A_83 = tpu.memref_squeeze %dma_start3A_82 : memref<1x80x128xi32, #tpu.memory_space<hbm>> -> memref<80x128xi32, #tpu.memory_space<hbm>>
        %dma_start3A_84 = arith.constant 40 : i32
        %dma_start3A_85 = arith.constant 0 : i32
        %dma_start3A_86 = tpu.memref_slice %dma_start3A_83[%dma_start3A_84, %dma_start3A_85] : memref<80x128xi32, #tpu.memory_space<hbm>> -> memref<40x128xi32, #tpu.memory_space<hbm>>
        %dma_start3A_87 = arith.constant 0 : i32
        %dma_start3A_88 = arith.constant 0 : i32
        %dma_start3A_89 = tpu.memref_slice %arg3[%arg1, %dma_start3A_87, %dma_start3A_88] : memref<16x80x128xi32, #tpu.memory_space<hbm>> -> memref<1x80x128xi32, #tpu.memory_space<hbm>>
        %dma_start3A_90 = tpu.memref_squeeze %dma_start3A_89 : memref<1x80x128xi32, #tpu.memory_space<hbm>> -> memref<80x128xi32, #tpu.memory_space<hbm>>
        %dma_start3A_91 = arith.constant 40 : i32
        %dma_start3A_92 = arith.constant 0 : i32
        %dma_start3A_93 = tpu.memref_slice %dma_start3A_90[%dma_start3A_91, %dma_start3A_92] : memref<80x128xi32, #tpu.memory_space<hbm>> -> memref<40x128xi32, #tpu.memory_space<hbm>>
        tpu.enqueue_dma source(%dma_start3A_93 : memref<40x128xi32, #tpu.memory_space<hbm>>) target(%arg10 : memref<40x128xi32, #tpu.memory_space<vmem>>) target_semaphore(%run_scoped3A : memref<!tpu.dma_semaphore, #tpu.memory_space<semaphore_mem>>)
        %dma_wait3A_94 = arith.constant 0 : i32
        %dma_wait3A_95 = arith.constant 0 : i32
        %dma_wait3A_96 = tpu.memref_slice %arg3[%arg1, %dma_wait3A_94, %dma_wait3A_95] : memref<16x80x128xi32, #tpu.memory_space<hbm>> -> memref<1x80x128xi32, #tpu.memory_space<hbm>>
        %dma_wait3A_97 = tpu.memref_squeeze %dma_wait3A_96 : memref<1x80x128xi32, #tpu.memory_space<hbm>> -> memref<80x128xi32, #tpu.memory_space<hbm>>
        %dma_wait3A_98 = arith.constant 40 : i32
        %dma_wait3A_99 = arith.constant 0 : i32
        %dma_wait3A_100 = tpu.memref_slice %dma_wait3A_97[%dma_wait3A_98, %dma_wait3A_99] : memref<80x128xi32, #tpu.memory_space<hbm>> -> memref<40x128xi32, #tpu.memory_space<hbm>>
        %dma_wait3A_101 = arith.constant 0 : i32
        %dma_wait3A_102 = arith.constant 0 : i32
        %dma_wait3A_103 = tpu.memref_slice %arg3[%arg1, %dma_wait3A_101, %dma_wait3A_102] : memref<16x80x128xi32, #tpu.memory_space<hbm>> -> memref<1x80x128xi32, #tpu.memory_space<hbm>>
        %dma_wait3A_104 = tpu.memref_squeeze %dma_wait3A_103 : memref<1x80x128xi32, #tpu.memory_space<hbm>> -> memref<80x128xi32, #tpu.memory_space<hbm>>
        %dma_wait3A_105 = arith.constant 40 : i32
        %dma_wait3A_106 = arith.constant 0 : i32
        %dma_wait3A_107 = tpu.memref_slice %dma_wait3A_104[%dma_wait3A_105, %dma_wait3A_106] : memref<80x128xi32, #tpu.memory_space<hbm>> -> memref<40x128xi32, #tpu.memory_space<hbm>>
        tpu.wait_dma2 semaphore(%run_scoped3A : memref<!tpu.dma_semaphore, #tpu.memory_space<semaphore_mem>>) src(%dma_wait3A_107 : memref<40x128xi32, #tpu.memory_space<hbm>>) dst(%arg10 : memref<40x128xi32, #tpu.memory_space<vmem>>)
        tpu.yield
      }) : () -> ()
      %dma_start3A_48 = arith.constant 0 : i32
      %dma_start3A_49 = arith.constant 0 : i32
      %dma_start3A_50 = tpu.memref_slice %arg9[%dma_start3A_48, %dma_start3A_49] : memref<40x128xi32, #tpu.memory_space<vmem>> -> memref<1x128xi32, #tpu.memory_space<vmem>>
      %dma_start3A_51 = tpu.memref_squeeze %dma_start3A_50 : memref<1x128xi32, #tpu.memory_space<vmem>> -> memref<128xi32, #tpu.memory_space<vmem>>
      %dma_start3A_52 = arith.constant 0 : i32
      %dma_start3A_53 = arith.constant 0 : i32
      %dma_start3A_54 = tpu.memref_slice %arg5[%dma_start3A_52, %dma_start3A_53] : memref<10000x128xf32, #tpu.memory_space<hbm>> -> memref<10000x128xf32, #tpu.memory_space<hbm>>
      tpu.enqueue_indirect_dma source(%dma_start3A_54 : memref<10000x128xf32, #tpu.memory_space<hbm>>) target(%arg11 : memref<128x128xf32, #tpu.memory_space<vmem>>) offsets(%dma_start3A_51 : memref<128xi32, #tpu.memory_space<vmem>>) semaphore(%arg13 : memref<!tpu.dma_semaphore, #tpu.memory_space<semaphore_mem>>)
      %dma_start3A_55 = arith.constant 1 : i32
      %dma_start3A_56 = arith.constant 0 : i32
      %dma_start3A_57 = tpu.memref_slice %arg9[%dma_start3A_55, %dma_start3A_56] : memref<40x128xi32, #tpu.memory_space<vmem>> -> memref<1x128xi32, #tpu.memory_space<vmem>>
      %dma_start3A_58 = tpu.memref_squeeze %dma_start3A_57 : memref<1x128xi32, #tpu.memory_space<vmem>> -> memref<128xi32, #tpu.memory_space<vmem>>
      %dma_start3A_59 = arith.constant 0 : i32
      %dma_start3A_60 = arith.constant 0 : i32
      %dma_start3A_61 = tpu.memref_slice %arg5[%dma_start3A_59, %dma_start3A_60] : memref<10000x128xf32, #tpu.memory_space<hbm>> -> memref<10000x128xf32, #tpu.memory_space<hbm>>
      tpu.enqueue_indirect_dma source(%dma_start3A_61 : memref<10000x128xf32, #tpu.memory_space<hbm>>) target(%arg12 : memref<128x128xf32, #tpu.memory_space<vmem>>) offsets(%dma_start3A_58 : memref<128xi32, #tpu.memory_space<vmem>>) semaphore(%arg14 : memref<!tpu.dma_semaphore, #tpu.memory_space<semaphore_mem>>)
      %scan3A_62 = arith.constant 0 : i32
      %scan3A_63 = arith.constant 0 : i32
      %scan3A_64 = arith.constant 20 : i32
      %scan3A_65 = arith.addi %scan3A_63, %scan3A_64 : i32
      %scan3A_66 = arith.constant 1 : i32
      scf.for %scan3A_80 = %scan3A_63 to %scan3A_65 step %scan3A_66  : i32 {
        %mul3A_81 = arith.constant 2 : i32
        %mul3A_82 = arith.muli %scan3A_80, %mul3A_81 : i32
        %add3A = arith.constant 0 : i32
        %add3A_83 = arith.addi %mul3A_82, %add3A : i32
        %dma_wait3A_84 = arith.constant 0 : i32
        %dma_wait3A_85 = arith.constant 0 : i32
        %dma_wait3A_86 = tpu.memref_slice %arg5[%dma_wait3A_84, %dma_wait3A_85] : memref<10000x128xf32, #tpu.memory_space<hbm>> -> memref<128x128xf32, #tpu.memory_space<hbm>>
        %dma_wait3A_87 = arith.constant 0 : i32
        %dma_wait3A_88 = arith.constant 0 : i32
        %dma_wait3A_89 = tpu.memref_slice %arg5[%dma_wait3A_87, %dma_wait3A_88] : memref<10000x128xf32, #tpu.memory_space<hbm>> -> memref<128x128xf32, #tpu.memory_space<hbm>>
        tpu.wait_dma2 semaphore(%arg13 : memref<!tpu.dma_semaphore, #tpu.memory_space<semaphore_mem>>) src(%dma_wait3A_89 : memref<128x128xf32, #tpu.memory_space<hbm>>) dst(%arg11 : memref<128x128xf32, #tpu.memory_space<vmem>>)
        %dma_start3A_90 = arith.constant 0 : i32
        %dma_start3A_91 = tpu.memref_slice %arg10[%add3A_83, %dma_start3A_90] : memref<40x128xi32, #tpu.memory_space<vmem>> -> memref<1x128xi32, #tpu.memory_space<vmem>>
        %dma_start3A_92 = tpu.memref_squeeze %dma_start3A_91 : memref<1x128xi32, #tpu.memory_space<vmem>> -> memref<128xi32, #tpu.memory_space<vmem>>
        %dma_start3A_93 = arith.constant 0 : i32
        %dma_start3A_94 = arith.constant 0 : i32
        %dma_start3A_95 = tpu.memref_slice %arg17[%dma_start3A_93, %dma_start3A_94] : memref<10240x128xf32, #tpu.memory_space<vmem_shared>> -> memref<10240x128xf32, #tpu.memory_space<vmem_shared>>
        tpu.enqueue_indirect_dma source(%arg11 : memref<128x128xf32, #tpu.memory_space<vmem>>) target(%dma_start3A_95 : memref<10240x128xf32, #tpu.memory_space<vmem_shared>>) offsets(%dma_start3A_92 : memref<128xi32, #tpu.memory_space<vmem>>) semaphore(%arg15 : memref<!tpu.dma_semaphore, #tpu.memory_space<semaphore_mem>>) {add = true}
        %add3A_96 = arith.constant 2 : i32
        %add3A_97 = arith.addi %add3A_83, %add3A_96 : i32
        %lt3A = arith.constant 40 : i32
        %lt3A_98 = arith.cmpi slt, %add3A_97, %lt3A : i32
        %convert_element_type3A_99 = arith.extui %lt3A_98 : i1 to i32
        %cond3A_100 = arith.constant 0 : i32
        %cond3A_101 = arith.cmpi ne, %convert_element_type3A_99, %cond3A_100 : i32
        scf.if %cond3A_101 {
          %dma_wait3A_123 = arith.constant 0 : i32
          %dma_wait3A_124 = arith.constant 0 : i32
          %dma_wait3A_125 = tpu.memref_slice %arg17[%dma_wait3A_123, %dma_wait3A_124] : memref<10240x128xf32, #tpu.memory_space<vmem_shared>> -> memref<128x128xf32, #tpu.memory_space<vmem_shared>>
          %dma_wait3A_126 = arith.constant 0 : i32
          %dma_wait3A_127 = arith.constant 0 : i32
          %dma_wait3A_128 = tpu.memref_slice %arg17[%dma_wait3A_126, %dma_wait3A_127] : memref<10240x128xf32, #tpu.memory_space<vmem_shared>> -> memref<128x128xf32, #tpu.memory_space<vmem_shared>>
          tpu.wait_dma2 semaphore(%arg15 : memref<!tpu.dma_semaphore, #tpu.memory_space<semaphore_mem>>) src(%arg11 : memref<128x128xf32, #tpu.memory_space<vmem>>) dst(%dma_wait3A_128 : memref<128x128xf32, #tpu.memory_space<vmem_shared>>)
          %add3A_129 = arith.constant 2 : i32
          %add3A_130 = arith.addi %add3A_83, %add3A_129 : i32
          %dma_start3A_131 = arith.constant 0 : i32
          %dma_start3A_132 = tpu.memref_slice %arg9[%add3A_130, %dma_start3A_131] : memref<40x128xi32, #tpu.memory_space<vmem>> -> memref<1x128xi32, #tpu.memory_space<vmem>>
          %dma_start3A_133 = tpu.memref_squeeze %dma_start3A_132 : memref<1x128xi32, #tpu.memory_space<vmem>> -> memref<128xi32, #tpu.memory_space<vmem>>
          %dma_start3A_134 = arith.constant 0 : i32
          %dma_start3A_135 = arith.constant 0 : i32
          %dma_start3A_136 = tpu.memref_slice %arg5[%dma_start3A_134, %dma_start3A_135] : memref<10000x128xf32, #tpu.memory_space<hbm>> -> memref<10000x128xf32, #tpu.memory_space<hbm>>
          tpu.enqueue_indirect_dma source(%dma_start3A_136 : memref<10000x128xf32, #tpu.memory_space<hbm>>) target(%arg11 : memref<128x128xf32, #tpu.memory_space<vmem>>) offsets(%dma_start3A_133 : memref<128xi32, #tpu.memory_space<vmem>>) semaphore(%arg13 : memref<!tpu.dma_semaphore, #tpu.memory_space<semaphore_mem>>)
        } else {
        }
        %add3A_102 = arith.constant 1 : i32
        %add3A_103 = arith.addi %mul3A_82, %add3A_102 : i32
        %dma_wait3A_104 = arith.constant 0 : i32
        %dma_wait3A_105 = arith.constant 0 : i32
        %dma_wait3A_106 = tpu.memref_slice %arg5[%dma_wait3A_104, %dma_wait3A_105] : memref<10000x128xf32, #tpu.memory_space<hbm>> -> memref<128x128xf32, #tpu.memory_space<hbm>>
        %dma_wait3A_107 = arith.constant 0 : i32
        %dma_wait3A_108 = arith.constant 0 : i32
        %dma_wait3A_109 = tpu.memref_slice %arg5[%dma_wait3A_107, %dma_wait3A_108] : memref<10000x128xf32, #tpu.memory_space<hbm>> -> memref<128x128xf32, #tpu.memory_space<hbm>>
        tpu.wait_dma2 semaphore(%arg14 : memref<!tpu.dma_semaphore, #tpu.memory_space<semaphore_mem>>) src(%dma_wait3A_109 : memref<128x128xf32, #tpu.memory_space<hbm>>) dst(%arg12 : memref<128x128xf32, #tpu.memory_space<vmem>>)
        %dma_start3A_110 = arith.constant 0 : i32
        %dma_start3A_111 = tpu.memref_slice %arg10[%add3A_103, %dma_start3A_110] : memref<40x128xi32, #tpu.memory_space<vmem>> -> memref<1x128xi32, #tpu.memory_space<vmem>>
        %dma_start3A_112 = tpu.memref_squeeze %dma_start3A_111 : memref<1x128xi32, #tpu.memory_space<vmem>> -> memref<128xi32, #tpu.memory_space<vmem>>
        %dma_start3A_113 = arith.constant 0 : i32
        %dma_start3A_114 = arith.constant 0 : i32
        %dma_start3A_115 = tpu.memref_slice %arg17[%dma_start3A_113, %dma_start3A_114] : memref<10240x128xf32, #tpu.memory_space<vmem_shared>> -> memref<10240x128xf32, #tpu.memory_space<vmem_shared>>
        tpu.enqueue_indirect_dma source(%arg12 : memref<128x128xf32, #tpu.memory_space<vmem>>) target(%dma_start3A_115 : memref<10240x128xf32, #tpu.memory_space<vmem_shared>>) offsets(%dma_start3A_112 : memref<128xi32, #tpu.memory_space<vmem>>) semaphore(%arg16 : memref<!tpu.dma_semaphore, #tpu.memory_space<semaphore_mem>>) {add = true}
        %add3A_116 = arith.constant 2 : i32
        %add3A_117 = arith.addi %add3A_103, %add3A_116 : i32
        %lt3A_118 = arith.constant 40 : i32
        %lt3A_119 = arith.cmpi slt, %add3A_117, %lt3A_118 : i32
        %convert_element_type3A_120 = arith.extui %lt3A_119 : i1 to i32
        %cond3A_121 = arith.constant 0 : i32
        %cond3A_122 = arith.cmpi ne, %convert_element_type3A_120, %cond3A_121 : i32
        scf.if %cond3A_122 {
          %dma_wait3A_123 = arith.constant 0 : i32
          %dma_wait3A_124 = arith.constant 0 : i32
          %dma_wait3A_125 = tpu.memref_slice %arg17[%dma_wait3A_123, %dma_wait3A_124] : memref<10240x128xf32, #tpu.memory_space<vmem_shared>> -> memref<128x128xf32, #tpu.memory_space<vmem_shared>>
          %dma_wait3A_126 = arith.constant 0 : i32
          %dma_wait3A_127 = arith.constant 0 : i32
          %dma_wait3A_128 = tpu.memref_slice %arg17[%dma_wait3A_126, %dma_wait3A_127] : memref<10240x128xf32, #tpu.memory_space<vmem_shared>> -> memref<128x128xf32, #tpu.memory_space<vmem_shared>>
          tpu.wait_dma2 semaphore(%arg16 : memref<!tpu.dma_semaphore, #tpu.memory_space<semaphore_mem>>) src(%arg12 : memref<128x128xf32, #tpu.memory_space<vmem>>) dst(%dma_wait3A_128 : memref<128x128xf32, #tpu.memory_space<vmem_shared>>)
          %add3A_129 = arith.constant 2 : i32
          %add3A_130 = arith.addi %add3A_103, %add3A_129 : i32
          %dma_start3A_131 = arith.constant 0 : i32
          %dma_start3A_132 = tpu.memref_slice %arg9[%add3A_130, %dma_start3A_131] : memref<40x128xi32, #tpu.memory_space<vmem>> -> memref<1x128xi32, #tpu.memory_space<vmem>>
          %dma_start3A_133 = tpu.memref_squeeze %dma_start3A_132 : memref<1x128xi32, #tpu.memory_space<vmem>> -> memref<128xi32, #tpu.memory_space<vmem>>
          %dma_start3A_134 = arith.constant 0 : i32
          %dma_start3A_135 = arith.constant 0 : i32
          %dma_start3A_136 = tpu.memref_slice %arg5[%dma_start3A_134, %dma_start3A_135] : memref<10000x128xf32, #tpu.memory_space<hbm>> -> memref<10000x128xf32, #tpu.memory_space<hbm>>
          tpu.enqueue_indirect_dma source(%dma_start3A_136 : memref<10000x128xf32, #tpu.memory_space<hbm>>) target(%arg12 : memref<128x128xf32, #tpu.memory_space<vmem>>) offsets(%dma_start3A_133 : memref<128xi32, #tpu.memory_space<vmem>>) semaphore(%arg14 : memref<!tpu.dma_semaphore, #tpu.memory_space<semaphore_mem>>)
        } else {
        }
      }
      %scan3A_67 = arith.constant 20 : i32
      %dma_wait3A_68 = arith.constant 0 : i32
      %dma_wait3A_69 = arith.constant 0 : i32
      %dma_wait3A_70 = tpu.memref_slice %arg17[%dma_wait3A_68, %dma_wait3A_69] : memref<10240x128xf32, #tpu.memory_space<vmem_shared>> -> memref<128x128xf32, #tpu.memory_space<vmem_shared>>
      %dma_wait3A_71 = arith.constant 0 : i32
      %dma_wait3A_72 = arith.constant 0 : i32
      %dma_wait3A_73 = tpu.memref_slice %arg17[%dma_wait3A_71, %dma_wait3A_72] : memref<10240x128xf32, #tpu.memory_space<vmem_shared>> -> memref<128x128xf32, #tpu.memory_space<vmem_shared>>
      tpu.wait_dma2 semaphore(%arg15 : memref<!tpu.dma_semaphore, #tpu.memory_space<semaphore_mem>>) src(%arg11 : memref<128x128xf32, #tpu.memory_space<vmem>>) dst(%dma_wait3A_73 : memref<128x128xf32, #tpu.memory_space<vmem_shared>>)
      %dma_wait3A_74 = arith.constant 0 : i32
      %dma_wait3A_75 = arith.constant 0 : i32
      %dma_wait3A_76 = tpu.memref_slice %arg17[%dma_wait3A_74, %dma_wait3A_75] : memref<10240x128xf32, #tpu.memory_space<vmem_shared>> -> memref<128x128xf32, #tpu.memory_space<vmem_shared>>
      %dma_wait3A_77 = arith.constant 0 : i32
      %dma_wait3A_78 = arith.constant 0 : i32
      %dma_wait3A_79 = tpu.memref_slice %arg17[%dma_wait3A_77, %dma_wait3A_78] : memref<10240x128xf32, #tpu.memory_space<vmem_shared>> -> memref<128x128xf32, #tpu.memory_space<vmem_shared>>
      tpu.wait_dma2 semaphore(%arg16 : memref<!tpu.dma_semaphore, #tpu.memory_space<semaphore_mem>>) src(%arg12 : memref<128x128xf32, #tpu.memory_space<vmem>>) dst(%dma_wait3A_79 : memref<128x128xf32, #tpu.memory_space<vmem_shared>>)
    } else {
    }
    %barrier3A_8 = arith.constant 0 : index
    tpu.barrier barrier_id(%barrier3A_8)
    %eq3A_9 = arith.constant 0 : i32
    %eq3A_10 = arith.cmpi eq, %arg0, %eq3A_9 : i32
    %convert_element_type3A_11 = arith.extui %eq3A_10 : i1 to i32
    %cond3A_12 = arith.constant 0 : i32
    %cond3A_13 = arith.cmpi ne, %convert_element_type3A_11, %cond3A_12 : i32
    scf.if %cond3A_13 {
      %mul3A_19 = arith.constant 640 : i32
      %mul3A_20 = arith.muli %arg1, %mul3A_19 : i32
      %mul3A_21 = arith.constant 640 : i32
      %mul3A_22 = arith.muli %arg1, %mul3A_21 : i32
      "tpu.region"() ({
        %run_scoped3A = tpu.sem_alloc : memref<!tpu.dma_semaphore, #tpu.memory_space<semaphore_mem>>
        %dma_start3A = arith.constant 0 : i32
        %dma_start3A_23 = tpu.memref_slice %arg7[%mul3A_22, %dma_start3A] : memref<10240x128xf32, #tpu.memory_space<hbm>> -> memref<640x128xf32, #tpu.memory_space<hbm>>
        %dma_start3A_24 = arith.constant 0 : i32
        %dma_start3A_25 = tpu.memref_slice %arg17[%mul3A_20, %dma_start3A_24] : memref<10240x128xf32, #tpu.memory_space<vmem_shared>> -> memref<640x128xf32, #tpu.memory_space<vmem_shared>>
        tpu.enqueue_dma source(%dma_start3A_25 : memref<640x128xf32, #tpu.memory_space<vmem_shared>>) target(%dma_start3A_23 : memref<640x128xf32, #tpu.memory_space<hbm>>) target_semaphore(%run_scoped3A : memref<!tpu.dma_semaphore, #tpu.memory_space<semaphore_mem>>)
        %dma_wait3A = arith.constant 0 : i32
        %dma_wait3A_26 = tpu.memref_slice %arg7[%mul3A_22, %dma_wait3A] : memref<10240x128xf32, #tpu.memory_space<hbm>> -> memref<640x128xf32, #tpu.memory_space<hbm>>
        %dma_wait3A_27 = arith.constant 0 : i32
        %dma_wait3A_28 = tpu.memref_slice %arg17[%mul3A_20, %dma_wait3A_27] : memref<10240x128xf32, #tpu.memory_space<vmem_shared>> -> memref<640x128xf32, #tpu.memory_space<vmem_shared>>
        tpu.wait_dma2 semaphore(%run_scoped3A : memref<!tpu.dma_semaphore, #tpu.memory_space<semaphore_mem>>) src(%dma_wait3A_28 : memref<640x128xf32, #tpu.memory_space<vmem_shared>>) dst(%dma_wait3A_26 : memref<640x128xf32, #tpu.memory_space<hbm>>)
        tpu.yield
      }) : () -> ()
    } else {
    }
    %eq3A_14 = arith.constant 1 : i32
    %eq3A_15 = arith.cmpi eq, %arg0, %eq3A_14 : i32
    %convert_element_type3A_16 = arith.extui %eq3A_15 : i1 to i32
    %cond3A_17 = arith.constant 0 : i32
    %cond3A_18 = arith.cmpi ne, %convert_element_type3A_16, %cond3A_17 : i32
    scf.if %cond3A_18 {
      %mul3A_19 = arith.constant 640 : i32
      %mul3A_20 = arith.muli %arg1, %mul3A_19 : i32
      %mul3A_21 = arith.constant 640 : i32
      %mul3A_22 = arith.muli %arg1, %mul3A_21 : i32
      "tpu.region"() ({
        %run_scoped3A = tpu.sem_alloc : memref<!tpu.dma_semaphore, #tpu.memory_space<semaphore_mem>>
        %dma_start3A = arith.constant 0 : i32
        %dma_start3A_23 = tpu.memref_slice %arg8[%mul3A_22, %dma_start3A] : memref<10240x128xf32, #tpu.memory_space<hbm>> -> memref<640x128xf32, #tpu.memory_space<hbm>>
        %dma_start3A_24 = arith.constant 0 : i32
        %dma_start3A_25 = tpu.memref_slice %arg17[%mul3A_20, %dma_start3A_24] : memref<10240x128xf32, #tpu.memory_space<vmem_shared>> -> memref<640x128xf32, #tpu.memory_space<vmem_shared>>
        tpu.enqueue_dma source(%dma_start3A_25 : memref<640x128xf32, #tpu.memory_space<vmem_shared>>) target(%dma_start3A_23 : memref<640x128xf32, #tpu.memory_space<hbm>>) target_semaphore(%run_scoped3A : memref<!tpu.dma_semaphore, #tpu.memory_space<semaphore_mem>>)
        %dma_wait3A = arith.constant 0 : i32
        %dma_wait3A_26 = tpu.memref_slice %arg8[%mul3A_22, %dma_wait3A] : memref<10240x128xf32, #tpu.memory_space<hbm>> -> memref<640x128xf32, #tpu.memory_space<hbm>>
        %dma_wait3A_27 = arith.constant 0 : i32
        %dma_wait3A_28 = tpu.memref_slice %arg17[%mul3A_20, %dma_wait3A_27] : memref<10240x128xf32, #tpu.memory_space<vmem_shared>> -> memref<640x128xf32, #tpu.memory_space<vmem_shared>>
        tpu.wait_dma2 semaphore(%run_scoped3A : memref<!tpu.dma_semaphore, #tpu.memory_space<semaphore_mem>>) src(%dma_wait3A_28 : memref<640x128xf32, #tpu.memory_space<vmem_shared>>) dst(%dma_wait3A_26 : memref<640x128xf32, #tpu.memory_space<hbm>>)
        tpu.yield
      }) : () -> ()
    } else {
    }
    return
  }
}

#map = affine_map<(d0, d1) -> (0, 0, 0)>
#map1 = affine_map<(d0, d1) -> (0, 0)>
module attributes {stable_mosaic.version = 14 : i64} {
  func.func @_sc_scatter_body(%arg0: i32, %arg1: i32, %arg2: memref<16x80x128xi32, #tpu.memory_space<hbm>>, %arg3: memref<16x80x128xi32, #tpu.memory_space<hbm>>, %arg4: memref<10000x128xf32, #tpu.memory_space<hbm>>, %arg5: memref<10000x128xf32, #tpu.memory_space<hbm>>, %arg6: memref<640x128xf32, #tpu.memory_space<hbm>>, %arg7: memref<10240x128xf32, #tpu.memory_space<hbm>>, %arg8: memref<10240x128xf32, #tpu.memory_space<hbm>>, %arg9: memref<40x128xi32, #tpu.memory_space<vmem>>, %arg10: memref<40x128xi32, #tpu.memory_space<vmem>>, %arg11: memref<128x128xf32, #tpu.memory_space<vmem>>, %arg12: memref<128x128xf32, #tpu.memory_space<vmem>>, %arg13: memref<!tpu.dma_semaphore, #tpu.memory_space<semaphore_mem>>, %arg14: memref<!tpu.dma_semaphore, #tpu.memory_space<semaphore_mem>>, %arg15: memref<!tpu.dma_semaphore, #tpu.memory_space<semaphore_mem>>, %arg16: memref<!tpu.dma_semaphore, #tpu.memory_space<semaphore_mem>>, %arg17: memref<10240x128xf32, #tpu.memory_space<vmem_shared>>) attributes {dimension_semantics = [#tpu.dimension_semantics<core_parallel>, #tpu.dimension_semantics<subcore_parallel>], iteration_bounds = array<i64: 2, 16>, scalar_prefetch = 0 : i64, scratch_operands = 9 : i64, tpu.core_type = #tpu.core_type<sc_vector_subcore>, window_params = [{transform_indices = #map}, {transform_indices = #map}, {transform_indices = #map1}, {transform_indices = #map1}, {transform_indices = #map1}, {transform_indices = #map1}, {transform_indices = #map1}]} {
    %mul3A = arith.constant 640 : i32
    %mul3A_0 = arith.muli %arg1, %mul3A : i32
    "tpu.region"() ({
      %run_scoped3A = tpu.sem_alloc : memref<!tpu.dma_semaphore, #tpu.memory_space<semaphore_mem>>
      %dma_start3A = arith.constant 0 : i32
      %dma_start3A_19 = tpu.memref_slice %arg17[%mul3A_0, %dma_start3A] : memref<10240x128xf32, #tpu.memory_space<vmem_shared>> -> memref<640x128xf32, #tpu.memory_space<vmem_shared>>
      tpu.enqueue_dma source(%arg6 : memref<640x128xf32, #tpu.memory_space<hbm>>) target(%dma_start3A_19 : memref<640x128xf32, #tpu.memory_space<vmem_shared>>) target_semaphore(%run_scoped3A : memref<!tpu.dma_semaphore, #tpu.memory_space<semaphore_mem>>)
      %dma_wait3A = arith.constant 0 : i32
      %dma_wait3A_20 = tpu.memref_slice %arg17[%mul3A_0, %dma_wait3A] : memref<10240x128xf32, #tpu.memory_space<vmem_shared>> -> memref<640x128xf32, #tpu.memory_space<vmem_shared>>
      tpu.wait_dma2 semaphore(%run_scoped3A : memref<!tpu.dma_semaphore, #tpu.memory_space<semaphore_mem>>) src(%arg6 : memref<640x128xf32, #tpu.memory_space<hbm>>) dst(%dma_wait3A_20 : memref<640x128xf32, #tpu.memory_space<vmem_shared>>)
      tpu.yield
    }) : () -> ()
    %barrier3A = arith.constant 0 : index
    tpu.barrier barrier_id(%barrier3A)
    %eq3A = arith.constant 0 : i32
    %eq3A_1 = arith.cmpi eq, %arg0, %eq3A : i32
    %convert_element_type3A = arith.extui %eq3A_1 : i1 to i32
    %cond3A = arith.constant 0 : i32
    %cond3A_2 = arith.cmpi ne, %convert_element_type3A, %cond3A : i32
    scf.if %cond3A_2 {
      "tpu.region"() ({
        %run_scoped3A = tpu.sem_alloc : memref<!tpu.dma_semaphore, #tpu.memory_space<semaphore_mem>>
        %dma_start3A_80 = arith.constant 0 : i32
        %dma_start3A_81 = arith.constant 0 : i32
        %dma_start3A_82 = tpu.memref_slice %arg2[%arg1, %dma_start3A_80, %dma_start3A_81] : memref<16x80x128xi32, #tpu.memory_space<hbm>> -> memref<1x80x128xi32, #tpu.memory_space<hbm>>
        %dma_start3A_83 = tpu.memref_squeeze %dma_start3A_82 : memref<1x80x128xi32, #tpu.memory_space<hbm>> -> memref<80x128xi32, #tpu.memory_space<hbm>>
        %dma_start3A_84 = arith.constant 0 : i32
        %dma_start3A_85 = arith.constant 0 : i32
        %dma_start3A_86 = tpu.memref_slice %dma_start3A_83[%dma_start3A_84, %dma_start3A_85] : memref<80x128xi32, #tpu.memory_space<hbm>> -> memref<40x128xi32, #tpu.memory_space<hbm>>
        %dma_start3A_87 = arith.constant 0 : i32
        %dma_start3A_88 = arith.constant 0 : i32
        %dma_start3A_89 = tpu.memref_slice %arg2[%arg1, %dma_start3A_87, %dma_start3A_88] : memref<16x80x128xi32, #tpu.memory_space<hbm>> -> memref<1x80x128xi32, #tpu.memory_space<hbm>>
        %dma_start3A_90 = tpu.memref_squeeze %dma_start3A_89 : memref<1x80x128xi32, #tpu.memory_space<hbm>> -> memref<80x128xi32, #tpu.memory_space<hbm>>
        %dma_start3A_91 = arith.constant 0 : i32
        %dma_start3A_92 = arith.constant 0 : i32
        %dma_start3A_93 = tpu.memref_slice %dma_start3A_90[%dma_start3A_91, %dma_start3A_92] : memref<80x128xi32, #tpu.memory_space<hbm>> -> memref<40x128xi32, #tpu.memory_space<hbm>>
        tpu.enqueue_dma source(%dma_start3A_93 : memref<40x128xi32, #tpu.memory_space<hbm>>) target(%arg9 : memref<40x128xi32, #tpu.memory_space<vmem>>) target_semaphore(%run_scoped3A : memref<!tpu.dma_semaphore, #tpu.memory_space<semaphore_mem>>)
        %dma_wait3A_94 = arith.constant 0 : i32
        %dma_wait3A_95 = arith.constant 0 : i32
        %dma_wait3A_96 = tpu.memref_slice %arg2[%arg1, %dma_wait3A_94, %dma_wait3A_95] : memref<16x80x128xi32, #tpu.memory_space<hbm>> -> memref<1x80x128xi32, #tpu.memory_space<hbm>>
        %dma_wait3A_97 = tpu.memref_squeeze %dma_wait3A_96 : memref<1x80x128xi32, #tpu.memory_space<hbm>> -> memref<80x128xi32, #tpu.memory_space<hbm>>
        %dma_wait3A_98 = arith.constant 0 : i32
        %dma_wait3A_99 = arith.constant 0 : i32
        %dma_wait3A_100 = tpu.memref_slice %dma_wait3A_97[%dma_wait3A_98, %dma_wait3A_99] : memref<80x128xi32, #tpu.memory_space<hbm>> -> memref<40x128xi32, #tpu.memory_space<hbm>>
        %dma_wait3A_101 = arith.constant 0 : i32
        %dma_wait3A_102 = arith.constant 0 : i32
        %dma_wait3A_103 = tpu.memref_slice %arg2[%arg1, %dma_wait3A_101, %dma_wait3A_102] : memref<16x80x128xi32, #tpu.memory_space<hbm>> -> memref<1x80x128xi32, #tpu.memory_space<hbm>>
        %dma_wait3A_104 = tpu.memref_squeeze %dma_wait3A_103 : memref<1x80x128xi32, #tpu.memory_space<hbm>> -> memref<80x128xi32, #tpu.memory_space<hbm>>
        %dma_wait3A_105 = arith.constant 0 : i32
        %dma_wait3A_106 = arith.constant 0 : i32
        %dma_wait3A_107 = tpu.memref_slice %dma_wait3A_104[%dma_wait3A_105, %dma_wait3A_106] : memref<80x128xi32, #tpu.memory_space<hbm>> -> memref<40x128xi32, #tpu.memory_space<hbm>>
        tpu.wait_dma2 semaphore(%run_scoped3A : memref<!tpu.dma_semaphore, #tpu.memory_space<semaphore_mem>>) src(%dma_wait3A_107 : memref<40x128xi32, #tpu.memory_space<hbm>>) dst(%arg9 : memref<40x128xi32, #tpu.memory_space<vmem>>)
        tpu.yield
      }) : () -> ()
      "tpu.region"() ({
        %run_scoped3A = tpu.sem_alloc : memref<!tpu.dma_semaphore, #tpu.memory_space<semaphore_mem>>
        %dma_start3A_80 = arith.constant 0 : i32
        %dma_start3A_81 = arith.constant 0 : i32
        %dma_start3A_82 = tpu.memref_slice %arg3[%arg1, %dma_start3A_80, %dma_start3A_81] : memref<16x80x128xi32, #tpu.memory_space<hbm>> -> memref<1x80x128xi32, #tpu.memory_space<hbm>>
        %dma_start3A_83 = tpu.memref_squeeze %dma_start3A_82 : memref<1x80x128xi32, #tpu.memory_space<hbm>> -> memref<80x128xi32, #tpu.memory_space<hbm>>
        %dma_start3A_84 = arith.constant 0 : i32
        %dma_start3A_85 = arith.constant 0 : i32
        %dma_start3A_86 = tpu.memref_slice %dma_start3A_83[%dma_start3A_84, %dma_start3A_85] : memref<80x128xi32, #tpu.memory_space<hbm>> -> memref<40x128xi32, #tpu.memory_space<hbm>>
        %dma_start3A_87 = arith.constant 0 : i32
        %dma_start3A_88 = arith.constant 0 : i32
        %dma_start3A_89 = tpu.memref_slice %arg3[%arg1, %dma_start3A_87, %dma_start3A_88] : memref<16x80x128xi32, #tpu.memory_space<hbm>> -> memref<1x80x128xi32, #tpu.memory_space<hbm>>
        %dma_start3A_90 = tpu.memref_squeeze %dma_start3A_89 : memref<1x80x128xi32, #tpu.memory_space<hbm>> -> memref<80x128xi32, #tpu.memory_space<hbm>>
        %dma_start3A_91 = arith.constant 0 : i32
        %dma_start3A_92 = arith.constant 0 : i32
        %dma_start3A_93 = tpu.memref_slice %dma_start3A_90[%dma_start3A_91, %dma_start3A_92] : memref<80x128xi32, #tpu.memory_space<hbm>> -> memref<40x128xi32, #tpu.memory_space<hbm>>
        tpu.enqueue_dma source(%dma_start3A_93 : memref<40x128xi32, #tpu.memory_space<hbm>>) target(%arg10 : memref<40x128xi32, #tpu.memory_space<vmem>>) target_semaphore(%run_scoped3A : memref<!tpu.dma_semaphore, #tpu.memory_space<semaphore_mem>>)
        %dma_wait3A_94 = arith.constant 0 : i32
        %dma_wait3A_95 = arith.constant 0 : i32
        %dma_wait3A_96 = tpu.memref_slice %arg3[%arg1, %dma_wait3A_94, %dma_wait3A_95] : memref<16x80x128xi32, #tpu.memory_space<hbm>> -> memref<1x80x128xi32, #tpu.memory_space<hbm>>
        %dma_wait3A_97 = tpu.memref_squeeze %dma_wait3A_96 : memref<1x80x128xi32, #tpu.memory_space<hbm>> -> memref<80x128xi32, #tpu.memory_space<hbm>>
        %dma_wait3A_98 = arith.constant 0 : i32
        %dma_wait3A_99 = arith.constant 0 : i32
        %dma_wait3A_100 = tpu.memref_slice %dma_wait3A_97[%dma_wait3A_98, %dma_wait3A_99] : memref<80x128xi32, #tpu.memory_space<hbm>> -> memref<40x128xi32, #tpu.memory_space<hbm>>
        %dma_wait3A_101 = arith.constant 0 : i32
        %dma_wait3A_102 = arith.constant 0 : i32
        %dma_wait3A_103 = tpu.memref_slice %arg3[%arg1, %dma_wait3A_101, %dma_wait3A_102] : memref<16x80x128xi32, #tpu.memory_space<hbm>> -> memref<1x80x128xi32, #tpu.memory_space<hbm>>
        %dma_wait3A_104 = tpu.memref_squeeze %dma_wait3A_103 : memref<1x80x128xi32, #tpu.memory_space<hbm>> -> memref<80x128xi32, #tpu.memory_space<hbm>>
        %dma_wait3A_105 = arith.constant 0 : i32
        %dma_wait3A_106 = arith.constant 0 : i32
        %dma_wait3A_107 = tpu.memref_slice %dma_wait3A_104[%dma_wait3A_105, %dma_wait3A_106] : memref<80x128xi32, #tpu.memory_space<hbm>> -> memref<40x128xi32, #tpu.memory_space<hbm>>
        tpu.wait_dma2 semaphore(%run_scoped3A : memref<!tpu.dma_semaphore, #tpu.memory_space<semaphore_mem>>) src(%dma_wait3A_107 : memref<40x128xi32, #tpu.memory_space<hbm>>) dst(%arg10 : memref<40x128xi32, #tpu.memory_space<vmem>>)
        tpu.yield
      }) : () -> ()
      %dma_start3A = arith.constant 0 : i32
      %dma_start3A_19 = arith.constant 0 : i32
      %dma_start3A_20 = tpu.memref_slice %arg9[%dma_start3A, %dma_start3A_19] : memref<40x128xi32, #tpu.memory_space<vmem>> -> memref<1x128xi32, #tpu.memory_space<vmem>>
      %dma_start3A_21 = tpu.memref_squeeze %dma_start3A_20 : memref<1x128xi32, #tpu.memory_space<vmem>> -> memref<128xi32, #tpu.memory_space<vmem>>
      %dma_start3A_22 = arith.constant 0 : i32
      %dma_start3A_23 = arith.constant 0 : i32
      %dma_start3A_24 = tpu.memref_slice %arg4[%dma_start3A_22, %dma_start3A_23] : memref<10000x128xf32, #tpu.memory_space<hbm>> -> memref<10000x128xf32, #tpu.memory_space<hbm>>
      tpu.enqueue_indirect_dma source(%dma_start3A_24 : memref<10000x128xf32, #tpu.memory_space<hbm>>) target(%arg11 : memref<128x128xf32, #tpu.memory_space<vmem>>) offsets(%dma_start3A_21 : memref<128xi32, #tpu.memory_space<vmem>>) semaphore(%arg13 : memref<!tpu.dma_semaphore, #tpu.memory_space<semaphore_mem>>)
      %dma_start3A_25 = arith.constant 1 : i32
      %dma_start3A_26 = arith.constant 0 : i32
      %dma_start3A_27 = tpu.memref_slice %arg9[%dma_start3A_25, %dma_start3A_26] : memref<40x128xi32, #tpu.memory_space<vmem>> -> memref<1x128xi32, #tpu.memory_space<vmem>>
      %dma_start3A_28 = tpu.memref_squeeze %dma_start3A_27 : memref<1x128xi32, #tpu.memory_space<vmem>> -> memref<128xi32, #tpu.memory_space<vmem>>
      %dma_start3A_29 = arith.constant 0 : i32
      %dma_start3A_30 = arith.constant 0 : i32
      %dma_start3A_31 = tpu.memref_slice %arg4[%dma_start3A_29, %dma_start3A_30] : memref<10000x128xf32, #tpu.memory_space<hbm>> -> memref<10000x128xf32, #tpu.memory_space<hbm>>
      tpu.enqueue_indirect_dma source(%dma_start3A_31 : memref<10000x128xf32, #tpu.memory_space<hbm>>) target(%arg12 : memref<128x128xf32, #tpu.memory_space<vmem>>) offsets(%dma_start3A_28 : memref<128xi32, #tpu.memory_space<vmem>>) semaphore(%arg14 : memref<!tpu.dma_semaphore, #tpu.memory_space<semaphore_mem>>)
      %scan3A = arith.constant 0 : i32
      %scan3A_32 = arith.constant 0 : i32
      %scan3A_33 = arith.constant 20 : i32
      %scan3A_34 = arith.addi %scan3A_32, %scan3A_33 : i32
      %scan3A_35 = arith.constant 1 : i32
      scf.for %scan3A_80 = %scan3A_32 to %scan3A_34 step %scan3A_35  : i32 {
        %mul3A_81 = arith.constant 2 : i32
        %mul3A_82 = arith.muli %scan3A_80, %mul3A_81 : i32
        %add3A = arith.constant 0 : i32
        %add3A_83 = arith.addi %mul3A_82, %add3A : i32
        %dma_wait3A_84 = arith.constant 0 : i32
        %dma_wait3A_85 = arith.constant 0 : i32
        %dma_wait3A_86 = tpu.memref_slice %arg4[%dma_wait3A_84, %dma_wait3A_85] : memref<10000x128xf32, #tpu.memory_space<hbm>> -> memref<128x128xf32, #tpu.memory_space<hbm>>
        %dma_wait3A_87 = arith.constant 0 : i32
        %dma_wait3A_88 = arith.constant 0 : i32
        %dma_wait3A_89 = tpu.memref_slice %arg4[%dma_wait3A_87, %dma_wait3A_88] : memref<10000x128xf32, #tpu.memory_space<hbm>> -> memref<128x128xf32, #tpu.memory_space<hbm>>
        tpu.wait_dma2 semaphore(%arg13 : memref<!tpu.dma_semaphore, #tpu.memory_space<semaphore_mem>>) src(%dma_wait3A_89 : memref<128x128xf32, #tpu.memory_space<hbm>>) dst(%arg11 : memref<128x128xf32, #tpu.memory_space<vmem>>)
        %dma_start3A_90 = arith.constant 0 : i32
        %dma_start3A_91 = tpu.memref_slice %arg10[%add3A_83, %dma_start3A_90] : memref<40x128xi32, #tpu.memory_space<vmem>> -> memref<1x128xi32, #tpu.memory_space<vmem>>
        %dma_start3A_92 = tpu.memref_squeeze %dma_start3A_91 : memref<1x128xi32, #tpu.memory_space<vmem>> -> memref<128xi32, #tpu.memory_space<vmem>>
        %dma_start3A_93 = arith.constant 0 : i32
        %dma_start3A_94 = arith.constant 0 : i32
        %dma_start3A_95 = tpu.memref_slice %arg17[%dma_start3A_93, %dma_start3A_94] : memref<10240x128xf32, #tpu.memory_space<vmem_shared>> -> memref<10240x128xf32, #tpu.memory_space<vmem_shared>>
        tpu.enqueue_indirect_dma source(%arg11 : memref<128x128xf32, #tpu.memory_space<vmem>>) target(%dma_start3A_95 : memref<10240x128xf32, #tpu.memory_space<vmem_shared>>) offsets(%dma_start3A_92 : memref<128xi32, #tpu.memory_space<vmem>>) semaphore(%arg15 : memref<!tpu.dma_semaphore, #tpu.memory_space<semaphore_mem>>) {add = true}
        %add3A_96 = arith.constant 2 : i32
        %add3A_97 = arith.addi %add3A_83, %add3A_96 : i32
        %lt3A = arith.constant 40 : i32
        %lt3A_98 = arith.cmpi slt, %add3A_97, %lt3A : i32
        %convert_element_type3A_99 = arith.extui %lt3A_98 : i1 to i32
        %cond3A_100 = arith.constant 0 : i32
        %cond3A_101 = arith.cmpi ne, %convert_element_type3A_99, %cond3A_100 : i32
        scf.if %cond3A_101 {
          %dma_wait3A_123 = arith.constant 0 : i32
          %dma_wait3A_124 = arith.constant 0 : i32
          %dma_wait3A_125 = tpu.memref_slice %arg17[%dma_wait3A_123, %dma_wait3A_124] : memref<10240x128xf32, #tpu.memory_space<vmem_shared>> -> memref<128x128xf32, #tpu.memory_space<vmem_shared>>
          %dma_wait3A_126 = arith.constant 0 : i32
          %dma_wait3A_127 = arith.constant 0 : i32
          %dma_wait3A_128 = tpu.memref_slice %arg17[%dma_wait3A_126, %dma_wait3A_127] : memref<10240x128xf32, #tpu.memory_space<vmem_shared>> -> memref<128x128xf32, #tpu.memory_space<vmem_shared>>
          tpu.wait_dma2 semaphore(%arg15 : memref<!tpu.dma_semaphore, #tpu.memory_space<semaphore_mem>>) src(%arg11 : memref<128x128xf32, #tpu.memory_space<vmem>>) dst(%dma_wait3A_128 : memref<128x128xf32, #tpu.memory_space<vmem_shared>>)
          %add3A_129 = arith.constant 2 : i32
          %add3A_130 = arith.addi %add3A_83, %add3A_129 : i32
          %dma_start3A_131 = arith.constant 0 : i32
          %dma_start3A_132 = tpu.memref_slice %arg9[%add3A_130, %dma_start3A_131] : memref<40x128xi32, #tpu.memory_space<vmem>> -> memref<1x128xi32, #tpu.memory_space<vmem>>
          %dma_start3A_133 = tpu.memref_squeeze %dma_start3A_132 : memref<1x128xi32, #tpu.memory_space<vmem>> -> memref<128xi32, #tpu.memory_space<vmem>>
          %dma_start3A_134 = arith.constant 0 : i32
          %dma_start3A_135 = arith.constant 0 : i32
          %dma_start3A_136 = tpu.memref_slice %arg4[%dma_start3A_134, %dma_start3A_135] : memref<10000x128xf32, #tpu.memory_space<hbm>> -> memref<10000x128xf32, #tpu.memory_space<hbm>>
          tpu.enqueue_indirect_dma source(%dma_start3A_136 : memref<10000x128xf32, #tpu.memory_space<hbm>>) target(%arg11 : memref<128x128xf32, #tpu.memory_space<vmem>>) offsets(%dma_start3A_133 : memref<128xi32, #tpu.memory_space<vmem>>) semaphore(%arg13 : memref<!tpu.dma_semaphore, #tpu.memory_space<semaphore_mem>>)
        } else {
        }
        %add3A_102 = arith.constant 1 : i32
        %add3A_103 = arith.addi %mul3A_82, %add3A_102 : i32
        %dma_wait3A_104 = arith.constant 0 : i32
        %dma_wait3A_105 = arith.constant 0 : i32
        %dma_wait3A_106 = tpu.memref_slice %arg4[%dma_wait3A_104, %dma_wait3A_105] : memref<10000x128xf32, #tpu.memory_space<hbm>> -> memref<128x128xf32, #tpu.memory_space<hbm>>
        %dma_wait3A_107 = arith.constant 0 : i32
        %dma_wait3A_108 = arith.constant 0 : i32
        %dma_wait3A_109 = tpu.memref_slice %arg4[%dma_wait3A_107, %dma_wait3A_108] : memref<10000x128xf32, #tpu.memory_space<hbm>> -> memref<128x128xf32, #tpu.memory_space<hbm>>
        tpu.wait_dma2 semaphore(%arg14 : memref<!tpu.dma_semaphore, #tpu.memory_space<semaphore_mem>>) src(%dma_wait3A_109 : memref<128x128xf32, #tpu.memory_space<hbm>>) dst(%arg12 : memref<128x128xf32, #tpu.memory_space<vmem>>)
        %dma_start3A_110 = arith.constant 0 : i32
        %dma_start3A_111 = tpu.memref_slice %arg10[%add3A_103, %dma_start3A_110] : memref<40x128xi32, #tpu.memory_space<vmem>> -> memref<1x128xi32, #tpu.memory_space<vmem>>
        %dma_start3A_112 = tpu.memref_squeeze %dma_start3A_111 : memref<1x128xi32, #tpu.memory_space<vmem>> -> memref<128xi32, #tpu.memory_space<vmem>>
        %dma_start3A_113 = arith.constant 0 : i32
        %dma_start3A_114 = arith.constant 0 : i32
        %dma_start3A_115 = tpu.memref_slice %arg17[%dma_start3A_113, %dma_start3A_114] : memref<10240x128xf32, #tpu.memory_space<vmem_shared>> -> memref<10240x128xf32, #tpu.memory_space<vmem_shared>>
        tpu.enqueue_indirect_dma source(%arg12 : memref<128x128xf32, #tpu.memory_space<vmem>>) target(%dma_start3A_115 : memref<10240x128xf32, #tpu.memory_space<vmem_shared>>) offsets(%dma_start3A_112 : memref<128xi32, #tpu.memory_space<vmem>>) semaphore(%arg16 : memref<!tpu.dma_semaphore, #tpu.memory_space<semaphore_mem>>) {add = true}
        %add3A_116 = arith.constant 2 : i32
        %add3A_117 = arith.addi %add3A_103, %add3A_116 : i32
        %lt3A_118 = arith.constant 40 : i32
        %lt3A_119 = arith.cmpi slt, %add3A_117, %lt3A_118 : i32
        %convert_element_type3A_120 = arith.extui %lt3A_119 : i1 to i32
        %cond3A_121 = arith.constant 0 : i32
        %cond3A_122 = arith.cmpi ne, %convert_element_type3A_120, %cond3A_121 : i32
        scf.if %cond3A_122 {
          %dma_wait3A_123 = arith.constant 0 : i32
          %dma_wait3A_124 = arith.constant 0 : i32
          %dma_wait3A_125 = tpu.memref_slice %arg17[%dma_wait3A_123, %dma_wait3A_124] : memref<10240x128xf32, #tpu.memory_space<vmem_shared>> -> memref<128x128xf32, #tpu.memory_space<vmem_shared>>
          %dma_wait3A_126 = arith.constant 0 : i32
          %dma_wait3A_127 = arith.constant 0 : i32
          %dma_wait3A_128 = tpu.memref_slice %arg17[%dma_wait3A_126, %dma_wait3A_127] : memref<10240x128xf32, #tpu.memory_space<vmem_shared>> -> memref<128x128xf32, #tpu.memory_space<vmem_shared>>
          tpu.wait_dma2 semaphore(%arg16 : memref<!tpu.dma_semaphore, #tpu.memory_space<semaphore_mem>>) src(%arg12 : memref<128x128xf32, #tpu.memory_space<vmem>>) dst(%dma_wait3A_128 : memref<128x128xf32, #tpu.memory_space<vmem_shared>>)
          %add3A_129 = arith.constant 2 : i32
          %add3A_130 = arith.addi %add3A_103, %add3A_129 : i32
          %dma_start3A_131 = arith.constant 0 : i32
          %dma_start3A_132 = tpu.memref_slice %arg9[%add3A_130, %dma_start3A_131] : memref<40x128xi32, #tpu.memory_space<vmem>> -> memref<1x128xi32, #tpu.memory_space<vmem>>
          %dma_start3A_133 = tpu.memref_squeeze %dma_start3A_132 : memref<1x128xi32, #tpu.memory_space<vmem>> -> memref<128xi32, #tpu.memory_space<vmem>>
          %dma_start3A_134 = arith.constant 0 : i32
          %dma_start3A_135 = arith.constant 0 : i32
          %dma_start3A_136 = tpu.memref_slice %arg4[%dma_start3A_134, %dma_start3A_135] : memref<10000x128xf32, #tpu.memory_space<hbm>> -> memref<10000x128xf32, #tpu.memory_space<hbm>>
          tpu.enqueue_indirect_dma source(%dma_start3A_136 : memref<10000x128xf32, #tpu.memory_space<hbm>>) target(%arg12 : memref<128x128xf32, #tpu.memory_space<vmem>>) offsets(%dma_start3A_133 : memref<128xi32, #tpu.memory_space<vmem>>) semaphore(%arg14 : memref<!tpu.dma_semaphore, #tpu.memory_space<semaphore_mem>>)
        } else {
        }
      }
      %scan3A_36 = arith.constant 20 : i32
      %dma_wait3A = arith.constant 0 : i32
      %dma_wait3A_37 = arith.constant 0 : i32
      %dma_wait3A_38 = tpu.memref_slice %arg17[%dma_wait3A, %dma_wait3A_37] : memref<10240x128xf32, #tpu.memory_space<vmem_shared>> -> memref<128x128xf32, #tpu.memory_space<vmem_shared>>
      %dma_wait3A_39 = arith.constant 0 : i32
      %dma_wait3A_40 = arith.constant 0 : i32
      %dma_wait3A_41 = tpu.memref_slice %arg17[%dma_wait3A_39, %dma_wait3A_40] : memref<10240x128xf32, #tpu.memory_space<vmem_shared>> -> memref<128x128xf32, #tpu.memory_space<vmem_shared>>
      tpu.wait_dma2 semaphore(%arg15 : memref<!tpu.dma_semaphore, #tpu.memory_space<semaphore_mem>>) src(%arg11 : memref<128x128xf32, #tpu.memory_space<vmem>>) dst(%dma_wait3A_41 : memref<128x128xf32, #tpu.memory_space<vmem_shared>>)
      %dma_wait3A_42 = arith.constant 0 : i32
      %dma_wait3A_43 = arith.constant 0 : i32
      %dma_wait3A_44 = tpu.memref_slice %arg17[%dma_wait3A_42, %dma_wait3A_43] : memref<10240x128xf32, #tpu.memory_space<vmem_shared>> -> memref<128x128xf32, #tpu.memory_space<vmem_shared>>
      %dma_wait3A_45 = arith.constant 0 : i32
      %dma_wait3A_46 = arith.constant 0 : i32
      %dma_wait3A_47 = tpu.memref_slice %arg17[%dma_wait3A_45, %dma_wait3A_46] : memref<10240x128xf32, #tpu.memory_space<vmem_shared>> -> memref<128x128xf32, #tpu.memory_space<vmem_shared>>
      tpu.wait_dma2 semaphore(%arg16 : memref<!tpu.dma_semaphore, #tpu.memory_space<semaphore_mem>>) src(%arg12 : memref<128x128xf32, #tpu.memory_space<vmem>>) dst(%dma_wait3A_47 : memref<128x128xf32, #tpu.memory_space<vmem_shared>>)
      "tpu.region"() ({
        %run_scoped3A = tpu.sem_alloc : memref<!tpu.dma_semaphore, #tpu.memory_space<semaphore_mem>>
        %dma_start3A_80 = arith.constant 0 : i32
        %dma_start3A_81 = arith.constant 0 : i32
        %dma_start3A_82 = tpu.memref_slice %arg2[%arg1, %dma_start3A_80, %dma_start3A_81] : memref<16x80x128xi32, #tpu.memory_space<hbm>> -> memref<1x80x128xi32, #tpu.memory_space<hbm>>
        %dma_start3A_83 = tpu.memref_squeeze %dma_start3A_82 : memref<1x80x128xi32, #tpu.memory_space<hbm>> -> memref<80x128xi32, #tpu.memory_space<hbm>>
        %dma_start3A_84 = arith.constant 40 : i32
        %dma_start3A_85 = arith.constant 0 : i32
        %dma_start3A_86 = tpu.memref_slice %dma_start3A_83[%dma_start3A_84, %dma_start3A_85] : memref<80x128xi32, #tpu.memory_space<hbm>> -> memref<40x128xi32, #tpu.memory_space<hbm>>
        %dma_start3A_87 = arith.constant 0 : i32
        %dma_start3A_88 = arith.constant 0 : i32
        %dma_start3A_89 = tpu.memref_slice %arg2[%arg1, %dma_start3A_87, %dma_start3A_88] : memref<16x80x128xi32, #tpu.memory_space<hbm>> -> memref<1x80x128xi32, #tpu.memory_space<hbm>>
        %dma_start3A_90 = tpu.memref_squeeze %dma_start3A_89 : memref<1x80x128xi32, #tpu.memory_space<hbm>> -> memref<80x128xi32, #tpu.memory_space<hbm>>
        %dma_start3A_91 = arith.constant 40 : i32
        %dma_start3A_92 = arith.constant 0 : i32
        %dma_start3A_93 = tpu.memref_slice %dma_start3A_90[%dma_start3A_91, %dma_start3A_92] : memref<80x128xi32, #tpu.memory_space<hbm>> -> memref<40x128xi32, #tpu.memory_space<hbm>>
        tpu.enqueue_dma source(%dma_start3A_93 : memref<40x128xi32, #tpu.memory_space<hbm>>) target(%arg9 : memref<40x128xi32, #tpu.memory_space<vmem>>) target_semaphore(%run_scoped3A : memref<!tpu.dma_semaphore, #tpu.memory_space<semaphore_mem>>)
        %dma_wait3A_94 = arith.constant 0 : i32
        %dma_wait3A_95 = arith.constant 0 : i32
        %dma_wait3A_96 = tpu.memref_slice %arg2[%arg1, %dma_wait3A_94, %dma_wait3A_95] : memref<16x80x128xi32, #tpu.memory_space<hbm>> -> memref<1x80x128xi32, #tpu.memory_space<hbm>>
        %dma_wait3A_97 = tpu.memref_squeeze %dma_wait3A_96 : memref<1x80x128xi32, #tpu.memory_space<hbm>> -> memref<80x128xi32, #tpu.memory_space<hbm>>
        %dma_wait3A_98 = arith.constant 40 : i32
        %dma_wait3A_99 = arith.constant 0 : i32
        %dma_wait3A_100 = tpu.memref_slice %dma_wait3A_97[%dma_wait3A_98, %dma_wait3A_99] : memref<80x128xi32, #tpu.memory_space<hbm>> -> memref<40x128xi32, #tpu.memory_space<hbm>>
        %dma_wait3A_101 = arith.constant 0 : i32
        %dma_wait3A_102 = arith.constant 0 : i32
        %dma_wait3A_103 = tpu.memref_slice %arg2[%arg1, %dma_wait3A_101, %dma_wait3A_102] : memref<16x80x128xi32, #tpu.memory_space<hbm>> -> memref<1x80x128xi32, #tpu.memory_space<hbm>>
        %dma_wait3A_104 = tpu.memref_squeeze %dma_wait3A_103 : memref<1x80x128xi32, #tpu.memory_space<hbm>> -> memref<80x128xi32, #tpu.memory_space<hbm>>
        %dma_wait3A_105 = arith.constant 40 : i32
        %dma_wait3A_106 = arith.constant 0 : i32
        %dma_wait3A_107 = tpu.memref_slice %dma_wait3A_104[%dma_wait3A_105, %dma_wait3A_106] : memref<80x128xi32, #tpu.memory_space<hbm>> -> memref<40x128xi32, #tpu.memory_space<hbm>>
        tpu.wait_dma2 semaphore(%run_scoped3A : memref<!tpu.dma_semaphore, #tpu.memory_space<semaphore_mem>>) src(%dma_wait3A_107 : memref<40x128xi32, #tpu.memory_space<hbm>>) dst(%arg9 : memref<40x128xi32, #tpu.memory_space<vmem>>)
        tpu.yield
      }) : () -> ()
      "tpu.region"() ({
        %run_scoped3A = tpu.sem_alloc : memref<!tpu.dma_semaphore, #tpu.memory_space<semaphore_mem>>
        %dma_start3A_80 = arith.constant 0 : i32
        %dma_start3A_81 = arith.constant 0 : i32
        %dma_start3A_82 = tpu.memref_slice %arg3[%arg1, %dma_start3A_80, %dma_start3A_81] : memref<16x80x128xi32, #tpu.memory_space<hbm>> -> memref<1x80x128xi32, #tpu.memory_space<hbm>>
        %dma_start3A_83 = tpu.memref_squeeze %dma_start3A_82 : memref<1x80x128xi32, #tpu.memory_space<hbm>> -> memref<80x128xi32, #tpu.memory_space<hbm>>
        %dma_start3A_84 = arith.constant 40 : i32
        %dma_start3A_85 = arith.constant 0 : i32
        %dma_start3A_86 = tpu.memref_slice %dma_start3A_83[%dma_start3A_84, %dma_start3A_85] : memref<80x128xi32, #tpu.memory_space<hbm>> -> memref<40x128xi32, #tpu.memory_space<hbm>>
        %dma_start3A_87 = arith.constant 0 : i32
        %dma_start3A_88 = arith.constant 0 : i32
        %dma_start3A_89 = tpu.memref_slice %arg3[%arg1, %dma_start3A_87, %dma_start3A_88] : memref<16x80x128xi32, #tpu.memory_space<hbm>> -> memref<1x80x128xi32, #tpu.memory_space<hbm>>
        %dma_start3A_90 = tpu.memref_squeeze %dma_start3A_89 : memref<1x80x128xi32, #tpu.memory_space<hbm>> -> memref<80x128xi32, #tpu.memory_space<hbm>>
        %dma_start3A_91 = arith.constant 40 : i32
        %dma_start3A_92 = arith.constant 0 : i32
        %dma_start3A_93 = tpu.memref_slice %dma_start3A_90[%dma_start3A_91, %dma_start3A_92] : memref<80x128xi32, #tpu.memory_space<hbm>> -> memref<40x128xi32, #tpu.memory_space<hbm>>
        tpu.enqueue_dma source(%dma_start3A_93 : memref<40x128xi32, #tpu.memory_space<hbm>>) target(%arg10 : memref<40x128xi32, #tpu.memory_space<vmem>>) target_semaphore(%run_scoped3A : memref<!tpu.dma_semaphore, #tpu.memory_space<semaphore_mem>>)
        %dma_wait3A_94 = arith.constant 0 : i32
        %dma_wait3A_95 = arith.constant 0 : i32
        %dma_wait3A_96 = tpu.memref_slice %arg3[%arg1, %dma_wait3A_94, %dma_wait3A_95] : memref<16x80x128xi32, #tpu.memory_space<hbm>> -> memref<1x80x128xi32, #tpu.memory_space<hbm>>
        %dma_wait3A_97 = tpu.memref_squeeze %dma_wait3A_96 : memref<1x80x128xi32, #tpu.memory_space<hbm>> -> memref<80x128xi32, #tpu.memory_space<hbm>>
        %dma_wait3A_98 = arith.constant 40 : i32
        %dma_wait3A_99 = arith.constant 0 : i32
        %dma_wait3A_100 = tpu.memref_slice %dma_wait3A_97[%dma_wait3A_98, %dma_wait3A_99] : memref<80x128xi32, #tpu.memory_space<hbm>> -> memref<40x128xi32, #tpu.memory_space<hbm>>
        %dma_wait3A_101 = arith.constant 0 : i32
        %dma_wait3A_102 = arith.constant 0 : i32
        %dma_wait3A_103 = tpu.memref_slice %arg3[%arg1, %dma_wait3A_101, %dma_wait3A_102] : memref<16x80x128xi32, #tpu.memory_space<hbm>> -> memref<1x80x128xi32, #tpu.memory_space<hbm>>
        %dma_wait3A_104 = tpu.memref_squeeze %dma_wait3A_103 : memref<1x80x128xi32, #tpu.memory_space<hbm>> -> memref<80x128xi32, #tpu.memory_space<hbm>>
        %dma_wait3A_105 = arith.constant 40 : i32
        %dma_wait3A_106 = arith.constant 0 : i32
        %dma_wait3A_107 = tpu.memref_slice %dma_wait3A_104[%dma_wait3A_105, %dma_wait3A_106] : memref<80x128xi32, #tpu.memory_space<hbm>> -> memref<40x128xi32, #tpu.memory_space<hbm>>
        tpu.wait_dma2 semaphore(%run_scoped3A : memref<!tpu.dma_semaphore, #tpu.memory_space<semaphore_mem>>) src(%dma_wait3A_107 : memref<40x128xi32, #tpu.memory_space<hbm>>) dst(%arg10 : memref<40x128xi32, #tpu.memory_space<vmem>>)
        tpu.yield
      }) : () -> ()
      %dma_start3A_48 = arith.constant 0 : i32
      %dma_start3A_49 = arith.constant 0 : i32
      %dma_start3A_50 = tpu.memref_slice %arg9[%dma_start3A_48, %dma_start3A_49] : memref<40x128xi32, #tpu.memory_space<vmem>> -> memref<1x128xi32, #tpu.memory_space<vmem>>
      %dma_start3A_51 = tpu.memref_squeeze %dma_start3A_50 : memref<1x128xi32, #tpu.memory_space<vmem>> -> memref<128xi32, #tpu.memory_space<vmem>>
      %dma_start3A_52 = arith.constant 0 : i32
      %dma_start3A_53 = arith.constant 0 : i32
      %dma_start3A_54 = tpu.memref_slice %arg4[%dma_start3A_52, %dma_start3A_53] : memref<10000x128xf32, #tpu.memory_space<hbm>> -> memref<10000x128xf32, #tpu.memory_space<hbm>>
      tpu.enqueue_indirect_dma source(%dma_start3A_54 : memref<10000x128xf32, #tpu.memory_space<hbm>>) target(%arg11 : memref<128x128xf32, #tpu.memory_space<vmem>>) offsets(%dma_start3A_51 : memref<128xi32, #tpu.memory_space<vmem>>) semaphore(%arg13 : memref<!tpu.dma_semaphore, #tpu.memory_space<semaphore_mem>>)
      %dma_start3A_55 = arith.constant 1 : i32
      %dma_start3A_56 = arith.constant 0 : i32
      %dma_start3A_57 = tpu.memref_slice %arg9[%dma_start3A_55, %dma_start3A_56] : memref<40x128xi32, #tpu.memory_space<vmem>> -> memref<1x128xi32, #tpu.memory_space<vmem>>
      %dma_start3A_58 = tpu.memref_squeeze %dma_start3A_57 : memref<1x128xi32, #tpu.memory_space<vmem>> -> memref<128xi32, #tpu.memory_space<vmem>>
      %dma_start3A_59 = arith.constant 0 : i32
      %dma_start3A_60 = arith.constant 0 : i32
      %dma_start3A_61 = tpu.memref_slice %arg4[%dma_start3A_59, %dma_start3A_60] : memref<10000x128xf32, #tpu.memory_space<hbm>> -> memref<10000x128xf32, #tpu.memory_space<hbm>>
      tpu.enqueue_indirect_dma source(%dma_start3A_61 : memref<10000x128xf32, #tpu.memory_space<hbm>>) target(%arg12 : memref<128x128xf32, #tpu.memory_space<vmem>>) offsets(%dma_start3A_58 : memref<128xi32, #tpu.memory_space<vmem>>) semaphore(%arg14 : memref<!tpu.dma_semaphore, #tpu.memory_space<semaphore_mem>>)
      %scan3A_62 = arith.constant 0 : i32
      %scan3A_63 = arith.constant 0 : i32
      %scan3A_64 = arith.constant 20 : i32
      %scan3A_65 = arith.addi %scan3A_63, %scan3A_64 : i32
      %scan3A_66 = arith.constant 1 : i32
      scf.for %scan3A_80 = %scan3A_63 to %scan3A_65 step %scan3A_66  : i32 {
        %mul3A_81 = arith.constant 2 : i32
        %mul3A_82 = arith.muli %scan3A_80, %mul3A_81 : i32
        %add3A = arith.constant 0 : i32
        %add3A_83 = arith.addi %mul3A_82, %add3A : i32
        %dma_wait3A_84 = arith.constant 0 : i32
        %dma_wait3A_85 = arith.constant 0 : i32
        %dma_wait3A_86 = tpu.memref_slice %arg4[%dma_wait3A_84, %dma_wait3A_85] : memref<10000x128xf32, #tpu.memory_space<hbm>> -> memref<128x128xf32, #tpu.memory_space<hbm>>
        %dma_wait3A_87 = arith.constant 0 : i32
        %dma_wait3A_88 = arith.constant 0 : i32
        %dma_wait3A_89 = tpu.memref_slice %arg4[%dma_wait3A_87, %dma_wait3A_88] : memref<10000x128xf32, #tpu.memory_space<hbm>> -> memref<128x128xf32, #tpu.memory_space<hbm>>
        tpu.wait_dma2 semaphore(%arg13 : memref<!tpu.dma_semaphore, #tpu.memory_space<semaphore_mem>>) src(%dma_wait3A_89 : memref<128x128xf32, #tpu.memory_space<hbm>>) dst(%arg11 : memref<128x128xf32, #tpu.memory_space<vmem>>)
        %dma_start3A_90 = arith.constant 0 : i32
        %dma_start3A_91 = tpu.memref_slice %arg10[%add3A_83, %dma_start3A_90] : memref<40x128xi32, #tpu.memory_space<vmem>> -> memref<1x128xi32, #tpu.memory_space<vmem>>
        %dma_start3A_92 = tpu.memref_squeeze %dma_start3A_91 : memref<1x128xi32, #tpu.memory_space<vmem>> -> memref<128xi32, #tpu.memory_space<vmem>>
        %dma_start3A_93 = arith.constant 0 : i32
        %dma_start3A_94 = arith.constant 0 : i32
        %dma_start3A_95 = tpu.memref_slice %arg17[%dma_start3A_93, %dma_start3A_94] : memref<10240x128xf32, #tpu.memory_space<vmem_shared>> -> memref<10240x128xf32, #tpu.memory_space<vmem_shared>>
        tpu.enqueue_indirect_dma source(%arg11 : memref<128x128xf32, #tpu.memory_space<vmem>>) target(%dma_start3A_95 : memref<10240x128xf32, #tpu.memory_space<vmem_shared>>) offsets(%dma_start3A_92 : memref<128xi32, #tpu.memory_space<vmem>>) semaphore(%arg15 : memref<!tpu.dma_semaphore, #tpu.memory_space<semaphore_mem>>) {add = true}
        %add3A_96 = arith.constant 2 : i32
        %add3A_97 = arith.addi %add3A_83, %add3A_96 : i32
        %lt3A = arith.constant 40 : i32
        %lt3A_98 = arith.cmpi slt, %add3A_97, %lt3A : i32
        %convert_element_type3A_99 = arith.extui %lt3A_98 : i1 to i32
        %cond3A_100 = arith.constant 0 : i32
        %cond3A_101 = arith.cmpi ne, %convert_element_type3A_99, %cond3A_100 : i32
        scf.if %cond3A_101 {
          %dma_wait3A_123 = arith.constant 0 : i32
          %dma_wait3A_124 = arith.constant 0 : i32
          %dma_wait3A_125 = tpu.memref_slice %arg17[%dma_wait3A_123, %dma_wait3A_124] : memref<10240x128xf32, #tpu.memory_space<vmem_shared>> -> memref<128x128xf32, #tpu.memory_space<vmem_shared>>
          %dma_wait3A_126 = arith.constant 0 : i32
          %dma_wait3A_127 = arith.constant 0 : i32
          %dma_wait3A_128 = tpu.memref_slice %arg17[%dma_wait3A_126, %dma_wait3A_127] : memref<10240x128xf32, #tpu.memory_space<vmem_shared>> -> memref<128x128xf32, #tpu.memory_space<vmem_shared>>
          tpu.wait_dma2 semaphore(%arg15 : memref<!tpu.dma_semaphore, #tpu.memory_space<semaphore_mem>>) src(%arg11 : memref<128x128xf32, #tpu.memory_space<vmem>>) dst(%dma_wait3A_128 : memref<128x128xf32, #tpu.memory_space<vmem_shared>>)
          %add3A_129 = arith.constant 2 : i32
          %add3A_130 = arith.addi %add3A_83, %add3A_129 : i32
          %dma_start3A_131 = arith.constant 0 : i32
          %dma_start3A_132 = tpu.memref_slice %arg9[%add3A_130, %dma_start3A_131] : memref<40x128xi32, #tpu.memory_space<vmem>> -> memref<1x128xi32, #tpu.memory_space<vmem>>
          %dma_start3A_133 = tpu.memref_squeeze %dma_start3A_132 : memref<1x128xi32, #tpu.memory_space<vmem>> -> memref<128xi32, #tpu.memory_space<vmem>>
          %dma_start3A_134 = arith.constant 0 : i32
          %dma_start3A_135 = arith.constant 0 : i32
          %dma_start3A_136 = tpu.memref_slice %arg4[%dma_start3A_134, %dma_start3A_135] : memref<10000x128xf32, #tpu.memory_space<hbm>> -> memref<10000x128xf32, #tpu.memory_space<hbm>>
          tpu.enqueue_indirect_dma source(%dma_start3A_136 : memref<10000x128xf32, #tpu.memory_space<hbm>>) target(%arg11 : memref<128x128xf32, #tpu.memory_space<vmem>>) offsets(%dma_start3A_133 : memref<128xi32, #tpu.memory_space<vmem>>) semaphore(%arg13 : memref<!tpu.dma_semaphore, #tpu.memory_space<semaphore_mem>>)
        } else {
        }
        %add3A_102 = arith.constant 1 : i32
        %add3A_103 = arith.addi %mul3A_82, %add3A_102 : i32
        %dma_wait3A_104 = arith.constant 0 : i32
        %dma_wait3A_105 = arith.constant 0 : i32
        %dma_wait3A_106 = tpu.memref_slice %arg4[%dma_wait3A_104, %dma_wait3A_105] : memref<10000x128xf32, #tpu.memory_space<hbm>> -> memref<128x128xf32, #tpu.memory_space<hbm>>
        %dma_wait3A_107 = arith.constant 0 : i32
        %dma_wait3A_108 = arith.constant 0 : i32
        %dma_wait3A_109 = tpu.memref_slice %arg4[%dma_wait3A_107, %dma_wait3A_108] : memref<10000x128xf32, #tpu.memory_space<hbm>> -> memref<128x128xf32, #tpu.memory_space<hbm>>
        tpu.wait_dma2 semaphore(%arg14 : memref<!tpu.dma_semaphore, #tpu.memory_space<semaphore_mem>>) src(%dma_wait3A_109 : memref<128x128xf32, #tpu.memory_space<hbm>>) dst(%arg12 : memref<128x128xf32, #tpu.memory_space<vmem>>)
        %dma_start3A_110 = arith.constant 0 : i32
        %dma_start3A_111 = tpu.memref_slice %arg10[%add3A_103, %dma_start3A_110] : memref<40x128xi32, #tpu.memory_space<vmem>> -> memref<1x128xi32, #tpu.memory_space<vmem>>
        %dma_start3A_112 = tpu.memref_squeeze %dma_start3A_111 : memref<1x128xi32, #tpu.memory_space<vmem>> -> memref<128xi32, #tpu.memory_space<vmem>>
        %dma_start3A_113 = arith.constant 0 : i32
        %dma_start3A_114 = arith.constant 0 : i32
        %dma_start3A_115 = tpu.memref_slice %arg17[%dma_start3A_113, %dma_start3A_114] : memref<10240x128xf32, #tpu.memory_space<vmem_shared>> -> memref<10240x128xf32, #tpu.memory_space<vmem_shared>>
        tpu.enqueue_indirect_dma source(%arg12 : memref<128x128xf32, #tpu.memory_space<vmem>>) target(%dma_start3A_115 : memref<10240x128xf32, #tpu.memory_space<vmem_shared>>) offsets(%dma_start3A_112 : memref<128xi32, #tpu.memory_space<vmem>>) semaphore(%arg16 : memref<!tpu.dma_semaphore, #tpu.memory_space<semaphore_mem>>) {add = true}
        %add3A_116 = arith.constant 2 : i32
        %add3A_117 = arith.addi %add3A_103, %add3A_116 : i32
        %lt3A_118 = arith.constant 40 : i32
        %lt3A_119 = arith.cmpi slt, %add3A_117, %lt3A_118 : i32
        %convert_element_type3A_120 = arith.extui %lt3A_119 : i1 to i32
        %cond3A_121 = arith.constant 0 : i32
        %cond3A_122 = arith.cmpi ne, %convert_element_type3A_120, %cond3A_121 : i32
        scf.if %cond3A_122 {
          %dma_wait3A_123 = arith.constant 0 : i32
          %dma_wait3A_124 = arith.constant 0 : i32
          %dma_wait3A_125 = tpu.memref_slice %arg17[%dma_wait3A_123, %dma_wait3A_124] : memref<10240x128xf32, #tpu.memory_space<vmem_shared>> -> memref<128x128xf32, #tpu.memory_space<vmem_shared>>
          %dma_wait3A_126 = arith.constant 0 : i32
          %dma_wait3A_127 = arith.constant 0 : i32
          %dma_wait3A_128 = tpu.memref_slice %arg17[%dma_wait3A_126, %dma_wait3A_127] : memref<10240x128xf32, #tpu.memory_space<vmem_shared>> -> memref<128x128xf32, #tpu.memory_space<vmem_shared>>
          tpu.wait_dma2 semaphore(%arg16 : memref<!tpu.dma_semaphore, #tpu.memory_space<semaphore_mem>>) src(%arg12 : memref<128x128xf32, #tpu.memory_space<vmem>>) dst(%dma_wait3A_128 : memref<128x128xf32, #tpu.memory_space<vmem_shared>>)
          %add3A_129 = arith.constant 2 : i32
          %add3A_130 = arith.addi %add3A_103, %add3A_129 : i32
          %dma_start3A_131 = arith.constant 0 : i32
          %dma_start3A_132 = tpu.memref_slice %arg9[%add3A_130, %dma_start3A_131] : memref<40x128xi32, #tpu.memory_space<vmem>> -> memref<1x128xi32, #tpu.memory_space<vmem>>
          %dma_start3A_133 = tpu.memref_squeeze %dma_start3A_132 : memref<1x128xi32, #tpu.memory_space<vmem>> -> memref<128xi32, #tpu.memory_space<vmem>>
          %dma_start3A_134 = arith.constant 0 : i32
          %dma_start3A_135 = arith.constant 0 : i32
          %dma_start3A_136 = tpu.memref_slice %arg4[%dma_start3A_134, %dma_start3A_135] : memref<10000x128xf32, #tpu.memory_space<hbm>> -> memref<10000x128xf32, #tpu.memory_space<hbm>>
          tpu.enqueue_indirect_dma source(%dma_start3A_136 : memref<10000x128xf32, #tpu.memory_space<hbm>>) target(%arg12 : memref<128x128xf32, #tpu.memory_space<vmem>>) offsets(%dma_start3A_133 : memref<128xi32, #tpu.memory_space<vmem>>) semaphore(%arg14 : memref<!tpu.dma_semaphore, #tpu.memory_space<semaphore_mem>>)
        } else {
        }
      }
      %scan3A_67 = arith.constant 20 : i32
      %dma_wait3A_68 = arith.constant 0 : i32
      %dma_wait3A_69 = arith.constant 0 : i32
      %dma_wait3A_70 = tpu.memref_slice %arg17[%dma_wait3A_68, %dma_wait3A_69] : memref<10240x128xf32, #tpu.memory_space<vmem_shared>> -> memref<128x128xf32, #tpu.memory_space<vmem_shared>>
      %dma_wait3A_71 = arith.constant 0 : i32
      %dma_wait3A_72 = arith.constant 0 : i32
      %dma_wait3A_73 = tpu.memref_slice %arg17[%dma_wait3A_71, %dma_wait3A_72] : memref<10240x128xf32, #tpu.memory_space<vmem_shared>> -> memref<128x128xf32, #tpu.memory_space<vmem_shared>>
      tpu.wait_dma2 semaphore(%arg15 : memref<!tpu.dma_semaphore, #tpu.memory_space<semaphore_mem>>) src(%arg11 : memref<128x128xf32, #tpu.memory_space<vmem>>) dst(%dma_wait3A_73 : memref<128x128xf32, #tpu.memory_space<vmem_shared>>)
      %dma_wait3A_74 = arith.constant 0 : i32
      %dma_wait3A_75 = arith.constant 0 : i32
      %dma_wait3A_76 = tpu.memref_slice %arg17[%dma_wait3A_74, %dma_wait3A_75] : memref<10240x128xf32, #tpu.memory_space<vmem_shared>> -> memref<128x128xf32, #tpu.memory_space<vmem_shared>>
      %dma_wait3A_77 = arith.constant 0 : i32
      %dma_wait3A_78 = arith.constant 0 : i32
      %dma_wait3A_79 = tpu.memref_slice %arg17[%dma_wait3A_77, %dma_wait3A_78] : memref<10240x128xf32, #tpu.memory_space<vmem_shared>> -> memref<128x128xf32, #tpu.memory_space<vmem_shared>>
      tpu.wait_dma2 semaphore(%arg16 : memref<!tpu.dma_semaphore, #tpu.memory_space<semaphore_mem>>) src(%arg12 : memref<128x128xf32, #tpu.memory_space<vmem>>) dst(%dma_wait3A_79 : memref<128x128xf32, #tpu.memory_space<vmem_shared>>)
    } else {
    }
    %eq3A_3 = arith.constant 1 : i32
    %eq3A_4 = arith.cmpi eq, %arg0, %eq3A_3 : i32
    %convert_element_type3A_5 = arith.extui %eq3A_4 : i1 to i32
    %cond3A_6 = arith.constant 0 : i32
    %cond3A_7 = arith.cmpi ne, %convert_element_type3A_5, %cond3A_6 : i32
    scf.if %cond3A_7 {
      "tpu.region"() ({
        %run_scoped3A = tpu.sem_alloc : memref<!tpu.dma_semaphore, #tpu.memory_space<semaphore_mem>>
        %dma_start3A_80 = arith.constant 0 : i32
        %dma_start3A_81 = arith.constant 0 : i32
        %dma_start3A_82 = tpu.memref_slice %arg2[%arg1, %dma_start3A_80, %dma_start3A_81] : memref<16x80x128xi32, #tpu.memory_space<hbm>> -> memref<1x80x128xi32, #tpu.memory_space<hbm>>
        %dma_start3A_83 = tpu.memref_squeeze %dma_start3A_82 : memref<1x80x128xi32, #tpu.memory_space<hbm>> -> memref<80x128xi32, #tpu.memory_space<hbm>>
        %dma_start3A_84 = arith.constant 0 : i32
        %dma_start3A_85 = arith.constant 0 : i32
        %dma_start3A_86 = tpu.memref_slice %dma_start3A_83[%dma_start3A_84, %dma_start3A_85] : memref<80x128xi32, #tpu.memory_space<hbm>> -> memref<40x128xi32, #tpu.memory_space<hbm>>
        %dma_start3A_87 = arith.constant 0 : i32
        %dma_start3A_88 = arith.constant 0 : i32
        %dma_start3A_89 = tpu.memref_slice %arg2[%arg1, %dma_start3A_87, %dma_start3A_88] : memref<16x80x128xi32, #tpu.memory_space<hbm>> -> memref<1x80x128xi32, #tpu.memory_space<hbm>>
        %dma_start3A_90 = tpu.memref_squeeze %dma_start3A_89 : memref<1x80x128xi32, #tpu.memory_space<hbm>> -> memref<80x128xi32, #tpu.memory_space<hbm>>
        %dma_start3A_91 = arith.constant 0 : i32
        %dma_start3A_92 = arith.constant 0 : i32
        %dma_start3A_93 = tpu.memref_slice %dma_start3A_90[%dma_start3A_91, %dma_start3A_92] : memref<80x128xi32, #tpu.memory_space<hbm>> -> memref<40x128xi32, #tpu.memory_space<hbm>>
        tpu.enqueue_dma source(%dma_start3A_93 : memref<40x128xi32, #tpu.memory_space<hbm>>) target(%arg9 : memref<40x128xi32, #tpu.memory_space<vmem>>) target_semaphore(%run_scoped3A : memref<!tpu.dma_semaphore, #tpu.memory_space<semaphore_mem>>)
        %dma_wait3A_94 = arith.constant 0 : i32
        %dma_wait3A_95 = arith.constant 0 : i32
        %dma_wait3A_96 = tpu.memref_slice %arg2[%arg1, %dma_wait3A_94, %dma_wait3A_95] : memref<16x80x128xi32, #tpu.memory_space<hbm>> -> memref<1x80x128xi32, #tpu.memory_space<hbm>>
        %dma_wait3A_97 = tpu.memref_squeeze %dma_wait3A_96 : memref<1x80x128xi32, #tpu.memory_space<hbm>> -> memref<80x128xi32, #tpu.memory_space<hbm>>
        %dma_wait3A_98 = arith.constant 0 : i32
        %dma_wait3A_99 = arith.constant 0 : i32
        %dma_wait3A_100 = tpu.memref_slice %dma_wait3A_97[%dma_wait3A_98, %dma_wait3A_99] : memref<80x128xi32, #tpu.memory_space<hbm>> -> memref<40x128xi32, #tpu.memory_space<hbm>>
        %dma_wait3A_101 = arith.constant 0 : i32
        %dma_wait3A_102 = arith.constant 0 : i32
        %dma_wait3A_103 = tpu.memref_slice %arg2[%arg1, %dma_wait3A_101, %dma_wait3A_102] : memref<16x80x128xi32, #tpu.memory_space<hbm>> -> memref<1x80x128xi32, #tpu.memory_space<hbm>>
        %dma_wait3A_104 = tpu.memref_squeeze %dma_wait3A_103 : memref<1x80x128xi32, #tpu.memory_space<hbm>> -> memref<80x128xi32, #tpu.memory_space<hbm>>
        %dma_wait3A_105 = arith.constant 0 : i32
        %dma_wait3A_106 = arith.constant 0 : i32
        %dma_wait3A_107 = tpu.memref_slice %dma_wait3A_104[%dma_wait3A_105, %dma_wait3A_106] : memref<80x128xi32, #tpu.memory_space<hbm>> -> memref<40x128xi32, #tpu.memory_space<hbm>>
        tpu.wait_dma2 semaphore(%run_scoped3A : memref<!tpu.dma_semaphore, #tpu.memory_space<semaphore_mem>>) src(%dma_wait3A_107 : memref<40x128xi32, #tpu.memory_space<hbm>>) dst(%arg9 : memref<40x128xi32, #tpu.memory_space<vmem>>)
        tpu.yield
      }) : () -> ()
      "tpu.region"() ({
        %run_scoped3A = tpu.sem_alloc : memref<!tpu.dma_semaphore, #tpu.memory_space<semaphore_mem>>
        %dma_start3A_80 = arith.constant 0 : i32
        %dma_start3A_81 = arith.constant 0 : i32
        %dma_start3A_82 = tpu.memref_slice %arg3[%arg1, %dma_start3A_80, %dma_start3A_81] : memref<16x80x128xi32, #tpu.memory_space<hbm>> -> memref<1x80x128xi32, #tpu.memory_space<hbm>>
        %dma_start3A_83 = tpu.memref_squeeze %dma_start3A_82 : memref<1x80x128xi32, #tpu.memory_space<hbm>> -> memref<80x128xi32, #tpu.memory_space<hbm>>
        %dma_start3A_84 = arith.constant 0 : i32
        %dma_start3A_85 = arith.constant 0 : i32
        %dma_start3A_86 = tpu.memref_slice %dma_start3A_83[%dma_start3A_84, %dma_start3A_85] : memref<80x128xi32, #tpu.memory_space<hbm>> -> memref<40x128xi32, #tpu.memory_space<hbm>>
        %dma_start3A_87 = arith.constant 0 : i32
        %dma_start3A_88 = arith.constant 0 : i32
        %dma_start3A_89 = tpu.memref_slice %arg3[%arg1, %dma_start3A_87, %dma_start3A_88] : memref<16x80x128xi32, #tpu.memory_space<hbm>> -> memref<1x80x128xi32, #tpu.memory_space<hbm>>
        %dma_start3A_90 = tpu.memref_squeeze %dma_start3A_89 : memref<1x80x128xi32, #tpu.memory_space<hbm>> -> memref<80x128xi32, #tpu.memory_space<hbm>>
        %dma_start3A_91 = arith.constant 0 : i32
        %dma_start3A_92 = arith.constant 0 : i32
        %dma_start3A_93 = tpu.memref_slice %dma_start3A_90[%dma_start3A_91, %dma_start3A_92] : memref<80x128xi32, #tpu.memory_space<hbm>> -> memref<40x128xi32, #tpu.memory_space<hbm>>
        tpu.enqueue_dma source(%dma_start3A_93 : memref<40x128xi32, #tpu.memory_space<hbm>>) target(%arg10 : memref<40x128xi32, #tpu.memory_space<vmem>>) target_semaphore(%run_scoped3A : memref<!tpu.dma_semaphore, #tpu.memory_space<semaphore_mem>>)
        %dma_wait3A_94 = arith.constant 0 : i32
        %dma_wait3A_95 = arith.constant 0 : i32
        %dma_wait3A_96 = tpu.memref_slice %arg3[%arg1, %dma_wait3A_94, %dma_wait3A_95] : memref<16x80x128xi32, #tpu.memory_space<hbm>> -> memref<1x80x128xi32, #tpu.memory_space<hbm>>
        %dma_wait3A_97 = tpu.memref_squeeze %dma_wait3A_96 : memref<1x80x128xi32, #tpu.memory_space<hbm>> -> memref<80x128xi32, #tpu.memory_space<hbm>>
        %dma_wait3A_98 = arith.constant 0 : i32
        %dma_wait3A_99 = arith.constant 0 : i32
        %dma_wait3A_100 = tpu.memref_slice %dma_wait3A_97[%dma_wait3A_98, %dma_wait3A_99] : memref<80x128xi32, #tpu.memory_space<hbm>> -> memref<40x128xi32, #tpu.memory_space<hbm>>
        %dma_wait3A_101 = arith.constant 0 : i32
        %dma_wait3A_102 = arith.constant 0 : i32
        %dma_wait3A_103 = tpu.memref_slice %arg3[%arg1, %dma_wait3A_101, %dma_wait3A_102] : memref<16x80x128xi32, #tpu.memory_space<hbm>> -> memref<1x80x128xi32, #tpu.memory_space<hbm>>
        %dma_wait3A_104 = tpu.memref_squeeze %dma_wait3A_103 : memref<1x80x128xi32, #tpu.memory_space<hbm>> -> memref<80x128xi32, #tpu.memory_space<hbm>>
        %dma_wait3A_105 = arith.constant 0 : i32
        %dma_wait3A_106 = arith.constant 0 : i32
        %dma_wait3A_107 = tpu.memref_slice %dma_wait3A_104[%dma_wait3A_105, %dma_wait3A_106] : memref<80x128xi32, #tpu.memory_space<hbm>> -> memref<40x128xi32, #tpu.memory_space<hbm>>
        tpu.wait_dma2 semaphore(%run_scoped3A : memref<!tpu.dma_semaphore, #tpu.memory_space<semaphore_mem>>) src(%dma_wait3A_107 : memref<40x128xi32, #tpu.memory_space<hbm>>) dst(%arg10 : memref<40x128xi32, #tpu.memory_space<vmem>>)
        tpu.yield
      }) : () -> ()
      %dma_start3A = arith.constant 0 : i32
      %dma_start3A_19 = arith.constant 0 : i32
      %dma_start3A_20 = tpu.memref_slice %arg9[%dma_start3A, %dma_start3A_19] : memref<40x128xi32, #tpu.memory_space<vmem>> -> memref<1x128xi32, #tpu.memory_space<vmem>>
      %dma_start3A_21 = tpu.memref_squeeze %dma_start3A_20 : memref<1x128xi32, #tpu.memory_space<vmem>> -> memref<128xi32, #tpu.memory_space<vmem>>
      %dma_start3A_22 = arith.constant 0 : i32
      %dma_start3A_23 = arith.constant 0 : i32
      %dma_start3A_24 = tpu.memref_slice %arg5[%dma_start3A_22, %dma_start3A_23] : memref<10000x128xf32, #tpu.memory_space<hbm>> -> memref<10000x128xf32, #tpu.memory_space<hbm>>
      tpu.enqueue_indirect_dma source(%dma_start3A_24 : memref<10000x128xf32, #tpu.memory_space<hbm>>) target(%arg11 : memref<128x128xf32, #tpu.memory_space<vmem>>) offsets(%dma_start3A_21 : memref<128xi32, #tpu.memory_space<vmem>>) semaphore(%arg13 : memref<!tpu.dma_semaphore, #tpu.memory_space<semaphore_mem>>)
      %dma_start3A_25 = arith.constant 1 : i32
      %dma_start3A_26 = arith.constant 0 : i32
      %dma_start3A_27 = tpu.memref_slice %arg9[%dma_start3A_25, %dma_start3A_26] : memref<40x128xi32, #tpu.memory_space<vmem>> -> memref<1x128xi32, #tpu.memory_space<vmem>>
      %dma_start3A_28 = tpu.memref_squeeze %dma_start3A_27 : memref<1x128xi32, #tpu.memory_space<vmem>> -> memref<128xi32, #tpu.memory_space<vmem>>
      %dma_start3A_29 = arith.constant 0 : i32
      %dma_start3A_30 = arith.constant 0 : i32
      %dma_start3A_31 = tpu.memref_slice %arg5[%dma_start3A_29, %dma_start3A_30] : memref<10000x128xf32, #tpu.memory_space<hbm>> -> memref<10000x128xf32, #tpu.memory_space<hbm>>
      tpu.enqueue_indirect_dma source(%dma_start3A_31 : memref<10000x128xf32, #tpu.memory_space<hbm>>) target(%arg12 : memref<128x128xf32, #tpu.memory_space<vmem>>) offsets(%dma_start3A_28 : memref<128xi32, #tpu.memory_space<vmem>>) semaphore(%arg14 : memref<!tpu.dma_semaphore, #tpu.memory_space<semaphore_mem>>)
      %scan3A = arith.constant 0 : i32
      %scan3A_32 = arith.constant 0 : i32
      %scan3A_33 = arith.constant 20 : i32
      %scan3A_34 = arith.addi %scan3A_32, %scan3A_33 : i32
      %scan3A_35 = arith.constant 1 : i32
      scf.for %scan3A_80 = %scan3A_32 to %scan3A_34 step %scan3A_35  : i32 {
        %mul3A_81 = arith.constant 2 : i32
        %mul3A_82 = arith.muli %scan3A_80, %mul3A_81 : i32
        %add3A = arith.constant 0 : i32
        %add3A_83 = arith.addi %mul3A_82, %add3A : i32
        %dma_wait3A_84 = arith.constant 0 : i32
        %dma_wait3A_85 = arith.constant 0 : i32
        %dma_wait3A_86 = tpu.memref_slice %arg5[%dma_wait3A_84, %dma_wait3A_85] : memref<10000x128xf32, #tpu.memory_space<hbm>> -> memref<128x128xf32, #tpu.memory_space<hbm>>
        %dma_wait3A_87 = arith.constant 0 : i32
        %dma_wait3A_88 = arith.constant 0 : i32
        %dma_wait3A_89 = tpu.memref_slice %arg5[%dma_wait3A_87, %dma_wait3A_88] : memref<10000x128xf32, #tpu.memory_space<hbm>> -> memref<128x128xf32, #tpu.memory_space<hbm>>
        tpu.wait_dma2 semaphore(%arg13 : memref<!tpu.dma_semaphore, #tpu.memory_space<semaphore_mem>>) src(%dma_wait3A_89 : memref<128x128xf32, #tpu.memory_space<hbm>>) dst(%arg11 : memref<128x128xf32, #tpu.memory_space<vmem>>)
        %dma_start3A_90 = arith.constant 0 : i32
        %dma_start3A_91 = tpu.memref_slice %arg10[%add3A_83, %dma_start3A_90] : memref<40x128xi32, #tpu.memory_space<vmem>> -> memref<1x128xi32, #tpu.memory_space<vmem>>
        %dma_start3A_92 = tpu.memref_squeeze %dma_start3A_91 : memref<1x128xi32, #tpu.memory_space<vmem>> -> memref<128xi32, #tpu.memory_space<vmem>>
        %dma_start3A_93 = arith.constant 0 : i32
        %dma_start3A_94 = arith.constant 0 : i32
        %dma_start3A_95 = tpu.memref_slice %arg17[%dma_start3A_93, %dma_start3A_94] : memref<10240x128xf32, #tpu.memory_space<vmem_shared>> -> memref<10240x128xf32, #tpu.memory_space<vmem_shared>>
        tpu.enqueue_indirect_dma source(%arg11 : memref<128x128xf32, #tpu.memory_space<vmem>>) target(%dma_start3A_95 : memref<10240x128xf32, #tpu.memory_space<vmem_shared>>) offsets(%dma_start3A_92 : memref<128xi32, #tpu.memory_space<vmem>>) semaphore(%arg15 : memref<!tpu.dma_semaphore, #tpu.memory_space<semaphore_mem>>) {add = true}
        %add3A_96 = arith.constant 2 : i32
        %add3A_97 = arith.addi %add3A_83, %add3A_96 : i32
        %lt3A = arith.constant 40 : i32
        %lt3A_98 = arith.cmpi slt, %add3A_97, %lt3A : i32
        %convert_element_type3A_99 = arith.extui %lt3A_98 : i1 to i32
        %cond3A_100 = arith.constant 0 : i32
        %cond3A_101 = arith.cmpi ne, %convert_element_type3A_99, %cond3A_100 : i32
        scf.if %cond3A_101 {
          %dma_wait3A_123 = arith.constant 0 : i32
          %dma_wait3A_124 = arith.constant 0 : i32
          %dma_wait3A_125 = tpu.memref_slice %arg17[%dma_wait3A_123, %dma_wait3A_124] : memref<10240x128xf32, #tpu.memory_space<vmem_shared>> -> memref<128x128xf32, #tpu.memory_space<vmem_shared>>
          %dma_wait3A_126 = arith.constant 0 : i32
          %dma_wait3A_127 = arith.constant 0 : i32
          %dma_wait3A_128 = tpu.memref_slice %arg17[%dma_wait3A_126, %dma_wait3A_127] : memref<10240x128xf32, #tpu.memory_space<vmem_shared>> -> memref<128x128xf32, #tpu.memory_space<vmem_shared>>
          tpu.wait_dma2 semaphore(%arg15 : memref<!tpu.dma_semaphore, #tpu.memory_space<semaphore_mem>>) src(%arg11 : memref<128x128xf32, #tpu.memory_space<vmem>>) dst(%dma_wait3A_128 : memref<128x128xf32, #tpu.memory_space<vmem_shared>>)
          %add3A_129 = arith.constant 2 : i32
          %add3A_130 = arith.addi %add3A_83, %add3A_129 : i32
          %dma_start3A_131 = arith.constant 0 : i32
          %dma_start3A_132 = tpu.memref_slice %arg9[%add3A_130, %dma_start3A_131] : memref<40x128xi32, #tpu.memory_space<vmem>> -> memref<1x128xi32, #tpu.memory_space<vmem>>
          %dma_start3A_133 = tpu.memref_squeeze %dma_start3A_132 : memref<1x128xi32, #tpu.memory_space<vmem>> -> memref<128xi32, #tpu.memory_space<vmem>>
          %dma_start3A_134 = arith.constant 0 : i32
          %dma_start3A_135 = arith.constant 0 : i32
          %dma_start3A_136 = tpu.memref_slice %arg5[%dma_start3A_134, %dma_start3A_135] : memref<10000x128xf32, #tpu.memory_space<hbm>> -> memref<10000x128xf32, #tpu.memory_space<hbm>>
          tpu.enqueue_indirect_dma source(%dma_start3A_136 : memref<10000x128xf32, #tpu.memory_space<hbm>>) target(%arg11 : memref<128x128xf32, #tpu.memory_space<vmem>>) offsets(%dma_start3A_133 : memref<128xi32, #tpu.memory_space<vmem>>) semaphore(%arg13 : memref<!tpu.dma_semaphore, #tpu.memory_space<semaphore_mem>>)
        } else {
        }
        %add3A_102 = arith.constant 1 : i32
        %add3A_103 = arith.addi %mul3A_82, %add3A_102 : i32
        %dma_wait3A_104 = arith.constant 0 : i32
        %dma_wait3A_105 = arith.constant 0 : i32
        %dma_wait3A_106 = tpu.memref_slice %arg5[%dma_wait3A_104, %dma_wait3A_105] : memref<10000x128xf32, #tpu.memory_space<hbm>> -> memref<128x128xf32, #tpu.memory_space<hbm>>
        %dma_wait3A_107 = arith.constant 0 : i32
        %dma_wait3A_108 = arith.constant 0 : i32
        %dma_wait3A_109 = tpu.memref_slice %arg5[%dma_wait3A_107, %dma_wait3A_108] : memref<10000x128xf32, #tpu.memory_space<hbm>> -> memref<128x128xf32, #tpu.memory_space<hbm>>
        tpu.wait_dma2 semaphore(%arg14 : memref<!tpu.dma_semaphore, #tpu.memory_space<semaphore_mem>>) src(%dma_wait3A_109 : memref<128x128xf32, #tpu.memory_space<hbm>>) dst(%arg12 : memref<128x128xf32, #tpu.memory_space<vmem>>)
        %dma_start3A_110 = arith.constant 0 : i32
        %dma_start3A_111 = tpu.memref_slice %arg10[%add3A_103, %dma_start3A_110] : memref<40x128xi32, #tpu.memory_space<vmem>> -> memref<1x128xi32, #tpu.memory_space<vmem>>
        %dma_start3A_112 = tpu.memref_squeeze %dma_start3A_111 : memref<1x128xi32, #tpu.memory_space<vmem>> -> memref<128xi32, #tpu.memory_space<vmem>>
        %dma_start3A_113 = arith.constant 0 : i32
        %dma_start3A_114 = arith.constant 0 : i32
        %dma_start3A_115 = tpu.memref_slice %arg17[%dma_start3A_113, %dma_start3A_114] : memref<10240x128xf32, #tpu.memory_space<vmem_shared>> -> memref<10240x128xf32, #tpu.memory_space<vmem_shared>>
        tpu.enqueue_indirect_dma source(%arg12 : memref<128x128xf32, #tpu.memory_space<vmem>>) target(%dma_start3A_115 : memref<10240x128xf32, #tpu.memory_space<vmem_shared>>) offsets(%dma_start3A_112 : memref<128xi32, #tpu.memory_space<vmem>>) semaphore(%arg16 : memref<!tpu.dma_semaphore, #tpu.memory_space<semaphore_mem>>) {add = true}
        %add3A_116 = arith.constant 2 : i32
        %add3A_117 = arith.addi %add3A_103, %add3A_116 : i32
        %lt3A_118 = arith.constant 40 : i32
        %lt3A_119 = arith.cmpi slt, %add3A_117, %lt3A_118 : i32
        %convert_element_type3A_120 = arith.extui %lt3A_119 : i1 to i32
        %cond3A_121 = arith.constant 0 : i32
        %cond3A_122 = arith.cmpi ne, %convert_element_type3A_120, %cond3A_121 : i32
        scf.if %cond3A_122 {
          %dma_wait3A_123 = arith.constant 0 : i32
          %dma_wait3A_124 = arith.constant 0 : i32
          %dma_wait3A_125 = tpu.memref_slice %arg17[%dma_wait3A_123, %dma_wait3A_124] : memref<10240x128xf32, #tpu.memory_space<vmem_shared>> -> memref<128x128xf32, #tpu.memory_space<vmem_shared>>
          %dma_wait3A_126 = arith.constant 0 : i32
          %dma_wait3A_127 = arith.constant 0 : i32
          %dma_wait3A_128 = tpu.memref_slice %arg17[%dma_wait3A_126, %dma_wait3A_127] : memref<10240x128xf32, #tpu.memory_space<vmem_shared>> -> memref<128x128xf32, #tpu.memory_space<vmem_shared>>
          tpu.wait_dma2 semaphore(%arg16 : memref<!tpu.dma_semaphore, #tpu.memory_space<semaphore_mem>>) src(%arg12 : memref<128x128xf32, #tpu.memory_space<vmem>>) dst(%dma_wait3A_128 : memref<128x128xf32, #tpu.memory_space<vmem_shared>>)
          %add3A_129 = arith.constant 2 : i32
          %add3A_130 = arith.addi %add3A_103, %add3A_129 : i32
          %dma_start3A_131 = arith.constant 0 : i32
          %dma_start3A_132 = tpu.memref_slice %arg9[%add3A_130, %dma_start3A_131] : memref<40x128xi32, #tpu.memory_space<vmem>> -> memref<1x128xi32, #tpu.memory_space<vmem>>
          %dma_start3A_133 = tpu.memref_squeeze %dma_start3A_132 : memref<1x128xi32, #tpu.memory_space<vmem>> -> memref<128xi32, #tpu.memory_space<vmem>>
          %dma_start3A_134 = arith.constant 0 : i32
          %dma_start3A_135 = arith.constant 0 : i32
          %dma_start3A_136 = tpu.memref_slice %arg5[%dma_start3A_134, %dma_start3A_135] : memref<10000x128xf32, #tpu.memory_space<hbm>> -> memref<10000x128xf32, #tpu.memory_space<hbm>>
          tpu.enqueue_indirect_dma source(%dma_start3A_136 : memref<10000x128xf32, #tpu.memory_space<hbm>>) target(%arg12 : memref<128x128xf32, #tpu.memory_space<vmem>>) offsets(%dma_start3A_133 : memref<128xi32, #tpu.memory_space<vmem>>) semaphore(%arg14 : memref<!tpu.dma_semaphore, #tpu.memory_space<semaphore_mem>>)
        } else {
        }
      }
      %scan3A_36 = arith.constant 20 : i32
      %dma_wait3A = arith.constant 0 : i32
      %dma_wait3A_37 = arith.constant 0 : i32
      %dma_wait3A_38 = tpu.memref_slice %arg17[%dma_wait3A, %dma_wait3A_37] : memref<10240x128xf32, #tpu.memory_space<vmem_shared>> -> memref<128x128xf32, #tpu.memory_space<vmem_shared>>
      %dma_wait3A_39 = arith.constant 0 : i32
      %dma_wait3A_40 = arith.constant 0 : i32
      %dma_wait3A_41 = tpu.memref_slice %arg17[%dma_wait3A_39, %dma_wait3A_40] : memref<10240x128xf32, #tpu.memory_space<vmem_shared>> -> memref<128x128xf32, #tpu.memory_space<vmem_shared>>
      tpu.wait_dma2 semaphore(%arg15 : memref<!tpu.dma_semaphore, #tpu.memory_space<semaphore_mem>>) src(%arg11 : memref<128x128xf32, #tpu.memory_space<vmem>>) dst(%dma_wait3A_41 : memref<128x128xf32, #tpu.memory_space<vmem_shared>>)
      %dma_wait3A_42 = arith.constant 0 : i32
      %dma_wait3A_43 = arith.constant 0 : i32
      %dma_wait3A_44 = tpu.memref_slice %arg17[%dma_wait3A_42, %dma_wait3A_43] : memref<10240x128xf32, #tpu.memory_space<vmem_shared>> -> memref<128x128xf32, #tpu.memory_space<vmem_shared>>
      %dma_wait3A_45 = arith.constant 0 : i32
      %dma_wait3A_46 = arith.constant 0 : i32
      %dma_wait3A_47 = tpu.memref_slice %arg17[%dma_wait3A_45, %dma_wait3A_46] : memref<10240x128xf32, #tpu.memory_space<vmem_shared>> -> memref<128x128xf32, #tpu.memory_space<vmem_shared>>
      tpu.wait_dma2 semaphore(%arg16 : memref<!tpu.dma_semaphore, #tpu.memory_space<semaphore_mem>>) src(%arg12 : memref<128x128xf32, #tpu.memory_space<vmem>>) dst(%dma_wait3A_47 : memref<128x128xf32, #tpu.memory_space<vmem_shared>>)
      "tpu.region"() ({
        %run_scoped3A = tpu.sem_alloc : memref<!tpu.dma_semaphore, #tpu.memory_space<semaphore_mem>>
        %dma_start3A_80 = arith.constant 0 : i32
        %dma_start3A_81 = arith.constant 0 : i32
        %dma_start3A_82 = tpu.memref_slice %arg2[%arg1, %dma_start3A_80, %dma_start3A_81] : memref<16x80x128xi32, #tpu.memory_space<hbm>> -> memref<1x80x128xi32, #tpu.memory_space<hbm>>
        %dma_start3A_83 = tpu.memref_squeeze %dma_start3A_82 : memref<1x80x128xi32, #tpu.memory_space<hbm>> -> memref<80x128xi32, #tpu.memory_space<hbm>>
        %dma_start3A_84 = arith.constant 40 : i32
        %dma_start3A_85 = arith.constant 0 : i32
        %dma_start3A_86 = tpu.memref_slice %dma_start3A_83[%dma_start3A_84, %dma_start3A_85] : memref<80x128xi32, #tpu.memory_space<hbm>> -> memref<40x128xi32, #tpu.memory_space<hbm>>
        %dma_start3A_87 = arith.constant 0 : i32
        %dma_start3A_88 = arith.constant 0 : i32
        %dma_start3A_89 = tpu.memref_slice %arg2[%arg1, %dma_start3A_87, %dma_start3A_88] : memref<16x80x128xi32, #tpu.memory_space<hbm>> -> memref<1x80x128xi32, #tpu.memory_space<hbm>>
        %dma_start3A_90 = tpu.memref_squeeze %dma_start3A_89 : memref<1x80x128xi32, #tpu.memory_space<hbm>> -> memref<80x128xi32, #tpu.memory_space<hbm>>
        %dma_start3A_91 = arith.constant 40 : i32
        %dma_start3A_92 = arith.constant 0 : i32
        %dma_start3A_93 = tpu.memref_slice %dma_start3A_90[%dma_start3A_91, %dma_start3A_92] : memref<80x128xi32, #tpu.memory_space<hbm>> -> memref<40x128xi32, #tpu.memory_space<hbm>>
        tpu.enqueue_dma source(%dma_start3A_93 : memref<40x128xi32, #tpu.memory_space<hbm>>) target(%arg9 : memref<40x128xi32, #tpu.memory_space<vmem>>) target_semaphore(%run_scoped3A : memref<!tpu.dma_semaphore, #tpu.memory_space<semaphore_mem>>)
        %dma_wait3A_94 = arith.constant 0 : i32
        %dma_wait3A_95 = arith.constant 0 : i32
        %dma_wait3A_96 = tpu.memref_slice %arg2[%arg1, %dma_wait3A_94, %dma_wait3A_95] : memref<16x80x128xi32, #tpu.memory_space<hbm>> -> memref<1x80x128xi32, #tpu.memory_space<hbm>>
        %dma_wait3A_97 = tpu.memref_squeeze %dma_wait3A_96 : memref<1x80x128xi32, #tpu.memory_space<hbm>> -> memref<80x128xi32, #tpu.memory_space<hbm>>
        %dma_wait3A_98 = arith.constant 40 : i32
        %dma_wait3A_99 = arith.constant 0 : i32
        %dma_wait3A_100 = tpu.memref_slice %dma_wait3A_97[%dma_wait3A_98, %dma_wait3A_99] : memref<80x128xi32, #tpu.memory_space<hbm>> -> memref<40x128xi32, #tpu.memory_space<hbm>>
        %dma_wait3A_101 = arith.constant 0 : i32
        %dma_wait3A_102 = arith.constant 0 : i32
        %dma_wait3A_103 = tpu.memref_slice %arg2[%arg1, %dma_wait3A_101, %dma_wait3A_102] : memref<16x80x128xi32, #tpu.memory_space<hbm>> -> memref<1x80x128xi32, #tpu.memory_space<hbm>>
        %dma_wait3A_104 = tpu.memref_squeeze %dma_wait3A_103 : memref<1x80x128xi32, #tpu.memory_space<hbm>> -> memref<80x128xi32, #tpu.memory_space<hbm>>
        %dma_wait3A_105 = arith.constant 40 : i32
        %dma_wait3A_106 = arith.constant 0 : i32
        %dma_wait3A_107 = tpu.memref_slice %dma_wait3A_104[%dma_wait3A_105, %dma_wait3A_106] : memref<80x128xi32, #tpu.memory_space<hbm>> -> memref<40x128xi32, #tpu.memory_space<hbm>>
        tpu.wait_dma2 semaphore(%run_scoped3A : memref<!tpu.dma_semaphore, #tpu.memory_space<semaphore_mem>>) src(%dma_wait3A_107 : memref<40x128xi32, #tpu.memory_space<hbm>>) dst(%arg9 : memref<40x128xi32, #tpu.memory_space<vmem>>)
        tpu.yield
      }) : () -> ()
      "tpu.region"() ({
        %run_scoped3A = tpu.sem_alloc : memref<!tpu.dma_semaphore, #tpu.memory_space<semaphore_mem>>
        %dma_start3A_80 = arith.constant 0 : i32
        %dma_start3A_81 = arith.constant 0 : i32
        %dma_start3A_82 = tpu.memref_slice %arg3[%arg1, %dma_start3A_80, %dma_start3A_81] : memref<16x80x128xi32, #tpu.memory_space<hbm>> -> memref<1x80x128xi32, #tpu.memory_space<hbm>>
        %dma_start3A_83 = tpu.memref_squeeze %dma_start3A_82 : memref<1x80x128xi32, #tpu.memory_space<hbm>> -> memref<80x128xi32, #tpu.memory_space<hbm>>
        %dma_start3A_84 = arith.constant 40 : i32
        %dma_start3A_85 = arith.constant 0 : i32
        %dma_start3A_86 = tpu.memref_slice %dma_start3A_83[%dma_start3A_84, %dma_start3A_85] : memref<80x128xi32, #tpu.memory_space<hbm>> -> memref<40x128xi32, #tpu.memory_space<hbm>>
        %dma_start3A_87 = arith.constant 0 : i32
        %dma_start3A_88 = arith.constant 0 : i32
        %dma_start3A_89 = tpu.memref_slice %arg3[%arg1, %dma_start3A_87, %dma_start3A_88] : memref<16x80x128xi32, #tpu.memory_space<hbm>> -> memref<1x80x128xi32, #tpu.memory_space<hbm>>
        %dma_start3A_90 = tpu.memref_squeeze %dma_start3A_89 : memref<1x80x128xi32, #tpu.memory_space<hbm>> -> memref<80x128xi32, #tpu.memory_space<hbm>>
        %dma_start3A_91 = arith.constant 40 : i32
        %dma_start3A_92 = arith.constant 0 : i32
        %dma_start3A_93 = tpu.memref_slice %dma_start3A_90[%dma_start3A_91, %dma_start3A_92] : memref<80x128xi32, #tpu.memory_space<hbm>> -> memref<40x128xi32, #tpu.memory_space<hbm>>
        tpu.enqueue_dma source(%dma_start3A_93 : memref<40x128xi32, #tpu.memory_space<hbm>>) target(%arg10 : memref<40x128xi32, #tpu.memory_space<vmem>>) target_semaphore(%run_scoped3A : memref<!tpu.dma_semaphore, #tpu.memory_space<semaphore_mem>>)
        %dma_wait3A_94 = arith.constant 0 : i32
        %dma_wait3A_95 = arith.constant 0 : i32
        %dma_wait3A_96 = tpu.memref_slice %arg3[%arg1, %dma_wait3A_94, %dma_wait3A_95] : memref<16x80x128xi32, #tpu.memory_space<hbm>> -> memref<1x80x128xi32, #tpu.memory_space<hbm>>
        %dma_wait3A_97 = tpu.memref_squeeze %dma_wait3A_96 : memref<1x80x128xi32, #tpu.memory_space<hbm>> -> memref<80x128xi32, #tpu.memory_space<hbm>>
        %dma_wait3A_98 = arith.constant 40 : i32
        %dma_wait3A_99 = arith.constant 0 : i32
        %dma_wait3A_100 = tpu.memref_slice %dma_wait3A_97[%dma_wait3A_98, %dma_wait3A_99] : memref<80x128xi32, #tpu.memory_space<hbm>> -> memref<40x128xi32, #tpu.memory_space<hbm>>
        %dma_wait3A_101 = arith.constant 0 : i32
        %dma_wait3A_102 = arith.constant 0 : i32
        %dma_wait3A_103 = tpu.memref_slice %arg3[%arg1, %dma_wait3A_101, %dma_wait3A_102] : memref<16x80x128xi32, #tpu.memory_space<hbm>> -> memref<1x80x128xi32, #tpu.memory_space<hbm>>
        %dma_wait3A_104 = tpu.memref_squeeze %dma_wait3A_103 : memref<1x80x128xi32, #tpu.memory_space<hbm>> -> memref<80x128xi32, #tpu.memory_space<hbm>>
        %dma_wait3A_105 = arith.constant 40 : i32
        %dma_wait3A_106 = arith.constant 0 : i32
        %dma_wait3A_107 = tpu.memref_slice %dma_wait3A_104[%dma_wait3A_105, %dma_wait3A_106] : memref<80x128xi32, #tpu.memory_space<hbm>> -> memref<40x128xi32, #tpu.memory_space<hbm>>
        tpu.wait_dma2 semaphore(%run_scoped3A : memref<!tpu.dma_semaphore, #tpu.memory_space<semaphore_mem>>) src(%dma_wait3A_107 : memref<40x128xi32, #tpu.memory_space<hbm>>) dst(%arg10 : memref<40x128xi32, #tpu.memory_space<vmem>>)
        tpu.yield
      }) : () -> ()
      %dma_start3A_48 = arith.constant 0 : i32
      %dma_start3A_49 = arith.constant 0 : i32
      %dma_start3A_50 = tpu.memref_slice %arg9[%dma_start3A_48, %dma_start3A_49] : memref<40x128xi32, #tpu.memory_space<vmem>> -> memref<1x128xi32, #tpu.memory_space<vmem>>
      %dma_start3A_51 = tpu.memref_squeeze %dma_start3A_50 : memref<1x128xi32, #tpu.memory_space<vmem>> -> memref<128xi32, #tpu.memory_space<vmem>>
      %dma_start3A_52 = arith.constant 0 : i32
      %dma_start3A_53 = arith.constant 0 : i32
      %dma_start3A_54 = tpu.memref_slice %arg5[%dma_start3A_52, %dma_start3A_53] : memref<10000x128xf32, #tpu.memory_space<hbm>> -> memref<10000x128xf32, #tpu.memory_space<hbm>>
      tpu.enqueue_indirect_dma source(%dma_start3A_54 : memref<10000x128xf32, #tpu.memory_space<hbm>>) target(%arg11 : memref<128x128xf32, #tpu.memory_space<vmem>>) offsets(%dma_start3A_51 : memref<128xi32, #tpu.memory_space<vmem>>) semaphore(%arg13 : memref<!tpu.dma_semaphore, #tpu.memory_space<semaphore_mem>>)
      %dma_start3A_55 = arith.constant 1 : i32
      %dma_start3A_56 = arith.constant 0 : i32
      %dma_start3A_57 = tpu.memref_slice %arg9[%dma_start3A_55, %dma_start3A_56] : memref<40x128xi32, #tpu.memory_space<vmem>> -> memref<1x128xi32, #tpu.memory_space<vmem>>
      %dma_start3A_58 = tpu.memref_squeeze %dma_start3A_57 : memref<1x128xi32, #tpu.memory_space<vmem>> -> memref<128xi32, #tpu.memory_space<vmem>>
      %dma_start3A_59 = arith.constant 0 : i32
      %dma_start3A_60 = arith.constant 0 : i32
      %dma_start3A_61 = tpu.memref_slice %arg5[%dma_start3A_59, %dma_start3A_60] : memref<10000x128xf32, #tpu.memory_space<hbm>> -> memref<10000x128xf32, #tpu.memory_space<hbm>>
      tpu.enqueue_indirect_dma source(%dma_start3A_61 : memref<10000x128xf32, #tpu.memory_space<hbm>>) target(%arg12 : memref<128x128xf32, #tpu.memory_space<vmem>>) offsets(%dma_start3A_58 : memref<128xi32, #tpu.memory_space<vmem>>) semaphore(%arg14 : memref<!tpu.dma_semaphore, #tpu.memory_space<semaphore_mem>>)
      %scan3A_62 = arith.constant 0 : i32
      %scan3A_63 = arith.constant 0 : i32
      %scan3A_64 = arith.constant 20 : i32
      %scan3A_65 = arith.addi %scan3A_63, %scan3A_64 : i32
      %scan3A_66 = arith.constant 1 : i32
      scf.for %scan3A_80 = %scan3A_63 to %scan3A_65 step %scan3A_66  : i32 {
        %mul3A_81 = arith.constant 2 : i32
        %mul3A_82 = arith.muli %scan3A_80, %mul3A_81 : i32
        %add3A = arith.constant 0 : i32
        %add3A_83 = arith.addi %mul3A_82, %add3A : i32
        %dma_wait3A_84 = arith.constant 0 : i32
        %dma_wait3A_85 = arith.constant 0 : i32
        %dma_wait3A_86 = tpu.memref_slice %arg5[%dma_wait3A_84, %dma_wait3A_85] : memref<10000x128xf32, #tpu.memory_space<hbm>> -> memref<128x128xf32, #tpu.memory_space<hbm>>
        %dma_wait3A_87 = arith.constant 0 : i32
        %dma_wait3A_88 = arith.constant 0 : i32
        %dma_wait3A_89 = tpu.memref_slice %arg5[%dma_wait3A_87, %dma_wait3A_88] : memref<10000x128xf32, #tpu.memory_space<hbm>> -> memref<128x128xf32, #tpu.memory_space<hbm>>
        tpu.wait_dma2 semaphore(%arg13 : memref<!tpu.dma_semaphore, #tpu.memory_space<semaphore_mem>>) src(%dma_wait3A_89 : memref<128x128xf32, #tpu.memory_space<hbm>>) dst(%arg11 : memref<128x128xf32, #tpu.memory_space<vmem>>)
        %dma_start3A_90 = arith.constant 0 : i32
        %dma_start3A_91 = tpu.memref_slice %arg10[%add3A_83, %dma_start3A_90] : memref<40x128xi32, #tpu.memory_space<vmem>> -> memref<1x128xi32, #tpu.memory_space<vmem>>
        %dma_start3A_92 = tpu.memref_squeeze %dma_start3A_91 : memref<1x128xi32, #tpu.memory_space<vmem>> -> memref<128xi32, #tpu.memory_space<vmem>>
        %dma_start3A_93 = arith.constant 0 : i32
        %dma_start3A_94 = arith.constant 0 : i32
        %dma_start3A_95 = tpu.memref_slice %arg17[%dma_start3A_93, %dma_start3A_94] : memref<10240x128xf32, #tpu.memory_space<vmem_shared>> -> memref<10240x128xf32, #tpu.memory_space<vmem_shared>>
        tpu.enqueue_indirect_dma source(%arg11 : memref<128x128xf32, #tpu.memory_space<vmem>>) target(%dma_start3A_95 : memref<10240x128xf32, #tpu.memory_space<vmem_shared>>) offsets(%dma_start3A_92 : memref<128xi32, #tpu.memory_space<vmem>>) semaphore(%arg15 : memref<!tpu.dma_semaphore, #tpu.memory_space<semaphore_mem>>) {add = true}
        %add3A_96 = arith.constant 2 : i32
        %add3A_97 = arith.addi %add3A_83, %add3A_96 : i32
        %lt3A = arith.constant 40 : i32
        %lt3A_98 = arith.cmpi slt, %add3A_97, %lt3A : i32
        %convert_element_type3A_99 = arith.extui %lt3A_98 : i1 to i32
        %cond3A_100 = arith.constant 0 : i32
        %cond3A_101 = arith.cmpi ne, %convert_element_type3A_99, %cond3A_100 : i32
        scf.if %cond3A_101 {
          %dma_wait3A_123 = arith.constant 0 : i32
          %dma_wait3A_124 = arith.constant 0 : i32
          %dma_wait3A_125 = tpu.memref_slice %arg17[%dma_wait3A_123, %dma_wait3A_124] : memref<10240x128xf32, #tpu.memory_space<vmem_shared>> -> memref<128x128xf32, #tpu.memory_space<vmem_shared>>
          %dma_wait3A_126 = arith.constant 0 : i32
          %dma_wait3A_127 = arith.constant 0 : i32
          %dma_wait3A_128 = tpu.memref_slice %arg17[%dma_wait3A_126, %dma_wait3A_127] : memref<10240x128xf32, #tpu.memory_space<vmem_shared>> -> memref<128x128xf32, #tpu.memory_space<vmem_shared>>
          tpu.wait_dma2 semaphore(%arg15 : memref<!tpu.dma_semaphore, #tpu.memory_space<semaphore_mem>>) src(%arg11 : memref<128x128xf32, #tpu.memory_space<vmem>>) dst(%dma_wait3A_128 : memref<128x128xf32, #tpu.memory_space<vmem_shared>>)
          %add3A_129 = arith.constant 2 : i32
          %add3A_130 = arith.addi %add3A_83, %add3A_129 : i32
          %dma_start3A_131 = arith.constant 0 : i32
          %dma_start3A_132 = tpu.memref_slice %arg9[%add3A_130, %dma_start3A_131] : memref<40x128xi32, #tpu.memory_space<vmem>> -> memref<1x128xi32, #tpu.memory_space<vmem>>
          %dma_start3A_133 = tpu.memref_squeeze %dma_start3A_132 : memref<1x128xi32, #tpu.memory_space<vmem>> -> memref<128xi32, #tpu.memory_space<vmem>>
          %dma_start3A_134 = arith.constant 0 : i32
          %dma_start3A_135 = arith.constant 0 : i32
          %dma_start3A_136 = tpu.memref_slice %arg5[%dma_start3A_134, %dma_start3A_135] : memref<10000x128xf32, #tpu.memory_space<hbm>> -> memref<10000x128xf32, #tpu.memory_space<hbm>>
          tpu.enqueue_indirect_dma source(%dma_start3A_136 : memref<10000x128xf32, #tpu.memory_space<hbm>>) target(%arg11 : memref<128x128xf32, #tpu.memory_space<vmem>>) offsets(%dma_start3A_133 : memref<128xi32, #tpu.memory_space<vmem>>) semaphore(%arg13 : memref<!tpu.dma_semaphore, #tpu.memory_space<semaphore_mem>>)
        } else {
        }
        %add3A_102 = arith.constant 1 : i32
        %add3A_103 = arith.addi %mul3A_82, %add3A_102 : i32
        %dma_wait3A_104 = arith.constant 0 : i32
        %dma_wait3A_105 = arith.constant 0 : i32
        %dma_wait3A_106 = tpu.memref_slice %arg5[%dma_wait3A_104, %dma_wait3A_105] : memref<10000x128xf32, #tpu.memory_space<hbm>> -> memref<128x128xf32, #tpu.memory_space<hbm>>
        %dma_wait3A_107 = arith.constant 0 : i32
        %dma_wait3A_108 = arith.constant 0 : i32
        %dma_wait3A_109 = tpu.memref_slice %arg5[%dma_wait3A_107, %dma_wait3A_108] : memref<10000x128xf32, #tpu.memory_space<hbm>> -> memref<128x128xf32, #tpu.memory_space<hbm>>
        tpu.wait_dma2 semaphore(%arg14 : memref<!tpu.dma_semaphore, #tpu.memory_space<semaphore_mem>>) src(%dma_wait3A_109 : memref<128x128xf32, #tpu.memory_space<hbm>>) dst(%arg12 : memref<128x128xf32, #tpu.memory_space<vmem>>)
        %dma_start3A_110 = arith.constant 0 : i32
        %dma_start3A_111 = tpu.memref_slice %arg10[%add3A_103, %dma_start3A_110] : memref<40x128xi32, #tpu.memory_space<vmem>> -> memref<1x128xi32, #tpu.memory_space<vmem>>
        %dma_start3A_112 = tpu.memref_squeeze %dma_start3A_111 : memref<1x128xi32, #tpu.memory_space<vmem>> -> memref<128xi32, #tpu.memory_space<vmem>>
        %dma_start3A_113 = arith.constant 0 : i32
        %dma_start3A_114 = arith.constant 0 : i32
        %dma_start3A_115 = tpu.memref_slice %arg17[%dma_start3A_113, %dma_start3A_114] : memref<10240x128xf32, #tpu.memory_space<vmem_shared>> -> memref<10240x128xf32, #tpu.memory_space<vmem_shared>>
        tpu.enqueue_indirect_dma source(%arg12 : memref<128x128xf32, #tpu.memory_space<vmem>>) target(%dma_start3A_115 : memref<10240x128xf32, #tpu.memory_space<vmem_shared>>) offsets(%dma_start3A_112 : memref<128xi32, #tpu.memory_space<vmem>>) semaphore(%arg16 : memref<!tpu.dma_semaphore, #tpu.memory_space<semaphore_mem>>) {add = true}
        %add3A_116 = arith.constant 2 : i32
        %add3A_117 = arith.addi %add3A_103, %add3A_116 : i32
        %lt3A_118 = arith.constant 40 : i32
        %lt3A_119 = arith.cmpi slt, %add3A_117, %lt3A_118 : i32
        %convert_element_type3A_120 = arith.extui %lt3A_119 : i1 to i32
        %cond3A_121 = arith.constant 0 : i32
        %cond3A_122 = arith.cmpi ne, %convert_element_type3A_120, %cond3A_121 : i32
        scf.if %cond3A_122 {
          %dma_wait3A_123 = arith.constant 0 : i32
          %dma_wait3A_124 = arith.constant 0 : i32
          %dma_wait3A_125 = tpu.memref_slice %arg17[%dma_wait3A_123, %dma_wait3A_124] : memref<10240x128xf32, #tpu.memory_space<vmem_shared>> -> memref<128x128xf32, #tpu.memory_space<vmem_shared>>
          %dma_wait3A_126 = arith.constant 0 : i32
          %dma_wait3A_127 = arith.constant 0 : i32
          %dma_wait3A_128 = tpu.memref_slice %arg17[%dma_wait3A_126, %dma_wait3A_127] : memref<10240x128xf32, #tpu.memory_space<vmem_shared>> -> memref<128x128xf32, #tpu.memory_space<vmem_shared>>
          tpu.wait_dma2 semaphore(%arg16 : memref<!tpu.dma_semaphore, #tpu.memory_space<semaphore_mem>>) src(%arg12 : memref<128x128xf32, #tpu.memory_space<vmem>>) dst(%dma_wait3A_128 : memref<128x128xf32, #tpu.memory_space<vmem_shared>>)
          %add3A_129 = arith.constant 2 : i32
          %add3A_130 = arith.addi %add3A_103, %add3A_129 : i32
          %dma_start3A_131 = arith.constant 0 : i32
          %dma_start3A_132 = tpu.memref_slice %arg9[%add3A_130, %dma_start3A_131] : memref<40x128xi32, #tpu.memory_space<vmem>> -> memref<1x128xi32, #tpu.memory_space<vmem>>
          %dma_start3A_133 = tpu.memref_squeeze %dma_start3A_132 : memref<1x128xi32, #tpu.memory_space<vmem>> -> memref<128xi32, #tpu.memory_space<vmem>>
          %dma_start3A_134 = arith.constant 0 : i32
          %dma_start3A_135 = arith.constant 0 : i32
          %dma_start3A_136 = tpu.memref_slice %arg5[%dma_start3A_134, %dma_start3A_135] : memref<10000x128xf32, #tpu.memory_space<hbm>> -> memref<10000x128xf32, #tpu.memory_space<hbm>>
          tpu.enqueue_indirect_dma source(%dma_start3A_136 : memref<10000x128xf32, #tpu.memory_space<hbm>>) target(%arg12 : memref<128x128xf32, #tpu.memory_space<vmem>>) offsets(%dma_start3A_133 : memref<128xi32, #tpu.memory_space<vmem>>) semaphore(%arg14 : memref<!tpu.dma_semaphore, #tpu.memory_space<semaphore_mem>>)
        } else {
        }
      }
      %scan3A_67 = arith.constant 20 : i32
      %dma_wait3A_68 = arith.constant 0 : i32
      %dma_wait3A_69 = arith.constant 0 : i32
      %dma_wait3A_70 = tpu.memref_slice %arg17[%dma_wait3A_68, %dma_wait3A_69] : memref<10240x128xf32, #tpu.memory_space<vmem_shared>> -> memref<128x128xf32, #tpu.memory_space<vmem_shared>>
      %dma_wait3A_71 = arith.constant 0 : i32
      %dma_wait3A_72 = arith.constant 0 : i32
      %dma_wait3A_73 = tpu.memref_slice %arg17[%dma_wait3A_71, %dma_wait3A_72] : memref<10240x128xf32, #tpu.memory_space<vmem_shared>> -> memref<128x128xf32, #tpu.memory_space<vmem_shared>>
      tpu.wait_dma2 semaphore(%arg15 : memref<!tpu.dma_semaphore, #tpu.memory_space<semaphore_mem>>) src(%arg11 : memref<128x128xf32, #tpu.memory_space<vmem>>) dst(%dma_wait3A_73 : memref<128x128xf32, #tpu.memory_space<vmem_shared>>)
      %dma_wait3A_74 = arith.constant 0 : i32
      %dma_wait3A_75 = arith.constant 0 : i32
      %dma_wait3A_76 = tpu.memref_slice %arg17[%dma_wait3A_74, %dma_wait3A_75] : memref<10240x128xf32, #tpu.memory_space<vmem_shared>> -> memref<128x128xf32, #tpu.memory_space<vmem_shared>>
      %dma_wait3A_77 = arith.constant 0 : i32
      %dma_wait3A_78 = arith.constant 0 : i32
      %dma_wait3A_79 = tpu.memref_slice %arg17[%dma_wait3A_77, %dma_wait3A_78] : memref<10240x128xf32, #tpu.memory_space<vmem_shared>> -> memref<128x128xf32, #tpu.memory_space<vmem_shared>>
      tpu.wait_dma2 semaphore(%arg16 : memref<!tpu.dma_semaphore, #tpu.memory_space<semaphore_mem>>) src(%arg12 : memref<128x128xf32, #tpu.memory_space<vmem>>) dst(%dma_wait3A_79 : memref<128x128xf32, #tpu.memory_space<vmem_shared>>)
    } else {
    }
    %barrier3A_8 = arith.constant 0 : index
    tpu.barrier barrier_id(%barrier3A_8)
    %eq3A_9 = arith.constant 0 : i32
    %eq3A_10 = arith.cmpi eq, %arg0, %eq3A_9 : i32
    %convert_element_type3A_11 = arith.extui %eq3A_10 : i1 to i32
    %cond3A_12 = arith.constant 0 : i32
    %cond3A_13 = arith.cmpi ne, %convert_element_type3A_11, %cond3A_12 : i32
    scf.if %cond3A_13 {
      %mul3A_19 = arith.constant 640 : i32
      %mul3A_20 = arith.muli %arg1, %mul3A_19 : i32
      %mul3A_21 = arith.constant 640 : i32
      %mul3A_22 = arith.muli %arg1, %mul3A_21 : i32
      "tpu.region"() ({
        %run_scoped3A = tpu.sem_alloc : memref<!tpu.dma_semaphore, #tpu.memory_space<semaphore_mem>>
        %dma_start3A = arith.constant 0 : i32
        %dma_start3A_23 = tpu.memref_slice %arg7[%mul3A_22, %dma_start3A] : memref<10240x128xf32, #tpu.memory_space<hbm>> -> memref<640x128xf32, #tpu.memory_space<hbm>>
        %dma_start3A_24 = arith.constant 0 : i32
        %dma_start3A_25 = tpu.memref_slice %arg17[%mul3A_20, %dma_start3A_24] : memref<10240x128xf32, #tpu.memory_space<vmem_shared>> -> memref<640x128xf32, #tpu.memory_space<vmem_shared>>
        tpu.enqueue_dma source(%dma_start3A_25 : memref<640x128xf32, #tpu.memory_space<vmem_shared>>) target(%dma_start3A_23 : memref<640x128xf32, #tpu.memory_space<hbm>>) target_semaphore(%run_scoped3A : memref<!tpu.dma_semaphore, #tpu.memory_space<semaphore_mem>>)
        %dma_wait3A = arith.constant 0 : i32
        %dma_wait3A_26 = tpu.memref_slice %arg7[%mul3A_22, %dma_wait3A] : memref<10240x128xf32, #tpu.memory_space<hbm>> -> memref<640x128xf32, #tpu.memory_space<hbm>>
        %dma_wait3A_27 = arith.constant 0 : i32
        %dma_wait3A_28 = tpu.memref_slice %arg17[%mul3A_20, %dma_wait3A_27] : memref<10240x128xf32, #tpu.memory_space<vmem_shared>> -> memref<640x128xf32, #tpu.memory_space<vmem_shared>>
        tpu.wait_dma2 semaphore(%run_scoped3A : memref<!tpu.dma_semaphore, #tpu.memory_space<semaphore_mem>>) src(%dma_wait3A_28 : memref<640x128xf32, #tpu.memory_space<vmem_shared>>) dst(%dma_wait3A_26 : memref<640x128xf32, #tpu.memory_space<hbm>>)
        tpu.yield
      }) : () -> ()
    } else {
    }
    %eq3A_14 = arith.constant 1 : i32
    %eq3A_15 = arith.cmpi eq, %arg0, %eq3A_14 : i32
    %convert_element_type3A_16 = arith.extui %eq3A_15 : i1 to i32
    %cond3A_17 = arith.constant 0 : i32
    %cond3A_18 = arith.cmpi ne, %convert_element_type3A_16, %cond3A_17 : i32
    scf.if %cond3A_18 {
      %mul3A_19 = arith.constant 640 : i32
      %mul3A_20 = arith.muli %arg1, %mul3A_19 : i32
      %mul3A_21 = arith.constant 640 : i32
      %mul3A_22 = arith.muli %arg1, %mul3A_21 : i32
      "tpu.region"() ({
        %run_scoped3A = tpu.sem_alloc : memref<!tpu.dma_semaphore, #tpu.memory_space<semaphore_mem>>
        %dma_start3A = arith.constant 0 : i32
        %dma_start3A_23 = tpu.memref_slice %arg8[%mul3A_22, %dma_start3A] : memref<10240x128xf32, #tpu.memory_space<hbm>> -> memref<640x128xf32, #tpu.memory_space<hbm>>
        %dma_start3A_24 = arith.constant 0 : i32
        %dma_start3A_25 = tpu.memref_slice %arg17[%mul3A_20, %dma_start3A_24] : memref<10240x128xf32, #tpu.memory_space<vmem_shared>> -> memref<640x128xf32, #tpu.memory_space<vmem_shared>>
        tpu.enqueue_dma source(%dma_start3A_25 : memref<640x128xf32, #tpu.memory_space<vmem_shared>>) target(%dma_start3A_23 : memref<640x128xf32, #tpu.memory_space<hbm>>) target_semaphore(%run_scoped3A : memref<!tpu.dma_semaphore, #tpu.memory_space<semaphore_mem>>)
        %dma_wait3A = arith.constant 0 : i32
        %dma_wait3A_26 = tpu.memref_slice %arg8[%mul3A_22, %dma_wait3A] : memref<10240x128xf32, #tpu.memory_space<hbm>> -> memref<640x128xf32, #tpu.memory_space<hbm>>
        %dma_wait3A_27 = arith.constant 0 : i32
        %dma_wait3A_28 = tpu.memref_slice %arg17[%mul3A_20, %dma_wait3A_27] : memref<10240x128xf32, #tpu.memory_space<vmem_shared>> -> memref<640x128xf32, #tpu.memory_space<vmem_shared>>
        tpu.wait_dma2 semaphore(%run_scoped3A : memref<!tpu.dma_semaphore, #tpu.memory_space<semaphore_mem>>) src(%dma_wait3A_28 : memref<640x128xf32, #tpu.memory_space<vmem_shared>>) dst(%dma_wait3A_26 : memref<640x128xf32, #tpu.memory_space<hbm>>)
        tpu.yield
      }) : () -> ()
    } else {
    }
    return
  }
}

#map = affine_map<(d0, d1) -> (0, 0, 0)>
#map1 = affine_map<(d0, d1) -> (0, 0)>
module attributes {stable_mosaic.version = 14 : i64} {
  func.func @_sc_scatter_body(%arg0: i32, %arg1: i32, %arg2: memref<16x80x128xi32, #tpu.memory_space<hbm>>, %arg3: memref<16x80x128xi32, #tpu.memory_space<hbm>>, %arg4: memref<10000x128xf32, #tpu.memory_space<hbm>>, %arg5: memref<10000x128xf32, #tpu.memory_space<hbm>>, %arg6: memref<640x128xf32, #tpu.memory_space<hbm>>, %arg7: memref<10240x128xf32, #tpu.memory_space<hbm>>, %arg8: memref<10240x128xf32, #tpu.memory_space<hbm>>, %arg9: memref<40x128xi32, #tpu.memory_space<vmem>>, %arg10: memref<40x128xi32, #tpu.memory_space<vmem>>, %arg11: memref<128x128xf32, #tpu.memory_space<vmem>>, %arg12: memref<128x128xf32, #tpu.memory_space<vmem>>, %arg13: memref<!tpu.dma_semaphore, #tpu.memory_space<semaphore_mem>>, %arg14: memref<!tpu.dma_semaphore, #tpu.memory_space<semaphore_mem>>, %arg15: memref<!tpu.dma_semaphore, #tpu.memory_space<semaphore_mem>>, %arg16: memref<!tpu.dma_semaphore, #tpu.memory_space<semaphore_mem>>, %arg17: memref<10240x128xf32, #tpu.memory_space<vmem_shared>>) attributes {dimension_semantics = [#tpu.dimension_semantics<core_parallel>, #tpu.dimension_semantics<subcore_parallel>], iteration_bounds = array<i64: 2, 16>, scalar_prefetch = 0 : i64, scratch_operands = 9 : i64, tpu.core_type = #tpu.core_type<sc_vector_subcore>, window_params = [{transform_indices = #map}, {transform_indices = #map}, {transform_indices = #map1}, {transform_indices = #map1}, {transform_indices = #map1}, {transform_indices = #map1}, {transform_indices = #map1}]} {
    %mul3A = arith.constant 640 : i32
    %mul3A_0 = arith.muli %arg1, %mul3A : i32
    "tpu.region"() ({
      %run_scoped3A = tpu.sem_alloc : memref<!tpu.dma_semaphore, #tpu.memory_space<semaphore_mem>>
      %dma_start3A = arith.constant 0 : i32
      %dma_start3A_19 = tpu.memref_slice %arg17[%mul3A_0, %dma_start3A] : memref<10240x128xf32, #tpu.memory_space<vmem_shared>> -> memref<640x128xf32, #tpu.memory_space<vmem_shared>>
      tpu.enqueue_dma source(%arg6 : memref<640x128xf32, #tpu.memory_space<hbm>>) target(%dma_start3A_19 : memref<640x128xf32, #tpu.memory_space<vmem_shared>>) target_semaphore(%run_scoped3A : memref<!tpu.dma_semaphore, #tpu.memory_space<semaphore_mem>>)
      %dma_wait3A = arith.constant 0 : i32
      %dma_wait3A_20 = tpu.memref_slice %arg17[%mul3A_0, %dma_wait3A] : memref<10240x128xf32, #tpu.memory_space<vmem_shared>> -> memref<640x128xf32, #tpu.memory_space<vmem_shared>>
      tpu.wait_dma2 semaphore(%run_scoped3A : memref<!tpu.dma_semaphore, #tpu.memory_space<semaphore_mem>>) src(%arg6 : memref<640x128xf32, #tpu.memory_space<hbm>>) dst(%dma_wait3A_20 : memref<640x128xf32, #tpu.memory_space<vmem_shared>>)
      tpu.yield
    }) : () -> ()
    %barrier3A = arith.constant 0 : index
    tpu.barrier barrier_id(%barrier3A)
    %eq3A = arith.constant 0 : i32
    %eq3A_1 = arith.cmpi eq, %arg0, %eq3A : i32
    %convert_element_type3A = arith.extui %eq3A_1 : i1 to i32
    %cond3A = arith.constant 0 : i32
    %cond3A_2 = arith.cmpi ne, %convert_element_type3A, %cond3A : i32
    scf.if %cond3A_2 {
      "tpu.region"() ({
        %run_scoped3A = tpu.sem_alloc : memref<!tpu.dma_semaphore, #tpu.memory_space<semaphore_mem>>
        %dma_start3A_80 = arith.constant 0 : i32
        %dma_start3A_81 = arith.constant 0 : i32
        %dma_start3A_82 = tpu.memref_slice %arg2[%arg1, %dma_start3A_80, %dma_start3A_81] : memref<16x80x128xi32, #tpu.memory_space<hbm>> -> memref<1x80x128xi32, #tpu.memory_space<hbm>>
        %dma_start3A_83 = tpu.memref_squeeze %dma_start3A_82 : memref<1x80x128xi32, #tpu.memory_space<hbm>> -> memref<80x128xi32, #tpu.memory_space<hbm>>
        %dma_start3A_84 = arith.constant 0 : i32
        %dma_start3A_85 = arith.constant 0 : i32
        %dma_start3A_86 = tpu.memref_slice %dma_start3A_83[%dma_start3A_84, %dma_start3A_85] : memref<80x128xi32, #tpu.memory_space<hbm>> -> memref<40x128xi32, #tpu.memory_space<hbm>>
        %dma_start3A_87 = arith.constant 0 : i32
        %dma_start3A_88 = arith.constant 0 : i32
        %dma_start3A_89 = tpu.memref_slice %arg2[%arg1, %dma_start3A_87, %dma_start3A_88] : memref<16x80x128xi32, #tpu.memory_space<hbm>> -> memref<1x80x128xi32, #tpu.memory_space<hbm>>
        %dma_start3A_90 = tpu.memref_squeeze %dma_start3A_89 : memref<1x80x128xi32, #tpu.memory_space<hbm>> -> memref<80x128xi32, #tpu.memory_space<hbm>>
        %dma_start3A_91 = arith.constant 0 : i32
        %dma_start3A_92 = arith.constant 0 : i32
        %dma_start3A_93 = tpu.memref_slice %dma_start3A_90[%dma_start3A_91, %dma_start3A_92] : memref<80x128xi32, #tpu.memory_space<hbm>> -> memref<40x128xi32, #tpu.memory_space<hbm>>
        tpu.enqueue_dma source(%dma_start3A_93 : memref<40x128xi32, #tpu.memory_space<hbm>>) target(%arg9 : memref<40x128xi32, #tpu.memory_space<vmem>>) target_semaphore(%run_scoped3A : memref<!tpu.dma_semaphore, #tpu.memory_space<semaphore_mem>>)
        %dma_wait3A_94 = arith.constant 0 : i32
        %dma_wait3A_95 = arith.constant 0 : i32
        %dma_wait3A_96 = tpu.memref_slice %arg2[%arg1, %dma_wait3A_94, %dma_wait3A_95] : memref<16x80x128xi32, #tpu.memory_space<hbm>> -> memref<1x80x128xi32, #tpu.memory_space<hbm>>
        %dma_wait3A_97 = tpu.memref_squeeze %dma_wait3A_96 : memref<1x80x128xi32, #tpu.memory_space<hbm>> -> memref<80x128xi32, #tpu.memory_space<hbm>>
        %dma_wait3A_98 = arith.constant 0 : i32
        %dma_wait3A_99 = arith.constant 0 : i32
        %dma_wait3A_100 = tpu.memref_slice %dma_wait3A_97[%dma_wait3A_98, %dma_wait3A_99] : memref<80x128xi32, #tpu.memory_space<hbm>> -> memref<40x128xi32, #tpu.memory_space<hbm>>
        %dma_wait3A_101 = arith.constant 0 : i32
        %dma_wait3A_102 = arith.constant 0 : i32
        %dma_wait3A_103 = tpu.memref_slice %arg2[%arg1, %dma_wait3A_101, %dma_wait3A_102] : memref<16x80x128xi32, #tpu.memory_space<hbm>> -> memref<1x80x128xi32, #tpu.memory_space<hbm>>
        %dma_wait3A_104 = tpu.memref_squeeze %dma_wait3A_103 : memref<1x80x128xi32, #tpu.memory_space<hbm>> -> memref<80x128xi32, #tpu.memory_space<hbm>>
        %dma_wait3A_105 = arith.constant 0 : i32
        %dma_wait3A_106 = arith.constant 0 : i32
        %dma_wait3A_107 = tpu.memref_slice %dma_wait3A_104[%dma_wait3A_105, %dma_wait3A_106] : memref<80x128xi32, #tpu.memory_space<hbm>> -> memref<40x128xi32, #tpu.memory_space<hbm>>
        tpu.wait_dma2 semaphore(%run_scoped3A : memref<!tpu.dma_semaphore, #tpu.memory_space<semaphore_mem>>) src(%dma_wait3A_107 : memref<40x128xi32, #tpu.memory_space<hbm>>) dst(%arg9 : memref<40x128xi32, #tpu.memory_space<vmem>>)
        tpu.yield
      }) : () -> ()
      "tpu.region"() ({
        %run_scoped3A = tpu.sem_alloc : memref<!tpu.dma_semaphore, #tpu.memory_space<semaphore_mem>>
        %dma_start3A_80 = arith.constant 0 : i32
        %dma_start3A_81 = arith.constant 0 : i32
        %dma_start3A_82 = tpu.memref_slice %arg3[%arg1, %dma_start3A_80, %dma_start3A_81] : memref<16x80x128xi32, #tpu.memory_space<hbm>> -> memref<1x80x128xi32, #tpu.memory_space<hbm>>
        %dma_start3A_83 = tpu.memref_squeeze %dma_start3A_82 : memref<1x80x128xi32, #tpu.memory_space<hbm>> -> memref<80x128xi32, #tpu.memory_space<hbm>>
        %dma_start3A_84 = arith.constant 0 : i32
        %dma_start3A_85 = arith.constant 0 : i32
        %dma_start3A_86 = tpu.memref_slice %dma_start3A_83[%dma_start3A_84, %dma_start3A_85] : memref<80x128xi32, #tpu.memory_space<hbm>> -> memref<40x128xi32, #tpu.memory_space<hbm>>
        %dma_start3A_87 = arith.constant 0 : i32
        %dma_start3A_88 = arith.constant 0 : i32
        %dma_start3A_89 = tpu.memref_slice %arg3[%arg1, %dma_start3A_87, %dma_start3A_88] : memref<16x80x128xi32, #tpu.memory_space<hbm>> -> memref<1x80x128xi32, #tpu.memory_space<hbm>>
        %dma_start3A_90 = tpu.memref_squeeze %dma_start3A_89 : memref<1x80x128xi32, #tpu.memory_space<hbm>> -> memref<80x128xi32, #tpu.memory_space<hbm>>
        %dma_start3A_91 = arith.constant 0 : i32
        %dma_start3A_92 = arith.constant 0 : i32
        %dma_start3A_93 = tpu.memref_slice %dma_start3A_90[%dma_start3A_91, %dma_start3A_92] : memref<80x128xi32, #tpu.memory_space<hbm>> -> memref<40x128xi32, #tpu.memory_space<hbm>>
        tpu.enqueue_dma source(%dma_start3A_93 : memref<40x128xi32, #tpu.memory_space<hbm>>) target(%arg10 : memref<40x128xi32, #tpu.memory_space<vmem>>) target_semaphore(%run_scoped3A : memref<!tpu.dma_semaphore, #tpu.memory_space<semaphore_mem>>)
        %dma_wait3A_94 = arith.constant 0 : i32
        %dma_wait3A_95 = arith.constant 0 : i32
        %dma_wait3A_96 = tpu.memref_slice %arg3[%arg1, %dma_wait3A_94, %dma_wait3A_95] : memref<16x80x128xi32, #tpu.memory_space<hbm>> -> memref<1x80x128xi32, #tpu.memory_space<hbm>>
        %dma_wait3A_97 = tpu.memref_squeeze %dma_wait3A_96 : memref<1x80x128xi32, #tpu.memory_space<hbm>> -> memref<80x128xi32, #tpu.memory_space<hbm>>
        %dma_wait3A_98 = arith.constant 0 : i32
        %dma_wait3A_99 = arith.constant 0 : i32
        %dma_wait3A_100 = tpu.memref_slice %dma_wait3A_97[%dma_wait3A_98, %dma_wait3A_99] : memref<80x128xi32, #tpu.memory_space<hbm>> -> memref<40x128xi32, #tpu.memory_space<hbm>>
        %dma_wait3A_101 = arith.constant 0 : i32
        %dma_wait3A_102 = arith.constant 0 : i32
        %dma_wait3A_103 = tpu.memref_slice %arg3[%arg1, %dma_wait3A_101, %dma_wait3A_102] : memref<16x80x128xi32, #tpu.memory_space<hbm>> -> memref<1x80x128xi32, #tpu.memory_space<hbm>>
        %dma_wait3A_104 = tpu.memref_squeeze %dma_wait3A_103 : memref<1x80x128xi32, #tpu.memory_space<hbm>> -> memref<80x128xi32, #tpu.memory_space<hbm>>
        %dma_wait3A_105 = arith.constant 0 : i32
        %dma_wait3A_106 = arith.constant 0 : i32
        %dma_wait3A_107 = tpu.memref_slice %dma_wait3A_104[%dma_wait3A_105, %dma_wait3A_106] : memref<80x128xi32, #tpu.memory_space<hbm>> -> memref<40x128xi32, #tpu.memory_space<hbm>>
        tpu.wait_dma2 semaphore(%run_scoped3A : memref<!tpu.dma_semaphore, #tpu.memory_space<semaphore_mem>>) src(%dma_wait3A_107 : memref<40x128xi32, #tpu.memory_space<hbm>>) dst(%arg10 : memref<40x128xi32, #tpu.memory_space<vmem>>)
        tpu.yield
      }) : () -> ()
      %dma_start3A = arith.constant 0 : i32
      %dma_start3A_19 = arith.constant 0 : i32
      %dma_start3A_20 = tpu.memref_slice %arg9[%dma_start3A, %dma_start3A_19] : memref<40x128xi32, #tpu.memory_space<vmem>> -> memref<1x128xi32, #tpu.memory_space<vmem>>
      %dma_start3A_21 = tpu.memref_squeeze %dma_start3A_20 : memref<1x128xi32, #tpu.memory_space<vmem>> -> memref<128xi32, #tpu.memory_space<vmem>>
      %dma_start3A_22 = arith.constant 0 : i32
      %dma_start3A_23 = arith.constant 0 : i32
      %dma_start3A_24 = tpu.memref_slice %arg4[%dma_start3A_22, %dma_start3A_23] : memref<10000x128xf32, #tpu.memory_space<hbm>> -> memref<10000x128xf32, #tpu.memory_space<hbm>>
      tpu.enqueue_indirect_dma source(%dma_start3A_24 : memref<10000x128xf32, #tpu.memory_space<hbm>>) target(%arg11 : memref<128x128xf32, #tpu.memory_space<vmem>>) offsets(%dma_start3A_21 : memref<128xi32, #tpu.memory_space<vmem>>) semaphore(%arg13 : memref<!tpu.dma_semaphore, #tpu.memory_space<semaphore_mem>>)
      %dma_start3A_25 = arith.constant 1 : i32
      %dma_start3A_26 = arith.constant 0 : i32
      %dma_start3A_27 = tpu.memref_slice %arg9[%dma_start3A_25, %dma_start3A_26] : memref<40x128xi32, #tpu.memory_space<vmem>> -> memref<1x128xi32, #tpu.memory_space<vmem>>
      %dma_start3A_28 = tpu.memref_squeeze %dma_start3A_27 : memref<1x128xi32, #tpu.memory_space<vmem>> -> memref<128xi32, #tpu.memory_space<vmem>>
      %dma_start3A_29 = arith.constant 0 : i32
      %dma_start3A_30 = arith.constant 0 : i32
      %dma_start3A_31 = tpu.memref_slice %arg4[%dma_start3A_29, %dma_start3A_30] : memref<10000x128xf32, #tpu.memory_space<hbm>> -> memref<10000x128xf32, #tpu.memory_space<hbm>>
      tpu.enqueue_indirect_dma source(%dma_start3A_31 : memref<10000x128xf32, #tpu.memory_space<hbm>>) target(%arg12 : memref<128x128xf32, #tpu.memory_space<vmem>>) offsets(%dma_start3A_28 : memref<128xi32, #tpu.memory_space<vmem>>) semaphore(%arg14 : memref<!tpu.dma_semaphore, #tpu.memory_space<semaphore_mem>>)
      %scan3A = arith.constant 0 : i32
      %scan3A_32 = arith.constant 0 : i32
      %scan3A_33 = arith.constant 20 : i32
      %scan3A_34 = arith.addi %scan3A_32, %scan3A_33 : i32
      %scan3A_35 = arith.constant 1 : i32
      scf.for %scan3A_80 = %scan3A_32 to %scan3A_34 step %scan3A_35  : i32 {
        %mul3A_81 = arith.constant 2 : i32
        %mul3A_82 = arith.muli %scan3A_80, %mul3A_81 : i32
        %add3A = arith.constant 0 : i32
        %add3A_83 = arith.addi %mul3A_82, %add3A : i32
        %dma_wait3A_84 = arith.constant 0 : i32
        %dma_wait3A_85 = arith.constant 0 : i32
        %dma_wait3A_86 = tpu.memref_slice %arg4[%dma_wait3A_84, %dma_wait3A_85] : memref<10000x128xf32, #tpu.memory_space<hbm>> -> memref<128x128xf32, #tpu.memory_space<hbm>>
        %dma_wait3A_87 = arith.constant 0 : i32
        %dma_wait3A_88 = arith.constant 0 : i32
        %dma_wait3A_89 = tpu.memref_slice %arg4[%dma_wait3A_87, %dma_wait3A_88] : memref<10000x128xf32, #tpu.memory_space<hbm>> -> memref<128x128xf32, #tpu.memory_space<hbm>>
        tpu.wait_dma2 semaphore(%arg13 : memref<!tpu.dma_semaphore, #tpu.memory_space<semaphore_mem>>) src(%dma_wait3A_89 : memref<128x128xf32, #tpu.memory_space<hbm>>) dst(%arg11 : memref<128x128xf32, #tpu.memory_space<vmem>>)
        %dma_start3A_90 = arith.constant 0 : i32
        %dma_start3A_91 = tpu.memref_slice %arg10[%add3A_83, %dma_start3A_90] : memref<40x128xi32, #tpu.memory_space<vmem>> -> memref<1x128xi32, #tpu.memory_space<vmem>>
        %dma_start3A_92 = tpu.memref_squeeze %dma_start3A_91 : memref<1x128xi32, #tpu.memory_space<vmem>> -> memref<128xi32, #tpu.memory_space<vmem>>
        %dma_start3A_93 = arith.constant 0 : i32
        %dma_start3A_94 = arith.constant 0 : i32
        %dma_start3A_95 = tpu.memref_slice %arg17[%dma_start3A_93, %dma_start3A_94] : memref<10240x128xf32, #tpu.memory_space<vmem_shared>> -> memref<10240x128xf32, #tpu.memory_space<vmem_shared>>
        tpu.enqueue_indirect_dma source(%arg11 : memref<128x128xf32, #tpu.memory_space<vmem>>) target(%dma_start3A_95 : memref<10240x128xf32, #tpu.memory_space<vmem_shared>>) offsets(%dma_start3A_92 : memref<128xi32, #tpu.memory_space<vmem>>) semaphore(%arg15 : memref<!tpu.dma_semaphore, #tpu.memory_space<semaphore_mem>>) {add = true}
        %add3A_96 = arith.constant 2 : i32
        %add3A_97 = arith.addi %add3A_83, %add3A_96 : i32
        %lt3A = arith.constant 40 : i32
        %lt3A_98 = arith.cmpi slt, %add3A_97, %lt3A : i32
        %convert_element_type3A_99 = arith.extui %lt3A_98 : i1 to i32
        %cond3A_100 = arith.constant 0 : i32
        %cond3A_101 = arith.cmpi ne, %convert_element_type3A_99, %cond3A_100 : i32
        scf.if %cond3A_101 {
          %dma_wait3A_123 = arith.constant 0 : i32
          %dma_wait3A_124 = arith.constant 0 : i32
          %dma_wait3A_125 = tpu.memref_slice %arg17[%dma_wait3A_123, %dma_wait3A_124] : memref<10240x128xf32, #tpu.memory_space<vmem_shared>> -> memref<128x128xf32, #tpu.memory_space<vmem_shared>>
          %dma_wait3A_126 = arith.constant 0 : i32
          %dma_wait3A_127 = arith.constant 0 : i32
          %dma_wait3A_128 = tpu.memref_slice %arg17[%dma_wait3A_126, %dma_wait3A_127] : memref<10240x128xf32, #tpu.memory_space<vmem_shared>> -> memref<128x128xf32, #tpu.memory_space<vmem_shared>>
          tpu.wait_dma2 semaphore(%arg15 : memref<!tpu.dma_semaphore, #tpu.memory_space<semaphore_mem>>) src(%arg11 : memref<128x128xf32, #tpu.memory_space<vmem>>) dst(%dma_wait3A_128 : memref<128x128xf32, #tpu.memory_space<vmem_shared>>)
          %add3A_129 = arith.constant 2 : i32
          %add3A_130 = arith.addi %add3A_83, %add3A_129 : i32
          %dma_start3A_131 = arith.constant 0 : i32
          %dma_start3A_132 = tpu.memref_slice %arg9[%add3A_130, %dma_start3A_131] : memref<40x128xi32, #tpu.memory_space<vmem>> -> memref<1x128xi32, #tpu.memory_space<vmem>>
          %dma_start3A_133 = tpu.memref_squeeze %dma_start3A_132 : memref<1x128xi32, #tpu.memory_space<vmem>> -> memref<128xi32, #tpu.memory_space<vmem>>
          %dma_start3A_134 = arith.constant 0 : i32
          %dma_start3A_135 = arith.constant 0 : i32
          %dma_start3A_136 = tpu.memref_slice %arg4[%dma_start3A_134, %dma_start3A_135] : memref<10000x128xf32, #tpu.memory_space<hbm>> -> memref<10000x128xf32, #tpu.memory_space<hbm>>
          tpu.enqueue_indirect_dma source(%dma_start3A_136 : memref<10000x128xf32, #tpu.memory_space<hbm>>) target(%arg11 : memref<128x128xf32, #tpu.memory_space<vmem>>) offsets(%dma_start3A_133 : memref<128xi32, #tpu.memory_space<vmem>>) semaphore(%arg13 : memref<!tpu.dma_semaphore, #tpu.memory_space<semaphore_mem>>)
        } else {
        }
        %add3A_102 = arith.constant 1 : i32
        %add3A_103 = arith.addi %mul3A_82, %add3A_102 : i32
        %dma_wait3A_104 = arith.constant 0 : i32
        %dma_wait3A_105 = arith.constant 0 : i32
        %dma_wait3A_106 = tpu.memref_slice %arg4[%dma_wait3A_104, %dma_wait3A_105] : memref<10000x128xf32, #tpu.memory_space<hbm>> -> memref<128x128xf32, #tpu.memory_space<hbm>>
        %dma_wait3A_107 = arith.constant 0 : i32
        %dma_wait3A_108 = arith.constant 0 : i32
        %dma_wait3A_109 = tpu.memref_slice %arg4[%dma_wait3A_107, %dma_wait3A_108] : memref<10000x128xf32, #tpu.memory_space<hbm>> -> memref<128x128xf32, #tpu.memory_space<hbm>>
        tpu.wait_dma2 semaphore(%arg14 : memref<!tpu.dma_semaphore, #tpu.memory_space<semaphore_mem>>) src(%dma_wait3A_109 : memref<128x128xf32, #tpu.memory_space<hbm>>) dst(%arg12 : memref<128x128xf32, #tpu.memory_space<vmem>>)
        %dma_start3A_110 = arith.constant 0 : i32
        %dma_start3A_111 = tpu.memref_slice %arg10[%add3A_103, %dma_start3A_110] : memref<40x128xi32, #tpu.memory_space<vmem>> -> memref<1x128xi32, #tpu.memory_space<vmem>>
        %dma_start3A_112 = tpu.memref_squeeze %dma_start3A_111 : memref<1x128xi32, #tpu.memory_space<vmem>> -> memref<128xi32, #tpu.memory_space<vmem>>
        %dma_start3A_113 = arith.constant 0 : i32
        %dma_start3A_114 = arith.constant 0 : i32
        %dma_start3A_115 = tpu.memref_slice %arg17[%dma_start3A_113, %dma_start3A_114] : memref<10240x128xf32, #tpu.memory_space<vmem_shared>> -> memref<10240x128xf32, #tpu.memory_space<vmem_shared>>
        tpu.enqueue_indirect_dma source(%arg12 : memref<128x128xf32, #tpu.memory_space<vmem>>) target(%dma_start3A_115 : memref<10240x128xf32, #tpu.memory_space<vmem_shared>>) offsets(%dma_start3A_112 : memref<128xi32, #tpu.memory_space<vmem>>) semaphore(%arg16 : memref<!tpu.dma_semaphore, #tpu.memory_space<semaphore_mem>>) {add = true}
        %add3A_116 = arith.constant 2 : i32
        %add3A_117 = arith.addi %add3A_103, %add3A_116 : i32
        %lt3A_118 = arith.constant 40 : i32
        %lt3A_119 = arith.cmpi slt, %add3A_117, %lt3A_118 : i32
        %convert_element_type3A_120 = arith.extui %lt3A_119 : i1 to i32
        %cond3A_121 = arith.constant 0 : i32
        %cond3A_122 = arith.cmpi ne, %convert_element_type3A_120, %cond3A_121 : i32
        scf.if %cond3A_122 {
          %dma_wait3A_123 = arith.constant 0 : i32
          %dma_wait3A_124 = arith.constant 0 : i32
          %dma_wait3A_125 = tpu.memref_slice %arg17[%dma_wait3A_123, %dma_wait3A_124] : memref<10240x128xf32, #tpu.memory_space<vmem_shared>> -> memref<128x128xf32, #tpu.memory_space<vmem_shared>>
          %dma_wait3A_126 = arith.constant 0 : i32
          %dma_wait3A_127 = arith.constant 0 : i32
          %dma_wait3A_128 = tpu.memref_slice %arg17[%dma_wait3A_126, %dma_wait3A_127] : memref<10240x128xf32, #tpu.memory_space<vmem_shared>> -> memref<128x128xf32, #tpu.memory_space<vmem_shared>>
          tpu.wait_dma2 semaphore(%arg16 : memref<!tpu.dma_semaphore, #tpu.memory_space<semaphore_mem>>) src(%arg12 : memref<128x128xf32, #tpu.memory_space<vmem>>) dst(%dma_wait3A_128 : memref<128x128xf32, #tpu.memory_space<vmem_shared>>)
          %add3A_129 = arith.constant 2 : i32
          %add3A_130 = arith.addi %add3A_103, %add3A_129 : i32
          %dma_start3A_131 = arith.constant 0 : i32
          %dma_start3A_132 = tpu.memref_slice %arg9[%add3A_130, %dma_start3A_131] : memref<40x128xi32, #tpu.memory_space<vmem>> -> memref<1x128xi32, #tpu.memory_space<vmem>>
          %dma_start3A_133 = tpu.memref_squeeze %dma_start3A_132 : memref<1x128xi32, #tpu.memory_space<vmem>> -> memref<128xi32, #tpu.memory_space<vmem>>
          %dma_start3A_134 = arith.constant 0 : i32
          %dma_start3A_135 = arith.constant 0 : i32
          %dma_start3A_136 = tpu.memref_slice %arg4[%dma_start3A_134, %dma_start3A_135] : memref<10000x128xf32, #tpu.memory_space<hbm>> -> memref<10000x128xf32, #tpu.memory_space<hbm>>
          tpu.enqueue_indirect_dma source(%dma_start3A_136 : memref<10000x128xf32, #tpu.memory_space<hbm>>) target(%arg12 : memref<128x128xf32, #tpu.memory_space<vmem>>) offsets(%dma_start3A_133 : memref<128xi32, #tpu.memory_space<vmem>>) semaphore(%arg14 : memref<!tpu.dma_semaphore, #tpu.memory_space<semaphore_mem>>)
        } else {
        }
      }
      %scan3A_36 = arith.constant 20 : i32
      %dma_wait3A = arith.constant 0 : i32
      %dma_wait3A_37 = arith.constant 0 : i32
      %dma_wait3A_38 = tpu.memref_slice %arg17[%dma_wait3A, %dma_wait3A_37] : memref<10240x128xf32, #tpu.memory_space<vmem_shared>> -> memref<128x128xf32, #tpu.memory_space<vmem_shared>>
      %dma_wait3A_39 = arith.constant 0 : i32
      %dma_wait3A_40 = arith.constant 0 : i32
      %dma_wait3A_41 = tpu.memref_slice %arg17[%dma_wait3A_39, %dma_wait3A_40] : memref<10240x128xf32, #tpu.memory_space<vmem_shared>> -> memref<128x128xf32, #tpu.memory_space<vmem_shared>>
      tpu.wait_dma2 semaphore(%arg15 : memref<!tpu.dma_semaphore, #tpu.memory_space<semaphore_mem>>) src(%arg11 : memref<128x128xf32, #tpu.memory_space<vmem>>) dst(%dma_wait3A_41 : memref<128x128xf32, #tpu.memory_space<vmem_shared>>)
      %dma_wait3A_42 = arith.constant 0 : i32
      %dma_wait3A_43 = arith.constant 0 : i32
      %dma_wait3A_44 = tpu.memref_slice %arg17[%dma_wait3A_42, %dma_wait3A_43] : memref<10240x128xf32, #tpu.memory_space<vmem_shared>> -> memref<128x128xf32, #tpu.memory_space<vmem_shared>>
      %dma_wait3A_45 = arith.constant 0 : i32
      %dma_wait3A_46 = arith.constant 0 : i32
      %dma_wait3A_47 = tpu.memref_slice %arg17[%dma_wait3A_45, %dma_wait3A_46] : memref<10240x128xf32, #tpu.memory_space<vmem_shared>> -> memref<128x128xf32, #tpu.memory_space<vmem_shared>>
      tpu.wait_dma2 semaphore(%arg16 : memref<!tpu.dma_semaphore, #tpu.memory_space<semaphore_mem>>) src(%arg12 : memref<128x128xf32, #tpu.memory_space<vmem>>) dst(%dma_wait3A_47 : memref<128x128xf32, #tpu.memory_space<vmem_shared>>)
      "tpu.region"() ({
        %run_scoped3A = tpu.sem_alloc : memref<!tpu.dma_semaphore, #tpu.memory_space<semaphore_mem>>
        %dma_start3A_80 = arith.constant 0 : i32
        %dma_start3A_81 = arith.constant 0 : i32
        %dma_start3A_82 = tpu.memref_slice %arg2[%arg1, %dma_start3A_80, %dma_start3A_81] : memref<16x80x128xi32, #tpu.memory_space<hbm>> -> memref<1x80x128xi32, #tpu.memory_space<hbm>>
        %dma_start3A_83 = tpu.memref_squeeze %dma_start3A_82 : memref<1x80x128xi32, #tpu.memory_space<hbm>> -> memref<80x128xi32, #tpu.memory_space<hbm>>
        %dma_start3A_84 = arith.constant 40 : i32
        %dma_start3A_85 = arith.constant 0 : i32
        %dma_start3A_86 = tpu.memref_slice %dma_start3A_83[%dma_start3A_84, %dma_start3A_85] : memref<80x128xi32, #tpu.memory_space<hbm>> -> memref<40x128xi32, #tpu.memory_space<hbm>>
        %dma_start3A_87 = arith.constant 0 : i32
        %dma_start3A_88 = arith.constant 0 : i32
        %dma_start3A_89 = tpu.memref_slice %arg2[%arg1, %dma_start3A_87, %dma_start3A_88] : memref<16x80x128xi32, #tpu.memory_space<hbm>> -> memref<1x80x128xi32, #tpu.memory_space<hbm>>
        %dma_start3A_90 = tpu.memref_squeeze %dma_start3A_89 : memref<1x80x128xi32, #tpu.memory_space<hbm>> -> memref<80x128xi32, #tpu.memory_space<hbm>>
        %dma_start3A_91 = arith.constant 40 : i32
        %dma_start3A_92 = arith.constant 0 : i32
        %dma_start3A_93 = tpu.memref_slice %dma_start3A_90[%dma_start3A_91, %dma_start3A_92] : memref<80x128xi32, #tpu.memory_space<hbm>> -> memref<40x128xi32, #tpu.memory_space<hbm>>
        tpu.enqueue_dma source(%dma_start3A_93 : memref<40x128xi32, #tpu.memory_space<hbm>>) target(%arg9 : memref<40x128xi32, #tpu.memory_space<vmem>>) target_semaphore(%run_scoped3A : memref<!tpu.dma_semaphore, #tpu.memory_space<semaphore_mem>>)
        %dma_wait3A_94 = arith.constant 0 : i32
        %dma_wait3A_95 = arith.constant 0 : i32
        %dma_wait3A_96 = tpu.memref_slice %arg2[%arg1, %dma_wait3A_94, %dma_wait3A_95] : memref<16x80x128xi32, #tpu.memory_space<hbm>> -> memref<1x80x128xi32, #tpu.memory_space<hbm>>
        %dma_wait3A_97 = tpu.memref_squeeze %dma_wait3A_96 : memref<1x80x128xi32, #tpu.memory_space<hbm>> -> memref<80x128xi32, #tpu.memory_space<hbm>>
        %dma_wait3A_98 = arith.constant 40 : i32
        %dma_wait3A_99 = arith.constant 0 : i32
        %dma_wait3A_100 = tpu.memref_slice %dma_wait3A_97[%dma_wait3A_98, %dma_wait3A_99] : memref<80x128xi32, #tpu.memory_space<hbm>> -> memref<40x128xi32, #tpu.memory_space<hbm>>
        %dma_wait3A_101 = arith.constant 0 : i32
        %dma_wait3A_102 = arith.constant 0 : i32
        %dma_wait3A_103 = tpu.memref_slice %arg2[%arg1, %dma_wait3A_101, %dma_wait3A_102] : memref<16x80x128xi32, #tpu.memory_space<hbm>> -> memref<1x80x128xi32, #tpu.memory_space<hbm>>
        %dma_wait3A_104 = tpu.memref_squeeze %dma_wait3A_103 : memref<1x80x128xi32, #tpu.memory_space<hbm>> -> memref<80x128xi32, #tpu.memory_space<hbm>>
        %dma_wait3A_105 = arith.constant 40 : i32
        %dma_wait3A_106 = arith.constant 0 : i32
        %dma_wait3A_107 = tpu.memref_slice %dma_wait3A_104[%dma_wait3A_105, %dma_wait3A_106] : memref<80x128xi32, #tpu.memory_space<hbm>> -> memref<40x128xi32, #tpu.memory_space<hbm>>
        tpu.wait_dma2 semaphore(%run_scoped3A : memref<!tpu.dma_semaphore, #tpu.memory_space<semaphore_mem>>) src(%dma_wait3A_107 : memref<40x128xi32, #tpu.memory_space<hbm>>) dst(%arg9 : memref<40x128xi32, #tpu.memory_space<vmem>>)
        tpu.yield
      }) : () -> ()
      "tpu.region"() ({
        %run_scoped3A = tpu.sem_alloc : memref<!tpu.dma_semaphore, #tpu.memory_space<semaphore_mem>>
        %dma_start3A_80 = arith.constant 0 : i32
        %dma_start3A_81 = arith.constant 0 : i32
        %dma_start3A_82 = tpu.memref_slice %arg3[%arg1, %dma_start3A_80, %dma_start3A_81] : memref<16x80x128xi32, #tpu.memory_space<hbm>> -> memref<1x80x128xi32, #tpu.memory_space<hbm>>
        %dma_start3A_83 = tpu.memref_squeeze %dma_start3A_82 : memref<1x80x128xi32, #tpu.memory_space<hbm>> -> memref<80x128xi32, #tpu.memory_space<hbm>>
        %dma_start3A_84 = arith.constant 40 : i32
        %dma_start3A_85 = arith.constant 0 : i32
        %dma_start3A_86 = tpu.memref_slice %dma_start3A_83[%dma_start3A_84, %dma_start3A_85] : memref<80x128xi32, #tpu.memory_space<hbm>> -> memref<40x128xi32, #tpu.memory_space<hbm>>
        %dma_start3A_87 = arith.constant 0 : i32
        %dma_start3A_88 = arith.constant 0 : i32
        %dma_start3A_89 = tpu.memref_slice %arg3[%arg1, %dma_start3A_87, %dma_start3A_88] : memref<16x80x128xi32, #tpu.memory_space<hbm>> -> memref<1x80x128xi32, #tpu.memory_space<hbm>>
        %dma_start3A_90 = tpu.memref_squeeze %dma_start3A_89 : memref<1x80x128xi32, #tpu.memory_space<hbm>> -> memref<80x128xi32, #tpu.memory_space<hbm>>
        %dma_start3A_91 = arith.constant 40 : i32
        %dma_start3A_92 = arith.constant 0 : i32
        %dma_start3A_93 = tpu.memref_slice %dma_start3A_90[%dma_start3A_91, %dma_start3A_92] : memref<80x128xi32, #tpu.memory_space<hbm>> -> memref<40x128xi32, #tpu.memory_space<hbm>>
        tpu.enqueue_dma source(%dma_start3A_93 : memref<40x128xi32, #tpu.memory_space<hbm>>) target(%arg10 : memref<40x128xi32, #tpu.memory_space<vmem>>) target_semaphore(%run_scoped3A : memref<!tpu.dma_semaphore, #tpu.memory_space<semaphore_mem>>)
        %dma_wait3A_94 = arith.constant 0 : i32
        %dma_wait3A_95 = arith.constant 0 : i32
        %dma_wait3A_96 = tpu.memref_slice %arg3[%arg1, %dma_wait3A_94, %dma_wait3A_95] : memref<16x80x128xi32, #tpu.memory_space<hbm>> -> memref<1x80x128xi32, #tpu.memory_space<hbm>>
        %dma_wait3A_97 = tpu.memref_squeeze %dma_wait3A_96 : memref<1x80x128xi32, #tpu.memory_space<hbm>> -> memref<80x128xi32, #tpu.memory_space<hbm>>
        %dma_wait3A_98 = arith.constant 40 : i32
        %dma_wait3A_99 = arith.constant 0 : i32
        %dma_wait3A_100 = tpu.memref_slice %dma_wait3A_97[%dma_wait3A_98, %dma_wait3A_99] : memref<80x128xi32, #tpu.memory_space<hbm>> -> memref<40x128xi32, #tpu.memory_space<hbm>>
        %dma_wait3A_101 = arith.constant 0 : i32
        %dma_wait3A_102 = arith.constant 0 : i32
        %dma_wait3A_103 = tpu.memref_slice %arg3[%arg1, %dma_wait3A_101, %dma_wait3A_102] : memref<16x80x128xi32, #tpu.memory_space<hbm>> -> memref<1x80x128xi32, #tpu.memory_space<hbm>>
        %dma_wait3A_104 = tpu.memref_squeeze %dma_wait3A_103 : memref<1x80x128xi32, #tpu.memory_space<hbm>> -> memref<80x128xi32, #tpu.memory_space<hbm>>
        %dma_wait3A_105 = arith.constant 40 : i32
        %dma_wait3A_106 = arith.constant 0 : i32
        %dma_wait3A_107 = tpu.memref_slice %dma_wait3A_104[%dma_wait3A_105, %dma_wait3A_106] : memref<80x128xi32, #tpu.memory_space<hbm>> -> memref<40x128xi32, #tpu.memory_space<hbm>>
        tpu.wait_dma2 semaphore(%run_scoped3A : memref<!tpu.dma_semaphore, #tpu.memory_space<semaphore_mem>>) src(%dma_wait3A_107 : memref<40x128xi32, #tpu.memory_space<hbm>>) dst(%arg10 : memref<40x128xi32, #tpu.memory_space<vmem>>)
        tpu.yield
      }) : () -> ()
      %dma_start3A_48 = arith.constant 0 : i32
      %dma_start3A_49 = arith.constant 0 : i32
      %dma_start3A_50 = tpu.memref_slice %arg9[%dma_start3A_48, %dma_start3A_49] : memref<40x128xi32, #tpu.memory_space<vmem>> -> memref<1x128xi32, #tpu.memory_space<vmem>>
      %dma_start3A_51 = tpu.memref_squeeze %dma_start3A_50 : memref<1x128xi32, #tpu.memory_space<vmem>> -> memref<128xi32, #tpu.memory_space<vmem>>
      %dma_start3A_52 = arith.constant 0 : i32
      %dma_start3A_53 = arith.constant 0 : i32
      %dma_start3A_54 = tpu.memref_slice %arg4[%dma_start3A_52, %dma_start3A_53] : memref<10000x128xf32, #tpu.memory_space<hbm>> -> memref<10000x128xf32, #tpu.memory_space<hbm>>
      tpu.enqueue_indirect_dma source(%dma_start3A_54 : memref<10000x128xf32, #tpu.memory_space<hbm>>) target(%arg11 : memref<128x128xf32, #tpu.memory_space<vmem>>) offsets(%dma_start3A_51 : memref<128xi32, #tpu.memory_space<vmem>>) semaphore(%arg13 : memref<!tpu.dma_semaphore, #tpu.memory_space<semaphore_mem>>)
      %dma_start3A_55 = arith.constant 1 : i32
      %dma_start3A_56 = arith.constant 0 : i32
      %dma_start3A_57 = tpu.memref_slice %arg9[%dma_start3A_55, %dma_start3A_56] : memref<40x128xi32, #tpu.memory_space<vmem>> -> memref<1x128xi32, #tpu.memory_space<vmem>>
      %dma_start3A_58 = tpu.memref_squeeze %dma_start3A_57 : memref<1x128xi32, #tpu.memory_space<vmem>> -> memref<128xi32, #tpu.memory_space<vmem>>
      %dma_start3A_59 = arith.constant 0 : i32
      %dma_start3A_60 = arith.constant 0 : i32
      %dma_start3A_61 = tpu.memref_slice %arg4[%dma_start3A_59, %dma_start3A_60] : memref<10000x128xf32, #tpu.memory_space<hbm>> -> memref<10000x128xf32, #tpu.memory_space<hbm>>
      tpu.enqueue_indirect_dma source(%dma_start3A_61 : memref<10000x128xf32, #tpu.memory_space<hbm>>) target(%arg12 : memref<128x128xf32, #tpu.memory_space<vmem>>) offsets(%dma_start3A_58 : memref<128xi32, #tpu.memory_space<vmem>>) semaphore(%arg14 : memref<!tpu.dma_semaphore, #tpu.memory_space<semaphore_mem>>)
      %scan3A_62 = arith.constant 0 : i32
      %scan3A_63 = arith.constant 0 : i32
      %scan3A_64 = arith.constant 20 : i32
      %scan3A_65 = arith.addi %scan3A_63, %scan3A_64 : i32
      %scan3A_66 = arith.constant 1 : i32
      scf.for %scan3A_80 = %scan3A_63 to %scan3A_65 step %scan3A_66  : i32 {
        %mul3A_81 = arith.constant 2 : i32
        %mul3A_82 = arith.muli %scan3A_80, %mul3A_81 : i32
        %add3A = arith.constant 0 : i32
        %add3A_83 = arith.addi %mul3A_82, %add3A : i32
        %dma_wait3A_84 = arith.constant 0 : i32
        %dma_wait3A_85 = arith.constant 0 : i32
        %dma_wait3A_86 = tpu.memref_slice %arg4[%dma_wait3A_84, %dma_wait3A_85] : memref<10000x128xf32, #tpu.memory_space<hbm>> -> memref<128x128xf32, #tpu.memory_space<hbm>>
        %dma_wait3A_87 = arith.constant 0 : i32
        %dma_wait3A_88 = arith.constant 0 : i32
        %dma_wait3A_89 = tpu.memref_slice %arg4[%dma_wait3A_87, %dma_wait3A_88] : memref<10000x128xf32, #tpu.memory_space<hbm>> -> memref<128x128xf32, #tpu.memory_space<hbm>>
        tpu.wait_dma2 semaphore(%arg13 : memref<!tpu.dma_semaphore, #tpu.memory_space<semaphore_mem>>) src(%dma_wait3A_89 : memref<128x128xf32, #tpu.memory_space<hbm>>) dst(%arg11 : memref<128x128xf32, #tpu.memory_space<vmem>>)
        %dma_start3A_90 = arith.constant 0 : i32
        %dma_start3A_91 = tpu.memref_slice %arg10[%add3A_83, %dma_start3A_90] : memref<40x128xi32, #tpu.memory_space<vmem>> -> memref<1x128xi32, #tpu.memory_space<vmem>>
        %dma_start3A_92 = tpu.memref_squeeze %dma_start3A_91 : memref<1x128xi32, #tpu.memory_space<vmem>> -> memref<128xi32, #tpu.memory_space<vmem>>
        %dma_start3A_93 = arith.constant 0 : i32
        %dma_start3A_94 = arith.constant 0 : i32
        %dma_start3A_95 = tpu.memref_slice %arg17[%dma_start3A_93, %dma_start3A_94] : memref<10240x128xf32, #tpu.memory_space<vmem_shared>> -> memref<10240x128xf32, #tpu.memory_space<vmem_shared>>
        tpu.enqueue_indirect_dma source(%arg11 : memref<128x128xf32, #tpu.memory_space<vmem>>) target(%dma_start3A_95 : memref<10240x128xf32, #tpu.memory_space<vmem_shared>>) offsets(%dma_start3A_92 : memref<128xi32, #tpu.memory_space<vmem>>) semaphore(%arg15 : memref<!tpu.dma_semaphore, #tpu.memory_space<semaphore_mem>>) {add = true}
        %add3A_96 = arith.constant 2 : i32
        %add3A_97 = arith.addi %add3A_83, %add3A_96 : i32
        %lt3A = arith.constant 40 : i32
        %lt3A_98 = arith.cmpi slt, %add3A_97, %lt3A : i32
        %convert_element_type3A_99 = arith.extui %lt3A_98 : i1 to i32
        %cond3A_100 = arith.constant 0 : i32
        %cond3A_101 = arith.cmpi ne, %convert_element_type3A_99, %cond3A_100 : i32
        scf.if %cond3A_101 {
          %dma_wait3A_123 = arith.constant 0 : i32
          %dma_wait3A_124 = arith.constant 0 : i32
          %dma_wait3A_125 = tpu.memref_slice %arg17[%dma_wait3A_123, %dma_wait3A_124] : memref<10240x128xf32, #tpu.memory_space<vmem_shared>> -> memref<128x128xf32, #tpu.memory_space<vmem_shared>>
          %dma_wait3A_126 = arith.constant 0 : i32
          %dma_wait3A_127 = arith.constant 0 : i32
          %dma_wait3A_128 = tpu.memref_slice %arg17[%dma_wait3A_126, %dma_wait3A_127] : memref<10240x128xf32, #tpu.memory_space<vmem_shared>> -> memref<128x128xf32, #tpu.memory_space<vmem_shared>>
          tpu.wait_dma2 semaphore(%arg15 : memref<!tpu.dma_semaphore, #tpu.memory_space<semaphore_mem>>) src(%arg11 : memref<128x128xf32, #tpu.memory_space<vmem>>) dst(%dma_wait3A_128 : memref<128x128xf32, #tpu.memory_space<vmem_shared>>)
          %add3A_129 = arith.constant 2 : i32
          %add3A_130 = arith.addi %add3A_83, %add3A_129 : i32
          %dma_start3A_131 = arith.constant 0 : i32
          %dma_start3A_132 = tpu.memref_slice %arg9[%add3A_130, %dma_start3A_131] : memref<40x128xi32, #tpu.memory_space<vmem>> -> memref<1x128xi32, #tpu.memory_space<vmem>>
          %dma_start3A_133 = tpu.memref_squeeze %dma_start3A_132 : memref<1x128xi32, #tpu.memory_space<vmem>> -> memref<128xi32, #tpu.memory_space<vmem>>
          %dma_start3A_134 = arith.constant 0 : i32
          %dma_start3A_135 = arith.constant 0 : i32
          %dma_start3A_136 = tpu.memref_slice %arg4[%dma_start3A_134, %dma_start3A_135] : memref<10000x128xf32, #tpu.memory_space<hbm>> -> memref<10000x128xf32, #tpu.memory_space<hbm>>
          tpu.enqueue_indirect_dma source(%dma_start3A_136 : memref<10000x128xf32, #tpu.memory_space<hbm>>) target(%arg11 : memref<128x128xf32, #tpu.memory_space<vmem>>) offsets(%dma_start3A_133 : memref<128xi32, #tpu.memory_space<vmem>>) semaphore(%arg13 : memref<!tpu.dma_semaphore, #tpu.memory_space<semaphore_mem>>)
        } else {
        }
        %add3A_102 = arith.constant 1 : i32
        %add3A_103 = arith.addi %mul3A_82, %add3A_102 : i32
        %dma_wait3A_104 = arith.constant 0 : i32
        %dma_wait3A_105 = arith.constant 0 : i32
        %dma_wait3A_106 = tpu.memref_slice %arg4[%dma_wait3A_104, %dma_wait3A_105] : memref<10000x128xf32, #tpu.memory_space<hbm>> -> memref<128x128xf32, #tpu.memory_space<hbm>>
        %dma_wait3A_107 = arith.constant 0 : i32
        %dma_wait3A_108 = arith.constant 0 : i32
        %dma_wait3A_109 = tpu.memref_slice %arg4[%dma_wait3A_107, %dma_wait3A_108] : memref<10000x128xf32, #tpu.memory_space<hbm>> -> memref<128x128xf32, #tpu.memory_space<hbm>>
        tpu.wait_dma2 semaphore(%arg14 : memref<!tpu.dma_semaphore, #tpu.memory_space<semaphore_mem>>) src(%dma_wait3A_109 : memref<128x128xf32, #tpu.memory_space<hbm>>) dst(%arg12 : memref<128x128xf32, #tpu.memory_space<vmem>>)
        %dma_start3A_110 = arith.constant 0 : i32
        %dma_start3A_111 = tpu.memref_slice %arg10[%add3A_103, %dma_start3A_110] : memref<40x128xi32, #tpu.memory_space<vmem>> -> memref<1x128xi32, #tpu.memory_space<vmem>>
        %dma_start3A_112 = tpu.memref_squeeze %dma_start3A_111 : memref<1x128xi32, #tpu.memory_space<vmem>> -> memref<128xi32, #tpu.memory_space<vmem>>
        %dma_start3A_113 = arith.constant 0 : i32
        %dma_start3A_114 = arith.constant 0 : i32
        %dma_start3A_115 = tpu.memref_slice %arg17[%dma_start3A_113, %dma_start3A_114] : memref<10240x128xf32, #tpu.memory_space<vmem_shared>> -> memref<10240x128xf32, #tpu.memory_space<vmem_shared>>
        tpu.enqueue_indirect_dma source(%arg12 : memref<128x128xf32, #tpu.memory_space<vmem>>) target(%dma_start3A_115 : memref<10240x128xf32, #tpu.memory_space<vmem_shared>>) offsets(%dma_start3A_112 : memref<128xi32, #tpu.memory_space<vmem>>) semaphore(%arg16 : memref<!tpu.dma_semaphore, #tpu.memory_space<semaphore_mem>>) {add = true}
        %add3A_116 = arith.constant 2 : i32
        %add3A_117 = arith.addi %add3A_103, %add3A_116 : i32
        %lt3A_118 = arith.constant 40 : i32
        %lt3A_119 = arith.cmpi slt, %add3A_117, %lt3A_118 : i32
        %convert_element_type3A_120 = arith.extui %lt3A_119 : i1 to i32
        %cond3A_121 = arith.constant 0 : i32
        %cond3A_122 = arith.cmpi ne, %convert_element_type3A_120, %cond3A_121 : i32
        scf.if %cond3A_122 {
          %dma_wait3A_123 = arith.constant 0 : i32
          %dma_wait3A_124 = arith.constant 0 : i32
          %dma_wait3A_125 = tpu.memref_slice %arg17[%dma_wait3A_123, %dma_wait3A_124] : memref<10240x128xf32, #tpu.memory_space<vmem_shared>> -> memref<128x128xf32, #tpu.memory_space<vmem_shared>>
          %dma_wait3A_126 = arith.constant 0 : i32
          %dma_wait3A_127 = arith.constant 0 : i32
          %dma_wait3A_128 = tpu.memref_slice %arg17[%dma_wait3A_126, %dma_wait3A_127] : memref<10240x128xf32, #tpu.memory_space<vmem_shared>> -> memref<128x128xf32, #tpu.memory_space<vmem_shared>>
          tpu.wait_dma2 semaphore(%arg16 : memref<!tpu.dma_semaphore, #tpu.memory_space<semaphore_mem>>) src(%arg12 : memref<128x128xf32, #tpu.memory_space<vmem>>) dst(%dma_wait3A_128 : memref<128x128xf32, #tpu.memory_space<vmem_shared>>)
          %add3A_129 = arith.constant 2 : i32
          %add3A_130 = arith.addi %add3A_103, %add3A_129 : i32
          %dma_start3A_131 = arith.constant 0 : i32
          %dma_start3A_132 = tpu.memref_slice %arg9[%add3A_130, %dma_start3A_131] : memref<40x128xi32, #tpu.memory_space<vmem>> -> memref<1x128xi32, #tpu.memory_space<vmem>>
          %dma_start3A_133 = tpu.memref_squeeze %dma_start3A_132 : memref<1x128xi32, #tpu.memory_space<vmem>> -> memref<128xi32, #tpu.memory_space<vmem>>
          %dma_start3A_134 = arith.constant 0 : i32
          %dma_start3A_135 = arith.constant 0 : i32
          %dma_start3A_136 = tpu.memref_slice %arg4[%dma_start3A_134, %dma_start3A_135] : memref<10000x128xf32, #tpu.memory_space<hbm>> -> memref<10000x128xf32, #tpu.memory_space<hbm>>
          tpu.enqueue_indirect_dma source(%dma_start3A_136 : memref<10000x128xf32, #tpu.memory_space<hbm>>) target(%arg12 : memref<128x128xf32, #tpu.memory_space<vmem>>) offsets(%dma_start3A_133 : memref<128xi32, #tpu.memory_space<vmem>>) semaphore(%arg14 : memref<!tpu.dma_semaphore, #tpu.memory_space<semaphore_mem>>)
        } else {
        }
      }
      %scan3A_67 = arith.constant 20 : i32
      %dma_wait3A_68 = arith.constant 0 : i32
      %dma_wait3A_69 = arith.constant 0 : i32
      %dma_wait3A_70 = tpu.memref_slice %arg17[%dma_wait3A_68, %dma_wait3A_69] : memref<10240x128xf32, #tpu.memory_space<vmem_shared>> -> memref<128x128xf32, #tpu.memory_space<vmem_shared>>
      %dma_wait3A_71 = arith.constant 0 : i32
      %dma_wait3A_72 = arith.constant 0 : i32
      %dma_wait3A_73 = tpu.memref_slice %arg17[%dma_wait3A_71, %dma_wait3A_72] : memref<10240x128xf32, #tpu.memory_space<vmem_shared>> -> memref<128x128xf32, #tpu.memory_space<vmem_shared>>
      tpu.wait_dma2 semaphore(%arg15 : memref<!tpu.dma_semaphore, #tpu.memory_space<semaphore_mem>>) src(%arg11 : memref<128x128xf32, #tpu.memory_space<vmem>>) dst(%dma_wait3A_73 : memref<128x128xf32, #tpu.memory_space<vmem_shared>>)
      %dma_wait3A_74 = arith.constant 0 : i32
      %dma_wait3A_75 = arith.constant 0 : i32
      %dma_wait3A_76 = tpu.memref_slice %arg17[%dma_wait3A_74, %dma_wait3A_75] : memref<10240x128xf32, #tpu.memory_space<vmem_shared>> -> memref<128x128xf32, #tpu.memory_space<vmem_shared>>
      %dma_wait3A_77 = arith.constant 0 : i32
      %dma_wait3A_78 = arith.constant 0 : i32
      %dma_wait3A_79 = tpu.memref_slice %arg17[%dma_wait3A_77, %dma_wait3A_78] : memref<10240x128xf32, #tpu.memory_space<vmem_shared>> -> memref<128x128xf32, #tpu.memory_space<vmem_shared>>
      tpu.wait_dma2 semaphore(%arg16 : memref<!tpu.dma_semaphore, #tpu.memory_space<semaphore_mem>>) src(%arg12 : memref<128x128xf32, #tpu.memory_space<vmem>>) dst(%dma_wait3A_79 : memref<128x128xf32, #tpu.memory_space<vmem_shared>>)
    } else {
    }
    %eq3A_3 = arith.constant 1 : i32
    %eq3A_4 = arith.cmpi eq, %arg0, %eq3A_3 : i32
    %convert_element_type3A_5 = arith.extui %eq3A_4 : i1 to i32
    %cond3A_6 = arith.constant 0 : i32
    %cond3A_7 = arith.cmpi ne, %convert_element_type3A_5, %cond3A_6 : i32
    scf.if %cond3A_7 {
      "tpu.region"() ({
        %run_scoped3A = tpu.sem_alloc : memref<!tpu.dma_semaphore, #tpu.memory_space<semaphore_mem>>
        %dma_start3A_80 = arith.constant 0 : i32
        %dma_start3A_81 = arith.constant 0 : i32
        %dma_start3A_82 = tpu.memref_slice %arg2[%arg1, %dma_start3A_80, %dma_start3A_81] : memref<16x80x128xi32, #tpu.memory_space<hbm>> -> memref<1x80x128xi32, #tpu.memory_space<hbm>>
        %dma_start3A_83 = tpu.memref_squeeze %dma_start3A_82 : memref<1x80x128xi32, #tpu.memory_space<hbm>> -> memref<80x128xi32, #tpu.memory_space<hbm>>
        %dma_start3A_84 = arith.constant 0 : i32
        %dma_start3A_85 = arith.constant 0 : i32
        %dma_start3A_86 = tpu.memref_slice %dma_start3A_83[%dma_start3A_84, %dma_start3A_85] : memref<80x128xi32, #tpu.memory_space<hbm>> -> memref<40x128xi32, #tpu.memory_space<hbm>>
        %dma_start3A_87 = arith.constant 0 : i32
        %dma_start3A_88 = arith.constant 0 : i32
        %dma_start3A_89 = tpu.memref_slice %arg2[%arg1, %dma_start3A_87, %dma_start3A_88] : memref<16x80x128xi32, #tpu.memory_space<hbm>> -> memref<1x80x128xi32, #tpu.memory_space<hbm>>
        %dma_start3A_90 = tpu.memref_squeeze %dma_start3A_89 : memref<1x80x128xi32, #tpu.memory_space<hbm>> -> memref<80x128xi32, #tpu.memory_space<hbm>>
        %dma_start3A_91 = arith.constant 0 : i32
        %dma_start3A_92 = arith.constant 0 : i32
        %dma_start3A_93 = tpu.memref_slice %dma_start3A_90[%dma_start3A_91, %dma_start3A_92] : memref<80x128xi32, #tpu.memory_space<hbm>> -> memref<40x128xi32, #tpu.memory_space<hbm>>
        tpu.enqueue_dma source(%dma_start3A_93 : memref<40x128xi32, #tpu.memory_space<hbm>>) target(%arg9 : memref<40x128xi32, #tpu.memory_space<vmem>>) target_semaphore(%run_scoped3A : memref<!tpu.dma_semaphore, #tpu.memory_space<semaphore_mem>>)
        %dma_wait3A_94 = arith.constant 0 : i32
        %dma_wait3A_95 = arith.constant 0 : i32
        %dma_wait3A_96 = tpu.memref_slice %arg2[%arg1, %dma_wait3A_94, %dma_wait3A_95] : memref<16x80x128xi32, #tpu.memory_space<hbm>> -> memref<1x80x128xi32, #tpu.memory_space<hbm>>
        %dma_wait3A_97 = tpu.memref_squeeze %dma_wait3A_96 : memref<1x80x128xi32, #tpu.memory_space<hbm>> -> memref<80x128xi32, #tpu.memory_space<hbm>>
        %dma_wait3A_98 = arith.constant 0 : i32
        %dma_wait3A_99 = arith.constant 0 : i32
        %dma_wait3A_100 = tpu.memref_slice %dma_wait3A_97[%dma_wait3A_98, %dma_wait3A_99] : memref<80x128xi32, #tpu.memory_space<hbm>> -> memref<40x128xi32, #tpu.memory_space<hbm>>
        %dma_wait3A_101 = arith.constant 0 : i32
        %dma_wait3A_102 = arith.constant 0 : i32
        %dma_wait3A_103 = tpu.memref_slice %arg2[%arg1, %dma_wait3A_101, %dma_wait3A_102] : memref<16x80x128xi32, #tpu.memory_space<hbm>> -> memref<1x80x128xi32, #tpu.memory_space<hbm>>
        %dma_wait3A_104 = tpu.memref_squeeze %dma_wait3A_103 : memref<1x80x128xi32, #tpu.memory_space<hbm>> -> memref<80x128xi32, #tpu.memory_space<hbm>>
        %dma_wait3A_105 = arith.constant 0 : i32
        %dma_wait3A_106 = arith.constant 0 : i32
        %dma_wait3A_107 = tpu.memref_slice %dma_wait3A_104[%dma_wait3A_105, %dma_wait3A_106] : memref<80x128xi32, #tpu.memory_space<hbm>> -> memref<40x128xi32, #tpu.memory_space<hbm>>
        tpu.wait_dma2 semaphore(%run_scoped3A : memref<!tpu.dma_semaphore, #tpu.memory_space<semaphore_mem>>) src(%dma_wait3A_107 : memref<40x128xi32, #tpu.memory_space<hbm>>) dst(%arg9 : memref<40x128xi32, #tpu.memory_space<vmem>>)
        tpu.yield
      }) : () -> ()
      "tpu.region"() ({
        %run_scoped3A = tpu.sem_alloc : memref<!tpu.dma_semaphore, #tpu.memory_space<semaphore_mem>>
        %dma_start3A_80 = arith.constant 0 : i32
        %dma_start3A_81 = arith.constant 0 : i32
        %dma_start3A_82 = tpu.memref_slice %arg3[%arg1, %dma_start3A_80, %dma_start3A_81] : memref<16x80x128xi32, #tpu.memory_space<hbm>> -> memref<1x80x128xi32, #tpu.memory_space<hbm>>
        %dma_start3A_83 = tpu.memref_squeeze %dma_start3A_82 : memref<1x80x128xi32, #tpu.memory_space<hbm>> -> memref<80x128xi32, #tpu.memory_space<hbm>>
        %dma_start3A_84 = arith.constant 0 : i32
        %dma_start3A_85 = arith.constant 0 : i32
        %dma_start3A_86 = tpu.memref_slice %dma_start3A_83[%dma_start3A_84, %dma_start3A_85] : memref<80x128xi32, #tpu.memory_space<hbm>> -> memref<40x128xi32, #tpu.memory_space<hbm>>
        %dma_start3A_87 = arith.constant 0 : i32
        %dma_start3A_88 = arith.constant 0 : i32
        %dma_start3A_89 = tpu.memref_slice %arg3[%arg1, %dma_start3A_87, %dma_start3A_88] : memref<16x80x128xi32, #tpu.memory_space<hbm>> -> memref<1x80x128xi32, #tpu.memory_space<hbm>>
        %dma_start3A_90 = tpu.memref_squeeze %dma_start3A_89 : memref<1x80x128xi32, #tpu.memory_space<hbm>> -> memref<80x128xi32, #tpu.memory_space<hbm>>
        %dma_start3A_91 = arith.constant 0 : i32
        %dma_start3A_92 = arith.constant 0 : i32
        %dma_start3A_93 = tpu.memref_slice %dma_start3A_90[%dma_start3A_91, %dma_start3A_92] : memref<80x128xi32, #tpu.memory_space<hbm>> -> memref<40x128xi32, #tpu.memory_space<hbm>>
        tpu.enqueue_dma source(%dma_start3A_93 : memref<40x128xi32, #tpu.memory_space<hbm>>) target(%arg10 : memref<40x128xi32, #tpu.memory_space<vmem>>) target_semaphore(%run_scoped3A : memref<!tpu.dma_semaphore, #tpu.memory_space<semaphore_mem>>)
        %dma_wait3A_94 = arith.constant 0 : i32
        %dma_wait3A_95 = arith.constant 0 : i32
        %dma_wait3A_96 = tpu.memref_slice %arg3[%arg1, %dma_wait3A_94, %dma_wait3A_95] : memref<16x80x128xi32, #tpu.memory_space<hbm>> -> memref<1x80x128xi32, #tpu.memory_space<hbm>>
        %dma_wait3A_97 = tpu.memref_squeeze %dma_wait3A_96 : memref<1x80x128xi32, #tpu.memory_space<hbm>> -> memref<80x128xi32, #tpu.memory_space<hbm>>
        %dma_wait3A_98 = arith.constant 0 : i32
        %dma_wait3A_99 = arith.constant 0 : i32
        %dma_wait3A_100 = tpu.memref_slice %dma_wait3A_97[%dma_wait3A_98, %dma_wait3A_99] : memref<80x128xi32, #tpu.memory_space<hbm>> -> memref<40x128xi32, #tpu.memory_space<hbm>>
        %dma_wait3A_101 = arith.constant 0 : i32
        %dma_wait3A_102 = arith.constant 0 : i32
        %dma_wait3A_103 = tpu.memref_slice %arg3[%arg1, %dma_wait3A_101, %dma_wait3A_102] : memref<16x80x128xi32, #tpu.memory_space<hbm>> -> memref<1x80x128xi32, #tpu.memory_space<hbm>>
        %dma_wait3A_104 = tpu.memref_squeeze %dma_wait3A_103 : memref<1x80x128xi32, #tpu.memory_space<hbm>> -> memref<80x128xi32, #tpu.memory_space<hbm>>
        %dma_wait3A_105 = arith.constant 0 : i32
        %dma_wait3A_106 = arith.constant 0 : i32
        %dma_wait3A_107 = tpu.memref_slice %dma_wait3A_104[%dma_wait3A_105, %dma_wait3A_106] : memref<80x128xi32, #tpu.memory_space<hbm>> -> memref<40x128xi32, #tpu.memory_space<hbm>>
        tpu.wait_dma2 semaphore(%run_scoped3A : memref<!tpu.dma_semaphore, #tpu.memory_space<semaphore_mem>>) src(%dma_wait3A_107 : memref<40x128xi32, #tpu.memory_space<hbm>>) dst(%arg10 : memref<40x128xi32, #tpu.memory_space<vmem>>)
        tpu.yield
      }) : () -> ()
      %dma_start3A = arith.constant 0 : i32
      %dma_start3A_19 = arith.constant 0 : i32
      %dma_start3A_20 = tpu.memref_slice %arg9[%dma_start3A, %dma_start3A_19] : memref<40x128xi32, #tpu.memory_space<vmem>> -> memref<1x128xi32, #tpu.memory_space<vmem>>
      %dma_start3A_21 = tpu.memref_squeeze %dma_start3A_20 : memref<1x128xi32, #tpu.memory_space<vmem>> -> memref<128xi32, #tpu.memory_space<vmem>>
      %dma_start3A_22 = arith.constant 0 : i32
      %dma_start3A_23 = arith.constant 0 : i32
      %dma_start3A_24 = tpu.memref_slice %arg5[%dma_start3A_22, %dma_start3A_23] : memref<10000x128xf32, #tpu.memory_space<hbm>> -> memref<10000x128xf32, #tpu.memory_space<hbm>>
      tpu.enqueue_indirect_dma source(%dma_start3A_24 : memref<10000x128xf32, #tpu.memory_space<hbm>>) target(%arg11 : memref<128x128xf32, #tpu.memory_space<vmem>>) offsets(%dma_start3A_21 : memref<128xi32, #tpu.memory_space<vmem>>) semaphore(%arg13 : memref<!tpu.dma_semaphore, #tpu.memory_space<semaphore_mem>>)
      %dma_start3A_25 = arith.constant 1 : i32
      %dma_start3A_26 = arith.constant 0 : i32
      %dma_start3A_27 = tpu.memref_slice %arg9[%dma_start3A_25, %dma_start3A_26] : memref<40x128xi32, #tpu.memory_space<vmem>> -> memref<1x128xi32, #tpu.memory_space<vmem>>
      %dma_start3A_28 = tpu.memref_squeeze %dma_start3A_27 : memref<1x128xi32, #tpu.memory_space<vmem>> -> memref<128xi32, #tpu.memory_space<vmem>>
      %dma_start3A_29 = arith.constant 0 : i32
      %dma_start3A_30 = arith.constant 0 : i32
      %dma_start3A_31 = tpu.memref_slice %arg5[%dma_start3A_29, %dma_start3A_30] : memref<10000x128xf32, #tpu.memory_space<hbm>> -> memref<10000x128xf32, #tpu.memory_space<hbm>>
      tpu.enqueue_indirect_dma source(%dma_start3A_31 : memref<10000x128xf32, #tpu.memory_space<hbm>>) target(%arg12 : memref<128x128xf32, #tpu.memory_space<vmem>>) offsets(%dma_start3A_28 : memref<128xi32, #tpu.memory_space<vmem>>) semaphore(%arg14 : memref<!tpu.dma_semaphore, #tpu.memory_space<semaphore_mem>>)
      %scan3A = arith.constant 0 : i32
      %scan3A_32 = arith.constant 0 : i32
      %scan3A_33 = arith.constant 20 : i32
      %scan3A_34 = arith.addi %scan3A_32, %scan3A_33 : i32
      %scan3A_35 = arith.constant 1 : i32
      scf.for %scan3A_80 = %scan3A_32 to %scan3A_34 step %scan3A_35  : i32 {
        %mul3A_81 = arith.constant 2 : i32
        %mul3A_82 = arith.muli %scan3A_80, %mul3A_81 : i32
        %add3A = arith.constant 0 : i32
        %add3A_83 = arith.addi %mul3A_82, %add3A : i32
        %dma_wait3A_84 = arith.constant 0 : i32
        %dma_wait3A_85 = arith.constant 0 : i32
        %dma_wait3A_86 = tpu.memref_slice %arg5[%dma_wait3A_84, %dma_wait3A_85] : memref<10000x128xf32, #tpu.memory_space<hbm>> -> memref<128x128xf32, #tpu.memory_space<hbm>>
        %dma_wait3A_87 = arith.constant 0 : i32
        %dma_wait3A_88 = arith.constant 0 : i32
        %dma_wait3A_89 = tpu.memref_slice %arg5[%dma_wait3A_87, %dma_wait3A_88] : memref<10000x128xf32, #tpu.memory_space<hbm>> -> memref<128x128xf32, #tpu.memory_space<hbm>>
        tpu.wait_dma2 semaphore(%arg13 : memref<!tpu.dma_semaphore, #tpu.memory_space<semaphore_mem>>) src(%dma_wait3A_89 : memref<128x128xf32, #tpu.memory_space<hbm>>) dst(%arg11 : memref<128x128xf32, #tpu.memory_space<vmem>>)
        %dma_start3A_90 = arith.constant 0 : i32
        %dma_start3A_91 = tpu.memref_slice %arg10[%add3A_83, %dma_start3A_90] : memref<40x128xi32, #tpu.memory_space<vmem>> -> memref<1x128xi32, #tpu.memory_space<vmem>>
        %dma_start3A_92 = tpu.memref_squeeze %dma_start3A_91 : memref<1x128xi32, #tpu.memory_space<vmem>> -> memref<128xi32, #tpu.memory_space<vmem>>
        %dma_start3A_93 = arith.constant 0 : i32
        %dma_start3A_94 = arith.constant 0 : i32
        %dma_start3A_95 = tpu.memref_slice %arg17[%dma_start3A_93, %dma_start3A_94] : memref<10240x128xf32, #tpu.memory_space<vmem_shared>> -> memref<10240x128xf32, #tpu.memory_space<vmem_shared>>
        tpu.enqueue_indirect_dma source(%arg11 : memref<128x128xf32, #tpu.memory_space<vmem>>) target(%dma_start3A_95 : memref<10240x128xf32, #tpu.memory_space<vmem_shared>>) offsets(%dma_start3A_92 : memref<128xi32, #tpu.memory_space<vmem>>) semaphore(%arg15 : memref<!tpu.dma_semaphore, #tpu.memory_space<semaphore_mem>>) {add = true}
        %add3A_96 = arith.constant 2 : i32
        %add3A_97 = arith.addi %add3A_83, %add3A_96 : i32
        %lt3A = arith.constant 40 : i32
        %lt3A_98 = arith.cmpi slt, %add3A_97, %lt3A : i32
        %convert_element_type3A_99 = arith.extui %lt3A_98 : i1 to i32
        %cond3A_100 = arith.constant 0 : i32
        %cond3A_101 = arith.cmpi ne, %convert_element_type3A_99, %cond3A_100 : i32
        scf.if %cond3A_101 {
          %dma_wait3A_123 = arith.constant 0 : i32
          %dma_wait3A_124 = arith.constant 0 : i32
          %dma_wait3A_125 = tpu.memref_slice %arg17[%dma_wait3A_123, %dma_wait3A_124] : memref<10240x128xf32, #tpu.memory_space<vmem_shared>> -> memref<128x128xf32, #tpu.memory_space<vmem_shared>>
          %dma_wait3A_126 = arith.constant 0 : i32
          %dma_wait3A_127 = arith.constant 0 : i32
          %dma_wait3A_128 = tpu.memref_slice %arg17[%dma_wait3A_126, %dma_wait3A_127] : memref<10240x128xf32, #tpu.memory_space<vmem_shared>> -> memref<128x128xf32, #tpu.memory_space<vmem_shared>>
          tpu.wait_dma2 semaphore(%arg15 : memref<!tpu.dma_semaphore, #tpu.memory_space<semaphore_mem>>) src(%arg11 : memref<128x128xf32, #tpu.memory_space<vmem>>) dst(%dma_wait3A_128 : memref<128x128xf32, #tpu.memory_space<vmem_shared>>)
          %add3A_129 = arith.constant 2 : i32
          %add3A_130 = arith.addi %add3A_83, %add3A_129 : i32
          %dma_start3A_131 = arith.constant 0 : i32
          %dma_start3A_132 = tpu.memref_slice %arg9[%add3A_130, %dma_start3A_131] : memref<40x128xi32, #tpu.memory_space<vmem>> -> memref<1x128xi32, #tpu.memory_space<vmem>>
          %dma_start3A_133 = tpu.memref_squeeze %dma_start3A_132 : memref<1x128xi32, #tpu.memory_space<vmem>> -> memref<128xi32, #tpu.memory_space<vmem>>
          %dma_start3A_134 = arith.constant 0 : i32
          %dma_start3A_135 = arith.constant 0 : i32
          %dma_start3A_136 = tpu.memref_slice %arg5[%dma_start3A_134, %dma_start3A_135] : memref<10000x128xf32, #tpu.memory_space<hbm>> -> memref<10000x128xf32, #tpu.memory_space<hbm>>
          tpu.enqueue_indirect_dma source(%dma_start3A_136 : memref<10000x128xf32, #tpu.memory_space<hbm>>) target(%arg11 : memref<128x128xf32, #tpu.memory_space<vmem>>) offsets(%dma_start3A_133 : memref<128xi32, #tpu.memory_space<vmem>>) semaphore(%arg13 : memref<!tpu.dma_semaphore, #tpu.memory_space<semaphore_mem>>)
        } else {
        }
        %add3A_102 = arith.constant 1 : i32
        %add3A_103 = arith.addi %mul3A_82, %add3A_102 : i32
        %dma_wait3A_104 = arith.constant 0 : i32
        %dma_wait3A_105 = arith.constant 0 : i32
        %dma_wait3A_106 = tpu.memref_slice %arg5[%dma_wait3A_104, %dma_wait3A_105] : memref<10000x128xf32, #tpu.memory_space<hbm>> -> memref<128x128xf32, #tpu.memory_space<hbm>>
        %dma_wait3A_107 = arith.constant 0 : i32
        %dma_wait3A_108 = arith.constant 0 : i32
        %dma_wait3A_109 = tpu.memref_slice %arg5[%dma_wait3A_107, %dma_wait3A_108] : memref<10000x128xf32, #tpu.memory_space<hbm>> -> memref<128x128xf32, #tpu.memory_space<hbm>>
        tpu.wait_dma2 semaphore(%arg14 : memref<!tpu.dma_semaphore, #tpu.memory_space<semaphore_mem>>) src(%dma_wait3A_109 : memref<128x128xf32, #tpu.memory_space<hbm>>) dst(%arg12 : memref<128x128xf32, #tpu.memory_space<vmem>>)
        %dma_start3A_110 = arith.constant 0 : i32
        %dma_start3A_111 = tpu.memref_slice %arg10[%add3A_103, %dma_start3A_110] : memref<40x128xi32, #tpu.memory_space<vmem>> -> memref<1x128xi32, #tpu.memory_space<vmem>>
        %dma_start3A_112 = tpu.memref_squeeze %dma_start3A_111 : memref<1x128xi32, #tpu.memory_space<vmem>> -> memref<128xi32, #tpu.memory_space<vmem>>
        %dma_start3A_113 = arith.constant 0 : i32
        %dma_start3A_114 = arith.constant 0 : i32
        %dma_start3A_115 = tpu.memref_slice %arg17[%dma_start3A_113, %dma_start3A_114] : memref<10240x128xf32, #tpu.memory_space<vmem_shared>> -> memref<10240x128xf32, #tpu.memory_space<vmem_shared>>
        tpu.enqueue_indirect_dma source(%arg12 : memref<128x128xf32, #tpu.memory_space<vmem>>) target(%dma_start3A_115 : memref<10240x128xf32, #tpu.memory_space<vmem_shared>>) offsets(%dma_start3A_112 : memref<128xi32, #tpu.memory_space<vmem>>) semaphore(%arg16 : memref<!tpu.dma_semaphore, #tpu.memory_space<semaphore_mem>>) {add = true}
        %add3A_116 = arith.constant 2 : i32
        %add3A_117 = arith.addi %add3A_103, %add3A_116 : i32
        %lt3A_118 = arith.constant 40 : i32
        %lt3A_119 = arith.cmpi slt, %add3A_117, %lt3A_118 : i32
        %convert_element_type3A_120 = arith.extui %lt3A_119 : i1 to i32
        %cond3A_121 = arith.constant 0 : i32
        %cond3A_122 = arith.cmpi ne, %convert_element_type3A_120, %cond3A_121 : i32
        scf.if %cond3A_122 {
          %dma_wait3A_123 = arith.constant 0 : i32
          %dma_wait3A_124 = arith.constant 0 : i32
          %dma_wait3A_125 = tpu.memref_slice %arg17[%dma_wait3A_123, %dma_wait3A_124] : memref<10240x128xf32, #tpu.memory_space<vmem_shared>> -> memref<128x128xf32, #tpu.memory_space<vmem_shared>>
          %dma_wait3A_126 = arith.constant 0 : i32
          %dma_wait3A_127 = arith.constant 0 : i32
          %dma_wait3A_128 = tpu.memref_slice %arg17[%dma_wait3A_126, %dma_wait3A_127] : memref<10240x128xf32, #tpu.memory_space<vmem_shared>> -> memref<128x128xf32, #tpu.memory_space<vmem_shared>>
          tpu.wait_dma2 semaphore(%arg16 : memref<!tpu.dma_semaphore, #tpu.memory_space<semaphore_mem>>) src(%arg12 : memref<128x128xf32, #tpu.memory_space<vmem>>) dst(%dma_wait3A_128 : memref<128x128xf32, #tpu.memory_space<vmem_shared>>)
          %add3A_129 = arith.constant 2 : i32
          %add3A_130 = arith.addi %add3A_103, %add3A_129 : i32
          %dma_start3A_131 = arith.constant 0 : i32
          %dma_start3A_132 = tpu.memref_slice %arg9[%add3A_130, %dma_start3A_131] : memref<40x128xi32, #tpu.memory_space<vmem>> -> memref<1x128xi32, #tpu.memory_space<vmem>>
          %dma_start3A_133 = tpu.memref_squeeze %dma_start3A_132 : memref<1x128xi32, #tpu.memory_space<vmem>> -> memref<128xi32, #tpu.memory_space<vmem>>
          %dma_start3A_134 = arith.constant 0 : i32
          %dma_start3A_135 = arith.constant 0 : i32
          %dma_start3A_136 = tpu.memref_slice %arg5[%dma_start3A_134, %dma_start3A_135] : memref<10000x128xf32, #tpu.memory_space<hbm>> -> memref<10000x128xf32, #tpu.memory_space<hbm>>
          tpu.enqueue_indirect_dma source(%dma_start3A_136 : memref<10000x128xf32, #tpu.memory_space<hbm>>) target(%arg12 : memref<128x128xf32, #tpu.memory_space<vmem>>) offsets(%dma_start3A_133 : memref<128xi32, #tpu.memory_space<vmem>>) semaphore(%arg14 : memref<!tpu.dma_semaphore, #tpu.memory_space<semaphore_mem>>)
        } else {
        }
      }
      %scan3A_36 = arith.constant 20 : i32
      %dma_wait3A = arith.constant 0 : i32
      %dma_wait3A_37 = arith.constant 0 : i32
      %dma_wait3A_38 = tpu.memref_slice %arg17[%dma_wait3A, %dma_wait3A_37] : memref<10240x128xf32, #tpu.memory_space<vmem_shared>> -> memref<128x128xf32, #tpu.memory_space<vmem_shared>>
      %dma_wait3A_39 = arith.constant 0 : i32
      %dma_wait3A_40 = arith.constant 0 : i32
      %dma_wait3A_41 = tpu.memref_slice %arg17[%dma_wait3A_39, %dma_wait3A_40] : memref<10240x128xf32, #tpu.memory_space<vmem_shared>> -> memref<128x128xf32, #tpu.memory_space<vmem_shared>>
      tpu.wait_dma2 semaphore(%arg15 : memref<!tpu.dma_semaphore, #tpu.memory_space<semaphore_mem>>) src(%arg11 : memref<128x128xf32, #tpu.memory_space<vmem>>) dst(%dma_wait3A_41 : memref<128x128xf32, #tpu.memory_space<vmem_shared>>)
      %dma_wait3A_42 = arith.constant 0 : i32
      %dma_wait3A_43 = arith.constant 0 : i32
      %dma_wait3A_44 = tpu.memref_slice %arg17[%dma_wait3A_42, %dma_wait3A_43] : memref<10240x128xf32, #tpu.memory_space<vmem_shared>> -> memref<128x128xf32, #tpu.memory_space<vmem_shared>>
      %dma_wait3A_45 = arith.constant 0 : i32
      %dma_wait3A_46 = arith.constant 0 : i32
      %dma_wait3A_47 = tpu.memref_slice %arg17[%dma_wait3A_45, %dma_wait3A_46] : memref<10240x128xf32, #tpu.memory_space<vmem_shared>> -> memref<128x128xf32, #tpu.memory_space<vmem_shared>>
      tpu.wait_dma2 semaphore(%arg16 : memref<!tpu.dma_semaphore, #tpu.memory_space<semaphore_mem>>) src(%arg12 : memref<128x128xf32, #tpu.memory_space<vmem>>) dst(%dma_wait3A_47 : memref<128x128xf32, #tpu.memory_space<vmem_shared>>)
      "tpu.region"() ({
        %run_scoped3A = tpu.sem_alloc : memref<!tpu.dma_semaphore, #tpu.memory_space<semaphore_mem>>
        %dma_start3A_80 = arith.constant 0 : i32
        %dma_start3A_81 = arith.constant 0 : i32
        %dma_start3A_82 = tpu.memref_slice %arg2[%arg1, %dma_start3A_80, %dma_start3A_81] : memref<16x80x128xi32, #tpu.memory_space<hbm>> -> memref<1x80x128xi32, #tpu.memory_space<hbm>>
        %dma_start3A_83 = tpu.memref_squeeze %dma_start3A_82 : memref<1x80x128xi32, #tpu.memory_space<hbm>> -> memref<80x128xi32, #tpu.memory_space<hbm>>
        %dma_start3A_84 = arith.constant 40 : i32
        %dma_start3A_85 = arith.constant 0 : i32
        %dma_start3A_86 = tpu.memref_slice %dma_start3A_83[%dma_start3A_84, %dma_start3A_85] : memref<80x128xi32, #tpu.memory_space<hbm>> -> memref<40x128xi32, #tpu.memory_space<hbm>>
        %dma_start3A_87 = arith.constant 0 : i32
        %dma_start3A_88 = arith.constant 0 : i32
        %dma_start3A_89 = tpu.memref_slice %arg2[%arg1, %dma_start3A_87, %dma_start3A_88] : memref<16x80x128xi32, #tpu.memory_space<hbm>> -> memref<1x80x128xi32, #tpu.memory_space<hbm>>
        %dma_start3A_90 = tpu.memref_squeeze %dma_start3A_89 : memref<1x80x128xi32, #tpu.memory_space<hbm>> -> memref<80x128xi32, #tpu.memory_space<hbm>>
        %dma_start3A_91 = arith.constant 40 : i32
        %dma_start3A_92 = arith.constant 0 : i32
        %dma_start3A_93 = tpu.memref_slice %dma_start3A_90[%dma_start3A_91, %dma_start3A_92] : memref<80x128xi32, #tpu.memory_space<hbm>> -> memref<40x128xi32, #tpu.memory_space<hbm>>
        tpu.enqueue_dma source(%dma_start3A_93 : memref<40x128xi32, #tpu.memory_space<hbm>>) target(%arg9 : memref<40x128xi32, #tpu.memory_space<vmem>>) target_semaphore(%run_scoped3A : memref<!tpu.dma_semaphore, #tpu.memory_space<semaphore_mem>>)
        %dma_wait3A_94 = arith.constant 0 : i32
        %dma_wait3A_95 = arith.constant 0 : i32
        %dma_wait3A_96 = tpu.memref_slice %arg2[%arg1, %dma_wait3A_94, %dma_wait3A_95] : memref<16x80x128xi32, #tpu.memory_space<hbm>> -> memref<1x80x128xi32, #tpu.memory_space<hbm>>
        %dma_wait3A_97 = tpu.memref_squeeze %dma_wait3A_96 : memref<1x80x128xi32, #tpu.memory_space<hbm>> -> memref<80x128xi32, #tpu.memory_space<hbm>>
        %dma_wait3A_98 = arith.constant 40 : i32
        %dma_wait3A_99 = arith.constant 0 : i32
        %dma_wait3A_100 = tpu.memref_slice %dma_wait3A_97[%dma_wait3A_98, %dma_wait3A_99] : memref<80x128xi32, #tpu.memory_space<hbm>> -> memref<40x128xi32, #tpu.memory_space<hbm>>
        %dma_wait3A_101 = arith.constant 0 : i32
        %dma_wait3A_102 = arith.constant 0 : i32
        %dma_wait3A_103 = tpu.memref_slice %arg2[%arg1, %dma_wait3A_101, %dma_wait3A_102] : memref<16x80x128xi32, #tpu.memory_space<hbm>> -> memref<1x80x128xi32, #tpu.memory_space<hbm>>
        %dma_wait3A_104 = tpu.memref_squeeze %dma_wait3A_103 : memref<1x80x128xi32, #tpu.memory_space<hbm>> -> memref<80x128xi32, #tpu.memory_space<hbm>>
        %dma_wait3A_105 = arith.constant 40 : i32
        %dma_wait3A_106 = arith.constant 0 : i32
        %dma_wait3A_107 = tpu.memref_slice %dma_wait3A_104[%dma_wait3A_105, %dma_wait3A_106] : memref<80x128xi32, #tpu.memory_space<hbm>> -> memref<40x128xi32, #tpu.memory_space<hbm>>
        tpu.wait_dma2 semaphore(%run_scoped3A : memref<!tpu.dma_semaphore, #tpu.memory_space<semaphore_mem>>) src(%dma_wait3A_107 : memref<40x128xi32, #tpu.memory_space<hbm>>) dst(%arg9 : memref<40x128xi32, #tpu.memory_space<vmem>>)
        tpu.yield
      }) : () -> ()
      "tpu.region"() ({
        %run_scoped3A = tpu.sem_alloc : memref<!tpu.dma_semaphore, #tpu.memory_space<semaphore_mem>>
        %dma_start3A_80 = arith.constant 0 : i32
        %dma_start3A_81 = arith.constant 0 : i32
        %dma_start3A_82 = tpu.memref_slice %arg3[%arg1, %dma_start3A_80, %dma_start3A_81] : memref<16x80x128xi32, #tpu.memory_space<hbm>> -> memref<1x80x128xi32, #tpu.memory_space<hbm>>
        %dma_start3A_83 = tpu.memref_squeeze %dma_start3A_82 : memref<1x80x128xi32, #tpu.memory_space<hbm>> -> memref<80x128xi32, #tpu.memory_space<hbm>>
        %dma_start3A_84 = arith.constant 40 : i32
        %dma_start3A_85 = arith.constant 0 : i32
        %dma_start3A_86 = tpu.memref_slice %dma_start3A_83[%dma_start3A_84, %dma_start3A_85] : memref<80x128xi32, #tpu.memory_space<hbm>> -> memref<40x128xi32, #tpu.memory_space<hbm>>
        %dma_start3A_87 = arith.constant 0 : i32
        %dma_start3A_88 = arith.constant 0 : i32
        %dma_start3A_89 = tpu.memref_slice %arg3[%arg1, %dma_start3A_87, %dma_start3A_88] : memref<16x80x128xi32, #tpu.memory_space<hbm>> -> memref<1x80x128xi32, #tpu.memory_space<hbm>>
        %dma_start3A_90 = tpu.memref_squeeze %dma_start3A_89 : memref<1x80x128xi32, #tpu.memory_space<hbm>> -> memref<80x128xi32, #tpu.memory_space<hbm>>
        %dma_start3A_91 = arith.constant 40 : i32
        %dma_start3A_92 = arith.constant 0 : i32
        %dma_start3A_93 = tpu.memref_slice %dma_start3A_90[%dma_start3A_91, %dma_start3A_92] : memref<80x128xi32, #tpu.memory_space<hbm>> -> memref<40x128xi32, #tpu.memory_space<hbm>>
        tpu.enqueue_dma source(%dma_start3A_93 : memref<40x128xi32, #tpu.memory_space<hbm>>) target(%arg10 : memref<40x128xi32, #tpu.memory_space<vmem>>) target_semaphore(%run_scoped3A : memref<!tpu.dma_semaphore, #tpu.memory_space<semaphore_mem>>)
        %dma_wait3A_94 = arith.constant 0 : i32
        %dma_wait3A_95 = arith.constant 0 : i32
        %dma_wait3A_96 = tpu.memref_slice %arg3[%arg1, %dma_wait3A_94, %dma_wait3A_95] : memref<16x80x128xi32, #tpu.memory_space<hbm>> -> memref<1x80x128xi32, #tpu.memory_space<hbm>>
        %dma_wait3A_97 = tpu.memref_squeeze %dma_wait3A_96 : memref<1x80x128xi32, #tpu.memory_space<hbm>> -> memref<80x128xi32, #tpu.memory_space<hbm>>
        %dma_wait3A_98 = arith.constant 40 : i32
        %dma_wait3A_99 = arith.constant 0 : i32
        %dma_wait3A_100 = tpu.memref_slice %dma_wait3A_97[%dma_wait3A_98, %dma_wait3A_99] : memref<80x128xi32, #tpu.memory_space<hbm>> -> memref<40x128xi32, #tpu.memory_space<hbm>>
        %dma_wait3A_101 = arith.constant 0 : i32
        %dma_wait3A_102 = arith.constant 0 : i32
        %dma_wait3A_103 = tpu.memref_slice %arg3[%arg1, %dma_wait3A_101, %dma_wait3A_102] : memref<16x80x128xi32, #tpu.memory_space<hbm>> -> memref<1x80x128xi32, #tpu.memory_space<hbm>>
        %dma_wait3A_104 = tpu.memref_squeeze %dma_wait3A_103 : memref<1x80x128xi32, #tpu.memory_space<hbm>> -> memref<80x128xi32, #tpu.memory_space<hbm>>
        %dma_wait3A_105 = arith.constant 40 : i32
        %dma_wait3A_106 = arith.constant 0 : i32
        %dma_wait3A_107 = tpu.memref_slice %dma_wait3A_104[%dma_wait3A_105, %dma_wait3A_106] : memref<80x128xi32, #tpu.memory_space<hbm>> -> memref<40x128xi32, #tpu.memory_space<hbm>>
        tpu.wait_dma2 semaphore(%run_scoped3A : memref<!tpu.dma_semaphore, #tpu.memory_space<semaphore_mem>>) src(%dma_wait3A_107 : memref<40x128xi32, #tpu.memory_space<hbm>>) dst(%arg10 : memref<40x128xi32, #tpu.memory_space<vmem>>)
        tpu.yield
      }) : () -> ()
      %dma_start3A_48 = arith.constant 0 : i32
      %dma_start3A_49 = arith.constant 0 : i32
      %dma_start3A_50 = tpu.memref_slice %arg9[%dma_start3A_48, %dma_start3A_49] : memref<40x128xi32, #tpu.memory_space<vmem>> -> memref<1x128xi32, #tpu.memory_space<vmem>>
      %dma_start3A_51 = tpu.memref_squeeze %dma_start3A_50 : memref<1x128xi32, #tpu.memory_space<vmem>> -> memref<128xi32, #tpu.memory_space<vmem>>
      %dma_start3A_52 = arith.constant 0 : i32
      %dma_start3A_53 = arith.constant 0 : i32
      %dma_start3A_54 = tpu.memref_slice %arg5[%dma_start3A_52, %dma_start3A_53] : memref<10000x128xf32, #tpu.memory_space<hbm>> -> memref<10000x128xf32, #tpu.memory_space<hbm>>
      tpu.enqueue_indirect_dma source(%dma_start3A_54 : memref<10000x128xf32, #tpu.memory_space<hbm>>) target(%arg11 : memref<128x128xf32, #tpu.memory_space<vmem>>) offsets(%dma_start3A_51 : memref<128xi32, #tpu.memory_space<vmem>>) semaphore(%arg13 : memref<!tpu.dma_semaphore, #tpu.memory_space<semaphore_mem>>)
      %dma_start3A_55 = arith.constant 1 : i32
      %dma_start3A_56 = arith.constant 0 : i32
      %dma_start3A_57 = tpu.memref_slice %arg9[%dma_start3A_55, %dma_start3A_56] : memref<40x128xi32, #tpu.memory_space<vmem>> -> memref<1x128xi32, #tpu.memory_space<vmem>>
      %dma_start3A_58 = tpu.memref_squeeze %dma_start3A_57 : memref<1x128xi32, #tpu.memory_space<vmem>> -> memref<128xi32, #tpu.memory_space<vmem>>
      %dma_start3A_59 = arith.constant 0 : i32
      %dma_start3A_60 = arith.constant 0 : i32
      %dma_start3A_61 = tpu.memref_slice %arg5[%dma_start3A_59, %dma_start3A_60] : memref<10000x128xf32, #tpu.memory_space<hbm>> -> memref<10000x128xf32, #tpu.memory_space<hbm>>
      tpu.enqueue_indirect_dma source(%dma_start3A_61 : memref<10000x128xf32, #tpu.memory_space<hbm>>) target(%arg12 : memref<128x128xf32, #tpu.memory_space<vmem>>) offsets(%dma_start3A_58 : memref<128xi32, #tpu.memory_space<vmem>>) semaphore(%arg14 : memref<!tpu.dma_semaphore, #tpu.memory_space<semaphore_mem>>)
      %scan3A_62 = arith.constant 0 : i32
      %scan3A_63 = arith.constant 0 : i32
      %scan3A_64 = arith.constant 20 : i32
      %scan3A_65 = arith.addi %scan3A_63, %scan3A_64 : i32
      %scan3A_66 = arith.constant 1 : i32
      scf.for %scan3A_80 = %scan3A_63 to %scan3A_65 step %scan3A_66  : i32 {
        %mul3A_81 = arith.constant 2 : i32
        %mul3A_82 = arith.muli %scan3A_80, %mul3A_81 : i32
        %add3A = arith.constant 0 : i32
        %add3A_83 = arith.addi %mul3A_82, %add3A : i32
        %dma_wait3A_84 = arith.constant 0 : i32
        %dma_wait3A_85 = arith.constant 0 : i32
        %dma_wait3A_86 = tpu.memref_slice %arg5[%dma_wait3A_84, %dma_wait3A_85] : memref<10000x128xf32, #tpu.memory_space<hbm>> -> memref<128x128xf32, #tpu.memory_space<hbm>>
        %dma_wait3A_87 = arith.constant 0 : i32
        %dma_wait3A_88 = arith.constant 0 : i32
        %dma_wait3A_89 = tpu.memref_slice %arg5[%dma_wait3A_87, %dma_wait3A_88] : memref<10000x128xf32, #tpu.memory_space<hbm>> -> memref<128x128xf32, #tpu.memory_space<hbm>>
        tpu.wait_dma2 semaphore(%arg13 : memref<!tpu.dma_semaphore, #tpu.memory_space<semaphore_mem>>) src(%dma_wait3A_89 : memref<128x128xf32, #tpu.memory_space<hbm>>) dst(%arg11 : memref<128x128xf32, #tpu.memory_space<vmem>>)
        %dma_start3A_90 = arith.constant 0 : i32
        %dma_start3A_91 = tpu.memref_slice %arg10[%add3A_83, %dma_start3A_90] : memref<40x128xi32, #tpu.memory_space<vmem>> -> memref<1x128xi32, #tpu.memory_space<vmem>>
        %dma_start3A_92 = tpu.memref_squeeze %dma_start3A_91 : memref<1x128xi32, #tpu.memory_space<vmem>> -> memref<128xi32, #tpu.memory_space<vmem>>
        %dma_start3A_93 = arith.constant 0 : i32
        %dma_start3A_94 = arith.constant 0 : i32
        %dma_start3A_95 = tpu.memref_slice %arg17[%dma_start3A_93, %dma_start3A_94] : memref<10240x128xf32, #tpu.memory_space<vmem_shared>> -> memref<10240x128xf32, #tpu.memory_space<vmem_shared>>
        tpu.enqueue_indirect_dma source(%arg11 : memref<128x128xf32, #tpu.memory_space<vmem>>) target(%dma_start3A_95 : memref<10240x128xf32, #tpu.memory_space<vmem_shared>>) offsets(%dma_start3A_92 : memref<128xi32, #tpu.memory_space<vmem>>) semaphore(%arg15 : memref<!tpu.dma_semaphore, #tpu.memory_space<semaphore_mem>>) {add = true}
        %add3A_96 = arith.constant 2 : i32
        %add3A_97 = arith.addi %add3A_83, %add3A_96 : i32
        %lt3A = arith.constant 40 : i32
        %lt3A_98 = arith.cmpi slt, %add3A_97, %lt3A : i32
        %convert_element_type3A_99 = arith.extui %lt3A_98 : i1 to i32
        %cond3A_100 = arith.constant 0 : i32
        %cond3A_101 = arith.cmpi ne, %convert_element_type3A_99, %cond3A_100 : i32
        scf.if %cond3A_101 {
          %dma_wait3A_123 = arith.constant 0 : i32
          %dma_wait3A_124 = arith.constant 0 : i32
          %dma_wait3A_125 = tpu.memref_slice %arg17[%dma_wait3A_123, %dma_wait3A_124] : memref<10240x128xf32, #tpu.memory_space<vmem_shared>> -> memref<128x128xf32, #tpu.memory_space<vmem_shared>>
          %dma_wait3A_126 = arith.constant 0 : i32
          %dma_wait3A_127 = arith.constant 0 : i32
          %dma_wait3A_128 = tpu.memref_slice %arg17[%dma_wait3A_126, %dma_wait3A_127] : memref<10240x128xf32, #tpu.memory_space<vmem_shared>> -> memref<128x128xf32, #tpu.memory_space<vmem_shared>>
          tpu.wait_dma2 semaphore(%arg15 : memref<!tpu.dma_semaphore, #tpu.memory_space<semaphore_mem>>) src(%arg11 : memref<128x128xf32, #tpu.memory_space<vmem>>) dst(%dma_wait3A_128 : memref<128x128xf32, #tpu.memory_space<vmem_shared>>)
          %add3A_129 = arith.constant 2 : i32
          %add3A_130 = arith.addi %add3A_83, %add3A_129 : i32
          %dma_start3A_131 = arith.constant 0 : i32
          %dma_start3A_132 = tpu.memref_slice %arg9[%add3A_130, %dma_start3A_131] : memref<40x128xi32, #tpu.memory_space<vmem>> -> memref<1x128xi32, #tpu.memory_space<vmem>>
          %dma_start3A_133 = tpu.memref_squeeze %dma_start3A_132 : memref<1x128xi32, #tpu.memory_space<vmem>> -> memref<128xi32, #tpu.memory_space<vmem>>
          %dma_start3A_134 = arith.constant 0 : i32
          %dma_start3A_135 = arith.constant 0 : i32
          %dma_start3A_136 = tpu.memref_slice %arg5[%dma_start3A_134, %dma_start3A_135] : memref<10000x128xf32, #tpu.memory_space<hbm>> -> memref<10000x128xf32, #tpu.memory_space<hbm>>
          tpu.enqueue_indirect_dma source(%dma_start3A_136 : memref<10000x128xf32, #tpu.memory_space<hbm>>) target(%arg11 : memref<128x128xf32, #tpu.memory_space<vmem>>) offsets(%dma_start3A_133 : memref<128xi32, #tpu.memory_space<vmem>>) semaphore(%arg13 : memref<!tpu.dma_semaphore, #tpu.memory_space<semaphore_mem>>)
        } else {
        }
        %add3A_102 = arith.constant 1 : i32
        %add3A_103 = arith.addi %mul3A_82, %add3A_102 : i32
        %dma_wait3A_104 = arith.constant 0 : i32
        %dma_wait3A_105 = arith.constant 0 : i32
        %dma_wait3A_106 = tpu.memref_slice %arg5[%dma_wait3A_104, %dma_wait3A_105] : memref<10000x128xf32, #tpu.memory_space<hbm>> -> memref<128x128xf32, #tpu.memory_space<hbm>>
        %dma_wait3A_107 = arith.constant 0 : i32
        %dma_wait3A_108 = arith.constant 0 : i32
        %dma_wait3A_109 = tpu.memref_slice %arg5[%dma_wait3A_107, %dma_wait3A_108] : memref<10000x128xf32, #tpu.memory_space<hbm>> -> memref<128x128xf32, #tpu.memory_space<hbm>>
        tpu.wait_dma2 semaphore(%arg14 : memref<!tpu.dma_semaphore, #tpu.memory_space<semaphore_mem>>) src(%dma_wait3A_109 : memref<128x128xf32, #tpu.memory_space<hbm>>) dst(%arg12 : memref<128x128xf32, #tpu.memory_space<vmem>>)
        %dma_start3A_110 = arith.constant 0 : i32
        %dma_start3A_111 = tpu.memref_slice %arg10[%add3A_103, %dma_start3A_110] : memref<40x128xi32, #tpu.memory_space<vmem>> -> memref<1x128xi32, #tpu.memory_space<vmem>>
        %dma_start3A_112 = tpu.memref_squeeze %dma_start3A_111 : memref<1x128xi32, #tpu.memory_space<vmem>> -> memref<128xi32, #tpu.memory_space<vmem>>
        %dma_start3A_113 = arith.constant 0 : i32
        %dma_start3A_114 = arith.constant 0 : i32
        %dma_start3A_115 = tpu.memref_slice %arg17[%dma_start3A_113, %dma_start3A_114] : memref<10240x128xf32, #tpu.memory_space<vmem_shared>> -> memref<10240x128xf32, #tpu.memory_space<vmem_shared>>
        tpu.enqueue_indirect_dma source(%arg12 : memref<128x128xf32, #tpu.memory_space<vmem>>) target(%dma_start3A_115 : memref<10240x128xf32, #tpu.memory_space<vmem_shared>>) offsets(%dma_start3A_112 : memref<128xi32, #tpu.memory_space<vmem>>) semaphore(%arg16 : memref<!tpu.dma_semaphore, #tpu.memory_space<semaphore_mem>>) {add = true}
        %add3A_116 = arith.constant 2 : i32
        %add3A_117 = arith.addi %add3A_103, %add3A_116 : i32
        %lt3A_118 = arith.constant 40 : i32
        %lt3A_119 = arith.cmpi slt, %add3A_117, %lt3A_118 : i32
        %convert_element_type3A_120 = arith.extui %lt3A_119 : i1 to i32
        %cond3A_121 = arith.constant 0 : i32
        %cond3A_122 = arith.cmpi ne, %convert_element_type3A_120, %cond3A_121 : i32
        scf.if %cond3A_122 {
          %dma_wait3A_123 = arith.constant 0 : i32
          %dma_wait3A_124 = arith.constant 0 : i32
          %dma_wait3A_125 = tpu.memref_slice %arg17[%dma_wait3A_123, %dma_wait3A_124] : memref<10240x128xf32, #tpu.memory_space<vmem_shared>> -> memref<128x128xf32, #tpu.memory_space<vmem_shared>>
          %dma_wait3A_126 = arith.constant 0 : i32
          %dma_wait3A_127 = arith.constant 0 : i32
          %dma_wait3A_128 = tpu.memref_slice %arg17[%dma_wait3A_126, %dma_wait3A_127] : memref<10240x128xf32, #tpu.memory_space<vmem_shared>> -> memref<128x128xf32, #tpu.memory_space<vmem_shared>>
          tpu.wait_dma2 semaphore(%arg16 : memref<!tpu.dma_semaphore, #tpu.memory_space<semaphore_mem>>) src(%arg12 : memref<128x128xf32, #tpu.memory_space<vmem>>) dst(%dma_wait3A_128 : memref<128x128xf32, #tpu.memory_space<vmem_shared>>)
          %add3A_129 = arith.constant 2 : i32
          %add3A_130 = arith.addi %add3A_103, %add3A_129 : i32
          %dma_start3A_131 = arith.constant 0 : i32
          %dma_start3A_132 = tpu.memref_slice %arg9[%add3A_130, %dma_start3A_131] : memref<40x128xi32, #tpu.memory_space<vmem>> -> memref<1x128xi32, #tpu.memory_space<vmem>>
          %dma_start3A_133 = tpu.memref_squeeze %dma_start3A_132 : memref<1x128xi32, #tpu.memory_space<vmem>> -> memref<128xi32, #tpu.memory_space<vmem>>
          %dma_start3A_134 = arith.constant 0 : i32
          %dma_start3A_135 = arith.constant 0 : i32
          %dma_start3A_136 = tpu.memref_slice %arg5[%dma_start3A_134, %dma_start3A_135] : memref<10000x128xf32, #tpu.memory_space<hbm>> -> memref<10000x128xf32, #tpu.memory_space<hbm>>
          tpu.enqueue_indirect_dma source(%dma_start3A_136 : memref<10000x128xf32, #tpu.memory_space<hbm>>) target(%arg12 : memref<128x128xf32, #tpu.memory_space<vmem>>) offsets(%dma_start3A_133 : memref<128xi32, #tpu.memory_space<vmem>>) semaphore(%arg14 : memref<!tpu.dma_semaphore, #tpu.memory_space<semaphore_mem>>)
        } else {
        }
      }
      %scan3A_67 = arith.constant 20 : i32
      %dma_wait3A_68 = arith.constant 0 : i32
      %dma_wait3A_69 = arith.constant 0 : i32
      %dma_wait3A_70 = tpu.memref_slice %arg17[%dma_wait3A_68, %dma_wait3A_69] : memref<10240x128xf32, #tpu.memory_space<vmem_shared>> -> memref<128x128xf32, #tpu.memory_space<vmem_shared>>
      %dma_wait3A_71 = arith.constant 0 : i32
      %dma_wait3A_72 = arith.constant 0 : i32
      %dma_wait3A_73 = tpu.memref_slice %arg17[%dma_wait3A_71, %dma_wait3A_72] : memref<10240x128xf32, #tpu.memory_space<vmem_shared>> -> memref<128x128xf32, #tpu.memory_space<vmem_shared>>
      tpu.wait_dma2 semaphore(%arg15 : memref<!tpu.dma_semaphore, #tpu.memory_space<semaphore_mem>>) src(%arg11 : memref<128x128xf32, #tpu.memory_space<vmem>>) dst(%dma_wait3A_73 : memref<128x128xf32, #tpu.memory_space<vmem_shared>>)
      %dma_wait3A_74 = arith.constant 0 : i32
      %dma_wait3A_75 = arith.constant 0 : i32
      %dma_wait3A_76 = tpu.memref_slice %arg17[%dma_wait3A_74, %dma_wait3A_75] : memref<10240x128xf32, #tpu.memory_space<vmem_shared>> -> memref<128x128xf32, #tpu.memory_space<vmem_shared>>
      %dma_wait3A_77 = arith.constant 0 : i32
      %dma_wait3A_78 = arith.constant 0 : i32
      %dma_wait3A_79 = tpu.memref_slice %arg17[%dma_wait3A_77, %dma_wait3A_78] : memref<10240x128xf32, #tpu.memory_space<vmem_shared>> -> memref<128x128xf32, #tpu.memory_space<vmem_shared>>
      tpu.wait_dma2 semaphore(%arg16 : memref<!tpu.dma_semaphore, #tpu.memory_space<semaphore_mem>>) src(%arg12 : memref<128x128xf32, #tpu.memory_space<vmem>>) dst(%dma_wait3A_79 : memref<128x128xf32, #tpu.memory_space<vmem_shared>>)
    } else {
    }
    %barrier3A_8 = arith.constant 0 : index
    tpu.barrier barrier_id(%barrier3A_8)
    %eq3A_9 = arith.constant 0 : i32
    %eq3A_10 = arith.cmpi eq, %arg0, %eq3A_9 : i32
    %convert_element_type3A_11 = arith.extui %eq3A_10 : i1 to i32
    %cond3A_12 = arith.constant 0 : i32
    %cond3A_13 = arith.cmpi ne, %convert_element_type3A_11, %cond3A_12 : i32
    scf.if %cond3A_13 {
      %mul3A_19 = arith.constant 640 : i32
      %mul3A_20 = arith.muli %arg1, %mul3A_19 : i32
      %mul3A_21 = arith.constant 640 : i32
      %mul3A_22 = arith.muli %arg1, %mul3A_21 : i32
      "tpu.region"() ({
        %run_scoped3A = tpu.sem_alloc : memref<!tpu.dma_semaphore, #tpu.memory_space<semaphore_mem>>
        %dma_start3A = arith.constant 0 : i32
        %dma_start3A_23 = tpu.memref_slice %arg7[%mul3A_22, %dma_start3A] : memref<10240x128xf32, #tpu.memory_space<hbm>> -> memref<640x128xf32, #tpu.memory_space<hbm>>
        %dma_start3A_24 = arith.constant 0 : i32
        %dma_start3A_25 = tpu.memref_slice %arg17[%mul3A_20, %dma_start3A_24] : memref<10240x128xf32, #tpu.memory_space<vmem_shared>> -> memref<640x128xf32, #tpu.memory_space<vmem_shared>>
        tpu.enqueue_dma source(%dma_start3A_25 : memref<640x128xf32, #tpu.memory_space<vmem_shared>>) target(%dma_start3A_23 : memref<640x128xf32, #tpu.memory_space<hbm>>) target_semaphore(%run_scoped3A : memref<!tpu.dma_semaphore, #tpu.memory_space<semaphore_mem>>)
        %dma_wait3A = arith.constant 0 : i32
        %dma_wait3A_26 = tpu.memref_slice %arg7[%mul3A_22, %dma_wait3A] : memref<10240x128xf32, #tpu.memory_space<hbm>> -> memref<640x128xf32, #tpu.memory_space<hbm>>
        %dma_wait3A_27 = arith.constant 0 : i32
        %dma_wait3A_28 = tpu.memref_slice %arg17[%mul3A_20, %dma_wait3A_27] : memref<10240x128xf32, #tpu.memory_space<vmem_shared>> -> memref<640x128xf32, #tpu.memory_space<vmem_shared>>
        tpu.wait_dma2 semaphore(%run_scoped3A : memref<!tpu.dma_semaphore, #tpu.memory_space<semaphore_mem>>) src(%dma_wait3A_28 : memref<640x128xf32, #tpu.memory_space<vmem_shared>>) dst(%dma_wait3A_26 : memref<640x128xf32, #tpu.memory_space<hbm>>)
        tpu.yield
      }) : () -> ()
    } else {
    }
    %eq3A_14 = arith.constant 1 : i32
    %eq3A_15 = arith.cmpi eq, %arg0, %eq3A_14 : i32
    %convert_element_type3A_16 = arith.extui %eq3A_15 : i1 to i32
    %cond3A_17 = arith.constant 0 : i32
    %cond3A_18 = arith.cmpi ne, %convert_element_type3A_16, %cond3A_17 : i32
    scf.if %cond3A_18 {
      %mul3A_19 = arith.constant 640 : i32
      %mul3A_20 = arith.muli %arg1, %mul3A_19 : i32
      %mul3A_21 = arith.constant 640 : i32
      %mul3A_22 = arith.muli %arg1, %mul3A_21 : i32
      "tpu.region"() ({
        %run_scoped3A = tpu.sem_alloc : memref<!tpu.dma_semaphore, #tpu.memory_space<semaphore_mem>>
        %dma_start3A = arith.constant 0 : i32
        %dma_start3A_23 = tpu.memref_slice %arg8[%mul3A_22, %dma_start3A] : memref<10240x128xf32, #tpu.memory_space<hbm>> -> memref<640x128xf32, #tpu.memory_space<hbm>>
        %dma_start3A_24 = arith.constant 0 : i32
        %dma_start3A_25 = tpu.memref_slice %arg17[%mul3A_20, %dma_start3A_24] : memref<10240x128xf32, #tpu.memory_space<vmem_shared>> -> memref<640x128xf32, #tpu.memory_space<vmem_shared>>
        tpu.enqueue_dma source(%dma_start3A_25 : memref<640x128xf32, #tpu.memory_space<vmem_shared>>) target(%dma_start3A_23 : memref<640x128xf32, #tpu.memory_space<hbm>>) target_semaphore(%run_scoped3A : memref<!tpu.dma_semaphore, #tpu.memory_space<semaphore_mem>>)
        %dma_wait3A = arith.constant 0 : i32
        %dma_wait3A_26 = tpu.memref_slice %arg8[%mul3A_22, %dma_wait3A] : memref<10240x128xf32, #tpu.memory_space<hbm>> -> memref<640x128xf32, #tpu.memory_space<hbm>>
        %dma_wait3A_27 = arith.constant 0 : i32
        %dma_wait3A_28 = tpu.memref_slice %arg17[%mul3A_20, %dma_wait3A_27] : memref<10240x128xf32, #tpu.memory_space<vmem_shared>> -> memref<640x128xf32, #tpu.memory_space<vmem_shared>>
        tpu.wait_dma2 semaphore(%run_scoped3A : memref<!tpu.dma_semaphore, #tpu.memory_space<semaphore_mem>>) src(%dma_wait3A_28 : memref<640x128xf32, #tpu.memory_space<vmem_shared>>) dst(%dma_wait3A_26 : memref<640x128xf32, #tpu.memory_space<hbm>>)
        tpu.yield
      }) : () -> ()
    } else {
    }
    return
  }
}

module attributes {stable_mosaic.version = 14 : i64} {
  func.func @_mm_scale_body(%arg0: i32, %arg1: memref<1000x256xf32, #tpu.memory_space<vmem>>, %arg2: memref<256x256xf32, #tpu.memory_space<vmem>>, %arg3: memref<1000x128xf32, #tpu.memory_space<vmem>>, %arg4: memref<1000x128xf32, #tpu.memory_space<vmem>>, %arg5: memref<1000x128xf32, #tpu.memory_space<vmem>>) attributes {dimension_semantics = [#tpu.dimension_semantics<arbitrary>], iteration_bounds = array<i64: 10>, scalar_prefetch = 0 : i64, scratch_operands = 0 : i64, tpu.core_type = #tpu.core_type<tc>, window_params = [{transform_indices = @transform_0, window_bounds = array<i64: 1000, 256>}, {pipeline_mode = #tpu.pipeline_mode<synchronous>, transform_indices = @transform_1, window_bounds = array<i64: 256, 256>}, {transform_indices = @transform_2, window_bounds = array<i64: 1000, 128>}, {transform_indices = @transform_3, window_bounds = array<i64: 1000, 128>}, {transform_indices = @transform_4, window_bounds = array<i64: 1000, 128>}]} {
    %get3A = arith.constant 0 : index
    %get3A_0 = arith.constant 0 : index
    %get3A_1 = vector.load %arg1[%get3A, %get3A_0] : memref<1000x256xf32, #tpu.memory_space<vmem>>, vector<1000x256xf32>
    %get3A_2 = arith.constant 0 : index
    %get3A_3 = arith.constant 0 : index
    %get3A_4 = vector.load %arg2[%get3A_2, %get3A_3] : memref<256x256xf32, #tpu.memory_space<vmem>>, vector<256x256xf32>
    %dot_general3A = arith.constant dense<0.000000e+00> : vector<1000x256xf32>
    %dot_general3A_5 = tpu.matmul %get3A_1, %get3A_4, %dot_general3A {dimension_numbers = #tpu.dot_dimension_numbers<[1], [0], [0], [1], [0, 0, 1, 1], [], []>, transpose_lhs_hint = false} : vector<1000x256xf32>, vector<256x256xf32>, vector<1000x256xf32> -> vector<1000x256xf32>
    %get3A_6 = arith.constant 0 : index
    %get3A_7 = arith.constant 0 : index
    %get3A_8 = vector.load %arg3[%get3A_6, %get3A_7] : memref<1000x128xf32, #tpu.memory_space<vmem>>, vector<1000x128xf32>
    %slice3A = vector.extract_strided_slice %get3A_8 {offsets = [0, 0], sizes = [1000, 1], strides = [1, 1]} : vector<1000x128xf32> to vector<1000x1xf32>
    %add3A = arith.constant 1.000000e+00 : f32
    %add3A_9 = vector.broadcast %add3A : f32 to vector<1000x1xf32>
    %add3A_10 = arith.addf %add3A_9, %slice3A : vector<1000x1xf32>
    %rsqrt3A = math.rsqrt %add3A_10 : vector<1000x1xf32>
    %mul3A = vector.broadcast %rsqrt3A : vector<1000x1xf32> to vector<1000x256xf32>
    %mul3A_11 = arith.mulf %mul3A, %dot_general3A_5 : vector<1000x256xf32>
    %slice3A_12 = vector.extract_strided_slice %mul3A_11 {offsets = [0, 0], sizes = [1000, 128], strides = [1, 1]} : vector<1000x256xf32> to vector<1000x128xf32>
    %swap3A = arith.constant 0 : index
    %swap3A_13 = arith.constant 0 : index
    %swap3A_14 = vector.load %arg4[%swap3A, %swap3A_13] : memref<1000x128xf32, #tpu.memory_space<vmem>>, vector<1000x128xf32>
    tpu.vector_store %arg4[%swap3A, %swap3A_13], %slice3A_12 {strides = array<i32>} : memref<1000x128xf32, #tpu.memory_space<vmem>>, vector<1000x128xf32>,
    %slice3A_15 = vector.extract_strided_slice %mul3A_11 {offsets = [0, 128], sizes = [1000, 128], strides = [1, 1]} : vector<1000x256xf32> to vector<1000x128xf32>
    %swap3A_16 = arith.constant 0 : index
    %swap3A_17 = arith.constant 0 : index
    %swap3A_18 = vector.load %arg5[%swap3A_16, %swap3A_17] : memref<1000x128xf32, #tpu.memory_space<vmem>>, vector<1000x128xf32>
    tpu.vector_store %arg5[%swap3A_16, %swap3A_17], %slice3A_15 {strides = array<i32>} : memref<1000x128xf32, #tpu.memory_space<vmem>>, vector<1000x128xf32>,
    return
  }
  func.func @transform_0(%arg0: i32) -> (i32, i32) {
    %c0_i32 = arith.constant 0 : i32
    %c0_i32_0 = arith.constant 0 : i32
    return %arg0, %c0_i32 : i32, i32
  }
  func.func @transform_1(%arg0: i32) -> (i32, i32) {
    %c0_i32 = arith.constant 0 : i32
    %c0_i32_0 = arith.constant 0 : i32
    %c0_i32_1 = arith.constant 0 : i32
    return %c0_i32, %c0_i32_0 : i32, i32
  }
  func.func @transform_2(%arg0: i32) -> (i32, i32) {
    %c0_i32 = arith.constant 0 : i32
    %c0_i32_0 = arith.constant 0 : i32
    return %arg0, %c0_i32 : i32, i32
  }
  func.func @transform_3(%arg0: i32) -> (i32, i32) {
    %c0_i32 = arith.constant 0 : i32
    %c0_i32_0 = arith.constant 0 : i32
    return %arg0, %c0_i32 : i32, i32
  }
  func.func @transform_4(%arg0: i32) -> (i32, i32) {
    %c0_i32 = arith.constant 0 : i32
    %c0_i32_0 = arith.constant 0 : i32
    return %arg0, %c0_i32 : i32, i32
  }
}

module attributes {stable_mosaic.version = 14 : i64} {
  func.func @_mid_body(%arg0: i32, %arg1: memref<1000x128xf32, #tpu.memory_space<vmem>>, %arg2: memref<1000x128xf32, #tpu.memory_space<vmem>>, %arg3: memref<1000x128xf32, #tpu.memory_space<vmem>>, %arg4: memref<1000x128xf32, #tpu.memory_space<vmem>>, %arg5: memref<1000x128xf32, #tpu.memory_space<vmem>>, %arg6: memref<1000x128xf32, #tpu.memory_space<vmem>>, %arg7: memref<1000x128xf32, #tpu.memory_space<vmem>>, %arg8: memref<1000x128xf32, #tpu.memory_space<vmem>>, %arg9: memref<1000x128xf32, #tpu.memory_space<vmem>>, %arg10: memref<1000x128xf32, #tpu.memory_space<vmem>>, %arg11: memref<1x256xf32, #tpu.memory_space<vmem>>, %arg12: memref<1x256xf32, #tpu.memory_space<vmem>>, %arg13: memref<512x256xf32, #tpu.memory_space<vmem>>, %arg14: memref<1000x128xf32, #tpu.memory_space<vmem>>, %arg15: memref<1000x128xf32, #tpu.memory_space<vmem>>) attributes {dimension_semantics = [#tpu.dimension_semantics<arbitrary>], iteration_bounds = array<i64: 10>, scalar_prefetch = 0 : i64, scratch_operands = 0 : i64, tpu.core_type = #tpu.core_type<tc>, window_params = [{transform_indices = @transform_0, window_bounds = array<i64: 1000, 128>}, {transform_indices = @transform_1, window_bounds = array<i64: 1000, 128>}, {transform_indices = @transform_2, window_bounds = array<i64: 1000, 128>}, {transform_indices = @transform_3, window_bounds = array<i64: 1000, 128>}, {transform_indices = @transform_4, window_bounds = array<i64: 1000, 128>}, {transform_indices = @transform_5, window_bounds = array<i64: 1000, 128>}, {transform_indices = @transform_6, window_bounds = array<i64: 1000, 128>}, {transform_indices = @transform_7, window_bounds = array<i64: 1000, 128>}, {transform_indices = @transform_8, window_bounds = array<i64: 1000, 128>}, {transform_indices = @transform_9, window_bounds = array<i64: 1000, 128>}, {pipeline_mode = #tpu.pipeline_mode<synchronous>, transform_indices = @transform_10, window_bounds = array<i64: 1, 256>}, {pipeline_mode = #tpu.pipeline_mode<synchronous>, transform_indices = @transform_11, window_bounds = array<i64: 1, 256>}, {pipeline_mode = #tpu.pipeline_mode<synchronous>, transform_indices = @transform_12, window_bounds = array<i64: 512, 256>}, {transform_indices = @transform_13, window_bounds = array<i64: 1000, 128>}, {transform_indices = @transform_14, window_bounds = array<i64: 1000, 128>}]} {
    %get3A = arith.constant 0 : index
    %get3A_0 = arith.constant 0 : index
    %get3A_1 = vector.load %arg9[%get3A, %get3A_0] : memref<1000x128xf32, #tpu.memory_space<vmem>>, vector<1000x128xf32>
    %slice3A = vector.extract_strided_slice %get3A_1 {offsets = [0, 0], sizes = [1000, 1], strides = [1, 1]} : vector<1000x128xf32> to vector<1000x1xf32>
    %add3A = arith.constant 1.000000e+00 : f32
    %add3A_2 = vector.broadcast %add3A : f32 to vector<1000x1xf32>
    %add3A_3 = arith.addf %add3A_2, %slice3A : vector<1000x1xf32>
    %rsqrt3A = math.rsqrt %add3A_3 : vector<1000x1xf32>
    %get3A_4 = arith.constant 0 : index
    %get3A_5 = arith.constant 0 : index
    %get3A_6 = vector.load %arg10[%get3A_4, %get3A_5] : memref<1000x128xf32, #tpu.memory_space<vmem>>, vector<1000x128xf32>
    %slice3A_7 = vector.extract_strided_slice %get3A_6 {offsets = [0, 0], sizes = [1000, 1], strides = [1, 1]} : vector<1000x128xf32> to vector<1000x1xf32>
    %add3A_8 = arith.constant 1.000000e+00 : f32
    %add3A_9 = vector.broadcast %add3A_8 : f32 to vector<1000x1xf32>
    %add3A_10 = arith.addf %add3A_9, %slice3A_7 : vector<1000x1xf32>
    %rsqrt3A_11 = math.rsqrt %add3A_10 : vector<1000x1xf32>
    %get3A_12 = arith.constant 0 : index
    %get3A_13 = arith.constant 0 : index
    %get3A_14 = vector.load %arg1[%get3A_12, %get3A_13] : memref<1000x128xf32, #tpu.memory_space<vmem>>, vector<1000x128xf32>
    %get3A_15 = arith.constant 0 : index
    %get3A_16 = arith.constant 0 : index
    %get3A_17 = vector.load %arg3[%get3A_15, %get3A_16] : memref<1000x128xf32, #tpu.memory_space<vmem>>, vector<1000x128xf32>
    %add3A_18 = arith.addf %get3A_14, %get3A_17 : vector<1000x128xf32>
    %get3A_19 = arith.constant 0 : index
    %get3A_20 = arith.constant 0 : index
    %get3A_21 = vector.load %arg2[%get3A_19, %get3A_20] : memref<1000x128xf32, #tpu.memory_space<vmem>>, vector<1000x128xf32>
    %get3A_22 = arith.constant 0 : index
    %get3A_23 = arith.constant 0 : index
    %get3A_24 = vector.load %arg4[%get3A_22, %get3A_23] : memref<1000x128xf32, #tpu.memory_space<vmem>>, vector<1000x128xf32>
    %add3A_25 = arith.addf %get3A_21, %get3A_24 : vector<1000x128xf32>
    %concatenate3A = tpu.concatenate %add3A_18, %add3A_25 in 1 : vector<1000x128xf32>, vector<1000x128xf32> -> vector<1000x256xf32>
    %mul3A = vector.broadcast %rsqrt3A : vector<1000x1xf32> to vector<1000x256xf32>
    %mul3A_26 = arith.mulf %mul3A, %concatenate3A : vector<1000x256xf32>
    %get3A_27 = arith.constant 0 : index
    %get3A_28 = arith.constant 0 : index
    %get3A_29 = vector.load %arg11[%get3A_27, %get3A_28] : memref<1x256xf32, #tpu.memory_space<vmem>>, vector<1x256xf32>
    %add3A_30 = vector.broadcast %get3A_29 : vector<1x256xf32> to vector<1000x256xf32>
    %add3A_31 = arith.addf %mul3A_26, %add3A_30 : vector<1000x256xf32>
    %max3A = arith.constant 0.000000e+00 : f32
    %max3A_32 = vector.broadcast %max3A : f32 to vector<1000x256xf32>
    %max3A_33 = arith.maximumf %add3A_31, %max3A_32 : vector<1000x256xf32>
    %get3A_34 = arith.constant 0 : index
    %get3A_35 = arith.constant 0 : index
    %get3A_36 = vector.load %arg5[%get3A_34, %get3A_35] : memref<1000x128xf32, #tpu.memory_space<vmem>>, vector<1000x128xf32>
    %get3A_37 = arith.constant 0 : index
    %get3A_38 = arith.constant 0 : index
    %get3A_39 = vector.load %arg7[%get3A_37, %get3A_38] : memref<1000x128xf32, #tpu.memory_space<vmem>>, vector<1000x128xf32>
    %add3A_40 = arith.addf %get3A_36, %get3A_39 : vector<1000x128xf32>
    %get3A_41 = arith.constant 0 : index
    %get3A_42 = arith.constant 0 : index
    %get3A_43 = vector.load %arg6[%get3A_41, %get3A_42] : memref<1000x128xf32, #tpu.memory_space<vmem>>, vector<1000x128xf32>
    %get3A_44 = arith.constant 0 : index
    %get3A_45 = arith.constant 0 : index
    %get3A_46 = vector.load %arg8[%get3A_44, %get3A_45] : memref<1000x128xf32, #tpu.memory_space<vmem>>, vector<1000x128xf32>
    %add3A_47 = arith.addf %get3A_43, %get3A_46 : vector<1000x128xf32>
    %concatenate3A_48 = tpu.concatenate %add3A_40, %add3A_47 in 1 : vector<1000x128xf32>, vector<1000x128xf32> -> vector<1000x256xf32>
    %mul3A_49 = vector.broadcast %rsqrt3A_11 : vector<1000x1xf32> to vector<1000x256xf32>
    %mul3A_50 = arith.mulf %mul3A_49, %concatenate3A_48 : vector<1000x256xf32>
    %get3A_51 = arith.constant 0 : index
    %get3A_52 = arith.constant 0 : index
    %get3A_53 = vector.load %arg12[%get3A_51, %get3A_52] : memref<1x256xf32, #tpu.memory_space<vmem>>, vector<1x256xf32>
    %add3A_54 = vector.broadcast %get3A_53 : vector<1x256xf32> to vector<1000x256xf32>
    %add3A_55 = arith.addf %mul3A_50, %add3A_54 : vector<1000x256xf32>
    %max3A_56 = arith.constant 0.000000e+00 : f32
    %max3A_57 = vector.broadcast %max3A_56 : f32 to vector<1000x256xf32>
    %max3A_58 = arith.maximumf %add3A_55, %max3A_57 : vector<1000x256xf32>
    %get3A_59 = arith.constant 0 : index
    %get3A_60 = arith.constant 0 : index
    %get3A_61 = vector.load %arg13[%get3A_59, %get3A_60] : memref<512x256xf32, #tpu.memory_space<vmem>>, vector<512x256xf32>
    %slice3A_62 = vector.extract_strided_slice %get3A_61 {offsets = [0, 0], sizes = [256, 256], strides = [1, 1]} : vector<512x256xf32> to vector<256x256xf32>
    %dot_general3A = arith.constant dense<0.000000e+00> : vector<1000x256xf32>
    %dot_general3A_63 = tpu.matmul %max3A_33, %slice3A_62, %dot_general3A {dimension_numbers = #tpu.dot_dimension_numbers<[1], [0], [0], [1], [0, 0, 1, 1], [], []>, transpose_lhs_hint = false} : vector<1000x256xf32>, vector<256x256xf32>, vector<1000x256xf32> -> vector<1000x256xf32>
    %slice3A_64 = vector.extract_strided_slice %get3A_61 {offsets = [256, 0], sizes = [256, 256], strides = [1, 1]} : vector<512x256xf32> to vector<256x256xf32>
    %dot_general3A_65 = arith.constant dense<0.000000e+00> : vector<1000x256xf32>
    %dot_general3A_66 = tpu.matmul %max3A_58, %slice3A_64, %dot_general3A_65 {dimension_numbers = #tpu.dot_dimension_numbers<[1], [0], [0], [1], [0, 0, 1, 1], [], []>, transpose_lhs_hint = false} : vector<1000x256xf32>, vector<256x256xf32>, vector<1000x256xf32> -> vector<1000x256xf32>
    %add3A_67 = arith.addf %dot_general3A_63, %dot_general3A_66 : vector<1000x256xf32>
    %mul3A_68 = vector.broadcast %rsqrt3A_11 : vector<1000x1xf32> to vector<1000x256xf32>
    %mul3A_69 = arith.mulf %mul3A_68, %add3A_67 : vector<1000x256xf32>
    %slice3A_70 = vector.extract_strided_slice %mul3A_69 {offsets = [0, 0], sizes = [1000, 128], strides = [1, 1]} : vector<1000x256xf32> to vector<1000x128xf32>
    %swap3A = arith.constant 0 : index
    %swap3A_71 = arith.constant 0 : index
    %swap3A_72 = vector.load %arg14[%swap3A, %swap3A_71] : memref<1000x128xf32, #tpu.memory_space<vmem>>, vector<1000x128xf32>
    tpu.vector_store %arg14[%swap3A, %swap3A_71], %slice3A_70 {strides = array<i32>} : memref<1000x128xf32, #tpu.memory_space<vmem>>, vector<1000x128xf32>,
    %slice3A_73 = vector.extract_strided_slice %mul3A_69 {offsets = [0, 128], sizes = [1000, 128], strides = [1, 1]} : vector<1000x256xf32> to vector<1000x128xf32>
    %swap3A_74 = arith.constant 0 : index
    %swap3A_75 = arith.constant 0 : index
    %swap3A_76 = vector.load %arg15[%swap3A_74, %swap3A_75] : memref<1000x128xf32, #tpu.memory_space<vmem>>, vector<1000x128xf32>
    tpu.vector_store %arg15[%swap3A_74, %swap3A_75], %slice3A_73 {strides = array<i32>} : memref<1000x128xf32, #tpu.memory_space<vmem>>, vector<1000x128xf32>,
    return
  }
  func.func @transform_0(%arg0: i32) -> (i32, i32) {
    %c0_i32 = arith.constant 0 : i32
    %c0_i32_0 = arith.constant 0 : i32
    return %arg0, %c0_i32 : i32, i32
  }
  func.func @transform_1(%arg0: i32) -> (i32, i32) {
    %c0_i32 = arith.constant 0 : i32
    %c0_i32_0 = arith.constant 0 : i32
    return %arg0, %c0_i32 : i32, i32
  }
  func.func @transform_2(%arg0: i32) -> (i32, i32) {
    %c0_i32 = arith.constant 0 : i32
    %c0_i32_0 = arith.constant 0 : i32
    return %arg0, %c0_i32 : i32, i32
  }
  func.func @transform_3(%arg0: i32) -> (i32, i32) {
    %c0_i32 = arith.constant 0 : i32
    %c0_i32_0 = arith.constant 0 : i32
    return %arg0, %c0_i32 : i32, i32
  }
  func.func @transform_4(%arg0: i32) -> (i32, i32) {
    %c0_i32 = arith.constant 0 : i32
    %c0_i32_0 = arith.constant 0 : i32
    return %arg0, %c0_i32 : i32, i32
  }
  func.func @transform_5(%arg0: i32) -> (i32, i32) {
    %c0_i32 = arith.constant 0 : i32
    %c0_i32_0 = arith.constant 0 : i32
    return %arg0, %c0_i32 : i32, i32
  }
  func.func @transform_6(%arg0: i32) -> (i32, i32) {
    %c0_i32 = arith.constant 0 : i32
    %c0_i32_0 = arith.constant 0 : i32
    return %arg0, %c0_i32 : i32, i32
  }
  func.func @transform_7(%arg0: i32) -> (i32, i32) {
    %c0_i32 = arith.constant 0 : i32
    %c0_i32_0 = arith.constant 0 : i32
    return %arg0, %c0_i32 : i32, i32
  }
  func.func @transform_8(%arg0: i32) -> (i32, i32) {
    %c0_i32 = arith.constant 0 : i32
    %c0_i32_0 = arith.constant 0 : i32
    return %arg0, %c0_i32 : i32, i32
  }
  func.func @transform_9(%arg0: i32) -> (i32, i32) {
    %c0_i32 = arith.constant 0 : i32
    %c0_i32_0 = arith.constant 0 : i32
    return %arg0, %c0_i32 : i32, i32
  }
  func.func @transform_10(%arg0: i32) -> (i32, i32) {
    %c0_i32 = arith.constant 0 : i32
    %c0_i32_0 = arith.constant 0 : i32
    %c0_i32_1 = arith.constant 0 : i32
    return %c0_i32, %c0_i32_0 : i32, i32
  }
  func.func @transform_11(%arg0: i32) -> (i32, i32) {
    %c0_i32 = arith.constant 0 : i32
    %c0_i32_0 = arith.constant 0 : i32
    %c0_i32_1 = arith.constant 0 : i32
    return %c0_i32, %c0_i32_0 : i32, i32
  }
  func.func @transform_12(%arg0: i32) -> (i32, i32) {
    %c0_i32 = arith.constant 0 : i32
    %c0_i32_0 = arith.constant 0 : i32
    %c0_i32_1 = arith.constant 0 : i32
    return %c0_i32, %c0_i32_0 : i32, i32
  }
  func.func @transform_13(%arg0: i32) -> (i32, i32) {
    %c0_i32 = arith.constant 0 : i32
    %c0_i32_0 = arith.constant 0 : i32
    return %arg0, %c0_i32 : i32, i32
  }
  func.func @transform_14(%arg0: i32) -> (i32, i32) {
    %c0_i32 = arith.constant 0 : i32
    %c0_i32_0 = arith.constant 0 : i32
    return %arg0, %c0_i32 : i32, i32
  }
}

module attributes {stable_mosaic.version = 14 : i64} {
  func.func @_final_body(%arg0: i32, %arg1: memref<1000x128xf32, #tpu.memory_space<vmem>>, %arg2: memref<1000x128xf32, #tpu.memory_space<vmem>>, %arg3: memref<1000x128xf32, #tpu.memory_space<vmem>>, %arg4: memref<1000x128xf32, #tpu.memory_space<vmem>>, %arg5: memref<1000x128xf32, #tpu.memory_space<vmem>>, %arg6: memref<1x256xf32, #tpu.memory_space<vmem>>, %arg7: memref<1000x256xf32, #tpu.memory_space<vmem>>) attributes {dimension_semantics = [#tpu.dimension_semantics<arbitrary>], iteration_bounds = array<i64: 10>, scalar_prefetch = 0 : i64, scratch_operands = 0 : i64, tpu.core_type = #tpu.core_type<tc>, window_params = [{transform_indices = @transform_0, window_bounds = array<i64: 1000, 128>}, {transform_indices = @transform_1, window_bounds = array<i64: 1000, 128>}, {transform_indices = @transform_2, window_bounds = array<i64: 1000, 128>}, {transform_indices = @transform_3, window_bounds = array<i64: 1000, 128>}, {transform_indices = @transform_4, window_bounds = array<i64: 1000, 128>}, {pipeline_mode = #tpu.pipeline_mode<synchronous>, transform_indices = @transform_5, window_bounds = array<i64: 1, 256>}, {transform_indices = @transform_6, window_bounds = array<i64: 1000, 256>}]} {
    %get3A = arith.constant 0 : index
    %get3A_0 = arith.constant 0 : index
    %get3A_1 = vector.load %arg1[%get3A, %get3A_0] : memref<1000x128xf32, #tpu.memory_space<vmem>>, vector<1000x128xf32>
    %get3A_2 = arith.constant 0 : index
    %get3A_3 = arith.constant 0 : index
    %get3A_4 = vector.load %arg3[%get3A_2, %get3A_3] : memref<1000x128xf32, #tpu.memory_space<vmem>>, vector<1000x128xf32>
    %add3A = arith.addf %get3A_1, %get3A_4 : vector<1000x128xf32>
    %get3A_5 = arith.constant 0 : index
    %get3A_6 = arith.constant 0 : index
    %get3A_7 = vector.load %arg2[%get3A_5, %get3A_6] : memref<1000x128xf32, #tpu.memory_space<vmem>>, vector<1000x128xf32>
    %get3A_8 = arith.constant 0 : index
    %get3A_9 = arith.constant 0 : index
    %get3A_10 = vector.load %arg4[%get3A_8, %get3A_9] : memref<1000x128xf32, #tpu.memory_space<vmem>>, vector<1000x128xf32>
    %add3A_11 = arith.addf %get3A_7, %get3A_10 : vector<1000x128xf32>
    %concatenate3A = tpu.concatenate %add3A, %add3A_11 in 1 : vector<1000x128xf32>, vector<1000x128xf32> -> vector<1000x256xf32>
    %get3A_12 = arith.constant 0 : index
    %get3A_13 = arith.constant 0 : index
    %get3A_14 = vector.load %arg5[%get3A_12, %get3A_13] : memref<1000x128xf32, #tpu.memory_space<vmem>>, vector<1000x128xf32>
    %slice3A = vector.extract_strided_slice %get3A_14 {offsets = [0, 0], sizes = [1000, 1], strides = [1, 1]} : vector<1000x128xf32> to vector<1000x1xf32>
    %add3A_15 = arith.constant 1.000000e+00 : f32
    %add3A_16 = vector.broadcast %add3A_15 : f32 to vector<1000x1xf32>
    %add3A_17 = arith.addf %add3A_16, %slice3A : vector<1000x1xf32>
    %rsqrt3A = math.rsqrt %add3A_17 : vector<1000x1xf32>
    %mul3A = vector.broadcast %rsqrt3A : vector<1000x1xf32> to vector<1000x256xf32>
    %mul3A_18 = arith.mulf %mul3A, %concatenate3A : vector<1000x256xf32>
    %get3A_19 = arith.constant 0 : index
    %get3A_20 = arith.constant 0 : index
    %get3A_21 = vector.load %arg6[%get3A_19, %get3A_20] : memref<1x256xf32, #tpu.memory_space<vmem>>, vector<1x256xf32>
    %add3A_22 = vector.broadcast %get3A_21 : vector<1x256xf32> to vector<1000x256xf32>
    %add3A_23 = arith.addf %mul3A_18, %add3A_22 : vector<1000x256xf32>
    %swap3A = arith.constant 0 : index
    %swap3A_24 = arith.constant 0 : index
    %swap3A_25 = vector.load %arg7[%swap3A, %swap3A_24] : memref<1000x256xf32, #tpu.memory_space<vmem>>, vector<1000x256xf32>
    tpu.vector_store %arg7[%swap3A, %swap3A_24], %add3A_23 {strides = array<i32>} : memref<1000x256xf32, #tpu.memory_space<vmem>>, vector<1000x256xf32>,
    return
  }
  func.func @transform_0(%arg0: i32) -> (i32, i32) {
    %c0_i32 = arith.constant 0 : i32
    %c0_i32_0 = arith.constant 0 : i32
    return %arg0, %c0_i32 : i32, i32
  }
  func.func @transform_1(%arg0: i32) -> (i32, i32) {
    %c0_i32 = arith.constant 0 : i32
    %c0_i32_0 = arith.constant 0 : i32
    return %arg0, %c0_i32 : i32, i32
  }
  func.func @transform_2(%arg0: i32) -> (i32, i32) {
    %c0_i32 = arith.constant 0 : i32
    %c0_i32_0 = arith.constant 0 : i32
    return %arg0, %c0_i32 : i32, i32
  }
  func.func @transform_3(%arg0: i32) -> (i32, i32) {
    %c0_i32 = arith.constant 0 : i32
    %c0_i32_0 = arith.constant 0 : i32
    return %arg0, %c0_i32 : i32, i32
  }
  func.func @transform_4(%arg0: i32) -> (i32, i32) {
    %c0_i32 = arith.constant 0 : i32
    %c0_i32_0 = arith.constant 0 : i32
    return %arg0, %c0_i32 : i32, i32
  }
  func.func @transform_5(%arg0: i32) -> (i32, i32) {
    %c0_i32 = arith.constant 0 : i32
    %c0_i32_0 = arith.constant 0 : i32
    %c0_i32_1 = arith.constant 0 : i32
    return %c0_i32, %c0_i32_0 : i32, i32
  }
  func.func @transform_6(%arg0: i32) -> (i32, i32) {
    %c0_i32 = arith.constant 0 : i32
    %c0_i32_0 = arith.constant 0 : i32
    return %arg0, %c0_i32 : i32, i32
  }
}

</mosaic_0001>

<sc_bundles>
// kernel: kernel.10.cloned.1.call-start
scs
__scs_entry_jumppad:
0x0: {  	(pc) =	sbr.rel $0x88, $3  }
0x1: {  	(tag) =	ssettag $0x0;
	lr =	simm.s32 $0x1  }
0x2: {  	[smem:$0x3F97] =	sst lr;
	_ =	strace $0xD0000000  }
0x3: {  	_ = 	snop  }
0x4: {  	_ = 	snop  }
0x5: {  	_ = 	snop  }
0x6: {  	_ = 	snop  }
0x7: {  	_ = 	snop  }
__scs_overlays_trampoline_lowered:
0x8: {  	[smem:$0x3FA6] =	sst s0  }
0x9: {  	[smem:$0x3FA7] =	sst s1  }
0xa: {  	[smem:$0x3FA8] =	sst s2  }
0xb: {  	[smem:$0x3FA9] =	sst s3  }
0xc: {  	[smem:$0x3FAA] =	sst s4  }
0xd: {  	[smem:$0x3FAB] =	sst s5  }
0xe: {  	[smem:$0x3FAC] =	sst s6  }
0xf: {  	[smem:$0x3FAD] =	sst s7  }
0x10: {  	[smem:$0x3FAE] =	sst s8  }
0x11: {  	[smem:$0x3FAF] =	sst s9;
	s0 =	simm.s32 @!p0 $0x0  }
0x12: {  	s1 =	sld [smem:$0x3F95];
	s0 =	simm.s32 @p0 $0x1  }
0x13: {  	[smem:$0x3FB0] =	sst s0;
	s0 =	simm.s32 @!p1 $0x0  }
0x14: {  	s2 =	sld [smem:$0x3F94];
	s0 =	simm.s32 @p1 $0x1  }
0x15: {  	[smem:$0x3FB1] =	sst s0;
	s0 =	simm.s32 @!p2 $0x0  }
0x16: {  	s3 =	sld [smem:$0x3FDB];
	s0 =	simm.s32 @p2 $0x1  }
0x17: {  	s4 =	simm.s32 $0x1BF5;
	[smem:$0x3FB3] =	sst s0  }
0x18: {  	s0 =	sld [smem:$0x3F96];
	_ =	swait.ge [sflag:s4], $0x0  }
0x19: {  	s7 =	sld [smem:$0x3F97]  }
0x1a: {  	s8 =	sadd.s32 $0xFFFFE003, lr  }
0x1b: {  	s9 =	sadd.s32 $0xFFFFFEF7, lr;
	s5 =	simm.s32 $0xFFFFFFFF;
	p2 =	slt.u32 s8, $0xFFFFF086  }
0x1c: {  	p1 =	slt.u32 s9, $0xF7A;
	s5 =	simm.s32 @!p2 $0x0  }
0x1d: {  	s5 =	simm.s32 @p1 $0x1;
	p0 =	seq.s32 s7, s2  }
0x1e: {  	s7 =	smul.u32 @!p0 $0xF7A, s2;
	p2 =	seq.s32 @!p0 s5, $0x0  }
0x1f: {  	s9 =	smul.u32 $0xF7A, s1;
	s8 =	simm.s32 @!p0 $0x1BF5;
	p2 =	por !p2, p0  }
0x20: {  	[sflag:s8] =	ssyncset.s32 @!p0 $0xFFFFF086;
	s6 =	sadd.s32 @!p0 s3, s7;
	s7 =	simm.s32 @!p0 $0x108  }
0x21: {  	s3 =	sadd.s32 s3, s9;
	s6 =	sadd.s32 @!p0 $0x88, s6;
	s7 =	simm.s32 @p2 $0x1082  }
0x22: {  	[simem:s7], [sflag:s8] =	dma.local @!p0 [hbm:s6], $0xF7A  }
0x23: {  	s9 =	sor.u32 $0xD0000000, s2;
	s6 =	simm.s32 $0x108;
	_ =	swait.ge @!p0 [sflag:s8], $0x0  }
0x24: {  	s3 =	sadd.s32 $0x88, s3;
	s6 =	simm.s32 @!p1 $0x1082;
	[sflag:s4] =	ssyncset.s32 $0xFFFFF086  }
0x25: {  	[simem:s6], [sflag:s4] =	dma.local [hbm:s3], $0xF7A  }
0x26: {  	[smem:$0x3F97] =	sst s1;
	(tag) =	ssettag s2;
	_ =	strace s9  }
0x27: {  	s1 =	sld [smem:$0x3FA7]  }
0x28: {  	s2 =	sld [smem:$0x3FA8]  }
0x29: {  	s4 =	sld [smem:$0x3FAA]  }
0x2a: {  	p0 =	seq.s32 s5, $0x0;
	s5 =	sld [smem:$0x3FAB]  }
0x2b: {  	s6 =	sld [smem:$0x3FAC]  }
0x2c: {  	s7 =	sld [smem:$0x3FAD]  }
0x2d: {  	s3 =	simm.s32 $0x108;
	s8 =	sld [smem:$0x3FAE]  }
0x2e: {  	s3 =	simm.s32 @!p0 $0x1082;
	s9 =	sld [smem:$0x3FAF]  }
0x2f: {  	lr =	sadd.s32 s0, s3;
	s0 =	sld [smem:$0x3FA6]  }
0x30: {  	s3 =	sld [smem:$0x3FA9]  }
0x31: {  	[smem:$0x3FB2] =	sst s10  }
0x32: {  	s10 =	sld [smem:$0x3FB0];
	_ =	sdelay $0x3  }
0x33: {  	p0 =	seq.s32 s10, $0x1;
	s10 =	sld [smem:$0x3FB2];
	_ =	sdelay $0x3  }
0x34: {  	[smem:$0x3FB2] =	sst s10  }
0x35: {  	s10 =	sld [smem:$0x3FB1];
	_ =	sdelay $0x3  }
0x36: {  	p1 =	seq.s32 s10, $0x1;
	s10 =	sld [smem:$0x3FB2];
	_ =	sdelay $0x3  }
0x37: {  	[smem:$0x3FB2] =	sst s10  }
0x38: {  	s10 =	sld [smem:$0x3FB3]  }
0x39: {  	_ = 	snop;
	(pc) =	sbr.ind lr, $3  }
0x3a: {  	_ = 	snop  }
0x3b: {  	_ = 	snop  }
0x3c: {  	p2 =	seq.s32 s10, $0x1;
	s10 =	sld [smem:$0x3FB2]  }
0x3d: {  	_ =	shalt  }
0x3e: {  	_ =	shalt  }
0x3f: {  	_ =	shalt  }
0x40: {  	_ =	shalt  }
0x41: {  	_ =	shalt  }
0x42: {  	_ =	shalt  }
0x43: {  	_ =	shalt  }
0x44: {  	_ =	shalt  }
0x45: {  	_ =	shalt  }
0x46: {  	_ =	shalt  }
0x47: {  	_ =	shalt  }
0x48: {  	_ =	shalt  }
0x49: {  	_ =	shalt  }
0x4a: {  	_ =	shalt  }
0x4b: {  	_ =	shalt  }
0x4c: {  	_ =	shalt  }
0x4d: {  	_ =	shalt  }
0x4e: {  	_ =	shalt  }
0x4f: {  	_ =	shalt  }
0x50: {  	_ =	shalt  }
0x51: {  	_ =	shalt  }
0x52: {  	_ =	shalt  }
0x53: {  	_ =	shalt  }
0x54: {  	_ =	shalt  }
0x55: {  	_ =	shalt  }
0x56: {  	_ =	shalt  }
0x57: {  	_ =	shalt  }
0x58: {  	_ =	shalt  }
0x59: {  	_ =	shalt  }
0x5a: {  	_ =	shalt  }
0x5b: {  	_ =	shalt  }
0x5c: {  	_ =	shalt  }
0x5d: {  	_ =	shalt  }
0x5e: {  	_ =	shalt  }
0x5f: {  	_ =	shalt  }
0x60: {  	_ =	shalt  }
0x61: {  	_ =	shalt  }
0x62: {  	_ =	shalt  }
0x63: {  	_ =	shalt  }
0x64: {  	_ =	shalt  }
0x65: {  	_ =	shalt  }
0x66: {  	_ =	shalt  }
0x67: {  	_ =	shalt  }
0x68: {  	_ =	shalt  }
0x69: {  	_ =	shalt  }
0x6a: {  	_ =	shalt  }
0x6b: {  	_ =	shalt  }
0x6c: {  	_ =	shalt  }
0x6d: {  	_ =	shalt  }
0x6e: {  	_ =	shalt  }
0x6f: {  	_ =	shalt  }
0x70: {  	_ =	shalt  }
0x71: {  	_ =	shalt  }
0x72: {  	_ =	shalt  }
0x73: {  	_ =	shalt  }
0x74: {  	_ =	shalt  }
0x75: {  	_ =	shalt  }
0x76: {  	_ =	shalt  }
0x77: {  	_ =	shalt  }
0x78: {  	_ =	shalt  }
0x79: {  	_ =	shalt  }
0x7a: {  	_ =	shalt  }
0x7b: {  	_ =	shalt  }
0x7c: {  	_ =	shalt  }
0x7d: {  	_ =	shalt  }
0x7e: {  	_ =	shalt  }
0x7f: {  	_ =	shalt  }
0x80: {  	_ =	shalt  }
0x81: {  	_ =	shalt  }
0x82: {  	_ =	shalt  }
0x83: {  	_ =	shalt  }
0x84: {  	_ =	shalt  }
0x85: {  	_ =	shalt  }
0x86: {  	_ =	shalt  }
0x87: {  	_ =	shalt  }
.Lfunc_end0:
.L_simem_size_0:
called_computation_lowered:
.L_overlay_start_0:
0x88: {  	s2 =	sld [smem:$0x3FD9]  }
0x89: {  	s3 =	sld [smem:$0x3FFE];
	_ =	sdelay $0x1  }
0x8a: {  	s1 =	srdreg.scid  }
0x8b: {  	s0 =	sand.u32 $0x1, s1  }
0x8c: {  	s17 =	sshll.u32 s0, $0xA;
	s2 =	sadd.s32 s3, s2  }
0x8d: {  	s2 =	sadd.s32 s2, s17  }
0x8e: {  	[smem:$0x3FBE] =	sst s2  }
0x8f: {  	_ = 	snop  }
0x90: {  	s2 =	sld [smem:$0x3FD0];
	(tm) =	ssettm $0x1  }
0x91: {  	s18 =	sld [smem:$0x3FFB];
	_ =	sdelay $0x3  }
0x92: {  	_ =	strace s18  }
0x93: {  	s3 =	sld [smem:$0x3FFC];
	_ =	sdelay $0x3  }
0x94: {  	_ =	strace s3  }
0x95: {  	s3 =	sld [smem:$0x3FFD];
	_ =	sdelay $0x3  }
0x96: {  	_ =	strace s3  }
0x97: {  	_ =	strace $0x8FFFFFFF  }
0x98: {  	s19 =	sld [smem:$0x3FDB];
	_ =	sdelay $0x1  }
0x99: {  	s4 =	simm.s32 $_scs_section_size  }
0x9a: {  	s5 =	simm.s32 $_size__tile_overlayer_lowered;
	s6 =	simm.s32 $_tile_overlayer_lowered  }
0x9b: {  	s22 =	simm.s32 $0x1BFF;
	s21 =	sshll.u32 s6, $0x1;
	s3 =	sadd.s32 s4, s19  }
0x9c: {  	s7 =	simm.s32 $0x0;
	s20 =	sshll.u32 s5, $0x1;
	s5 =	sadd.s32 s21, s3  }
0x9d: {  	[timem:s7], [sflag:s22] =	dma.local [hbm:s5], s20  }
0x9e: {  	_ =	swait.ge [sflag:s22], s20  }
0x9f: {  	s4 =	ssub.s32 $0x0, s20;
	[sflag:s22] =	ssyncset.done $0x0  }
0xa0: {  	[sflag:s22] =	ssyncadd.s32 s4;
	_ =	sdelay $0x1  }
0xa1: {  	s23 =	simm.s32 $0x1B8B  }
0xa2: {  	_ =	swait.ge [sflag:s23], $0x1  }
0xa3: {  	[sflag:s23] =	ssyncset.done $0x0  }
0xa4: {  	s25 =	simm.s32 $0x1B8E;
	s24 =	sld [smem:$0x3FFE];
	[sflag:s23] =	ssyncadd.s32 $0xFFFFFFFF  }
0xa5: {  	s26 =	simm.s32 $execute0_lowered;
	[smem:$0x3FD2] =	sst s25  }
0xa6: {  	s5 =	sshll.u32 s26, $0x1;
	_ =	strace $0x80000046;
	[dreg:$0x1] =	wrdreg $0xFFFFFFFF  }
0xa7: {  	s28 =	simm.s32 $_size_execute0_lowered;
	s3 =	sadd.s32 s3, s5;
	[dreg:$0x0] =	wrdreg $0x0  }
0xa8: {  	s5 =	sshll.u32 s28, $0x1;
	[dreg:$0x2] =	wrdreg s3  }
0xa9: {  	[dreg:$0x3] =	wrdreg s5  }
0xaa: {  	[dreg:$0x4] =	wrdreg $0xC0  }
0xab: {  	_ =	task [dreg:s7], $0x5FFFF  }
0xac: {  	[dreg:$0x1] =	wrdreg $0xFFFFFFFF  }
0xad: {  	[dreg:$0x0] =	wrdreg $0x60  }
0xae: {  	[dreg:$0x2] =	wrdreg s24  }
0xaf: {  	[dreg:$0x3] =	wrdreg s2  }
0xb0: {  	[dreg:$0x4] =	wrdreg $0x68000  }
0xb1: {  	[dreg:$0x5] =	wrdreg $0x9  }
0xb2: {  	_ =	task.clear_ibuf [dreg:s7], $0x6FFFF;
	_ =	strace $0x90000046  }
0xb3: {  	s29 =	simm.s32 $0x9;
	_ =	strace $0x80000048  }
0xb4: {  	_ =	swait.ge [sflag:s29], $0x1  }
0xb5: {  	[sflag:s29] =	ssyncadd.s32 $0xFFFFFFFF  }
0xb6: {  	_ =	strace $0x90000048  }
0xb7: {  	_ =	sfence  }
0xb8: {  	s30 =	sld [smem:$0x0];
	_ =	sdelay $0x2  }
0xb9: {  	s31 =	sshll.u32 s1, $0xD;
	s1 =	sshrl.u32 s1, $0x2  }
0xba: {  	s3 =	sand.u32 $0x4000, s31;
	s1 =	sadd.s32 s1, s30  }
0xbb: {  	s0 =	sor.u32 s3, s0;
	s1 =	sshll.u32 s1, $0x11  }
0xbc: {  	s0 =	sor.u32 s1, s0  }
0xbd: {  	s0 =	sadd.s32 $0x8F2B, s0  }
0xbe: {  	[sflag:s0] =	ssyncadd.remote.s32 $0x1  }
0xbf: {  	_ =	sfence.sel $0xFFFF  }
0xc0: {  	[dreg:$0x0] =	wrdreg $0xFFFFFFFF;
	(pc) =	sbr.abs _section_cstart, $3  }
0xc1: {  	[dreg:$0x1] =	wrdreg $0xFFFFFFFF  }
0xc2: {  	_ =	task.clear_ibuf [dreg:s7], $0x2FFFF;
	_ =	strace $0x9FFFFFFF  }
0xc3: {  	(tm) =	ssettm $0x7FFFFFFF  }
tec
execute0_lowered:
.L_overlay_start_1:
0x0: {  	(tag) =	ssettag $0x1  }
0x1: {  	s7 =	rddreg [dreg:$0x0]  }
0x2: {  	s2 =	rddreg [dreg:$0x1]  }
0x3: {  	s3 =	rddreg [dreg:$0x2];
	s1 =	stileid.u32  }
0x4: {  	s0 =	rddreg [dreg:$0x3];
	s4 =	simm.s32 $0x0;
	s6 =	srdreg.scid  }
0x5: {  	s15 =	simm.s32 $0x2800;
	s16 =	simm.s32 $0x80;
	s17 =	simm.s32 $0x0  }
0x6: {  	s5 =	smul.u32 $0x500, s1;
	[smem:$0x7FF] =	sst s4;
	s13 =	sand.u32 $0x1, s6  }
0x7: {  	s9 =	smul.u32 $0x50000, s1;
	s6 =	sadd.s32 $0xF400, s7;
	s31 =	sshll.u32 s1, $0x6  }
0x8: {  	_ =	strace $0x80000047;
	s8 =	ssub.s32 $0x2, s13;
	p0 =	sne.s32 s13, $0x0  }
.Ltmp0:
0x9: {  	s11 =	sadd.s32 s5, s7;
	s5 =	sadd.s32 $0xEC00, s7;
	(pc) =	sbr.rel .LBB2_1-.Ltmp0, $4  }
0xa: {  	s7 =	sadd.s32 $0x11C00, s7;
	s10 =	sshrl.u32 s8, $0x1;
	s30 =	sshrl.u32 s9, $0x2  }
0xb: {  	s12 =	ssub.s32 s8, s10;
	s14 =	sadd.s32 s30, s3;
	s8 =	sor.u32 $0x1C01, s31  }
0xc: {  	s9 =	sadd.s32 $0x9C00, s11;
	s10 =	smul.u32 $0x2800, s1;
	s11 =	sadd.s32 $0x4C00, s11  }
0xd: {  	s12 =	smax.u32 s12, $0x1;
	s13 =	sshrl.u32 s14, $0x3;
	s14 =	simm.s32 $0x1  }
.LBB2_7:
0xe: {  	[sflag:s14] =	ssyncadd.s32 $0xFFFFC000;
	s18 =	smov.u32 s7  }
.LBB2_8:
0xf: {  	s17 =	sadd.s32 $0x1, s17  }
0x10: {  	p1 =	sne.s32 s17, s12  }
.Ltmp1:
0x11: {  	s18 =	sadd.s32 s18, s10;
	[bflag:$0x0] =	sbarrier.arrive $0xFFFF;
	(pc) =	sbr.rel @!p1 .LBB2_9-.Ltmp1, $4  }
0x12: {  	[hbm:s18], [sflag:s8] =	dma.local [spmem:s13], $0x2800  }
0x13: {  	_ =	swait.ge [sflag:s14], $0x2800  }
0x14: {  	[sflag:s14] =	ssyncset.done $0x0  }
0x15: {  	[sflag:s14] =	ssyncadd.s32 $0xFFFFD800  }
.LBB2_1:
0x16: {  	[spmem:s13], [sflag:s8] =	dma.local [hbm:s6], $0x2800  }
0x17: {  	_ =	swait.ge [sflag:s14], $0x2800  }
0x18: {  	[sflag:s14] =	ssyncset.done $0x0  }
0x19: {  	[sflag:s14] =	ssyncadd.s32 $0xFFFFD800  }
0x1a: {  	[tilespmem:s15], [sflag:$0x1] =	stream.linear.gather [hbm4b:s5+s4], $0x4000, $0x38;
	[tilespmem:$0x1A800] =	vst v63  }
.Ltmp2:
0x1b: {  	_ =	swait.ge [sflag:s14], $0x4000;
	(pc) =	sbr.rel @p0 .LBB2_5-.Ltmp2, $4  }
0x1c: {  	[sflag:s14] =	ssyncset.done $0x0  }
0x1d: {  	[sflag:s14] =	ssyncadd.s32 $0xFFFFC000  }
0x1e: {  	[bflag:$0x0] =	sbarrier.arrive $0xFFFF  }
0x1f: {  	s18 =	simm.s32 $0x0  }
0x20: {  	[tilespmem:s18], [sflag:$0x1] =	stream.linear.gather [hbm4b:s11+s18], $0x2800, $0x38;
	[tilespmem:$0x1A800] =	vst v63  }
0x21: {  	_ =	swait.ge [sflag:s14], $0x2800  }
0x22: {  	[sflag:s14] =	ssyncset.done $0x0  }
0x23: {  	s31 =	simm.s32 $0x0;
	[sflag:s14] =	ssyncadd.s32 $0xFFFFD800  }
0x24: {  	[spmem:s3] =	stream.indirect.scatter.add.f32 [tilespmem:s15], [sflag:$0x1], $0x80, s31, s16, $0xb8;
	[tilespmem:$0x1A800] =	vst v63  }
0x25: {  	_ =	swait.ge [sflag:s14], $0x4000  }
0x26: {  	s18 =	simm.s32 $0x200;
	[sflag:s14] =	ssyncset.done $0x0  }
.LBB2_3:
0x27: {  	s19 =	sshra.s32 s18, $0x2;
	[sflag:s14] =	ssyncadd.s32 $0xFFFFC000;
	p1 =	seq.s32 s18, $0x9E00  }
0x28: {  	[spmem:s3] =	stream.indirect.scatter.add.f32 [tilespmem:s15], [sflag:$0x1], $0x80, s19, s16, $0xb8;
	[tilespmem:$0x1A800] =	vst v63  }
.Ltmp3:
0x29: {  	_ = 	snop;
	(pc) =	sbr.rel @!p1 .LBB2_3-.Ltmp3, $4  }
0x2a: {  	_ = 	snop  }
0x2b: {  	s18 =	sadd.s32 $0x200, s18  }
0x2c: {  	_ =	swait.ge [sflag:s14], $0x4000  }
0x2d: {  	[sflag:s14] =	ssyncset.done $0x0  }
.Ltmp4:
0x2e: {  	(pc) =	sbr.rel .LBB2_8-.Ltmp4, $2  }
0x2f: {  	_ =	sdelay $0x2  }
0x30: {  	[sflag:s14] =	ssyncadd.s32 $0xFFFFC000;
	s18 =	smov.u32 s2  }
.LBB2_5:
0x31: {  	[tilespmem:s18], [sflag:$0x1] =	stream.linear.gather [hbm4b:s9+s18], $0x2800, $0x38;
	[tilespmem:$0x1A800] =	vst v63  }
0x32: {  	_ =	swait.ge [sflag:s14], $0x2800  }
0x33: {  	[sflag:s14] =	ssyncset.done $0x0  }
0x34: {  	s31 =	simm.s32 $0x0;
	[sflag:s14] =	ssyncadd.s32 $0xFFFFD800  }
0x35: {  	[spmem:s3] =	stream.indirect.scatter.add.f32 [tilespmem:s15], [sflag:$0x1], $0x80, s31, s16, $0xb8;
	[tilespmem:$0x1A800] =	vst v63  }
0x36: {  	_ =	swait.ge [sflag:s14], $0x4000  }
0x37: {  	s18 =	simm.s32 $0x200;
	[sflag:s14] =	ssyncset.done $0x0  }
.LBB2_6:
0x38: {  	s19 =	sshra.s32 s18, $0x2;
	[sflag:s14] =	ssyncadd.s32 $0xFFFFC000;
	p1 =	sne.s32 s18, $0x9E00  }
0x39: {  	[spmem:s3] =	stream.indirect.scatter.add.f32 [tilespmem:s15], [sflag:$0x1], $0x80, s19, s16, $0xb8;
	[tilespmem:$0x1A800] =	vst v63  }
.Ltmp5:
0x3a: {  	_ = 	snop;
	(pc) =	sbr.rel @p1 .LBB2_6-.Ltmp5, $4  }
0x3b: {  	_ = 	snop  }
0x3c: {  	s18 =	sadd.s32 $0x200, s18  }
0x3d: {  	_ =	swait.ge [sflag:s14], $0x4000  }
0x3e: {  	[sflag:s14] =	ssyncset.done $0x0  }
.Ltmp6:
0x3f: {  	_ = 	snop;
	(pc) =	sbr.rel .LBB2_7-.Ltmp6, $1  }
0x40: {  	_ =	sdelay $0x3  }
.LBB2_9:
0x41: {  	_ =	sfence.sel $0x180000  }
0x42: {  	[bflag:$0x0] =	sbarrier.arrive $0xFFFF  }
0x43: {  	p0 =	sne.s32 s1, $0x0;
	_ =	strace $0x90000047  }
0x44: {  	s0 =	sadd.s32 @!p0 $0x100000, s0;
	[bflag:$0x2] =	sbarrier.arrive $0xFFFF  }
0x45: {  	[sflag:s0] =	ssyncadd.tile.s32 @!p0 $0x1;
	_ =	shalt  }
.Lfunc_end2:
_tile_overlayer_lowered:
.L_overlay_start_2:
0x46: {  	(tag) =	ssettag $0x2  }
0x47: {  	s0 =	rddreg [dreg:$0x0];
	s2 =	stileid.u32  }
0x48: {  	s1 =	rddreg [dreg:$0x1];
	p0 =	sne.s32 s2, $0x0  }
0x49: {  	s3 =	rddreg [dreg:$0x2];
	[bflag:$0x3] =	sbarrier.arrive $0xFFFF;
	s2 =	simm.s32 @!p0 $0x1C01  }
0x4a: {  	[timem:s3], [sflag:s2] =	dma.local @!p0 [hbm:s0], s1  }
0x4b: {  	s0 =	simm.s32 @!p0 $0x1  }
0x4c: {  	_ =	swait.ge @!p0 [sflag:s0], s1  }
0x4d: {  	s1 =	ssub.s32 @!p0 $0x0, s1;
	[sflag:s0] =	ssyncset.done @!p0 $0x0  }
0x4e: {  	[sflag:s0] =	ssyncadd.s32 @!p0 s1  }
0x4f: {  	[bflag:$0x3] =	sbarrier.arrive $0xFFFF  }
0x50: {  	_ =	shalt  }

// kernel: kernel.13.cloned.1.call-start
scs
__scs_entry_jumppad:
0x0: {  	(pc) =	sbr.rel $0x88, $3  }
0x1: {  	(tag) =	ssettag $0x0;
	lr =	simm.s32 $0x1  }
0x2: {  	[smem:$0x3F97] =	sst lr;
	_ =	strace $0xD0000000  }
0x3: {  	_ = 	snop  }
0x4: {  	_ = 	snop  }
0x5: {  	_ = 	snop  }
0x6: {  	_ = 	snop  }
0x7: {  	_ = 	snop  }
__scs_overlays_trampoline_lowered:
0x8: {  	[smem:$0x3FA6] =	sst s0  }
0x9: {  	[smem:$0x3FA7] =	sst s1  }
0xa: {  	[smem:$0x3FA8] =	sst s2  }
0xb: {  	[smem:$0x3FA9] =	sst s3  }
0xc: {  	[smem:$0x3FAA] =	sst s4  }
0xd: {  	[smem:$0x3FAB] =	sst s5  }
0xe: {  	[smem:$0x3FAC] =	sst s6  }
0xf: {  	[smem:$0x3FAD] =	sst s7  }
0x10: {  	[smem:$0x3FAE] =	sst s8  }
0x11: {  	[smem:$0x3FAF] =	sst s9;
	s0 =	simm.s32 @!p0 $0x0  }
0x12: {  	s1 =	sld [smem:$0x3F95];
	s0 =	simm.s32 @p0 $0x1  }
0x13: {  	[smem:$0x3FB0] =	sst s0;
	s0 =	simm.s32 @!p1 $0x0  }
0x14: {  	s2 =	sld [smem:$0x3F94];
	s0 =	simm.s32 @p1 $0x1  }
0x15: {  	[smem:$0x3FB1] =	sst s0;
	s0 =	simm.s32 @!p2 $0x0  }
0x16: {  	s3 =	sld [smem:$0x3FDB];
	s0 =	simm.s32 @p2 $0x1  }
0x17: {  	s4 =	simm.s32 $0x1BF5;
	[smem:$0x3FB3] =	sst s0  }
0x18: {  	s0 =	sld [smem:$0x3F96];
	_ =	swait.ge [sflag:s4], $0x0  }
0x19: {  	s7 =	sld [smem:$0x3F97]  }
0x1a: {  	s8 =	sadd.s32 $0xFFFFE003, lr  }
0x1b: {  	s9 =	sadd.s32 $0xFFFFFEF7, lr;
	s5 =	simm.s32 $0xFFFFFFFF;
	p2 =	slt.u32 s8, $0xFFFFF086  }
0x1c: {  	p1 =	slt.u32 s9, $0xF7A;
	s5 =	simm.s32 @!p2 $0x0  }
0x1d: {  	s5 =	simm.s32 @p1 $0x1;
	p0 =	seq.s32 s7, s2  }
0x1e: {  	s7 =	smul.u32 @!p0 $0xF7A, s2;
	p2 =	seq.s32 @!p0 s5, $0x0  }
0x1f: {  	s9 =	smul.u32 $0xF7A, s1;
	s8 =	simm.s32 @!p0 $0x1BF5;
	p2 =	por !p2, p0  }
0x20: {  	[sflag:s8] =	ssyncset.s32 @!p0 $0xFFFFF086;
	s6 =	sadd.s32 @!p0 s3, s7;
	s7 =	simm.s32 @!p0 $0x108  }
0x21: {  	s3 =	sadd.s32 s3, s9;
	s6 =	sadd.s32 @!p0 $0x88, s6;
	s7 =	simm.s32 @p2 $0x1082  }
0x22: {  	[simem:s7], [sflag:s8] =	dma.local @!p0 [hbm:s6], $0xF7A  }
0x23: {  	s9 =	sor.u32 $0xD0000000, s2;
	s6 =	simm.s32 $0x108;
	_ =	swait.ge @!p0 [sflag:s8], $0x0  }
0x24: {  	s3 =	sadd.s32 $0x88, s3;
	s6 =	simm.s32 @!p1 $0x1082;
	[sflag:s4] =	ssyncset.s32 $0xFFFFF086  }
0x25: {  	[simem:s6], [sflag:s4] =	dma.local [hbm:s3], $0xF7A  }
0x26: {  	[smem:$0x3F97] =	sst s1;
	(tag) =	ssettag s2;
	_ =	strace s9  }
0x27: {  	s1 =	sld [smem:$0x3FA7]  }
0x28: {  	s2 =	sld [smem:$0x3FA8]  }
0x29: {  	s4 =	sld [smem:$0x3FAA]  }
0x2a: {  	p0 =	seq.s32 s5, $0x0;
	s5 =	sld [smem:$0x3FAB]  }
0x2b: {  	s6 =	sld [smem:$0x3FAC]  }
0x2c: {  	s7 =	sld [smem:$0x3FAD]  }
0x2d: {  	s3 =	simm.s32 $0x108;
	s8 =	sld [smem:$0x3FAE]  }
0x2e: {  	s3 =	simm.s32 @!p0 $0x1082;
	s9 =	sld [smem:$0x3FAF]  }
0x2f: {  	lr =	sadd.s32 s0, s3;
	s0 =	sld [smem:$0x3FA6]  }
0x30: {  	s3 =	sld [smem:$0x3FA9]  }
0x31: {  	[smem:$0x3FB2] =	sst s10  }
0x32: {  	s10 =	sld [smem:$0x3FB0];
	_ =	sdelay $0x3  }
0x33: {  	p0 =	seq.s32 s10, $0x1;
	s10 =	sld [smem:$0x3FB2];
	_ =	sdelay $0x3  }
0x34: {  	[smem:$0x3FB2] =	sst s10  }
0x35: {  	s10 =	sld [smem:$0x3FB1];
	_ =	sdelay $0x3  }
0x36: {  	p1 =	seq.s32 s10, $0x1;
	s10 =	sld [smem:$0x3FB2];
	_ =	sdelay $0x3  }
0x37: {  	[smem:$0x3FB2] =	sst s10  }
0x38: {  	s10 =	sld [smem:$0x3FB3]  }
0x39: {  	_ = 	snop;
	(pc) =	sbr.ind lr, $3  }
0x3a: {  	_ = 	snop  }
0x3b: {  	_ = 	snop  }
0x3c: {  	p2 =	seq.s32 s10, $0x1;
	s10 =	sld [smem:$0x3FB2]  }
0x3d: {  	_ =	shalt  }
0x3e: {  	_ =	shalt  }
0x3f: {  	_ =	shalt  }
0x40: {  	_ =	shalt  }
0x41: {  	_ =	shalt  }
0x42: {  	_ =	shalt  }
0x43: {  	_ =	shalt  }
0x44: {  	_ =	shalt  }
0x45: {  	_ =	shalt  }
0x46: {  	_ =	shalt  }
0x47: {  	_ =	shalt  }
0x48: {  	_ =	shalt  }
0x49: {  	_ =	shalt  }
0x4a: {  	_ =	shalt  }
0x4b: {  	_ =	shalt  }
0x4c: {  	_ =	shalt  }
0x4d: {  	_ =	shalt  }
0x4e: {  	_ =	shalt  }
0x4f: {  	_ =	shalt  }
0x50: {  	_ =	shalt  }
0x51: {  	_ =	shalt  }
0x52: {  	_ =	shalt  }
0x53: {  	_ =	shalt  }
0x54: {  	_ =	shalt  }
0x55: {  	_ =	shalt  }
0x56: {  	_ =	shalt  }
0x57: {  	_ =	shalt  }
0x58: {  	_ =	shalt  }
0x59: {  	_ =	shalt  }
0x5a: {  	_ =	shalt  }
0x5b: {  	_ =	shalt  }
0x5c: {  	_ =	shalt  }
0x5d: {  	_ =	shalt  }
0x5e: {  	_ =	shalt  }
0x5f: {  	_ =	shalt  }
0x60: {  	_ =	shalt  }
0x61: {  	_ =	shalt  }
0x62: {  	_ =	shalt  }
0x63: {  	_ =	shalt  }
0x64: {  	_ =	shalt  }
0x65: {  	_ =	shalt  }
0x66: {  	_ =	shalt  }
0x67: {  	_ =	shalt  }
0x68: {  	_ =	shalt  }
0x69: {  	_ =	shalt  }
0x6a: {  	_ =	shalt  }
0x6b: {  	_ =	shalt  }
0x6c: {  	_ =	shalt  }
0x6d: {  	_ =	shalt  }
0x6e: {  	_ =	shalt  }
0x6f: {  	_ =	shalt  }
0x70: {  	_ =	shalt  }
0x71: {  	_ =	shalt  }
0x72: {  	_ =	shalt  }
0x73: {  	_ =	shalt  }
0x74: {  	_ =	shalt  }
0x75: {  	_ =	shalt  }
0x76: {  	_ =	shalt  }
0x77: {  	_ =	shalt  }
0x78: {  	_ =	shalt  }
0x79: {  	_ =	shalt  }
0x7a: {  	_ =	shalt  }
0x7b: {  	_ =	shalt  }
0x7c: {  	_ =	shalt  }
0x7d: {  	_ =	shalt  }
0x7e: {  	_ =	shalt  }
0x7f: {  	_ =	shalt  }
0x80: {  	_ =	shalt  }
0x81: {  	_ =	shalt  }
0x82: {  	_ =	shalt  }
0x83: {  	_ =	shalt  }
0x84: {  	_ =	shalt  }
0x85: {  	_ =	shalt  }
0x86: {  	_ =	shalt  }
0x87: {  	_ =	shalt  }
.Lfunc_end0:
.L_simem_size_0:
called_computation.1_lowered:
.L_overlay_start_0:
0x88: {  	s2 =	sld [smem:$0x3FD9]  }
0x89: {  	s3 =	sld [smem:$0x3FFE];
	_ =	sdelay $0x1  }
0x8a: {  	s1 =	srdreg.scid  }
0x8b: {  	s0 =	sand.u32 $0x1, s1  }
0x8c: {  	s16 =	sshll.u32 s0, $0xA;
	s2 =	sadd.s32 s3, s2  }
0x8d: {  	s2 =	sadd.s32 s2, s16  }
0x8e: {  	[smem:$0x3FBE] =	sst s2  }
0x8f: {  	_ = 	snop  }
0x90: {  	(tm) =	ssettm $0x1  }
0x91: {  	s17 =	sld [smem:$0x3FFB];
	_ =	sdelay $0x3  }
0x92: {  	_ =	strace s17  }
0x93: {  	s2 =	sld [smem:$0x3FFC];
	_ =	sdelay $0x3  }
0x94: {  	_ =	strace s2  }
0x95: {  	s2 =	sld [smem:$0x3FFD];
	_ =	sdelay $0x3  }
0x96: {  	_ =	strace s2  }
0x97: {  	_ =	strace $0x8FFFFFFF  }
0x98: {  	s18 =	sld [smem:$0x3FDB];
	_ =	sdelay $0x1  }
0x99: {  	s19 =	simm.s32 $_scs_section_size  }
0x9a: {  	s4 =	simm.s32 $_size__tile_overlayer_lowered;
	s5 =	simm.s32 $_tile_overlayer_lowered  }
0x9b: {  	s22 =	simm.s32 $0x1BFF;
	s21 =	sshll.u32 s5, $0x1;
	s2 =	sadd.s32 s19, s18  }
0x9c: {  	s6 =	simm.s32 $0x0;
	s20 =	sshll.u32 s4, $0x1;
	s4 =	sadd.s32 s21, s2  }
0x9d: {  	[timem:s6], [sflag:s22] =	dma.local [hbm:s4], s20  }
0x9e: {  	_ =	swait.ge [sflag:s22], s20  }
0x9f: {  	s3 =	ssub.s32 $0x0, s20;
	[sflag:s22] =	ssyncset.done $0x0  }
0xa0: {  	[sflag:s22] =	ssyncadd.s32 s3;
	_ =	sdelay $0x1  }
0xa1: {  	s23 =	simm.s32 $0x1B8B  }
0xa2: {  	_ =	swait.ge [sflag:s23], $0x1  }
0xa3: {  	[sflag:s23] =	ssyncset.done $0x0  }
0xa4: {  	s25 =	simm.s32 $0x1B8E;
	s24 =	sld [smem:$0x3FFE];
	[sflag:s23] =	ssyncadd.s32 $0xFFFFFFFF  }
0xa5: {  	s26 =	simm.s32 $execute0_lowered;
	[smem:$0x3FD2] =	sst s25  }
0xa6: {  	s4 =	sshll.u32 s26, $0x1;
	_ =	strace $0x80000049;
	[dreg:$0x1] =	wrdreg $0xFFFFFFFF  }
0xa7: {  	s28 =	simm.s32 $_size_execute0_lowered;
	s2 =	sadd.s32 s2, s4;
	[dreg:$0x0] =	wrdreg $0x0  }
0xa8: {  	s4 =	sshll.u32 s28, $0x1;
	[dreg:$0x2] =	wrdreg s2  }
0xa9: {  	[dreg:$0x3] =	wrdreg s4  }
0xaa: {  	[dreg:$0x4] =	wrdreg $0xC0  }
0xab: {  	_ =	task [dreg:s6], $0x5FFFF  }
0xac: {  	[dreg:$0x1] =	wrdreg $0xFFFFFFFF  }
0xad: {  	[dreg:$0x0] =	wrdreg $0x60  }
0xae: {  	[dreg:$0x2] =	wrdreg s24  }
0xaf: {  	[dreg:$0x3] =	wrdreg $0xA8000  }
0xb0: {  	[dreg:$0x4] =	wrdreg $0x9  }
0xb1: {  	_ =	task.clear_ibuf [dreg:s6], $0x5FFFF;
	_ =	strace $0x90000049  }
0xb2: {  	s29 =	simm.s32 $0x9;
	_ =	strace $0x8000004B  }
0xb3: {  	_ =	swait.ge [sflag:s29], $0x1  }
0xb4: {  	[sflag:s29] =	ssyncadd.s32 $0xFFFFFFFF  }
0xb5: {  	_ =	strace $0x9000004B  }
0xb6: {  	_ =	sfence  }
0xb7: {  	s30 =	sld [smem:$0x0];
	_ =	sdelay $0x2  }
0xb8: {  	s31 =	sshll.u32 s1, $0xD;
	s1 =	sshrl.u32 s1, $0x2  }
0xb9: {  	s3 =	sand.u32 $0x4000, s31;
	s1 =	sadd.s32 s1, s30  }
0xba: {  	s0 =	sor.u32 s3, s0;
	s1 =	sshll.u32 s1, $0x11  }
0xbb: {  	s0 =	sor.u32 s1, s0  }
0xbc: {  	s0 =	sadd.s32 $0x8F2B, s0  }
0xbd: {  	[sflag:s0] =	ssyncadd.remote.s32 $0x1  }
0xbe: {  	_ =	sfence.sel $0xFFFF  }
0xbf: {  	[dreg:$0x0] =	wrdreg $0xFFFFFFFF;
	(pc) =	sbr.abs _section_cstart, $3  }
0xc0: {  	[dreg:$0x1] =	wrdreg $0xFFFFFFFF  }
0xc1: {  	_ =	task.clear_ibuf [dreg:s6], $0x2FFFF;
	_ =	strace $0x9FFFFFFF  }
0xc2: {  	(tm) =	ssettm $0x7FFFFFFF  }
0xc3: {  	_ =	shalt  }
tec
execute0_lowered:
.L_overlay_start_1:
0x0: {  	(tag) =	ssettag $0x1  }
0x1: {  	s8 =	rddreg [dreg:$0x0]  }
0x2: {  	s2 =	rddreg [dreg:$0x1]  }
0x3: {  	s1 =	stileid.u32;
	s0 =	rddreg [dreg:$0x2]  }
0x4: {  	s3 =	simm.s32 $0x0;
	s7 =	srdreg.scid;
	s17 =	simm.s32 $0x80  }
0x5: {  	s18 =	simm.s32 $0x2800;
	s19 =	simm.s32 $0x6800;
	s20 =	simm.s32 $0x1  }
0x6: {  	s21 =	simm.s32 $0x3;
	s22 =	simm.s32 $0x2;
	s23 =	simm.s32 $0x4  }
0x7: {  	s24 =	simm.s32 $0x2700;
	s25 =	simm.s32 $0x2780;
	s26 =	simm.s32 $0x0  }
0x8: {  	s4 =	smul.u32 $0x500, s1;
	[smem:$0x7FF] =	sst s3;
	s5 =	sadd.s32 $0x8D000, s8  }
0x9: {  	s6 =	sadd.s32 $0xF400, s8;
	s14 =	sand.u32 $0x1, s7;
	s9 =	smul.u32 $0x50000, s1  }
0xa: {  	s7 =	sadd.s32 $0xB4200, s8;
	s13 =	sshll.u32 s1, $0x6;
	_ =	strace $0x8000004A  }
0xb: {  	s10 =	ssub.s32 $0x2, s14;
	p0 =	sne.s32 s14, $0x0;
	s11 =	sadd.s32 s4, s8  }
.Ltmp0:
0xc: {  	s4 =	sadd.s32 $0x65E00, s8;
	s12 =	sshrl.u32 s10, $0x1;
	(pc) =	sbr.rel .LBB2_1-.Ltmp0, $4  }
0xd: {  	s8 =	sadd.s32 $0xDC200, s8;
	s9 =	sshrl.u32 s9, $0x2;
	s15 =	ssub.s32 s10, s12  }
0xe: {  	s16 =	sadd.s32 s9, s2;
	s9 =	sor.u32 $0x1C05, s13;
	s10 =	sadd.s32 $0x39C00, s11  }
0xf: {  	s11 =	sadd.s32 $0x4C00, s11;
	s12 =	smul.u32 $0x2800, s1;
	s13 =	smax.u32 s15, $0x1  }
0x10: {  	s14 =	sshrl.u32 s16, $0x3;
	s15 =	simm.s32 $0x5;
	s16 =	simm.s32 $0x1400  }
.LBB2_11:
0x11: {  	[tilespmem:s19], [sflag:$0x2] =	stream.indirect.gather [hbm4b:s5+s17], $0x80, s29, s17, $0xb8;
	[tilespmem:$0x1E800] =	vst v63  }
0x12: {  	s28 =	smov.u32 s8  }
.LBB2_12:
0x13: {  	_ =	swait.ge [sflag:s20], $0x4000  }
0x14: {  	[sflag:s20] =	ssyncset.done $0x0  }
0x15: {  	[sflag:s20] =	ssyncadd.s32 $0xFFFFC000  }
0x16: {  	[spmem:s2] =	stream.indirect.scatter.add.f32 [tilespmem:s18], [sflag:$0x3], $0x80, s24, s17, $0xb8;
	[tilespmem:$0x1E800] =	vst v63  }
0x17: {  	_ =	swait.ge [sflag:s22], $0x4000  }
0x18: {  	[sflag:s22] =	ssyncset.done $0x0  }
0x19: {  	[sflag:s22] =	ssyncadd.s32 $0xFFFFC000  }
0x1a: {  	[spmem:s2] =	stream.indirect.scatter.add.f32 [tilespmem:s19], [sflag:$0x4], $0x80, s25, s17, $0xb8;
	[tilespmem:$0x1E800] =	vst v63  }
0x1b: {  	_ =	swait.ge [sflag:s21], $0x4000  }
0x1c: {  	[sflag:s21] =	ssyncset.done $0x0  }
0x1d: {  	[sflag:s21] =	ssyncadd.s32 $0xFFFFC000  }
0x1e: {  	_ =	swait.ge [sflag:s23], $0x4000  }
0x1f: {  	s26 =	sadd.s32 $0x1, s26;
	[sflag:s23] =	ssyncset.done $0x0  }
0x20: {  	p1 =	sne.s32 s26, s13;
	[sflag:s23] =	ssyncadd.s32 $0xFFFFC000  }
.Ltmp1:
0x21: {  	s28 =	sadd.s32 s28, s12;
	[bflag:$0x0] =	sbarrier.arrive $0xFFFF;
	(pc) =	sbr.rel @!p1 .LBB2_13-.Ltmp1, $4  }
0x22: {  	[hbm:s28], [sflag:s9] =	dma.local [spmem:s14], $0x2800  }
0x23: {  	_ =	swait.ge [sflag:s15], $0x2800  }
0x24: {  	[sflag:s15] =	ssyncset.done $0x0  }
0x25: {  	[sflag:s15] =	ssyncadd.s32 $0xFFFFD800  }
.LBB2_1:
0x26: {  	[spmem:s14], [sflag:s9] =	dma.local [hbm:s6], $0x2800  }
0x27: {  	_ =	swait.ge [sflag:s15], $0x2800  }
0x28: {  	[sflag:s15] =	ssyncset.done $0x0  }
0x29: {  	[sflag:s15] =	ssyncadd.s32 $0xFFFFD800  }
0x2a: {  	[bflag:$0x0] =	sbarrier.arrive $0xFFFF  }
0x2b: {  	[tilespmem:s3], [sflag:$0x5] =	stream.linear.gather [hbm4b:s10+s3], $0x1400, $0x38;
	[tilespmem:$0x1E800] =	vst v63  }
0x2c: {  	_ =	swait.ge [sflag:s15], $0x1400  }
0x2d: {  	[sflag:s15] =	ssyncset.done $0x0  }
.Ltmp2:
0x2e: {  	[sflag:s15] =	ssyncadd.s32 $0xFFFFEC00;
	(pc) =	sbr.rel @p0 .LBB2_7-.Ltmp2, $4  }
0x2f: {  	[tilespmem:s16], [sflag:$0x5] =	stream.linear.gather [hbm4b:s11+s3], $0x1400, $0x38;
	[tilespmem:$0x1E800] =	vst v63  }
0x30: {  	_ =	swait.ge [sflag:s15], $0x1400  }
0x31: {  	[sflag:s15] =	ssyncset.done $0x0  }
0x32: {  	s28 =	simm.s32 $0x0;
	[sflag:s15] =	ssyncadd.s32 $0xFFFFEC00  }
0x33: {  	[tilespmem:s18], [sflag:$0x1] =	stream.indirect.gather [hbm4b:s4+s17], $0x80, s28, s17, $0xb8;
	[tilespmem:$0x1E800] =	vst v63  }
0x34: {  	_ = 	snop  }
0x35: {  	[tilespmem:s19], [sflag:$0x2] =	stream.indirect.gather [hbm4b:s4+s17], $0x80, s17, s17, $0xb8;
	[tilespmem:$0x1E800] =	vst v63  }
0x36: {  	_ =	swait.ge [sflag:s20], $0x4000  }
0x37: {  	[sflag:s20] =	ssyncset.done $0x0  }
0x38: {  	s28 =	simm.s32 $0x1400;
	[sflag:s20] =	ssyncadd.s32 $0xFFFFC000  }
0x39: {  	[spmem:s2] =	stream.indirect.scatter.add.f32 [tilespmem:s18], [sflag:$0x3], $0x80, s28, s17, $0xb8;
	[tilespmem:$0x1E800] =	vst v63  }
0x3a: {  	_ =	swait.ge [sflag:s21], $0x4000  }
0x3b: {  	[sflag:s21] =	ssyncset.done $0x0  }
0x3c: {  	s28 =	simm.s32 $0x100;
	[sflag:s21] =	ssyncadd.s32 $0xFFFFC000  }
0x3d: {  	[tilespmem:s18], [sflag:$0x1] =	stream.indirect.gather [hbm4b:s4+s17], $0x80, s28, s17, $0xb8;
	[tilespmem:$0x1E800] =	vst v63  }
0x3e: {  	_ =	swait.ge [sflag:s22], $0x4000  }
0x3f: {  	[sflag:s22] =	ssyncset.done $0x0  }
0x40: {  	s28 =	simm.s32 $0x1480;
	[sflag:s22] =	ssyncadd.s32 $0xFFFFC000  }
0x41: {  	[spmem:s2] =	stream.indirect.scatter.add.f32 [tilespmem:s19], [sflag:$0x4], $0x80, s28, s17, $0xb8;
	[tilespmem:$0x1E800] =	vst v63  }
0x42: {  	_ =	swait.ge [sflag:s23], $0x4000  }
0x43: {  	[sflag:s23] =	ssyncset.done $0x0  }
0x44: {  	s29 =	simm.s32 $0x180;
	s28 =	simm.s32 $0x400;
	[sflag:s23] =	ssyncadd.s32 $0xFFFFC000  }
.LBB2_3:
0x45: {  	[tilespmem:s19], [sflag:$0x2] =	stream.indirect.gather [hbm4b:s4+s17], $0x80, s29, s17, $0xb8;
	[tilespmem:$0x1E800] =	vst v63  }
0x46: {  	s29 =	smov.u32 s28  }
0x47: {  	p1 =	sne.s32 s28, $0x4800;
	s28 =	sadd.s32 $0x400, s28;
	_ =	swait.ge [sflag:s20], $0x4000  }
0x48: {  	s29 =	sshra.s32 s29, $0x2;
	[sflag:s20] =	ssyncset.done $0x0  }
0x49: {  	s30 =	sadd.s32 $0x1400, s29;
	[sflag:s20] =	ssyncadd.s32 $0xFFFFC000  }
0x4a: {  	[spmem:s2] =	stream.indirect.scatter.add.f32 [tilespmem:s18], [sflag:$0x3], $0x80, s30, s17, $0xb8;
	[tilespmem:$0x1E800] =	vst v63  }
0x4b: {  	_ =	swait.ge [sflag:s21], $0x4000  }
0x4c: {  	[sflag:s21] =	ssyncset.done $0x0  }
0x4d: {  	s30 =	sadd.s32 $0x100, s29;
	[sflag:s21] =	ssyncadd.s32 $0xFFFFC000  }
0x4e: {  	[tilespmem:s18], [sflag:$0x1] =	stream.indirect.gather [hbm4b:s4+s17], $0x80, s30, s17, $0xb8;
	[tilespmem:$0x1E800] =	vst v63  }
0x4f: {  	_ =	swait.ge [sflag:s22], $0x4000  }
0x50: {  	[sflag:s22] =	ssyncset.done $0x0  }
.Ltmp3:
0x51: {  	s30 =	sadd.s32 $0x1480, s29;
	[sflag:s22] =	ssyncadd.s32 $0xFFFFC000;
	(pc) =	sbr.rel @p1 .LBB2_3-.Ltmp3, $4  }
0x52: {  	[spmem:s2] =	stream.indirect.scatter.add.f32 [tilespmem:s19], [sflag:$0x4], $0x80, s30, s17, $0xb8;
	[tilespmem:$0x1E800] =	vst v63  }
0x53: {  	_ =	swait.ge [sflag:s23], $0x4000  }
0x54: {  	[sflag:s23] =	ssyncset.done $0x0  }
0x55: {  	s29 =	sadd.s32 $0x180, s29;
	[sflag:s23] =	ssyncadd.s32 $0xFFFFC000  }
0x56: {  	[tilespmem:s19], [sflag:$0x2] =	stream.indirect.gather [hbm4b:s4+s17], $0x80, s29, s17, $0xb8;
	[tilespmem:$0x1E800] =	vst v63  }
0x57: {  	_ =	swait.ge [sflag:s20], $0x4000  }
0x58: {  	[sflag:s20] =	ssyncset.done $0x0  }
0x59: {  	[sflag:s20] =	ssyncadd.s32 $0xFFFFC000  }
0x5a: {  	[spmem:s2] =	stream.indirect.scatter.add.f32 [tilespmem:s18], [sflag:$0x3], $0x80, s24, s17, $0xb8;
	[tilespmem:$0x1E800] =	vst v63  }
0x5b: {  	_ =	swait.ge [sflag:s22], $0x4000  }
0x5c: {  	[sflag:s22] =	ssyncset.done $0x0  }
0x5d: {  	[sflag:s22] =	ssyncadd.s32 $0xFFFFC000  }
0x5e: {  	[spmem:s2] =	stream.indirect.scatter.add.f32 [tilespmem:s19], [sflag:$0x4], $0x80, s25, s17, $0xb8;
	[tilespmem:$0x1E800] =	vst v63  }
0x5f: {  	_ =	swait.ge [sflag:s21], $0x4000  }
0x60: {  	[sflag:s21] =	ssyncset.done $0x0  }
0x61: {  	[sflag:s21] =	ssyncadd.s32 $0xFFFFC000  }
0x62: {  	_ =	swait.ge [sflag:s23], $0x4000  }
0x63: {  	[sflag:s23] =	ssyncset.done $0x0  }
0x64: {  	s28 =	sadd.s32 $0x280, s10;
	s29 =	simm.s32 $0x0;
	[sflag:s23] =	ssyncadd.s32 $0xFFFFC000  }
0x65: {  	[tilespmem:s29], [sflag:$0x5] =	stream.linear.gather [hbm4b:s28+s29], $0x1400, $0x38;
	[tilespmem:$0x1E800] =	vst v63  }
0x66: {  	_ =	swait.ge [sflag:s15], $0x1400  }
0x67: {  	[sflag:s15] =	ssyncset.done $0x0  }
0x68: {  	s28 =	sadd.s32 $0x280, s11;
	[sflag:s15] =	ssyncadd.s32 $0xFFFFEC00  }
0x69: {  	[tilespmem:s16], [sflag:$0x5] =	stream.linear.gather [hbm4b:s28+s29], $0x1400, $0x38;
	[tilespmem:$0x1E800] =	vst v63  }
0x6a: {  	_ =	swait.ge [sflag:s15], $0x1400  }
0x6b: {  	[sflag:s15] =	ssyncset.done $0x0  }
0x6c: {  	[sflag:s15] =	ssyncadd.s32 $0xFFFFEC00  }
0x6d: {  	[tilespmem:s18], [sflag:$0x1] =	stream.indirect.gather [hbm4b:s4+s17], $0x80, s29, s17, $0xb8;
	[tilespmem:$0x1E800] =	vst v63  }
0x6e: {  	_ = 	snop  }
0x6f: {  	[tilespmem:s19], [sflag:$0x2] =	stream.indirect.gather [hbm4b:s4+s17], $0x80, s17, s17, $0xb8;
	[tilespmem:$0x1E800] =	vst v63  }
0x70: {  	_ =	swait.ge [sflag:s20], $0x4000  }
0x71: {  	[sflag:s20] =	ssyncset.done $0x0  }
0x72: {  	s28 =	simm.s32 $0x1400;
	[sflag:s20] =	ssyncadd.s32 $0xFFFFC000  }
0x73: {  	[spmem:s2] =	stream.indirect.scatter.add.f32 [tilespmem:s18], [sflag:$0x3], $0x80, s28, s17, $0xb8;
	[tilespmem:$0x1E800] =	vst v63  }
0x74: {  	_ =	swait.ge [sflag:s21], $0x4000  }
0x75: {  	[sflag:s21] =	ssyncset.done $0x0  }
0x76: {  	s28 =	simm.s32 $0x100;
	[sflag:s21] =	ssyncadd.s32 $0xFFFFC000  }
0x77: {  	[tilespmem:s18], [sflag:$0x1] =	stream.indirect.gather [hbm4b:s4+s17], $0x80, s28, s17, $0xb8;
	[tilespmem:$0x1E800] =	vst v63  }
0x78: {  	_ =	swait.ge [sflag:s22], $0x4000  }
0x79: {  	[sflag:s22] =	ssyncset.done $0x0  }
0x7a: {  	s28 =	simm.s32 $0x1480;
	[sflag:s22] =	ssyncadd.s32 $0xFFFFC000  }
0x7b: {  	[spmem:s2] =	stream.indirect.scatter.add.f32 [tilespmem:s19], [sflag:$0x4], $0x80, s28, s17, $0xb8;
	[tilespmem:$0x1E800] =	vst v63  }
0x7c: {  	_ =	swait.ge [sflag:s23], $0x4000  }
0x7d: {  	[sflag:s23] =	ssyncset.done $0x0  }
0x7e: {  	s29 =	simm.s32 $0x180;
	s28 =	simm.s32 $0x400;
	[sflag:s23] =	ssyncadd.s32 $0xFFFFC000  }
.LBB2_5:
0x7f: {  	[tilespmem:s19], [sflag:$0x2] =	stream.indirect.gather [hbm4b:s4+s17], $0x80, s29, s17, $0xb8;
	[tilespmem:$0x1E800] =	vst v63  }
0x80: {  	s29 =	smov.u32 s28  }
0x81: {  	p1 =	seq.s32 s28, $0x4800;
	s28 =	sadd.s32 $0x400, s28;
	_ =	swait.ge [sflag:s20], $0x4000  }
0x82: {  	s29 =	sshra.s32 s29, $0x2;
	[sflag:s20] =	ssyncset.done $0x0  }
0x83: {  	s30 =	sadd.s32 $0x1400, s29;
	[sflag:s20] =	ssyncadd.s32 $0xFFFFC000  }
0x84: {  	[spmem:s2] =	stream.indirect.scatter.add.f32 [tilespmem:s18], [sflag:$0x3], $0x80, s30, s17, $0xb8;
	[tilespmem:$0x1E800] =	vst v63  }
0x85: {  	_ =	swait.ge [sflag:s21], $0x4000  }
0x86: {  	[sflag:s21] =	ssyncset.done $0x0  }
0x87: {  	s30 =	sadd.s32 $0x100, s29;
	[sflag:s21] =	ssyncadd.s32 $0xFFFFC000  }
0x88: {  	[tilespmem:s18], [sflag:$0x1] =	stream.indirect.gather [hbm4b:s4+s17], $0x80, s30, s17, $0xb8;
	[tilespmem:$0x1E800] =	vst v63  }
0x89: {  	_ =	swait.ge [sflag:s22], $0x4000  }
0x8a: {  	[sflag:s22] =	ssyncset.done $0x0  }
.Ltmp4:
0x8b: {  	s30 =	sadd.s32 $0x1480, s29;
	[sflag:s22] =	ssyncadd.s32 $0xFFFFC000;
	(pc) =	sbr.rel @!p1 .LBB2_5-.Ltmp4, $4  }
0x8c: {  	[spmem:s2] =	stream.indirect.scatter.add.f32 [tilespmem:s19], [sflag:$0x4], $0x80, s30, s17, $0xb8;
	[tilespmem:$0x1E800] =	vst v63  }
0x8d: {  	_ =	swait.ge [sflag:s23], $0x4000  }
0x8e: {  	[sflag:s23] =	ssyncset.done $0x0  }
0x8f: {  	s29 =	sadd.s32 $0x180, s29;
	[sflag:s23] =	ssyncadd.s32 $0xFFFFC000  }
.Ltmp5:
0x90: {  	(pc) =	sbr.rel .LBB2_12-.Ltmp5, $3  }
0x91: {  	_ =	sdelay $0x1  }
0x92: {  	[tilespmem:s19], [sflag:$0x2] =	stream.indirect.gather [hbm4b:s4+s17], $0x80, s29, s17, $0xb8;
	[tilespmem:$0x1E800] =	vst v63  }
0x93: {  	s28 =	smov.u32 s7  }
.LBB2_7:
0x94: {  	[tilespmem:s18], [sflag:$0x1] =	stream.indirect.gather [hbm4b:s5+s17], $0x80, s28, s17, $0xb8;
	[tilespmem:$0x1E800] =	vst v63  }
0x95: {  	_ = 	snop  }
0x96: {  	[tilespmem:s19], [sflag:$0x2] =	stream.indirect.gather [hbm4b:s5+s17], $0x80, s17, s17, $0xb8;
	[tilespmem:$0x1E800] =	vst v63  }
0x97: {  	_ =	swait.ge [sflag:s20], $0x4000  }
0x98: {  	[sflag:s20] =	ssyncset.done $0x0  }
0x99: {  	s28 =	simm.s32 $0x1400;
	[sflag:s20] =	ssyncadd.s32 $0xFFFFC000  }
0x9a: {  	[spmem:s2] =	stream.indirect.scatter.add.f32 [tilespmem:s18], [sflag:$0x3], $0x80, s28, s17, $0xb8;
	[tilespmem:$0x1E800] =	vst v63  }
0x9b: {  	_ =	swait.ge [sflag:s21], $0x4000  }
0x9c: {  	[sflag:s21] =	ssyncset.done $0x0  }
0x9d: {  	s28 =	simm.s32 $0x100;
	[sflag:s21] =	ssyncadd.s32 $0xFFFFC000  }
0x9e: {  	[tilespmem:s18], [sflag:$0x1] =	stream.indirect.gather [hbm4b:s5+s17], $0x80, s28, s17, $0xb8;
	[tilespmem:$0x1E800] =	vst v63  }
0x9f: {  	_ =	swait.ge [sflag:s22], $0x4000  }
0xa0: {  	[sflag:s22] =	ssyncset.done $0x0  }
0xa1: {  	s28 =	simm.s32 $0x1480;
	[sflag:s22] =	ssyncadd.s32 $0xFFFFC000  }
0xa2: {  	[spmem:s2] =	stream.indirect.scatter.add.f32 [tilespmem:s19], [sflag:$0x4], $0x80, s28, s17, $0xb8;
	[tilespmem:$0x1E800] =	vst v63  }
0xa3: {  	_ =	swait.ge [sflag:s23], $0x4000  }
0xa4: {  	[sflag:s23] =	ssyncset.done $0x0  }
0xa5: {  	s29 =	simm.s32 $0x180;
	s28 =	simm.s32 $0x400;
	[sflag:s23] =	ssyncadd.s32 $0xFFFFC000  }
.LBB2_8:
0xa6: {  	[tilespmem:s19], [sflag:$0x2] =	stream.indirect.gather [hbm4b:s5+s17], $0x80, s29, s17, $0xb8;
	[tilespmem:$0x1E800] =	vst v63  }
0xa7: {  	s29 =	smov.u32 s28  }
0xa8: {  	p1 =	sne.s32 s28, $0x4800;
	s28 =	sadd.s32 $0x400, s28;
	_ =	swait.ge [sflag:s20], $0x4000  }
0xa9: {  	s29 =	sshra.s32 s29, $0x2;
	[sflag:s20] =	ssyncset.done $0x0  }
0xaa: {  	s30 =	sadd.s32 $0x1400, s29;
	[sflag:s20] =	ssyncadd.s32 $0xFFFFC000  }
0xab: {  	[spmem:s2] =	stream.indirect.scatter.add.f32 [tilespmem:s18], [sflag:$0x3], $0x80, s30, s17, $0xb8;
	[tilespmem:$0x1E800] =	vst v63  }
0xac: {  	_ =	swait.ge [sflag:s21], $0x4000  }
0xad: {  	[sflag:s21] =	ssyncset.done $0x0  }
0xae: {  	s30 =	sadd.s32 $0x100, s29;
	[sflag:s21] =	ssyncadd.s32 $0xFFFFC000  }
0xaf: {  	[tilespmem:s18], [sflag:$0x1] =	stream.indirect.gather [hbm4b:s5+s17], $0x80, s30, s17, $0xb8;
	[tilespmem:$0x1E800] =	vst v63  }
0xb0: {  	_ =	swait.ge [sflag:s22], $0x4000  }
0xb1: {  	[sflag:s22] =	ssyncset.done $0x0  }
.Ltmp6:
0xb2: {  	s30 =	sadd.s32 $0x1480, s29;
	[sflag:s22] =	ssyncadd.s32 $0xFFFFC000;
	(pc) =	sbr.rel @p1 .LBB2_8-.Ltmp6, $4  }
0xb3: {  	[spmem:s2] =	stream.indirect.scatter.add.f32 [tilespmem:s19], [sflag:$0x4], $0x80, s30, s17, $0xb8;
	[tilespmem:$0x1E800] =	vst v63  }
0xb4: {  	_ =	swait.ge [sflag:s23], $0x4000  }
0xb5: {  	[sflag:s23] =	ssyncset.done $0x0  }
0xb6: {  	s29 =	sadd.s32 $0x180, s29;
	[sflag:s23] =	ssyncadd.s32 $0xFFFFC000  }
0xb7: {  	[tilespmem:s19], [sflag:$0x2] =	stream.indirect.gather [hbm4b:s5+s17], $0x80, s29, s17, $0xb8;
	[tilespmem:$0x1E800] =	vst v63  }
0xb8: {  	_ =	swait.ge [sflag:s20], $0x4000  }
0xb9: {  	[sflag:s20] =	ssyncset.done $0x0  }
0xba: {  	[sflag:s20] =	ssyncadd.s32 $0xFFFFC000  }
0xbb: {  	[spmem:s2] =	stream.indirect.scatter.add.f32 [tilespmem:s18], [sflag:$0x3], $0x80, s24, s17, $0xb8;
	[tilespmem:$0x1E800] =	vst v63  }
0xbc: {  	_ =	swait.ge [sflag:s22], $0x4000  }
0xbd: {  	[sflag:s22] =	ssyncset.done $0x0  }
0xbe: {  	[sflag:s22] =	ssyncadd.s32 $0xFFFFC000  }
0xbf: {  	[spmem:s2] =	stream.indirect.scatter.add.f32 [tilespmem:s19], [sflag:$0x4], $0x80, s25, s17, $0xb8;
	[tilespmem:$0x1E800] =	vst v63  }
0xc0: {  	_ =	swait.ge [sflag:s21], $0x4000  }
0xc1: {  	[sflag:s21] =	ssyncset.done $0x0  }
0xc2: {  	[sflag:s21] =	ssyncadd.s32 $0xFFFFC000  }
0xc3: {  	_ =	swait.ge [sflag:s23], $0x4000  }
0xc4: {  	[sflag:s23] =	ssyncset.done $0x0  }
0xc5: {  	s28 =	sadd.s32 $0x280, s10;
	s29 =	simm.s32 $0x0;
	[sflag:s23] =	ssyncadd.s32 $0xFFFFC000  }
0xc6: {  	[tilespmem:s29], [sflag:$0x5] =	stream.linear.gather [hbm4b:s28+s29], $0x1400, $0x38;
	[tilespmem:$0x1E800] =	vst v63  }
0xc7: {  	_ =	swait.ge [sflag:s15], $0x1400  }
0xc8: {  	[sflag:s15] =	ssyncset.done $0x0  }
0xc9: {  	s28 =	sadd.s32 $0x280, s11;
	[sflag:s15] =	ssyncadd.s32 $0xFFFFEC00  }
0xca: {  	[tilespmem:s16], [sflag:$0x5] =	stream.linear.gather [hbm4b:s28+s29], $0x1400, $0x38;
	[tilespmem:$0x1E800] =	vst v63  }
0xcb: {  	_ =	swait.ge [sflag:s15], $0x1400  }
0xcc: {  	[sflag:s15] =	ssyncset.done $0x0  }
0xcd: {  	[sflag:s15] =	ssyncadd.s32 $0xFFFFEC00  }
0xce: {  	[tilespmem:s18], [sflag:$0x1] =	stream.indirect.gather [hbm4b:s5+s17], $0x80, s29, s17, $0xb8;
	[tilespmem:$0x1E800] =	vst v63  }
0xcf: {  	_ = 	snop  }
0xd0: {  	[tilespmem:s19], [sflag:$0x2] =	stream.indirect.gather [hbm4b:s5+s17], $0x80, s17, s17, $0xb8;
	[tilespmem:$0x1E800] =	vst v63  }
0xd1: {  	_ =	swait.ge [sflag:s20], $0x4000  }
0xd2: {  	[sflag:s20] =	ssyncset.done $0x0  }
0xd3: {  	s28 =	simm.s32 $0x1400;
	[sflag:s20] =	ssyncadd.s32 $0xFFFFC000  }
0xd4: {  	[spmem:s2] =	stream.indirect.scatter.add.f32 [tilespmem:s18], [sflag:$0x3], $0x80, s28, s17, $0xb8;
	[tilespmem:$0x1E800] =	vst v63  }
0xd5: {  	_ =	swait.ge [sflag:s21], $0x4000  }
0xd6: {  	[sflag:s21] =	ssyncset.done $0x0  }
0xd7: {  	s28 =	simm.s32 $0x100;
	[sflag:s21] =	ssyncadd.s32 $0xFFFFC000  }
0xd8: {  	[tilespmem:s18], [sflag:$0x1] =	stream.indirect.gather [hbm4b:s5+s17], $0x80, s28, s17, $0xb8;
	[tilespmem:$0x1E800] =	vst v63  }
0xd9: {  	_ =	swait.ge [sflag:s22], $0x4000  }
0xda: {  	[sflag:s22] =	ssyncset.done $0x0  }
0xdb: {  	s28 =	simm.s32 $0x1480;
	[sflag:s22] =	ssyncadd.s32 $0xFFFFC000  }
0xdc: {  	[spmem:s2] =	stream.indirect.scatter.add.f32 [tilespmem:s19], [sflag:$0x4], $0x80, s28, s17, $0xb8;
	[tilespmem:$0x1E800] =	vst v63  }
0xdd: {  	_ =	swait.ge [sflag:s23], $0x4000  }
0xde: {  	[sflag:s23] =	ssyncset.done $0x0  }
0xdf: {  	s29 =	simm.s32 $0x180;
	s28 =	simm.s32 $0x400;
	[sflag:s23] =	ssyncadd.s32 $0xFFFFC000  }
.LBB2_10:
0xe0: {  	[tilespmem:s19], [sflag:$0x2] =	stream.indirect.gather [hbm4b:s5+s17], $0x80, s29, s17, $0xb8;
	[tilespmem:$0x1E800] =	vst v63  }
0xe1: {  	s29 =	smov.u32 s28  }
0xe2: {  	p1 =	sne.s32 s28, $0x4800;
	s28 =	sadd.s32 $0x400, s28;
	_ =	swait.ge [sflag:s20], $0x4000  }
0xe3: {  	s29 =	sshra.s32 s29, $0x2;
	[sflag:s20] =	ssyncset.done $0x0  }
0xe4: {  	s30 =	sadd.s32 $0x1400, s29;
	[sflag:s20] =	ssyncadd.s32 $0xFFFFC000  }
0xe5: {  	[spmem:s2] =	stream.indirect.scatter.add.f32 [tilespmem:s18], [sflag:$0x3], $0x80, s30, s17, $0xb8;
	[tilespmem:$0x1E800] =	vst v63  }
0xe6: {  	_ =	swait.ge [sflag:s21], $0x4000  }
0xe7: {  	[sflag:s21] =	ssyncset.done $0x0  }
0xe8: {  	s30 =	sadd.s32 $0x100, s29;
	[sflag:s21] =	ssyncadd.s32 $0xFFFFC000  }
0xe9: {  	[tilespmem:s18], [sflag:$0x1] =	stream.indirect.gather [hbm4b:s5+s17], $0x80, s30, s17, $0xb8;
	[tilespmem:$0x1E800] =	vst v63  }
0xea: {  	_ =	swait.ge [sflag:s22], $0x4000  }
0xeb: {  	[sflag:s22] =	ssyncset.done $0x0  }
.Ltmp7:
0xec: {  	s30 =	sadd.s32 $0x1480, s29;
	[sflag:s22] =	ssyncadd.s32 $0xFFFFC000;
	(pc) =	sbr.rel @p1 .LBB2_10-.Ltmp7, $4  }
0xed: {  	[spmem:s2] =	stream.indirect.scatter.add.f32 [tilespmem:s19], [sflag:$0x4], $0x80, s30, s17, $0xb8;
	[tilespmem:$0x1E800] =	vst v63  }
0xee: {  	_ =	swait.ge [sflag:s23], $0x4000  }
0xef: {  	[sflag:s23] =	ssyncset.done $0x0  }
0xf0: {  	s29 =	sadd.s32 $0x180, s29;
	[sflag:s23] =	ssyncadd.s32 $0xFFFFC000  }
.Ltmp8:
0xf1: {  	_ = 	snop;
	(pc) =	sbr.rel .LBB2_11-.Ltmp8, $1  }
0xf2: {  	_ =	sdelay $0x3  }
.LBB2_13:
0xf3: {  	_ =	sfence.sel $0x180000  }
0xf4: {  	[bflag:$0x0] =	sbarrier.arrive $0xFFFF  }
0xf5: {  	p0 =	sne.s32 s1, $0x0;
	_ =	strace $0x9000004A  }
0xf6: {  	s0 =	sadd.s32 @!p0 $0x100000, s0;
	[bflag:$0x2] =	sbarrier.arrive $0xFFFF  }
0xf7: {  	[sflag:s0] =	ssyncadd.tile.s32 @!p0 $0x1;
	_ =	shalt  }
.Lfunc_end2:
_tile_overlayer_lowered:
.L_overlay_start_2:
0xf8: {  	(tag) =	ssettag $0x2  }
0xf9: {  	s0 =	rddreg [dreg:$0x0];
	s2 =	stileid.u32  }
0xfa: {  	s1 =	rddreg [dreg:$0x1];
	p0 =	sne.s32 s2, $0x0  }
0xfb: {  	s3 =	rddreg [dreg:$0x2];
	[bflag:$0x3] =	sbarrier.arrive $0xFFFF;
	s2 =	simm.s32 @!p0 $0x1C05  }
0xfc: {  	[timem:s3], [sflag:s2] =	dma.local @!p0 [hbm:s0], s1  }
0xfd: {  	s0 =	simm.s32 @!p0 $0x5  }
0xfe: {  	_ =	swait.ge @!p0 [sflag:s0], s1  }
0xff: {  	s1 =	ssub.s32 @!p0 $0x0, s1;
	[sflag:s0] =	ssyncset.done @!p0 $0x0  }
0x100: {  	[sflag:s0] =	ssyncadd.s32 @!p0 s1  }
0x101: {  	[bflag:$0x3] =	sbarrier.arrive $0xFFFF  }
0x102: {  	_ =	shalt  }

// kernel: kernel.16.cloned.1.call-start
scs
__scs_entry_jumppad:
0x0: {  	(pc) =	sbr.rel $0x88, $3  }
0x1: {  	(tag) =	ssettag $0x0;
	lr =	simm.s32 $0x1  }
0x2: {  	[smem:$0x3F97] =	sst lr;
	_ =	strace $0xD0000000  }
0x3: {  	_ = 	snop  }
0x4: {  	_ = 	snop  }
0x5: {  	_ = 	snop  }
0x6: {  	_ = 	snop  }
0x7: {  	_ = 	snop  }
__scs_overlays_trampoline_lowered:
0x8: {  	[smem:$0x3FA6] =	sst s0  }
0x9: {  	[smem:$0x3FA7] =	sst s1  }
0xa: {  	[smem:$0x3FA8] =	sst s2  }
0xb: {  	[smem:$0x3FA9] =	sst s3  }
0xc: {  	[smem:$0x3FAA] =	sst s4  }
0xd: {  	[smem:$0x3FAB] =	sst s5  }
0xe: {  	[smem:$0x3FAC] =	sst s6  }
0xf: {  	[smem:$0x3FAD] =	sst s7  }
0x10: {  	[smem:$0x3FAE] =	sst s8  }
0x11: {  	[smem:$0x3FAF] =	sst s9;
	s0 =	simm.s32 @!p0 $0x0  }
0x12: {  	s1 =	sld [smem:$0x3F95];
	s0 =	simm.s32 @p0 $0x1  }
0x13: {  	[smem:$0x3FB0] =	sst s0;
	s0 =	simm.s32 @!p1 $0x0  }
0x14: {  	s2 =	sld [smem:$0x3F94];
	s0 =	simm.s32 @p1 $0x1  }
0x15: {  	[smem:$0x3FB1] =	sst s0;
	s0 =	simm.s32 @!p2 $0x0  }
0x16: {  	s3 =	sld [smem:$0x3FDB];
	s0 =	simm.s32 @p2 $0x1  }
0x17: {  	s4 =	simm.s32 $0x1BF5;
	[smem:$0x3FB3] =	sst s0  }
0x18: {  	s0 =	sld [smem:$0x3F96];
	_ =	swait.ge [sflag:s4], $0x0  }
0x19: {  	s7 =	sld [smem:$0x3F97]  }
0x1a: {  	s8 =	sadd.s32 $0xFFFFE003, lr  }
0x1b: {  	s9 =	sadd.s32 $0xFFFFFEF7, lr;
	s5 =	simm.s32 $0xFFFFFFFF;
	p2 =	slt.u32 s8, $0xFFFFF086  }
0x1c: {  	p1 =	slt.u32 s9, $0xF7A;
	s5 =	simm.s32 @!p2 $0x0  }
0x1d: {  	s5 =	simm.s32 @p1 $0x1;
	p0 =	seq.s32 s7, s2  }
0x1e: {  	s7 =	smul.u32 @!p0 $0xF7A, s2;
	p2 =	seq.s32 @!p0 s5, $0x0  }
0x1f: {  	s9 =	smul.u32 $0xF7A, s1;
	s8 =	simm.s32 @!p0 $0x1BF5;
	p2 =	por !p2, p0  }
0x20: {  	[sflag:s8] =	ssyncset.s32 @!p0 $0xFFFFF086;
	s6 =	sadd.s32 @!p0 s3, s7;
	s7 =	simm.s32 @!p0 $0x108  }
0x21: {  	s3 =	sadd.s32 s3, s9;
	s6 =	sadd.s32 @!p0 $0x88, s6;
	s7 =	simm.s32 @p2 $0x1082  }
0x22: {  	[simem:s7], [sflag:s8] =	dma.local @!p0 [hbm:s6], $0xF7A  }
0x23: {  	s9 =	sor.u32 $0xD0000000, s2;
	s6 =	simm.s32 $0x108;
	_ =	swait.ge @!p0 [sflag:s8], $0x0  }
0x24: {  	s3 =	sadd.s32 $0x88, s3;
	s6 =	simm.s32 @!p1 $0x1082;
	[sflag:s4] =	ssyncset.s32 $0xFFFFF086  }
0x25: {  	[simem:s6], [sflag:s4] =	dma.local [hbm:s3], $0xF7A  }
0x26: {  	[smem:$0x3F97] =	sst s1;
	(tag) =	ssettag s2;
	_ =	strace s9  }
0x27: {  	s1 =	sld [smem:$0x3FA7]  }
0x28: {  	s2 =	sld [smem:$0x3FA8]  }
0x29: {  	s4 =	sld [smem:$0x3FAA]  }
0x2a: {  	p0 =	seq.s32 s5, $0x0;
	s5 =	sld [smem:$0x3FAB]  }
0x2b: {  	s6 =	sld [smem:$0x3FAC]  }
0x2c: {  	s7 =	sld [smem:$0x3FAD]  }
0x2d: {  	s3 =	simm.s32 $0x108;
	s8 =	sld [smem:$0x3FAE]  }
0x2e: {  	s3 =	simm.s32 @!p0 $0x1082;
	s9 =	sld [smem:$0x3FAF]  }
0x2f: {  	lr =	sadd.s32 s0, s3;
	s0 =	sld [smem:$0x3FA6]  }
0x30: {  	s3 =	sld [smem:$0x3FA9]  }
0x31: {  	[smem:$0x3FB2] =	sst s10  }
0x32: {  	s10 =	sld [smem:$0x3FB0];
	_ =	sdelay $0x3  }
0x33: {  	p0 =	seq.s32 s10, $0x1;
	s10 =	sld [smem:$0x3FB2];
	_ =	sdelay $0x3  }
0x34: {  	[smem:$0x3FB2] =	sst s10  }
0x35: {  	s10 =	sld [smem:$0x3FB1];
	_ =	sdelay $0x3  }
0x36: {  	p1 =	seq.s32 s10, $0x1;
	s10 =	sld [smem:$0x3FB2];
	_ =	sdelay $0x3  }
0x37: {  	[smem:$0x3FB2] =	sst s10  }
0x38: {  	s10 =	sld [smem:$0x3FB3]  }
0x39: {  	_ = 	snop;
	(pc) =	sbr.ind lr, $3  }
0x3a: {  	_ = 	snop  }
0x3b: {  	_ = 	snop  }
0x3c: {  	p2 =	seq.s32 s10, $0x1;
	s10 =	sld [smem:$0x3FB2]  }
0x3d: {  	_ =	shalt  }
0x3e: {  	_ =	shalt  }
0x3f: {  	_ =	shalt  }
0x40: {  	_ =	shalt  }
0x41: {  	_ =	shalt  }
0x42: {  	_ =	shalt  }
0x43: {  	_ =	shalt  }
0x44: {  	_ =	shalt  }
0x45: {  	_ =	shalt  }
0x46: {  	_ =	shalt  }
0x47: {  	_ =	shalt  }
0x48: {  	_ =	shalt  }
0x49: {  	_ =	shalt  }
0x4a: {  	_ =	shalt  }
0x4b: {  	_ =	shalt  }
0x4c: {  	_ =	shalt  }
0x4d: {  	_ =	shalt  }
0x4e: {  	_ =	shalt  }
0x4f: {  	_ =	shalt  }
0x50: {  	_ =	shalt  }
0x51: {  	_ =	shalt  }
0x52: {  	_ =	shalt  }
0x53: {  	_ =	shalt  }
0x54: {  	_ =	shalt  }
0x55: {  	_ =	shalt  }
0x56: {  	_ =	shalt  }
0x57: {  	_ =	shalt  }
0x58: {  	_ =	shalt  }
0x59: {  	_ =	shalt  }
0x5a: {  	_ =	shalt  }
0x5b: {  	_ =	shalt  }
0x5c: {  	_ =	shalt  }
0x5d: {  	_ =	shalt  }
0x5e: {  	_ =	shalt  }
0x5f: {  	_ =	shalt  }
0x60: {  	_ =	shalt  }
0x61: {  	_ =	shalt  }
0x62: {  	_ =	shalt  }
0x63: {  	_ =	shalt  }
0x64: {  	_ =	shalt  }
0x65: {  	_ =	shalt  }
0x66: {  	_ =	shalt  }
0x67: {  	_ =	shalt  }
0x68: {  	_ =	shalt  }
0x69: {  	_ =	shalt  }
0x6a: {  	_ =	shalt  }
0x6b: {  	_ =	shalt  }
0x6c: {  	_ =	shalt  }
0x6d: {  	_ =	shalt  }
0x6e: {  	_ =	shalt  }
0x6f: {  	_ =	shalt  }
0x70: {  	_ =	shalt  }
0x71: {  	_ =	shalt  }
0x72: {  	_ =	shalt  }
0x73: {  	_ =	shalt  }
0x74: {  	_ =	shalt  }
0x75: {  	_ =	shalt  }
0x76: {  	_ =	shalt  }
0x77: {  	_ =	shalt  }
0x78: {  	_ =	shalt  }
0x79: {  	_ =	shalt  }
0x7a: {  	_ =	shalt  }
0x7b: {  	_ =	shalt  }
0x7c: {  	_ =	shalt  }
0x7d: {  	_ =	shalt  }
0x7e: {  	_ =	shalt  }
0x7f: {  	_ =	shalt  }
0x80: {  	_ =	shalt  }
0x81: {  	_ =	shalt  }
0x82: {  	_ =	shalt  }
0x83: {  	_ =	shalt  }
0x84: {  	_ =	shalt  }
0x85: {  	_ =	shalt  }
0x86: {  	_ =	shalt  }
0x87: {  	_ =	shalt  }
.Lfunc_end0:
.L_simem_size_0:
called_computation.2_lowered:
.L_overlay_start_0:
0x88: {  	s2 =	sld [smem:$0x3FD9]  }
0x89: {  	s3 =	sld [smem:$0x3FFE];
	_ =	sdelay $0x1  }
0x8a: {  	s1 =	srdreg.scid  }
0x8b: {  	s0 =	sand.u32 $0x1, s1  }
0x8c: {  	s17 =	sshll.u32 s0, $0xA;
	s2 =	sadd.s32 s3, s2  }
0x8d: {  	s2 =	sadd.s32 s2, s17  }
0x8e: {  	[smem:$0x3FBE] =	sst s2  }
0x8f: {  	_ = 	snop  }
0x90: {  	s18 =	sld [smem:$0x3FD0];
	(tm) =	ssettm $0x1  }
0x91: {  	s19 =	sld [smem:$0x3FFB];
	_ =	sdelay $0x3  }
0x92: {  	_ =	strace s19  }
0x93: {  	s2 =	sld [smem:$0x3FFC];
	_ =	sdelay $0x3  }
0x94: {  	_ =	strace s2  }
0x95: {  	s2 =	sld [smem:$0x3FFD];
	_ =	sdelay $0x3  }
0x96: {  	_ =	strace s2  }
0x97: {  	_ =	strace $0x8FFFFFFF  }
0x98: {  	s20 =	sld [smem:$0x3FDB];
	_ =	sdelay $0x1  }
0x99: {  	s4 =	simm.s32 $_scs_section_size  }
0x9a: {  	s5 =	simm.s32 $_size__tile_overlayer_lowered;
	s6 =	simm.s32 $_tile_overlayer_lowered  }
0x9b: {  	s7 =	simm.s32 $0x1BFF;
	s21 =	sshll.u32 s6, $0x1;
	s4 =	sadd.s32 s4, s20  }
0x9c: {  	s22 =	simm.s32 $0x0;
	s5 =	sshll.u32 s5, $0x1;
	s6 =	sadd.s32 s21, s4  }
0x9d: {  	[timem:s22], [sflag:s7] =	dma.local [hbm:s6], s5  }
0x9e: {  	_ =	swait.ge [sflag:s7], s5  }
0x9f: {  	s5 =	ssub.s32 $0x0, s5;
	[sflag:s7] =	ssyncset.done $0x0  }
0xa0: {  	[sflag:s7] =	ssyncadd.s32 s5;
	_ =	sdelay $0x1  }
0xa1: {  	s23 =	simm.s32 $0x1B8B  }
0xa2: {  	_ =	swait.ge [sflag:s23], $0x1  }
0xa3: {  	[sflag:s23] =	ssyncset.done $0x0  }
0xa4: {  	[sflag:s23] =	ssyncadd.s32 $0xFFFFFFFF  }
0xa5: {  	s5 =	sld [smem:$0x0]  }
0xa6: {  	s6 =	sand.u32 $0xFFFFFFFE, s1  }
0xa7: {  	p0 =	sne.s32 s1, s6  }
0xa8: {  	s6 =	sshll.u32 @p0 s6, $0xE  }
0xa9: {  	s6 =	sadd.s32 @p0 $0x11B8D, s6;
	s7 =	sshll.u32 @p0 s5, $0x11  }
0xaa: {  	s6 =	sor.u32 @p0 s7, s6  }
0xab: {  	[sflag:s6] =	ssyncadd.remote.s32 @p0 $0x1;
	_ =	sdelay $0x1  }
0xac: {  	s6 =	simm.s32 @p0 $0x1B8D  }
0xad: {  	_ =	swait.eq @p0 [sflag:s6], $0x1  }
0xae: {  	[sflag:s6] =	ssyncadd.s32 @p0 $0xFFFFFFFF  }
0xaf: {  	s7 =	sshll.u32 @!p0 s1, $0xE  }
0xb0: {  	s7 =	sor.u32 @!p0 $0x4000, s7;
	s6 =	simm.s32 @!p0 $0x1B8D  }
0xb1: {  	s5 =	sshll.u32 @!p0 s5, $0x11;
	s7 =	sadd.s32 @!p0 $0x11B8D, s7;
	_ =	swait.eq @!p0 [sflag:s6], $0x1  }
0xb2: {  	s5 =	sor.u32 @!p0 s5, s7;
	[sflag:s6] =	ssyncadd.s32 @!p0 $0xFFFFFFFF  }
0xb3: {  	s25 =	simm.s32 $0x1B8E;
	s24 =	sld [smem:$0x3FFE];
	[sflag:s5] =	ssyncadd.remote.s32 @!p0 $0x1  }
0xb4: {  	s26 =	simm.s32 $execute0_lowered;
	[smem:$0x3FD2] =	sst s25  }
0xb5: {  	s6 =	sshll.u32 s26, $0x1;
	_ =	strace $0x8000004C;
	[dreg:$0x1] =	wrdreg $0xFFFFFFFF  }
0xb6: {  	s28 =	simm.s32 $_size_execute0_lowered;
	s4 =	sadd.s32 s4, s6;
	[dreg:$0x0] =	wrdreg $0x0  }
0xb7: {  	s6 =	sshll.u32 s28, $0x1;
	[dreg:$0x2] =	wrdreg s4  }
0xb8: {  	[dreg:$0x3] =	wrdreg s6  }
0xb9: {  	[dreg:$0x4] =	wrdreg $0xC0  }
0xba: {  	_ =	task [dreg:s22], $0x5FFFF  }
0xbb: {  	[dreg:$0x1] =	wrdreg $0xFFFFFFFF  }
0xbc: {  	[dreg:$0x0] =	wrdreg $0x60  }
0xbd: {  	[dreg:$0x2] =	wrdreg s24  }
0xbe: {  	[dreg:$0x3] =	wrdreg s18  }
0xbf: {  	[dreg:$0x4] =	wrdreg $0xA8000  }
0xc0: {  	[dreg:$0x5] =	wrdreg $0xA  }
0xc1: {  	_ =	task.clear_ibuf [dreg:s22], $0x6FFFF;
	_ =	strace $0x9000004C  }
0xc2: {  	s29 =	simm.s32 $0xA;
	_ =	strace $0x8000004E  }
0xc3: {  	_ =	swait.ge [sflag:s29], $0x1  }
0xc4: {  	[sflag:s29] =	ssyncadd.s32 $0xFFFFFFFF  }
0xc5: {  	_ =	strace $0x9000004E  }
0xc6: {  	_ =	sfence  }
0xc7: {  	s30 =	sld [smem:$0x0];
	_ =	sdelay $0x2  }
0xc8: {  	s31 =	sshll.u32 s1, $0xD;
	s1 =	sshrl.u32 s1, $0x2  }
0xc9: {  	s4 =	sand.u32 $0x4000, s31;
	s1 =	sadd.s32 s1, s30  }
0xca: {  	s0 =	sor.u32 s4, s0;
	s1 =	sshll.u32 s1, $0x11  }
0xcb: {  	s0 =	sor.u32 s1, s0  }
0xcc: {  	s0 =	sadd.s32 $0x8F2B, s0  }
0xcd: {  	[sflag:s0] =	ssyncadd.remote.s32 $0x1  }
0xce: {  	_ =	sfence.sel $0xFFFF  }
0xcf: {  	[dreg:$0x0] =	wrdreg $0xFFFFFFFF;
	(pc) =	sbr.abs _section_cstart, $3  }
0xd0: {  	[dreg:$0x1] =	wrdreg $0xFFFFFFFF  }
0xd1: {  	_ =	task.clear_ibuf [dreg:s22], $0x2FFFF;
	_ =	strace $0x9FFFFFFF  }
0xd2: {  	(tm) =	ssettm $0x7FFFFFFF  }
0xd3: {  	_ =	shalt  }
tec
execute0_lowered:
.L_overlay_start_1:
0x0: {  	(tag) =	ssettag $0x1  }
0x1: {  	s8 =	rddreg [dreg:$0x0]  }
0x2: {  	s2 =	rddreg [dreg:$0x1]  }
0x3: {  	s3 =	rddreg [dreg:$0x2]  }
0x4: {  	s0 =	rddreg [dreg:$0x3]  }
0x5: {  	s4 =	simm.s32 $0x0;
	s1 =	stileid.u32;
	s7 =	srdreg.scid  }
0x6: {  	s17 =	simm.s32 $0x80;
	s18 =	simm.s32 $0x2800;
	s19 =	simm.s32 $0x6800  }
0x7: {  	s20 =	simm.s32 $0x1;
	s21 =	simm.s32 $0x3;
	s22 =	simm.s32 $0x2  }
0x8: {  	s23 =	simm.s32 $0x4;
	s24 =	simm.s32 $0x2700;
	s25 =	simm.s32 $0x2780  }
0x9: {  	s26 =	simm.s32 $0x0;
	[smem:$0x7FF] =	sst s4;
	s5 =	smul.u32 $0x500, s1  }
0xa: {  	s6 =	sadd.s32 $0x130400, s8;
	s14 =	sand.u32 $0x1, s7;
	s9 =	smul.u32 $0x50000, s1  }
0xb: {  	s7 =	sadd.s32 $0xF400, s8;
	s13 =	sshll.u32 s1, $0x6;
	_ =	strace $0x8000004D  }
0xc: {  	s10 =	ssub.s32 $0x2, s14;
	p0 =	sne.s32 s14, $0x0;
	s11 =	sadd.s32 s5, s8  }
.Ltmp0:
0xd: {  	s5 =	sadd.s32 $0x109200, s8;
	s12 =	sshrl.u32 s10, $0x1;
	(pc) =	sbr.rel .LBB2_1-.Ltmp0, $4  }
0xe: {  	s8 =	sadd.s32 $0x157600, s8;
	s9 =	sshrl.u32 s9, $0x2;
	s15 =	ssub.s32 s10, s12  }
0xf: {  	s16 =	sadd.s32 s9, s3;
	s9 =	sor.u32 $0x1C05, s13;
	s10 =	sadd.s32 $0x104200, s11  }
0x10: {  	s11 =	sadd.s32 $0x9C00, s11;
	s12 =	smul.u32 $0x2800, s1;
	s13 =	smax.u32 s15, $0x1  }
0x11: {  	s14 =	sshrl.u32 s16, $0x3;
	s15 =	simm.s32 $0x5;
	s16 =	simm.s32 $0x1400  }
.LBB2_11:
0x12: {  	[tilespmem:s19], [sflag:$0x2] =	stream.indirect.gather [hbm4b:s6+s17], $0x80, s29, s17, $0xb8;
	[tilespmem:$0x1E800] =	vst v63  }
0x13: {  	s28 =	smov.u32 s8  }
.LBB2_12:
0x14: {  	_ =	swait.ge [sflag:s20], $0x4000  }
0x15: {  	[sflag:s20] =	ssyncset.done $0x0  }
0x16: {  	[sflag:s20] =	ssyncadd.s32 $0xFFFFC000  }
0x17: {  	[spmem:s3] =	stream.indirect.scatter.add.f32 [tilespmem:s18], [sflag:$0x3], $0x80, s24, s17, $0xb8;
	[tilespmem:$0x1E800] =	vst v63  }
0x18: {  	_ =	swait.ge [sflag:s22], $0x4000  }
0x19: {  	[sflag:s22] =	ssyncset.done $0x0  }
0x1a: {  	[sflag:s22] =	ssyncadd.s32 $0xFFFFC000  }
0x1b: {  	[spmem:s3] =	stream.indirect.scatter.add.f32 [tilespmem:s19], [sflag:$0x4], $0x80, s25, s17, $0xb8;
	[tilespmem:$0x1E800] =	vst v63  }
0x1c: {  	_ =	swait.ge [sflag:s21], $0x4000  }
0x1d: {  	[sflag:s21] =	ssyncset.done $0x0  }
0x1e: {  	[sflag:s21] =	ssyncadd.s32 $0xFFFFC000  }
0x1f: {  	_ =	swait.ge [sflag:s23], $0x4000  }
0x20: {  	s26 =	sadd.s32 $0x1, s26;
	[sflag:s23] =	ssyncset.done $0x0  }
0x21: {  	p1 =	sne.s32 s26, s13;
	[sflag:s23] =	ssyncadd.s32 $0xFFFFC000  }
.Ltmp1:
0x22: {  	s28 =	sadd.s32 s28, s12;
	[bflag:$0x0] =	sbarrier.arrive $0xFFFF;
	(pc) =	sbr.rel @!p1 .LBB2_13-.Ltmp1, $4  }
0x23: {  	[hbm:s28], [sflag:s9] =	dma.local [spmem:s14], $0x2800  }
0x24: {  	_ =	swait.ge [sflag:s15], $0x2800  }
0x25: {  	[sflag:s15] =	ssyncset.done $0x0  }
0x26: {  	[sflag:s15] =	ssyncadd.s32 $0xFFFFD800  }
.LBB2_1:
0x27: {  	[spmem:s14], [sflag:s9] =	dma.local [hbm:s7], $0x2800  }
0x28: {  	_ =	swait.ge [sflag:s15], $0x2800  }
0x29: {  	[sflag:s15] =	ssyncset.done $0x0  }
0x2a: {  	[sflag:s15] =	ssyncadd.s32 $0xFFFFD800  }
0x2b: {  	[bflag:$0x0] =	sbarrier.arrive $0xFFFF  }
0x2c: {  	[tilespmem:s4], [sflag:$0x5] =	stream.linear.gather [hbm4b:s10+s4], $0x1400, $0x38;
	[tilespmem:$0x1E800] =	vst v63  }
0x2d: {  	_ =	swait.ge [sflag:s15], $0x1400  }
0x2e: {  	[sflag:s15] =	ssyncset.done $0x0  }
.Ltmp2:
0x2f: {  	[sflag:s15] =	ssyncadd.s32 $0xFFFFEC00;
	(pc) =	sbr.rel @p0 .LBB2_7-.Ltmp2, $4  }
0x30: {  	[tilespmem:s16], [sflag:$0x5] =	stream.linear.gather [hbm4b:s11+s4], $0x1400, $0x38;
	[tilespmem:$0x1E800] =	vst v63  }
0x31: {  	_ =	swait.ge [sflag:s15], $0x1400  }
0x32: {  	[sflag:s15] =	ssyncset.done $0x0  }
0x33: {  	s28 =	simm.s32 $0x0;
	[sflag:s15] =	ssyncadd.s32 $0xFFFFEC00  }
0x34: {  	[tilespmem:s18], [sflag:$0x1] =	stream.indirect.gather [hbm4b:s5+s17], $0x80, s28, s17, $0xb8;
	[tilespmem:$0x1E800] =	vst v63  }
0x35: {  	_ = 	snop  }
0x36: {  	[tilespmem:s19], [sflag:$0x2] =	stream.indirect.gather [hbm4b:s5+s17], $0x80, s17, s17, $0xb8;
	[tilespmem:$0x1E800] =	vst v63  }
0x37: {  	_ =	swait.ge [sflag:s20], $0x4000  }
0x38: {  	[sflag:s20] =	ssyncset.done $0x0  }
0x39: {  	s28 =	simm.s32 $0x1400;
	[sflag:s20] =	ssyncadd.s32 $0xFFFFC000  }
0x3a: {  	[spmem:s3] =	stream.indirect.scatter.add.f32 [tilespmem:s18], [sflag:$0x3], $0x80, s28, s17, $0xb8;
	[tilespmem:$0x1E800] =	vst v63  }
0x3b: {  	_ =	swait.ge [sflag:s21], $0x4000  }
0x3c: {  	[sflag:s21] =	ssyncset.done $0x0  }
0x3d: {  	s28 =	simm.s32 $0x100;
	[sflag:s21] =	ssyncadd.s32 $0xFFFFC000  }
0x3e: {  	[tilespmem:s18], [sflag:$0x1] =	stream.indirect.gather [hbm4b:s5+s17], $0x80, s28, s17, $0xb8;
	[tilespmem:$0x1E800] =	vst v63  }
0x3f: {  	_ =	swait.ge [sflag:s22], $0x4000  }
0x40: {  	[sflag:s22] =	ssyncset.done $0x0  }
0x41: {  	s28 =	simm.s32 $0x1480;
	[sflag:s22] =	ssyncadd.s32 $0xFFFFC000  }
0x42: {  	[spmem:s3] =	stream.indirect.scatter.add.f32 [tilespmem:s19], [sflag:$0x4], $0x80, s28, s17, $0xb8;
	[tilespmem:$0x1E800] =	vst v63  }
0x43: {  	_ =	swait.ge [sflag:s23], $0x4000  }
0x44: {  	[sflag:s23] =	ssyncset.done $0x0  }
0x45: {  	s29 =	simm.s32 $0x180;
	s28 =	simm.s32 $0x400;
	[sflag:s23] =	ssyncadd.s32 $0xFFFFC000  }
.LBB2_3:
0x46: {  	[tilespmem:s19], [sflag:$0x2] =	stream.indirect.gather [hbm4b:s5+s17], $0x80, s29, s17, $0xb8;
	[tilespmem:$0x1E800] =	vst v63  }
0x47: {  	s29 =	smov.u32 s28  }
0x48: {  	p1 =	sne.s32 s28, $0x4800;
	s28 =	sadd.s32 $0x400, s28;
	_ =	swait.ge [sflag:s20], $0x4000  }
0x49: {  	s29 =	sshra.s32 s29, $0x2;
	[sflag:s20] =	ssyncset.done $0x0  }
0x4a: {  	s30 =	sadd.s32 $0x1400, s29;
	[sflag:s20] =	ssyncadd.s32 $0xFFFFC000  }
0x4b: {  	[spmem:s3] =	stream.indirect.scatter.add.f32 [tilespmem:s18], [sflag:$0x3], $0x80, s30, s17, $0xb8;
	[tilespmem:$0x1E800] =	vst v63  }
0x4c: {  	_ =	swait.ge [sflag:s21], $0x4000  }
0x4d: {  	[sflag:s21] =	ssyncset.done $0x0  }
0x4e: {  	s30 =	sadd.s32 $0x100, s29;
	[sflag:s21] =	ssyncadd.s32 $0xFFFFC000  }
0x4f: {  	[tilespmem:s18], [sflag:$0x1] =	stream.indirect.gather [hbm4b:s5+s17], $0x80, s30, s17, $0xb8;
	[tilespmem:$0x1E800] =	vst v63  }
0x50: {  	_ =	swait.ge [sflag:s22], $0x4000  }
0x51: {  	[sflag:s22] =	ssyncset.done $0x0  }
.Ltmp3:
0x52: {  	s30 =	sadd.s32 $0x1480, s29;
	[sflag:s22] =	ssyncadd.s32 $0xFFFFC000;
	(pc) =	sbr.rel @p1 .LBB2_3-.Ltmp3, $4  }
0x53: {  	[spmem:s3] =	stream.indirect.scatter.add.f32 [tilespmem:s19], [sflag:$0x4], $0x80, s30, s17, $0xb8;
	[tilespmem:$0x1E800] =	vst v63  }
0x54: {  	_ =	swait.ge [sflag:s23], $0x4000  }
0x55: {  	[sflag:s23] =	ssyncset.done $0x0  }
0x56: {  	s29 =	sadd.s32 $0x180, s29;
	[sflag:s23] =	ssyncadd.s32 $0xFFFFC000  }
0x57: {  	[tilespmem:s19], [sflag:$0x2] =	stream.indirect.gather [hbm4b:s5+s17], $0x80, s29, s17, $0xb8;
	[tilespmem:$0x1E800] =	vst v63  }
0x58: {  	_ =	swait.ge [sflag:s20], $0x4000  }
0x59: {  	[sflag:s20] =	ssyncset.done $0x0  }
0x5a: {  	[sflag:s20] =	ssyncadd.s32 $0xFFFFC000  }
0x5b: {  	[spmem:s3] =	stream.indirect.scatter.add.f32 [tilespmem:s18], [sflag:$0x3], $0x80, s24, s17, $0xb8;
	[tilespmem:$0x1E800] =	vst v63  }
0x5c: {  	_ =	swait.ge [sflag:s22], $0x4000  }
0x5d: {  	[sflag:s22] =	ssyncset.done $0x0  }
0x5e: {  	[sflag:s22] =	ssyncadd.s32 $0xFFFFC000  }
0x5f: {  	[spmem:s3] =	stream.indirect.scatter.add.f32 [tilespmem:s19], [sflag:$0x4], $0x80, s25, s17, $0xb8;
	[tilespmem:$0x1E800] =	vst v63  }
0x60: {  	_ =	swait.ge [sflag:s21], $0x4000  }
0x61: {  	[sflag:s21] =	ssyncset.done $0x0  }
0x62: {  	[sflag:s21] =	ssyncadd.s32 $0xFFFFC000  }
0x63: {  	_ =	swait.ge [sflag:s23], $0x4000  }
0x64: {  	[sflag:s23] =	ssyncset.done $0x0  }
0x65: {  	s28 =	sadd.s32 $0x280, s10;
	s29 =	simm.s32 $0x0;
	[sflag:s23] =	ssyncadd.s32 $0xFFFFC000  }
0x66: {  	[tilespmem:s29], [sflag:$0x5] =	stream.linear.gather [hbm4b:s28+s29], $0x1400, $0x38;
	[tilespmem:$0x1E800] =	vst v63  }
0x67: {  	_ =	swait.ge [sflag:s15], $0x1400  }
0x68: {  	[sflag:s15] =	ssyncset.done $0x0  }
0x69: {  	s28 =	sadd.s32 $0x280, s11;
	[sflag:s15] =	ssyncadd.s32 $0xFFFFEC00  }
0x6a: {  	[tilespmem:s16], [sflag:$0x5] =	stream.linear.gather [hbm4b:s28+s29], $0x1400, $0x38;
	[tilespmem:$0x1E800] =	vst v63  }
0x6b: {  	_ =	swait.ge [sflag:s15], $0x1400  }
0x6c: {  	[sflag:s15] =	ssyncset.done $0x0  }
0x6d: {  	[sflag:s15] =	ssyncadd.s32 $0xFFFFEC00  }
0x6e: {  	[tilespmem:s18], [sflag:$0x1] =	stream.indirect.gather [hbm4b:s5+s17], $0x80, s29, s17, $0xb8;
	[tilespmem:$0x1E800] =	vst v63  }
0x6f: {  	_ = 	snop  }
0x70: {  	[tilespmem:s19], [sflag:$0x2] =	stream.indirect.gather [hbm4b:s5+s17], $0x80, s17, s17, $0xb8;
	[tilespmem:$0x1E800] =	vst v63  }
0x71: {  	_ =	swait.ge [sflag:s20], $0x4000  }
0x72: {  	[sflag:s20] =	ssyncset.done $0x0  }
0x73: {  	s28 =	simm.s32 $0x1400;
	[sflag:s20] =	ssyncadd.s32 $0xFFFFC000  }
0x74: {  	[spmem:s3] =	stream.indirect.scatter.add.f32 [tilespmem:s18], [sflag:$0x3], $0x80, s28, s17, $0xb8;
	[tilespmem:$0x1E800] =	vst v63  }
0x75: {  	_ =	swait.ge [sflag:s21], $0x4000  }
0x76: {  	[sflag:s21] =	ssyncset.done $0x0  }
0x77: {  	s28 =	simm.s32 $0x100;
	[sflag:s21] =	ssyncadd.s32 $0xFFFFC000  }
0x78: {  	[tilespmem:s18], [sflag:$0x1] =	stream.indirect.gather [hbm4b:s5+s17], $0x80, s28, s17, $0xb8;
	[tilespmem:$0x1E800] =	vst v63  }
0x79: {  	_ =	swait.ge [sflag:s22], $0x4000  }
0x7a: {  	[sflag:s22] =	ssyncset.done $0x0  }
0x7b: {  	s28 =	simm.s32 $0x1480;
	[sflag:s22] =	ssyncadd.s32 $0xFFFFC000  }
0x7c: {  	[spmem:s3] =	stream.indirect.scatter.add.f32 [tilespmem:s19], [sflag:$0x4], $0x80, s28, s17, $0xb8;
	[tilespmem:$0x1E800] =	vst v63  }
0x7d: {  	_ =	swait.ge [sflag:s23], $0x4000  }
0x7e: {  	[sflag:s23] =	ssyncset.done $0x0  }
0x7f: {  	s29 =	simm.s32 $0x180;
	s28 =	simm.s32 $0x400;
	[sflag:s23] =	ssyncadd.s32 $0xFFFFC000  }
.LBB2_5:
0x80: {  	[tilespmem:s19], [sflag:$0x2] =	stream.indirect.gather [hbm4b:s5+s17], $0x80, s29, s17, $0xb8;
	[tilespmem:$0x1E800] =	vst v63  }
0x81: {  	s29 =	smov.u32 s28  }
0x82: {  	p1 =	seq.s32 s28, $0x4800;
	s28 =	sadd.s32 $0x400, s28;
	_ =	swait.ge [sflag:s20], $0x4000  }
0x83: {  	s29 =	sshra.s32 s29, $0x2;
	[sflag:s20] =	ssyncset.done $0x0  }
0x84: {  	s30 =	sadd.s32 $0x1400, s29;
	[sflag:s20] =	ssyncadd.s32 $0xFFFFC000  }
0x85: {  	[spmem:s3] =	stream.indirect.scatter.add.f32 [tilespmem:s18], [sflag:$0x3], $0x80, s30, s17, $0xb8;
	[tilespmem:$0x1E800] =	vst v63  }
0x86: {  	_ =	swait.ge [sflag:s21], $0x4000  }
0x87: {  	[sflag:s21] =	ssyncset.done $0x0  }
0x88: {  	s30 =	sadd.s32 $0x100, s29;
	[sflag:s21] =	ssyncadd.s32 $0xFFFFC000  }
0x89: {  	[tilespmem:s18], [sflag:$0x1] =	stream.indirect.gather [hbm4b:s5+s17], $0x80, s30, s17, $0xb8;
	[tilespmem:$0x1E800] =	vst v63  }
0x8a: {  	_ =	swait.ge [sflag:s22], $0x4000  }
0x8b: {  	[sflag:s22] =	ssyncset.done $0x0  }
.Ltmp4:
0x8c: {  	s30 =	sadd.s32 $0x1480, s29;
	[sflag:s22] =	ssyncadd.s32 $0xFFFFC000;
	(pc) =	sbr.rel @!p1 .LBB2_5-.Ltmp4, $4  }
0x8d: {  	[spmem:s3] =	stream.indirect.scatter.add.f32 [tilespmem:s19], [sflag:$0x4], $0x80, s30, s17, $0xb8;
	[tilespmem:$0x1E800] =	vst v63  }
0x8e: {  	_ =	swait.ge [sflag:s23], $0x4000  }
0x8f: {  	[sflag:s23] =	ssyncset.done $0x0  }
0x90: {  	s29 =	sadd.s32 $0x180, s29;
	[sflag:s23] =	ssyncadd.s32 $0xFFFFC000  }
.Ltmp5:
0x91: {  	(pc) =	sbr.rel .LBB2_12-.Ltmp5, $3  }
0x92: {  	_ =	sdelay $0x1  }
0x93: {  	[tilespmem:s19], [sflag:$0x2] =	stream.indirect.gather [hbm4b:s5+s17], $0x80, s29, s17, $0xb8;
	[tilespmem:$0x1E800] =	vst v63  }
0x94: {  	s28 =	smov.u32 s2  }
.LBB2_7:
0x95: {  	[tilespmem:s18], [sflag:$0x1] =	stream.indirect.gather [hbm4b:s6+s17], $0x80, s28, s17, $0xb8;
	[tilespmem:$0x1E800] =	vst v63  }
0x96: {  	_ = 	snop  }
0x97: {  	[tilespmem:s19], [sflag:$0x2] =	stream.indirect.gather [hbm4b:s6+s17], $0x80, s17, s17, $0xb8;
	[tilespmem:$0x1E800] =	vst v63  }
0x98: {  	_ =	swait.ge [sflag:s20], $0x4000  }
0x99: {  	[sflag:s20] =	ssyncset.done $0x0  }
0x9a: {  	s28 =	simm.s32 $0x1400;
	[sflag:s20] =	ssyncadd.s32 $0xFFFFC000  }
0x9b: {  	[spmem:s3] =	stream.indirect.scatter.add.f32 [tilespmem:s18], [sflag:$0x3], $0x80, s28, s17, $0xb8;
	[tilespmem:$0x1E800] =	vst v63  }
0x9c: {  	_ =	swait.ge [sflag:s21], $0x4000  }
0x9d: {  	[sflag:s21] =	ssyncset.done $0x0  }
0x9e: {  	s28 =	simm.s32 $0x100;
	[sflag:s21] =	ssyncadd.s32 $0xFFFFC000  }
0x9f: {  	[tilespmem:s18], [sflag:$0x1] =	stream.indirect.gather [hbm4b:s6+s17], $0x80, s28, s17, $0xb8;
	[tilespmem:$0x1E800] =	vst v63  }
0xa0: {  	_ =	swait.ge [sflag:s22], $0x4000  }
0xa1: {  	[sflag:s22] =	ssyncset.done $0x0  }
0xa2: {  	s28 =	simm.s32 $0x1480;
	[sflag:s22] =	ssyncadd.s32 $0xFFFFC000  }
0xa3: {  	[spmem:s3] =	stream.indirect.scatter.add.f32 [tilespmem:s19], [sflag:$0x4], $0x80, s28, s17, $0xb8;
	[tilespmem:$0x1E800] =	vst v63  }
0xa4: {  	_ =	swait.ge [sflag:s23], $0x4000  }
0xa5: {  	[sflag:s23] =	ssyncset.done $0x0  }
0xa6: {  	s29 =	simm.s32 $0x180;
	s28 =	simm.s32 $0x400;
	[sflag:s23] =	ssyncadd.s32 $0xFFFFC000  }
.LBB2_8:
0xa7: {  	[tilespmem:s19], [sflag:$0x2] =	stream.indirect.gather [hbm4b:s6+s17], $0x80, s29, s17, $0xb8;
	[tilespmem:$0x1E800] =	vst v63  }
0xa8: {  	s29 =	smov.u32 s28  }
0xa9: {  	p1 =	sne.s32 s28, $0x4800;
	s28 =	sadd.s32 $0x400, s28;
	_ =	swait.ge [sflag:s20], $0x4000  }
0xaa: {  	s29 =	sshra.s32 s29, $0x2;
	[sflag:s20] =	ssyncset.done $0x0  }
0xab: {  	s30 =	sadd.s32 $0x1400, s29;
	[sflag:s20] =	ssyncadd.s32 $0xFFFFC000  }
0xac: {  	[spmem:s3] =	stream.indirect.scatter.add.f32 [tilespmem:s18], [sflag:$0x3], $0x80, s30, s17, $0xb8;
	[tilespmem:$0x1E800] =	vst v63  }
0xad: {  	_ =	swait.ge [sflag:s21], $0x4000  }
0xae: {  	[sflag:s21] =	ssyncset.done $0x0  }
0xaf: {  	s30 =	sadd.s32 $0x100, s29;
	[sflag:s21] =	ssyncadd.s32 $0xFFFFC000  }
0xb0: {  	[tilespmem:s18], [sflag:$0x1] =	stream.indirect.gather [hbm4b:s6+s17], $0x80, s30, s17, $0xb8;
	[tilespmem:$0x1E800] =	vst v63  }
0xb1: {  	_ =	swait.ge [sflag:s22], $0x4000  }
0xb2: {  	[sflag:s22] =	ssyncset.done $0x0  }
.Ltmp6:
0xb3: {  	s30 =	sadd.s32 $0x1480, s29;
	[sflag:s22] =	ssyncadd.s32 $0xFFFFC000;
	(pc) =	sbr.rel @p1 .LBB2_8-.Ltmp6, $4  }
0xb4: {  	[spmem:s3] =	stream.indirect.scatter.add.f32 [tilespmem:s19], [sflag:$0x4], $0x80, s30, s17, $0xb8;
	[tilespmem:$0x1E800] =	vst v63  }
0xb5: {  	_ =	swait.ge [sflag:s23], $0x4000  }
0xb6: {  	[sflag:s23] =	ssyncset.done $0x0  }
0xb7: {  	s29 =	sadd.s32 $0x180, s29;
	[sflag:s23] =	ssyncadd.s32 $0xFFFFC000  }
0xb8: {  	[tilespmem:s19], [sflag:$0x2] =	stream.indirect.gather [hbm4b:s6+s17], $0x80, s29, s17, $0xb8;
	[tilespmem:$0x1E800] =	vst v63  }
0xb9: {  	_ =	swait.ge [sflag:s20], $0x4000  }
0xba: {  	[sflag:s20] =	ssyncset.done $0x0  }
0xbb: {  	[sflag:s20] =	ssyncadd.s32 $0xFFFFC000  }
0xbc: {  	[spmem:s3] =	stream.indirect.scatter.add.f32 [tilespmem:s18], [sflag:$0x3], $0x80, s24, s17, $0xb8;
	[tilespmem:$0x1E800] =	vst v63  }
0xbd: {  	_ =	swait.ge [sflag:s22], $0x4000  }
0xbe: {  	[sflag:s22] =	ssyncset.done $0x0  }
0xbf: {  	[sflag:s22] =	ssyncadd.s32 $0xFFFFC000  }
0xc0: {  	[spmem:s3] =	stream.indirect.scatter.add.f32 [tilespmem:s19], [sflag:$0x4], $0x80, s25, s17, $0xb8;
	[tilespmem:$0x1E800] =	vst v63  }
0xc1: {  	_ =	swait.ge [sflag:s21], $0x4000  }
0xc2: {  	[sflag:s21] =	ssyncset.done $0x0  }
0xc3: {  	[sflag:s21] =	ssyncadd.s32 $0xFFFFC000  }
0xc4: {  	_ =	swait.ge [sflag:s23], $0x4000  }
0xc5: {  	[sflag:s23] =	ssyncset.done $0x0  }
0xc6: {  	s28 =	sadd.s32 $0x280, s10;
	s29 =	simm.s32 $0x0;
	[sflag:s23] =	ssyncadd.s32 $0xFFFFC000  }
0xc7: {  	[tilespmem:s29], [sflag:$0x5] =	stream.linear.gather [hbm4b:s28+s29], $0x1400, $0x38;
	[tilespmem:$0x1E800] =	vst v63  }
0xc8: {  	_ =	swait.ge [sflag:s15], $0x1400  }
0xc9: {  	[sflag:s15] =	ssyncset.done $0x0  }
0xca: {  	s28 =	sadd.s32 $0x280, s11;
	[sflag:s15] =	ssyncadd.s32 $0xFFFFEC00  }
0xcb: {  	[tilespmem:s16], [sflag:$0x5] =	stream.linear.gather [hbm4b:s28+s29], $0x1400, $0x38;
	[tilespmem:$0x1E800] =	vst v63  }
0xcc: {  	_ =	swait.ge [sflag:s15], $0x1400  }
0xcd: {  	[sflag:s15] =	ssyncset.done $0x0  }
0xce: {  	[sflag:s15] =	ssyncadd.s32 $0xFFFFEC00  }
0xcf: {  	[tilespmem:s18], [sflag:$0x1] =	stream.indirect.gather [hbm4b:s6+s17], $0x80, s29, s17, $0xb8;
	[tilespmem:$0x1E800] =	vst v63  }
0xd0: {  	_ = 	snop  }
0xd1: {  	[tilespmem:s19], [sflag:$0x2] =	stream.indirect.gather [hbm4b:s6+s17], $0x80, s17, s17, $0xb8;
	[tilespmem:$0x1E800] =	vst v63  }
0xd2: {  	_ =	swait.ge [sflag:s20], $0x4000  }
0xd3: {  	[sflag:s20] =	ssyncset.done $0x0  }
0xd4: {  	s28 =	simm.s32 $0x1400;
	[sflag:s20] =	ssyncadd.s32 $0xFFFFC000  }
0xd5: {  	[spmem:s3] =	stream.indirect.scatter.add.f32 [tilespmem:s18], [sflag:$0x3], $0x80, s28, s17, $0xb8;
	[tilespmem:$0x1E800] =	vst v63  }
0xd6: {  	_ =	swait.ge [sflag:s21], $0x4000  }
0xd7: {  	[sflag:s21] =	ssyncset.done $0x0  }
0xd8: {  	s28 =	simm.s32 $0x100;
	[sflag:s21] =	ssyncadd.s32 $0xFFFFC000  }
0xd9: {  	[tilespmem:s18], [sflag:$0x1] =	stream.indirect.gather [hbm4b:s6+s17], $0x80, s28, s17, $0xb8;
	[tilespmem:$0x1E800] =	vst v63  }
0xda: {  	_ =	swait.ge [sflag:s22], $0x4000  }
0xdb: {  	[sflag:s22] =	ssyncset.done $0x0  }
0xdc: {  	s28 =	simm.s32 $0x1480;
	[sflag:s22] =	ssyncadd.s32 $0xFFFFC000  }
0xdd: {  	[spmem:s3] =	stream.indirect.scatter.add.f32 [tilespmem:s19], [sflag:$0x4], $0x80, s28, s17, $0xb8;
	[tilespmem:$0x1E800] =	vst v63  }
0xde: {  	_ =	swait.ge [sflag:s23], $0x4000  }
0xdf: {  	[sflag:s23] =	ssyncset.done $0x0  }
0xe0: {  	s29 =	simm.s32 $0x180;
	s28 =	simm.s32 $0x400;
	[sflag:s23] =	ssyncadd.s32 $0xFFFFC000  }
.LBB2_10:
0xe1: {  	[tilespmem:s19], [sflag:$0x2] =	stream.indirect.gather [hbm4b:s6+s17], $0x80, s29, s17, $0xb8;
	[tilespmem:$0x1E800] =	vst v63  }
0xe2: {  	s29 =	smov.u32 s28  }
0xe3: {  	p1 =	sne.s32 s28, $0x4800;
	s28 =	sadd.s32 $0x400, s28;
	_ =	swait.ge [sflag:s20], $0x4000  }
0xe4: {  	s29 =	sshra.s32 s29, $0x2;
	[sflag:s20] =	ssyncset.done $0x0  }
0xe5: {  	s30 =	sadd.s32 $0x1400, s29;
	[sflag:s20] =	ssyncadd.s32 $0xFFFFC000  }
0xe6: {  	[spmem:s3] =	stream.indirect.scatter.add.f32 [tilespmem:s18], [sflag:$0x3], $0x80, s30, s17, $0xb8;
	[tilespmem:$0x1E800] =	vst v63  }
0xe7: {  	_ =	swait.ge [sflag:s21], $0x4000  }
0xe8: {  	[sflag:s21] =	ssyncset.done $0x0  }
0xe9: {  	s30 =	sadd.s32 $0x100, s29;
	[sflag:s21] =	ssyncadd.s32 $0xFFFFC000  }
0xea: {  	[tilespmem:s18], [sflag:$0x1] =	stream.indirect.gather [hbm4b:s6+s17], $0x80, s30, s17, $0xb8;
	[tilespmem:$0x1E800] =	vst v63  }
0xeb: {  	_ =	swait.ge [sflag:s22], $0x4000  }
0xec: {  	[sflag:s22] =	ssyncset.done $0x0  }
.Ltmp7:
0xed: {  	s30 =	sadd.s32 $0x1480, s29;
	[sflag:s22] =	ssyncadd.s32 $0xFFFFC000;
	(pc) =	sbr.rel @p1 .LBB2_10-.Ltmp7, $4  }
0xee: {  	[spmem:s3] =	stream.indirect.scatter.add.f32 [tilespmem:s19], [sflag:$0x4], $0x80, s30, s17, $0xb8;
	[tilespmem:$0x1E800] =	vst v63  }
0xef: {  	_ =	swait.ge [sflag:s23], $0x4000  }
0xf0: {  	[sflag:s23] =	ssyncset.done $0x0  }
0xf1: {  	s29 =	sadd.s32 $0x180, s29;
	[sflag:s23] =	ssyncadd.s32 $0xFFFFC000  }
.Ltmp8:
0xf2: {  	_ = 	snop;
	(pc) =	sbr.rel .LBB2_11-.Ltmp8, $1  }
0xf3: {  	_ =	sdelay $0x3  }
.LBB2_13:
0xf4: {  	_ =	sfence.sel $0x180000  }
0xf5: {  	[bflag:$0x0] =	sbarrier.arrive $0xFFFF  }
0xf6: {  	p0 =	sne.s32 s1, $0x0;
	_ =	strace $0x9000004D  }
0xf7: {  	s0 =	sadd.s32 @!p0 $0x100000, s0;
	[bflag:$0x2] =	sbarrier.arrive $0xFFFF  }
0xf8: {  	[sflag:s0] =	ssyncadd.tile.s32 @!p0 $0x1;
	_ =	shalt  }
.Lfunc_end2:
_tile_overlayer_lowered:
.L_overlay_start_2:
0xf9: {  	(tag) =	ssettag $0x2  }
0xfa: {  	s0 =	rddreg [dreg:$0x0];
	s2 =	stileid.u32  }
0xfb: {  	s1 =	rddreg [dreg:$0x1];
	p0 =	sne.s32 s2, $0x0  }
0xfc: {  	s3 =	rddreg [dreg:$0x2];
	[bflag:$0x3] =	sbarrier.arrive $0xFFFF;
	s2 =	simm.s32 @!p0 $0x1C05  }
0xfd: {  	[timem:s3], [sflag:s2] =	dma.local @!p0 [hbm:s0], s1  }
0xfe: {  	s0 =	simm.s32 @!p0 $0x5  }
0xff: {  	_ =	swait.ge @!p0 [sflag:s0], s1  }
0x100: {  	s1 =	ssub.s32 @!p0 $0x0, s1;
	[sflag:s0] =	ssyncset.done @!p0 $0x0  }
0x101: {  	[sflag:s0] =	ssyncadd.s32 @!p0 s1  }
0x102: {  	[bflag:$0x3] =	sbarrier.arrive $0xFFFF  }
0x103: {  	_ =	shalt  }

// kernel: kernel.19.cloned.1.call-start
scs
__scs_entry_jumppad:
0x0: {  	(pc) =	sbr.rel $0x88, $3  }
0x1: {  	(tag) =	ssettag $0x0;
	lr =	simm.s32 $0x1  }
0x2: {  	[smem:$0x3F97] =	sst lr;
	_ =	strace $0xD0000000  }
0x3: {  	_ = 	snop  }
0x4: {  	_ = 	snop  }
0x5: {  	_ = 	snop  }
0x6: {  	_ = 	snop  }
0x7: {  	_ = 	snop  }
__scs_overlays_trampoline_lowered:
0x8: {  	[smem:$0x3FA6] =	sst s0  }
0x9: {  	[smem:$0x3FA7] =	sst s1  }
0xa: {  	[smem:$0x3FA8] =	sst s2  }
0xb: {  	[smem:$0x3FA9] =	sst s3  }
0xc: {  	[smem:$0x3FAA] =	sst s4  }
0xd: {  	[smem:$0x3FAB] =	sst s5  }
0xe: {  	[smem:$0x3FAC] =	sst s6  }
0xf: {  	[smem:$0x3FAD] =	sst s7  }
0x10: {  	[smem:$0x3FAE] =	sst s8  }
0x11: {  	[smem:$0x3FAF] =	sst s9;
	s0 =	simm.s32 @!p0 $0x0  }
0x12: {  	s1 =	sld [smem:$0x3F95];
	s0 =	simm.s32 @p0 $0x1  }
0x13: {  	[smem:$0x3FB0] =	sst s0;
	s0 =	simm.s32 @!p1 $0x0  }
0x14: {  	s2 =	sld [smem:$0x3F94];
	s0 =	simm.s32 @p1 $0x1  }
0x15: {  	[smem:$0x3FB1] =	sst s0;
	s0 =	simm.s32 @!p2 $0x0  }
0x16: {  	s3 =	sld [smem:$0x3FDB];
	s0 =	simm.s32 @p2 $0x1  }
0x17: {  	s4 =	simm.s32 $0x1BF5;
	[smem:$0x3FB3] =	sst s0  }
0x18: {  	s0 =	sld [smem:$0x3F96];
	_ =	swait.ge [sflag:s4], $0x0  }
0x19: {  	s7 =	sld [smem:$0x3F97]  }
0x1a: {  	s8 =	sadd.s32 $0xFFFFE003, lr  }
0x1b: {  	s9 =	sadd.s32 $0xFFFFFEF7, lr;
	s5 =	simm.s32 $0xFFFFFFFF;
	p2 =	slt.u32 s8, $0xFFFFF086  }
0x1c: {  	p1 =	slt.u32 s9, $0xF7A;
	s5 =	simm.s32 @!p2 $0x0  }
0x1d: {  	s5 =	simm.s32 @p1 $0x1;
	p0 =	seq.s32 s7, s2  }
0x1e: {  	s7 =	smul.u32 @!p0 $0xF7A, s2;
	p2 =	seq.s32 @!p0 s5, $0x0  }
0x1f: {  	s9 =	smul.u32 $0xF7A, s1;
	s8 =	simm.s32 @!p0 $0x1BF5;
	p2 =	por !p2, p0  }
0x20: {  	[sflag:s8] =	ssyncset.s32 @!p0 $0xFFFFF086;
	s6 =	sadd.s32 @!p0 s3, s7;
	s7 =	simm.s32 @!p0 $0x108  }
0x21: {  	s3 =	sadd.s32 s3, s9;
	s6 =	sadd.s32 @!p0 $0x88, s6;
	s7 =	simm.s32 @p2 $0x1082  }
0x22: {  	[simem:s7], [sflag:s8] =	dma.local @!p0 [hbm:s6], $0xF7A  }
0x23: {  	s9 =	sor.u32 $0xD0000000, s2;
	s6 =	simm.s32 $0x108;
	_ =	swait.ge @!p0 [sflag:s8], $0x0  }
0x24: {  	s3 =	sadd.s32 $0x88, s3;
	s6 =	simm.s32 @!p1 $0x1082;
	[sflag:s4] =	ssyncset.s32 $0xFFFFF086  }
0x25: {  	[simem:s6], [sflag:s4] =	dma.local [hbm:s3], $0xF7A  }
0x26: {  	[smem:$0x3F97] =	sst s1;
	(tag) =	ssettag s2;
	_ =	strace s9  }
0x27: {  	s1 =	sld [smem:$0x3FA7]  }
0x28: {  	s2 =	sld [smem:$0x3FA8]  }
0x29: {  	s4 =	sld [smem:$0x3FAA]  }
0x2a: {  	p0 =	seq.s32 s5, $0x0;
	s5 =	sld [smem:$0x3FAB]  }
0x2b: {  	s6 =	sld [smem:$0x3FAC]  }
0x2c: {  	s7 =	sld [smem:$0x3FAD]  }
0x2d: {  	s3 =	simm.s32 $0x108;
	s8 =	sld [smem:$0x3FAE]  }
0x2e: {  	s3 =	simm.s32 @!p0 $0x1082;
	s9 =	sld [smem:$0x3FAF]  }
0x2f: {  	lr =	sadd.s32 s0, s3;
	s0 =	sld [smem:$0x3FA6]  }
0x30: {  	s3 =	sld [smem:$0x3FA9]  }
0x31: {  	[smem:$0x3FB2] =	sst s10  }
0x32: {  	s10 =	sld [smem:$0x3FB0];
	_ =	sdelay $0x3  }
0x33: {  	p0 =	seq.s32 s10, $0x1;
	s10 =	sld [smem:$0x3FB2];
	_ =	sdelay $0x3  }
0x34: {  	[smem:$0x3FB2] =	sst s10  }
0x35: {  	s10 =	sld [smem:$0x3FB1];
	_ =	sdelay $0x3  }
0x36: {  	p1 =	seq.s32 s10, $0x1;
	s10 =	sld [smem:$0x3FB2];
	_ =	sdelay $0x3  }
0x37: {  	[smem:$0x3FB2] =	sst s10  }
0x38: {  	s10 =	sld [smem:$0x3FB3]  }
0x39: {  	_ = 	snop;
	(pc) =	sbr.ind lr, $3  }
0x3a: {  	_ = 	snop  }
0x3b: {  	_ = 	snop  }
0x3c: {  	p2 =	seq.s32 s10, $0x1;
	s10 =	sld [smem:$0x3FB2]  }
0x3d: {  	_ =	shalt  }
0x3e: {  	_ =	shalt  }
0x3f: {  	_ =	shalt  }
0x40: {  	_ =	shalt  }
0x41: {  	_ =	shalt  }
0x42: {  	_ =	shalt  }
0x43: {  	_ =	shalt  }
0x44: {  	_ =	shalt  }
0x45: {  	_ =	shalt  }
0x46: {  	_ =	shalt  }
0x47: {  	_ =	shalt  }
0x48: {  	_ =	shalt  }
0x49: {  	_ =	shalt  }
0x4a: {  	_ =	shalt  }
0x4b: {  	_ =	shalt  }
0x4c: {  	_ =	shalt  }
0x4d: {  	_ =	shalt  }
0x4e: {  	_ =	shalt  }
0x4f: {  	_ =	shalt  }
0x50: {  	_ =	shalt  }
0x51: {  	_ =	shalt  }
0x52: {  	_ =	shalt  }
0x53: {  	_ =	shalt  }
0x54: {  	_ =	shalt  }
0x55: {  	_ =	shalt  }
0x56: {  	_ =	shalt  }
0x57: {  	_ =	shalt  }
0x58: {  	_ =	shalt  }
0x59: {  	_ =	shalt  }
0x5a: {  	_ =	shalt  }
0x5b: {  	_ =	shalt  }
0x5c: {  	_ =	shalt  }
0x5d: {  	_ =	shalt  }
0x5e: {  	_ =	shalt  }
0x5f: {  	_ =	shalt  }
0x60: {  	_ =	shalt  }
0x61: {  	_ =	shalt  }
0x62: {  	_ =	shalt  }
0x63: {  	_ =	shalt  }
0x64: {  	_ =	shalt  }
0x65: {  	_ =	shalt  }
0x66: {  	_ =	shalt  }
0x67: {  	_ =	shalt  }
0x68: {  	_ =	shalt  }
0x69: {  	_ =	shalt  }
0x6a: {  	_ =	shalt  }
0x6b: {  	_ =	shalt  }
0x6c: {  	_ =	shalt  }
0x6d: {  	_ =	shalt  }
0x6e: {  	_ =	shalt  }
0x6f: {  	_ =	shalt  }
0x70: {  	_ =	shalt  }
0x71: {  	_ =	shalt  }
0x72: {  	_ =	shalt  }
0x73: {  	_ =	shalt  }
0x74: {  	_ =	shalt  }
0x75: {  	_ =	shalt  }
0x76: {  	_ =	shalt  }
0x77: {  	_ =	shalt  }
0x78: {  	_ =	shalt  }
0x79: {  	_ =	shalt  }
0x7a: {  	_ =	shalt  }
0x7b: {  	_ =	shalt  }
0x7c: {  	_ =	shalt  }
0x7d: {  	_ =	shalt  }
0x7e: {  	_ =	shalt  }
0x7f: {  	_ =	shalt  }
0x80: {  	_ =	shalt  }
0x81: {  	_ =	shalt  }
0x82: {  	_ =	shalt  }
0x83: {  	_ =	shalt  }
0x84: {  	_ =	shalt  }
0x85: {  	_ =	shalt  }
0x86: {  	_ =	shalt  }
0x87: {  	_ =	shalt  }
.Lfunc_end0:
.L_simem_size_0:
called_computation.3_lowered:
.L_overlay_start_0:
0x88: {  	s2 =	sld [smem:$0x3FD9]  }
0x89: {  	s3 =	sld [smem:$0x3FFE];
	_ =	sdelay $0x1  }
0x8a: {  	s1 =	srdreg.scid  }
0x8b: {  	s0 =	sand.u32 $0x1, s1  }
0x8c: {  	s17 =	sshll.u32 s0, $0xA;
	s2 =	sadd.s32 s3, s2  }
0x8d: {  	s2 =	sadd.s32 s2, s17  }
0x8e: {  	[smem:$0x3FBE] =	sst s2  }
0x8f: {  	_ = 	snop  }
0x90: {  	s2 =	sld [smem:$0x3FD0];
	(tm) =	ssettm $0x1  }
0x91: {  	s18 =	sld [smem:$0x3FFB];
	_ =	sdelay $0x3  }
0x92: {  	_ =	strace s18  }
0x93: {  	s3 =	sld [smem:$0x3FFC];
	_ =	sdelay $0x3  }
0x94: {  	_ =	strace s3  }
0x95: {  	s3 =	sld [smem:$0x3FFD];
	_ =	sdelay $0x3  }
0x96: {  	_ =	strace s3  }
0x97: {  	_ =	strace $0x8FFFFFFF  }
0x98: {  	s19 =	sld [smem:$0x3FDB];
	_ =	sdelay $0x1  }
0x99: {  	s4 =	simm.s32 $_scs_section_size  }
0x9a: {  	s5 =	simm.s32 $_size__tile_overlayer_lowered;
	s6 =	simm.s32 $_tile_overlayer_lowered  }
0x9b: {  	s22 =	simm.s32 $0x1BFF;
	s21 =	sshll.u32 s6, $0x1;
	s3 =	sadd.s32 s4, s19  }
0x9c: {  	s7 =	simm.s32 $0x0;
	s20 =	sshll.u32 s5, $0x1;
	s5 =	sadd.s32 s21, s3  }
0x9d: {  	[timem:s7], [sflag:s22] =	dma.local [hbm:s5], s20  }
0x9e: {  	_ =	swait.ge [sflag:s22], s20  }
0x9f: {  	s4 =	ssub.s32 $0x0, s20;
	[sflag:s22] =	ssyncset.done $0x0  }
0xa0: {  	[sflag:s22] =	ssyncadd.s32 s4;
	_ =	sdelay $0x1  }
0xa1: {  	s23 =	simm.s32 $0x1B8B  }
0xa2: {  	_ =	swait.ge [sflag:s23], $0x1  }
0xa3: {  	[sflag:s23] =	ssyncset.done $0x0  }
0xa4: {  	s25 =	simm.s32 $0x1B8E;
	s24 =	sld [smem:$0x3FFE];
	[sflag:s23] =	ssyncadd.s32 $0xFFFFFFFF  }
0xa5: {  	s26 =	simm.s32 $execute0_lowered;
	[smem:$0x3FD2] =	sst s25  }
0xa6: {  	s5 =	sshll.u32 s26, $0x1;
	_ =	strace $0x8000004F;
	[dreg:$0x1] =	wrdreg $0xFFFFFFFF  }
0xa7: {  	s28 =	simm.s32 $_size_execute0_lowered;
	s3 =	sadd.s32 s3, s5;
	[dreg:$0x0] =	wrdreg $0x0  }
0xa8: {  	s5 =	sshll.u32 s28, $0x1;
	[dreg:$0x2] =	wrdreg s3  }
0xa9: {  	[dreg:$0x3] =	wrdreg s5  }
0xaa: {  	[dreg:$0x4] =	wrdreg $0xC0  }
0xab: {  	_ =	task [dreg:s7], $0x5FFFF  }
0xac: {  	[dreg:$0x1] =	wrdreg $0xFFFFFFFF  }
0xad: {  	[dreg:$0x0] =	wrdreg $0x60  }
0xae: {  	[dreg:$0x2] =	wrdreg s24  }
0xaf: {  	[dreg:$0x3] =	wrdreg s2  }
0xb0: {  	[dreg:$0x4] =	wrdreg $0xA8000  }
0xb1: {  	[dreg:$0x5] =	wrdreg $0x9  }
0xb2: {  	_ =	task.clear_ibuf [dreg:s7], $0x6FFFF;
	_ =	strace $0x9000004F  }
0xb3: {  	s29 =	simm.s32 $0x9;
	_ =	strace $0x80000051  }
0xb4: {  	_ =	swait.ge [sflag:s29], $0x1  }
0xb5: {  	[sflag:s29] =	ssyncadd.s32 $0xFFFFFFFF  }
0xb6: {  	_ =	strace $0x90000051  }
0xb7: {  	_ =	sfence  }
0xb8: {  	s30 =	sld [smem:$0x0];
	_ =	sdelay $0x2  }
0xb9: {  	s31 =	sshll.u32 s1, $0xD;
	s1 =	sshrl.u32 s1, $0x2  }
0xba: {  	s3 =	sand.u32 $0x4000, s31;
	s1 =	sadd.s32 s1, s30  }
0xbb: {  	s0 =	sor.u32 s3, s0;
	s1 =	sshll.u32 s1, $0x11  }
0xbc: {  	s0 =	sor.u32 s1, s0  }
0xbd: {  	s0 =	sadd.s32 $0x8F2B, s0  }
0xbe: {  	[sflag:s0] =	ssyncadd.remote.s32 $0x1  }
0xbf: {  	_ =	sfence.sel $0xFFFF  }
0xc0: {  	[dreg:$0x0] =	wrdreg $0xFFFFFFFF;
	(pc) =	sbr.abs _section_cstart, $3  }
0xc1: {  	[dreg:$0x1] =	wrdreg $0xFFFFFFFF  }
0xc2: {  	_ =	task.clear_ibuf [dreg:s7], $0x2FFFF;
	_ =	strace $0x9FFFFFFF  }
0xc3: {  	(tm) =	ssettm $0x7FFFFFFF  }
tec
execute0_lowered:
.L_overlay_start_1:
0x0: {  	(tag) =	ssettag $0x1  }
0x1: {  	s8 =	rddreg [dreg:$0x0]  }
0x2: {  	s2 =	rddreg [dreg:$0x1]  }
0x3: {  	s3 =	rddreg [dreg:$0x2]  }
0x4: {  	s0 =	rddreg [dreg:$0x3]  }
0x5: {  	s4 =	simm.s32 $0x0;
	s1 =	stileid.u32;
	s7 =	srdreg.scid  }
0x6: {  	s17 =	simm.s32 $0x80;
	s18 =	simm.s32 $0x2800;
	s19 =	simm.s32 $0x6800  }
0x7: {  	s20 =	simm.s32 $0x1;
	s21 =	simm.s32 $0x3;
	s22 =	simm.s32 $0x2  }
0x8: {  	s23 =	simm.s32 $0x4;
	s24 =	simm.s32 $0x2700;
	s25 =	simm.s32 $0x2780  }
0x9: {  	s26 =	simm.s32 $0x0;
	[smem:$0x7FF] =	sst s4;
	s5 =	smul.u32 $0x500, s1  }
0xa: {  	s6 =	sadd.s32 $0x60000, s8;
	s14 =	sand.u32 $0x1, s7;
	s9 =	smul.u32 $0x50000, s1  }
0xb: {  	s7 =	sadd.s32 $0xF400, s8;
	s13 =	sshll.u32 s1, $0x6;
	_ =	strace $0x80000050  }
0xc: {  	s10 =	ssub.s32 $0x2, s14;
	p0 =	sne.s32 s14, $0x0;
	s11 =	sadd.s32 s5, s8  }
.Ltmp0:
0xd: {  	s5 =	sadd.s32 $0x38E00, s8;
	s12 =	sshrl.u32 s10, $0x1;
	(pc) =	sbr.rel .LBB2_1-.Ltmp0, $4  }
0xe: {  	s8 =	sadd.s32 $0x87200, s8;
	s9 =	sshrl.u32 s9, $0x2;
	s15 =	ssub.s32 s10, s12  }
0xf: {  	s16 =	sadd.s32 s9, s3;
	s9 =	sor.u32 $0x1C05, s13;
	s10 =	sadd.s32 $0x104200, s11  }
0x10: {  	s11 =	sadd.s32 $0x9C00, s11;
	s12 =	smul.u32 $0x2800, s1;
	s13 =	smax.u32 s15, $0x1  }
0x11: {  	s14 =	sshrl.u32 s16, $0x3;
	s15 =	simm.s32 $0x5;
	s16 =	simm.s32 $0x1400  }
.LBB2_11:
0x12: {  	[tilespmem:s19], [sflag:$0x2] =	stream.indirect.gather [hbm4b:s6+s17], $0x80, s29, s17, $0xb8;
	[tilespmem:$0x1E800] =	vst v63  }
0x13: {  	s28 =	smov.u32 s8  }
.LBB2_12:
0x14: {  	_ =	swait.ge [sflag:s20], $0x4000  }
0x15: {  	[sflag:s20] =	ssyncset.done $0x0  }
0x16: {  	[sflag:s20] =	ssyncadd.s32 $0xFFFFC000  }
0x17: {  	[spmem:s3] =	stream.indirect.scatter.add.f32 [tilespmem:s18], [sflag:$0x3], $0x80, s24, s17, $0xb8;
	[tilespmem:$0x1E800] =	vst v63  }
0x18: {  	_ =	swait.ge [sflag:s22], $0x4000  }
0x19: {  	[sflag:s22] =	ssyncset.done $0x0  }
0x1a: {  	[sflag:s22] =	ssyncadd.s32 $0xFFFFC000  }
0x1b: {  	[spmem:s3] =	stream.indirect.scatter.add.f32 [tilespmem:s19], [sflag:$0x4], $0x80, s25, s17, $0xb8;
	[tilespmem:$0x1E800] =	vst v63  }
0x1c: {  	_ =	swait.ge [sflag:s21], $0x4000  }
0x1d: {  	[sflag:s21] =	ssyncset.done $0x0  }
0x1e: {  	[sflag:s21] =	ssyncadd.s32 $0xFFFFC000  }
0x1f: {  	_ =	swait.ge [sflag:s23], $0x4000  }
0x20: {  	s26 =	sadd.s32 $0x1, s26;
	[sflag:s23] =	ssyncset.done $0x0  }
0x21: {  	p1 =	sne.s32 s26, s13;
	[sflag:s23] =	ssyncadd.s32 $0xFFFFC000  }
.Ltmp1:
0x22: {  	s28 =	sadd.s32 s28, s12;
	[bflag:$0x0] =	sbarrier.arrive $0xFFFF;
	(pc) =	sbr.rel @!p1 .LBB2_13-.Ltmp1, $4  }
0x23: {  	[hbm:s28], [sflag:s9] =	dma.local [spmem:s14], $0x2800  }
0x24: {  	_ =	swait.ge [sflag:s15], $0x2800  }
0x25: {  	[sflag:s15] =	ssyncset.done $0x0  }
0x26: {  	[sflag:s15] =	ssyncadd.s32 $0xFFFFD800  }
.LBB2_1:
0x27: {  	[spmem:s14], [sflag:s9] =	dma.local [hbm:s7], $0x2800  }
0x28: {  	_ =	swait.ge [sflag:s15], $0x2800  }
0x29: {  	[sflag:s15] =	ssyncset.done $0x0  }
0x2a: {  	[sflag:s15] =	ssyncadd.s32 $0xFFFFD800  }
0x2b: {  	[bflag:$0x0] =	sbarrier.arrive $0xFFFF  }
0x2c: {  	[tilespmem:s4], [sflag:$0x5] =	stream.linear.gather [hbm4b:s10+s4], $0x1400, $0x38;
	[tilespmem:$0x1E800] =	vst v63  }
0x2d: {  	_ =	swait.ge [sflag:s15], $0x1400  }
0x2e: {  	[sflag:s15] =	ssyncset.done $0x0  }
.Ltmp2:
0x2f: {  	[sflag:s15] =	ssyncadd.s32 $0xFFFFEC00;
	(pc) =	sbr.rel @p0 .LBB2_7-.Ltmp2, $4  }
0x30: {  	[tilespmem:s16], [sflag:$0x5] =	stream.linear.gather [hbm4b:s11+s4], $0x1400, $0x38;
	[tilespmem:$0x1E800] =	vst v63  }
0x31: {  	_ =	swait.ge [sflag:s15], $0x1400  }
0x32: {  	[sflag:s15] =	ssyncset.done $0x0  }
0x33: {  	s28 =	simm.s32 $0x0;
	[sflag:s15] =	ssyncadd.s32 $0xFFFFEC00  }
0x34: {  	[tilespmem:s18], [sflag:$0x1] =	stream.indirect.gather [hbm4b:s5+s17], $0x80, s28, s17, $0xb8;
	[tilespmem:$0x1E800] =	vst v63  }
0x35: {  	_ = 	snop  }
0x36: {  	[tilespmem:s19], [sflag:$0x2] =	stream.indirect.gather [hbm4b:s5+s17], $0x80, s17, s17, $0xb8;
	[tilespmem:$0x1E800] =	vst v63  }
0x37: {  	_ =	swait.ge [sflag:s20], $0x4000  }
0x38: {  	[sflag:s20] =	ssyncset.done $0x0  }
0x39: {  	s28 =	simm.s32 $0x1400;
	[sflag:s20] =	ssyncadd.s32 $0xFFFFC000  }
0x3a: {  	[spmem:s3] =	stream.indirect.scatter.add.f32 [tilespmem:s18], [sflag:$0x3], $0x80, s28, s17, $0xb8;
	[tilespmem:$0x1E800] =	vst v63  }
0x3b: {  	_ =	swait.ge [sflag:s21], $0x4000  }
0x3c: {  	[sflag:s21] =	ssyncset.done $0x0  }
0x3d: {  	s28 =	simm.s32 $0x100;
	[sflag:s21] =	ssyncadd.s32 $0xFFFFC000  }
0x3e: {  	[tilespmem:s18], [sflag:$0x1] =	stream.indirect.gather [hbm4b:s5+s17], $0x80, s28, s17, $0xb8;
	[tilespmem:$0x1E800] =	vst v63  }
0x3f: {  	_ =	swait.ge [sflag:s22], $0x4000  }
0x40: {  	[sflag:s22] =	ssyncset.done $0x0  }
0x41: {  	s28 =	simm.s32 $0x1480;
	[sflag:s22] =	ssyncadd.s32 $0xFFFFC000  }
0x42: {  	[spmem:s3] =	stream.indirect.scatter.add.f32 [tilespmem:s19], [sflag:$0x4], $0x80, s28, s17, $0xb8;
	[tilespmem:$0x1E800] =	vst v63  }
0x43: {  	_ =	swait.ge [sflag:s23], $0x4000  }
0x44: {  	[sflag:s23] =	ssyncset.done $0x0  }
0x45: {  	s29 =	simm.s32 $0x180;
	s28 =	simm.s32 $0x400;
	[sflag:s23] =	ssyncadd.s32 $0xFFFFC000  }
.LBB2_3:
0x46: {  	[tilespmem:s19], [sflag:$0x2] =	stream.indirect.gather [hbm4b:s5+s17], $0x80, s29, s17, $0xb8;
	[tilespmem:$0x1E800] =	vst v63  }
0x47: {  	s29 =	smov.u32 s28  }
0x48: {  	p1 =	sne.s32 s28, $0x4800;
	s28 =	sadd.s32 $0x400, s28;
	_ =	swait.ge [sflag:s20], $0x4000  }
0x49: {  	s29 =	sshra.s32 s29, $0x2;
	[sflag:s20] =	ssyncset.done $0x0  }
0x4a: {  	s30 =	sadd.s32 $0x1400, s29;
	[sflag:s20] =	ssyncadd.s32 $0xFFFFC000  }
0x4b: {  	[spmem:s3] =	stream.indirect.scatter.add.f32 [tilespmem:s18], [sflag:$0x3], $0x80, s30, s17, $0xb8;
	[tilespmem:$0x1E800] =	vst v63  }
0x4c: {  	_ =	swait.ge [sflag:s21], $0x4000  }
0x4d: {  	[sflag:s21] =	ssyncset.done $0x0  }
0x4e: {  	s30 =	sadd.s32 $0x100, s29;
	[sflag:s21] =	ssyncadd.s32 $0xFFFFC000  }
0x4f: {  	[tilespmem:s18], [sflag:$0x1] =	stream.indirect.gather [hbm4b:s5+s17], $0x80, s30, s17, $0xb8;
	[tilespmem:$0x1E800] =	vst v63  }
0x50: {  	_ =	swait.ge [sflag:s22], $0x4000  }
0x51: {  	[sflag:s22] =	ssyncset.done $0x0  }
.Ltmp3:
0x52: {  	s30 =	sadd.s32 $0x1480, s29;
	[sflag:s22] =	ssyncadd.s32 $0xFFFFC000;
	(pc) =	sbr.rel @p1 .LBB2_3-.Ltmp3, $4  }
0x53: {  	[spmem:s3] =	stream.indirect.scatter.add.f32 [tilespmem:s19], [sflag:$0x4], $0x80, s30, s17, $0xb8;
	[tilespmem:$0x1E800] =	vst v63  }
0x54: {  	_ =	swait.ge [sflag:s23], $0x4000  }
0x55: {  	[sflag:s23] =	ssyncset.done $0x0  }
0x56: {  	s29 =	sadd.s32 $0x180, s29;
	[sflag:s23] =	ssyncadd.s32 $0xFFFFC000  }
0x57: {  	[tilespmem:s19], [sflag:$0x2] =	stream.indirect.gather [hbm4b:s5+s17], $0x80, s29, s17, $0xb8;
	[tilespmem:$0x1E800] =	vst v63  }
0x58: {  	_ =	swait.ge [sflag:s20], $0x4000  }
0x59: {  	[sflag:s20] =	ssyncset.done $0x0  }
0x5a: {  	[sflag:s20] =	ssyncadd.s32 $0xFFFFC000  }
0x5b: {  	[spmem:s3] =	stream.indirect.scatter.add.f32 [tilespmem:s18], [sflag:$0x3], $0x80, s24, s17, $0xb8;
	[tilespmem:$0x1E800] =	vst v63  }
0x5c: {  	_ =	swait.ge [sflag:s22], $0x4000  }
0x5d: {  	[sflag:s22] =	ssyncset.done $0x0  }
0x5e: {  	[sflag:s22] =	ssyncadd.s32 $0xFFFFC000  }
0x5f: {  	[spmem:s3] =	stream.indirect.scatter.add.f32 [tilespmem:s19], [sflag:$0x4], $0x80, s25, s17, $0xb8;
	[tilespmem:$0x1E800] =	vst v63  }
0x60: {  	_ =	swait.ge [sflag:s21], $0x4000  }
0x61: {  	[sflag:s21] =	ssyncset.done $0x0  }
0x62: {  	[sflag:s21] =	ssyncadd.s32 $0xFFFFC000  }
0x63: {  	_ =	swait.ge [sflag:s23], $0x4000  }
0x64: {  	[sflag:s23] =	ssyncset.done $0x0  }
0x65: {  	s28 =	sadd.s32 $0x280, s10;
	s29 =	simm.s32 $0x0;
	[sflag:s23] =	ssyncadd.s32 $0xFFFFC000  }
0x66: {  	[tilespmem:s29], [sflag:$0x5] =	stream.linear.gather [hbm4b:s28+s29], $0x1400, $0x38;
	[tilespmem:$0x1E800] =	vst v63  }
0x67: {  	_ =	swait.ge [sflag:s15], $0x1400  }
0x68: {  	[sflag:s15] =	ssyncset.done $0x0  }
0x69: {  	s28 =	sadd.s32 $0x280, s11;
	[sflag:s15] =	ssyncadd.s32 $0xFFFFEC00  }
0x6a: {  	[tilespmem:s16], [sflag:$0x5] =	stream.linear.gather [hbm4b:s28+s29], $0x1400, $0x38;
	[tilespmem:$0x1E800] =	vst v63  }
0x6b: {  	_ =	swait.ge [sflag:s15], $0x1400  }
0x6c: {  	[sflag:s15] =	ssyncset.done $0x0  }
0x6d: {  	[sflag:s15] =	ssyncadd.s32 $0xFFFFEC00  }
0x6e: {  	[tilespmem:s18], [sflag:$0x1] =	stream.indirect.gather [hbm4b:s5+s17], $0x80, s29, s17, $0xb8;
	[tilespmem:$0x1E800] =	vst v63  }
0x6f: {  	_ = 	snop  }
0x70: {  	[tilespmem:s19], [sflag:$0x2] =	stream.indirect.gather [hbm4b:s5+s17], $0x80, s17, s17, $0xb8;
	[tilespmem:$0x1E800] =	vst v63  }
0x71: {  	_ =	swait.ge [sflag:s20], $0x4000  }
0x72: {  	[sflag:s20] =	ssyncset.done $0x0  }
0x73: {  	s28 =	simm.s32 $0x1400;
	[sflag:s20] =	ssyncadd.s32 $0xFFFFC000  }
0x74: {  	[spmem:s3] =	stream.indirect.scatter.add.f32 [tilespmem:s18], [sflag:$0x3], $0x80, s28, s17, $0xb8;
	[tilespmem:$0x1E800] =	vst v63  }
0x75: {  	_ =	swait.ge [sflag:s21], $0x4000  }
0x76: {  	[sflag:s21] =	ssyncset.done $0x0  }
0x77: {  	s28 =	simm.s32 $0x100;
	[sflag:s21] =	ssyncadd.s32 $0xFFFFC000  }
0x78: {  	[tilespmem:s18], [sflag:$0x1] =	stream.indirect.gather [hbm4b:s5+s17], $0x80, s28, s17, $0xb8;
	[tilespmem:$0x1E800] =	vst v63  }
0x79: {  	_ =	swait.ge [sflag:s22], $0x4000  }
0x7a: {  	[sflag:s22] =	ssyncset.done $0x0  }
0x7b: {  	s28 =	simm.s32 $0x1480;
	[sflag:s22] =	ssyncadd.s32 $0xFFFFC000  }
0x7c: {  	[spmem:s3] =	stream.indirect.scatter.add.f32 [tilespmem:s19], [sflag:$0x4], $0x80, s28, s17, $0xb8;
	[tilespmem:$0x1E800] =	vst v63  }
0x7d: {  	_ =	swait.ge [sflag:s23], $0x4000  }
0x7e: {  	[sflag:s23] =	ssyncset.done $0x0  }
0x7f: {  	s29 =	simm.s32 $0x180;
	s28 =	simm.s32 $0x400;
	[sflag:s23] =	ssyncadd.s32 $0xFFFFC000  }
.LBB2_5:
0x80: {  	[tilespmem:s19], [sflag:$0x2] =	stream.indirect.gather [hbm4b:s5+s17], $0x80, s29, s17, $0xb8;
	[tilespmem:$0x1E800] =	vst v63  }
0x81: {  	s29 =	smov.u32 s28  }
0x82: {  	p1 =	seq.s32 s28, $0x4800;
	s28 =	sadd.s32 $0x400, s28;
	_ =	swait.ge [sflag:s20], $0x4000  }
0x83: {  	s29 =	sshra.s32 s29, $0x2;
	[sflag:s20] =	ssyncset.done $0x0  }
0x84: {  	s30 =	sadd.s32 $0x1400, s29;
	[sflag:s20] =	ssyncadd.s32 $0xFFFFC000  }
0x85: {  	[spmem:s3] =	stream.indirect.scatter.add.f32 [tilespmem:s18], [sflag:$0x3], $0x80, s30, s17, $0xb8;
	[tilespmem:$0x1E800] =	vst v63  }
0x86: {  	_ =	swait.ge [sflag:s21], $0x4000  }
0x87: {  	[sflag:s21] =	ssyncset.done $0x0  }
0x88: {  	s30 =	sadd.s32 $0x100, s29;
	[sflag:s21] =	ssyncadd.s32 $0xFFFFC000  }
0x89: {  	[tilespmem:s18], [sflag:$0x1] =	stream.indirect.gather [hbm4b:s5+s17], $0x80, s30, s17, $0xb8;
	[tilespmem:$0x1E800] =	vst v63  }
0x8a: {  	_ =	swait.ge [sflag:s22], $0x4000  }
0x8b: {  	[sflag:s22] =	ssyncset.done $0x0  }
.Ltmp4:
0x8c: {  	s30 =	sadd.s32 $0x1480, s29;
	[sflag:s22] =	ssyncadd.s32 $0xFFFFC000;
	(pc) =	sbr.rel @!p1 .LBB2_5-.Ltmp4, $4  }
0x8d: {  	[spmem:s3] =	stream.indirect.scatter.add.f32 [tilespmem:s19], [sflag:$0x4], $0x80, s30, s17, $0xb8;
	[tilespmem:$0x1E800] =	vst v63  }
0x8e: {  	_ =	swait.ge [sflag:s23], $0x4000  }
0x8f: {  	[sflag:s23] =	ssyncset.done $0x0  }
0x90: {  	s29 =	sadd.s32 $0x180, s29;
	[sflag:s23] =	ssyncadd.s32 $0xFFFFC000  }
.Ltmp5:
0x91: {  	(pc) =	sbr.rel .LBB2_12-.Ltmp5, $3  }
0x92: {  	_ =	sdelay $0x1  }
0x93: {  	[tilespmem:s19], [sflag:$0x2] =	stream.indirect.gather [hbm4b:s5+s17], $0x80, s29, s17, $0xb8;
	[tilespmem:$0x1E800] =	vst v63  }
0x94: {  	s28 =	smov.u32 s2  }
.LBB2_7:
0x95: {  	[tilespmem:s18], [sflag:$0x1] =	stream.indirect.gather [hbm4b:s6+s17], $0x80, s28, s17, $0xb8;
	[tilespmem:$0x1E800] =	vst v63  }
0x96: {  	_ = 	snop  }
0x97: {  	[tilespmem:s19], [sflag:$0x2] =	stream.indirect.gather [hbm4b:s6+s17], $0x80, s17, s17, $0xb8;
	[tilespmem:$0x1E800] =	vst v63  }
0x98: {  	_ =	swait.ge [sflag:s20], $0x4000  }
0x99: {  	[sflag:s20] =	ssyncset.done $0x0  }
0x9a: {  	s28 =	simm.s32 $0x1400;
	[sflag:s20] =	ssyncadd.s32 $0xFFFFC000  }
0x9b: {  	[spmem:s3] =	stream.indirect.scatter.add.f32 [tilespmem:s18], [sflag:$0x3], $0x80, s28, s17, $0xb8;
	[tilespmem:$0x1E800] =	vst v63  }
0x9c: {  	_ =	swait.ge [sflag:s21], $0x4000  }
0x9d: {  	[sflag:s21] =	ssyncset.done $0x0  }
0x9e: {  	s28 =	simm.s32 $0x100;
	[sflag:s21] =	ssyncadd.s32 $0xFFFFC000  }
0x9f: {  	[tilespmem:s18], [sflag:$0x1] =	stream.indirect.gather [hbm4b:s6+s17], $0x80, s28, s17, $0xb8;
	[tilespmem:$0x1E800] =	vst v63  }
0xa0: {  	_ =	swait.ge [sflag:s22], $0x4000  }
0xa1: {  	[sflag:s22] =	ssyncset.done $0x0  }
0xa2: {  	s28 =	simm.s32 $0x1480;
	[sflag:s22] =	ssyncadd.s32 $0xFFFFC000  }
0xa3: {  	[spmem:s3] =	stream.indirect.scatter.add.f32 [tilespmem:s19], [sflag:$0x4], $0x80, s28, s17, $0xb8;
	[tilespmem:$0x1E800] =	vst v63  }
0xa4: {  	_ =	swait.ge [sflag:s23], $0x4000  }
0xa5: {  	[sflag:s23] =	ssyncset.done $0x0  }
0xa6: {  	s29 =	simm.s32 $0x180;
	s28 =	simm.s32 $0x400;
	[sflag:s23] =	ssyncadd.s32 $0xFFFFC000  }
.LBB2_8:
0xa7: {  	[tilespmem:s19], [sflag:$0x2] =	stream.indirect.gather [hbm4b:s6+s17], $0x80, s29, s17, $0xb8;
	[tilespmem:$0x1E800] =	vst v63  }
0xa8: {  	s29 =	smov.u32 s28  }
0xa9: {  	p1 =	sne.s32 s28, $0x4800;
	s28 =	sadd.s32 $0x400, s28;
	_ =	swait.ge [sflag:s20], $0x4000  }
0xaa: {  	s29 =	sshra.s32 s29, $0x2;
	[sflag:s20] =	ssyncset.done $0x0  }
0xab: {  	s30 =	sadd.s32 $0x1400, s29;
	[sflag:s20] =	ssyncadd.s32 $0xFFFFC000  }
0xac: {  	[spmem:s3] =	stream.indirect.scatter.add.f32 [tilespmem:s18], [sflag:$0x3], $0x80, s30, s17, $0xb8;
	[tilespmem:$0x1E800] =	vst v63  }
0xad: {  	_ =	swait.ge [sflag:s21], $0x4000  }
0xae: {  	[sflag:s21] =	ssyncset.done $0x0  }
0xaf: {  	s30 =	sadd.s32 $0x100, s29;
	[sflag:s21] =	ssyncadd.s32 $0xFFFFC000  }
0xb0: {  	[tilespmem:s18], [sflag:$0x1] =	stream.indirect.gather [hbm4b:s6+s17], $0x80, s30, s17, $0xb8;
	[tilespmem:$0x1E800] =	vst v63  }
0xb1: {  	_ =	swait.ge [sflag:s22], $0x4000  }
0xb2: {  	[sflag:s22] =	ssyncset.done $0x0  }
.Ltmp6:
0xb3: {  	s30 =	sadd.s32 $0x1480, s29;
	[sflag:s22] =	ssyncadd.s32 $0xFFFFC000;
	(pc) =	sbr.rel @p1 .LBB2_8-.Ltmp6, $4  }
0xb4: {  	[spmem:s3] =	stream.indirect.scatter.add.f32 [tilespmem:s19], [sflag:$0x4], $0x80, s30, s17, $0xb8;
	[tilespmem:$0x1E800] =	vst v63  }
0xb5: {  	_ =	swait.ge [sflag:s23], $0x4000  }
0xb6: {  	[sflag:s23] =	ssyncset.done $0x0  }
0xb7: {  	s29 =	sadd.s32 $0x180, s29;
	[sflag:s23] =	ssyncadd.s32 $0xFFFFC000  }
0xb8: {  	[tilespmem:s19], [sflag:$0x2] =	stream.indirect.gather [hbm4b:s6+s17], $0x80, s29, s17, $0xb8;
	[tilespmem:$0x1E800] =	vst v63  }
0xb9: {  	_ =	swait.ge [sflag:s20], $0x4000  }
0xba: {  	[sflag:s20] =	ssyncset.done $0x0  }
0xbb: {  	[sflag:s20] =	ssyncadd.s32 $0xFFFFC000  }
0xbc: {  	[spmem:s3] =	stream.indirect.scatter.add.f32 [tilespmem:s18], [sflag:$0x3], $0x80, s24, s17, $0xb8;
	[tilespmem:$0x1E800] =	vst v63  }
0xbd: {  	_ =	swait.ge [sflag:s22], $0x4000  }
0xbe: {  	[sflag:s22] =	ssyncset.done $0x0  }
0xbf: {  	[sflag:s22] =	ssyncadd.s32 $0xFFFFC000  }
0xc0: {  	[spmem:s3] =	stream.indirect.scatter.add.f32 [tilespmem:s19], [sflag:$0x4], $0x80, s25, s17, $0xb8;
	[tilespmem:$0x1E800] =	vst v63  }
0xc1: {  	_ =	swait.ge [sflag:s21], $0x4000  }
0xc2: {  	[sflag:s21] =	ssyncset.done $0x0  }
0xc3: {  	[sflag:s21] =	ssyncadd.s32 $0xFFFFC000  }
0xc4: {  	_ =	swait.ge [sflag:s23], $0x4000  }
0xc5: {  	[sflag:s23] =	ssyncset.done $0x0  }
0xc6: {  	s28 =	sadd.s32 $0x280, s10;
	s29 =	simm.s32 $0x0;
	[sflag:s23] =	ssyncadd.s32 $0xFFFFC000  }
0xc7: {  	[tilespmem:s29], [sflag:$0x5] =	stream.linear.gather [hbm4b:s28+s29], $0x1400, $0x38;
	[tilespmem:$0x1E800] =	vst v63  }
0xc8: {  	_ =	swait.ge [sflag:s15], $0x1400  }
0xc9: {  	[sflag:s15] =	ssyncset.done $0x0  }
0xca: {  	s28 =	sadd.s32 $0x280, s11;
	[sflag:s15] =	ssyncadd.s32 $0xFFFFEC00  }
0xcb: {  	[tilespmem:s16], [sflag:$0x5] =	stream.linear.gather [hbm4b:s28+s29], $0x1400, $0x38;
	[tilespmem:$0x1E800] =	vst v63  }
0xcc: {  	_ =	swait.ge [sflag:s15], $0x1400  }
0xcd: {  	[sflag:s15] =	ssyncset.done $0x0  }
0xce: {  	[sflag:s15] =	ssyncadd.s32 $0xFFFFEC00  }
0xcf: {  	[tilespmem:s18], [sflag:$0x1] =	stream.indirect.gather [hbm4b:s6+s17], $0x80, s29, s17, $0xb8;
	[tilespmem:$0x1E800] =	vst v63  }
0xd0: {  	_ = 	snop  }
0xd1: {  	[tilespmem:s19], [sflag:$0x2] =	stream.indirect.gather [hbm4b:s6+s17], $0x80, s17, s17, $0xb8;
	[tilespmem:$0x1E800] =	vst v63  }
0xd2: {  	_ =	swait.ge [sflag:s20], $0x4000  }
0xd3: {  	[sflag:s20] =	ssyncset.done $0x0  }
0xd4: {  	s28 =	simm.s32 $0x1400;
	[sflag:s20] =	ssyncadd.s32 $0xFFFFC000  }
0xd5: {  	[spmem:s3] =	stream.indirect.scatter.add.f32 [tilespmem:s18], [sflag:$0x3], $0x80, s28, s17, $0xb8;
	[tilespmem:$0x1E800] =	vst v63  }
0xd6: {  	_ =	swait.ge [sflag:s21], $0x4000  }
0xd7: {  	[sflag:s21] =	ssyncset.done $0x0  }
0xd8: {  	s28 =	simm.s32 $0x100;
	[sflag:s21] =	ssyncadd.s32 $0xFFFFC000  }
0xd9: {  	[tilespmem:s18], [sflag:$0x1] =	stream.indirect.gather [hbm4b:s6+s17], $0x80, s28, s17, $0xb8;
	[tilespmem:$0x1E800] =	vst v63  }
0xda: {  	_ =	swait.ge [sflag:s22], $0x4000  }
0xdb: {  	[sflag:s22] =	ssyncset.done $0x0  }
0xdc: {  	s28 =	simm.s32 $0x1480;
	[sflag:s22] =	ssyncadd.s32 $0xFFFFC000  }
0xdd: {  	[spmem:s3] =	stream.indirect.scatter.add.f32 [tilespmem:s19], [sflag:$0x4], $0x80, s28, s17, $0xb8;
	[tilespmem:$0x1E800] =	vst v63  }
0xde: {  	_ =	swait.ge [sflag:s23], $0x4000  }
0xdf: {  	[sflag:s23] =	ssyncset.done $0x0  }
0xe0: {  	s29 =	simm.s32 $0x180;
	s28 =	simm.s32 $0x400;
	[sflag:s23] =	ssyncadd.s32 $0xFFFFC000  }
.LBB2_10:
0xe1: {  	[tilespmem:s19], [sflag:$0x2] =	stream.indirect.gather [hbm4b:s6+s17], $0x80, s29, s17, $0xb8;
	[tilespmem:$0x1E800] =	vst v63  }
0xe2: {  	s29 =	smov.u32 s28  }
0xe3: {  	p1 =	sne.s32 s28, $0x4800;
	s28 =	sadd.s32 $0x400, s28;
	_ =	swait.ge [sflag:s20], $0x4000  }
0xe4: {  	s29 =	sshra.s32 s29, $0x2;
	[sflag:s20] =	ssyncset.done $0x0  }
0xe5: {  	s30 =	sadd.s32 $0x1400, s29;
	[sflag:s20] =	ssyncadd.s32 $0xFFFFC000  }
0xe6: {  	[spmem:s3] =	stream.indirect.scatter.add.f32 [tilespmem:s18], [sflag:$0x3], $0x80, s30, s17, $0xb8;
	[tilespmem:$0x1E800] =	vst v63  }
0xe7: {  	_ =	swait.ge [sflag:s21], $0x4000  }
0xe8: {  	[sflag:s21] =	ssyncset.done $0x0  }
0xe9: {  	s30 =	sadd.s32 $0x100, s29;
	[sflag:s21] =	ssyncadd.s32 $0xFFFFC000  }
0xea: {  	[tilespmem:s18], [sflag:$0x1] =	stream.indirect.gather [hbm4b:s6+s17], $0x80, s30, s17, $0xb8;
	[tilespmem:$0x1E800] =	vst v63  }
0xeb: {  	_ =	swait.ge [sflag:s22], $0x4000  }
0xec: {  	[sflag:s22] =	ssyncset.done $0x0  }
.Ltmp7:
0xed: {  	s30 =	sadd.s32 $0x1480, s29;
	[sflag:s22] =	ssyncadd.s32 $0xFFFFC000;
	(pc) =	sbr.rel @p1 .LBB2_10-.Ltmp7, $4  }
0xee: {  	[spmem:s3] =	stream.indirect.scatter.add.f32 [tilespmem:s19], [sflag:$0x4], $0x80, s30, s17, $0xb8;
	[tilespmem:$0x1E800] =	vst v63  }
0xef: {  	_ =	swait.ge [sflag:s23], $0x4000  }
0xf0: {  	[sflag:s23] =	ssyncset.done $0x0  }
0xf1: {  	s29 =	sadd.s32 $0x180, s29;
	[sflag:s23] =	ssyncadd.s32 $0xFFFFC000  }
.Ltmp8:
0xf2: {  	_ = 	snop;
	(pc) =	sbr.rel .LBB2_11-.Ltmp8, $1  }
0xf3: {  	_ =	sdelay $0x3  }
.LBB2_13:
0xf4: {  	_ =	sfence.sel $0x180000  }
0xf5: {  	[bflag:$0x0] =	sbarrier.arrive $0xFFFF  }
0xf6: {  	p0 =	sne.s32 s1, $0x0;
	_ =	strace $0x90000050  }
0xf7: {  	s0 =	sadd.s32 @!p0 $0x100000, s0;
	[bflag:$0x2] =	sbarrier.arrive $0xFFFF  }
0xf8: {  	[sflag:s0] =	ssyncadd.tile.s32 @!p0 $0x1;
	_ =	shalt  }
.Lfunc_end2:
_tile_overlayer_lowered:
.L_overlay_start_2:
0xf9: {  	(tag) =	ssettag $0x2  }
0xfa: {  	s0 =	rddreg [dreg:$0x0];
	s2 =	stileid.u32  }
0xfb: {  	s1 =	rddreg [dreg:$0x1];
	p0 =	sne.s32 s2, $0x0  }
0xfc: {  	s3 =	rddreg [dreg:$0x2];
	[bflag:$0x3] =	sbarrier.arrive $0xFFFF;
	s2 =	simm.s32 @!p0 $0x1C05  }
0xfd: {  	[timem:s3], [sflag:s2] =	dma.local @!p0 [hbm:s0], s1  }
0xfe: {  	s0 =	simm.s32 @!p0 $0x5  }
0xff: {  	_ =	swait.ge @!p0 [sflag:s0], s1  }
0x100: {  	s1 =	ssub.s32 @!p0 $0x0, s1;
	[sflag:s0] =	ssyncset.done @!p0 $0x0  }
0x101: {  	[sflag:s0] =	ssyncadd.s32 @!p0 s1  }
0x102: {  	[bflag:$0x3] =	sbarrier.arrive $0xFFFF  }
0x103: {  	_ =	shalt  }

</sc_bundles>
